<compile_context>
chip_gen: v7x
topology: tpu7x:2x2x1
jax: 0.10.2.dev20260603
libtpu: 0.0.44.dev20260713+nightly
codegen_flags: <defaults>
</compile_context>

<pallas_src>
import jax
import jax.numpy as jnp
from jax import lax
from jax.experimental import pallas as pl
from jax.experimental.pallas import tpu as pltpu
from jax.experimental.pallas import tpu_sc as plsc

N = 100_000
E = 3_200_000
NC, NS = 2, 16
NW = NC * NS
ROWS = 784
RR = E // 128
T = 100_352
CH = 8
NB = 4
NCH = ROWS // CH
TSL = T // NS
GR = T // 128

def _mesh():
    return plsc.VectorSubcoreMesh(core_axis_name="c", subcore_axis_name="s",
                                  num_cores=NC, num_subcores=NS)


def _edge_pipeline(wid, src_hbm, dst_hbm, dum_hbm, sidx_v, didx_v, streams,
                   semi, semg, sems):
    gather = any(t is not None for t, _, _ in streams)

    def fire_idx(c, b):
        row0 = wid * ROWS + c * CH

        @pl.when(row0 < RR)
        def _():
            if gather:
                pltpu.async_copy(src_hbm.at[pl.ds(row0, CH)],
                                 sidx_v.at[b], semi)
            pltpu.async_copy(dst_hbm.at[pl.ds(row0, CH)],
                             didx_v.at[b], semi)

        @pl.when(row0 >= RR)
        def _():
            if gather:
                pltpu.async_copy(dum_hbm.at[pl.ds(0, CH)],
                                 sidx_v.at[b], semi)
            pltpu.async_copy(dum_hbm.at[pl.ds(0, CH)],
                             didx_v.at[b], semi)

    def wait_idx(c, b):
        row0 = wid * ROWS + c * CH

        @pl.when(row0 < RR)
        def _():
            if gather:
                pltpu.make_async_copy(src_hbm.at[pl.ds(row0, CH)],
                                      sidx_v.at[b], semi).wait()
            pltpu.make_async_copy(dst_hbm.at[pl.ds(row0, CH)],
                                  didx_v.at[b], semi).wait()

        @pl.when(row0 >= RR)
        def _():
            if gather:
                pltpu.make_async_copy(dum_hbm.at[pl.ds(0, CH)],
                                      sidx_v.at[b], semi).wait()
            pltpu.make_async_copy(dum_hbm.at[pl.ds(0, CH)],
                                  didx_v.at[b], semi).wait()

    def val_ref(tab_sp, vals_v, b, j):
        return vals_v.at[b, j] if tab_sp is not None else vals_v.at[0]

    def drain_scatters(b):
        for tab_sp, vals_v, acc_sp in streams:
            for j in range(CH):
                pltpu.make_async_copy(val_ref(tab_sp, vals_v, b, j),
                                      acc_sp.at[didx_v.at[b, j]],
                                      sems).wait()

    fire_idx(0, 0)

    @pl.loop(0, NCH)
    def _(c):
        b = lax.rem(c, NB)
        wait_idx(c, b)
        for tab_sp, vals_v, _ in streams:
            if tab_sp is not None:
                for j in range(CH):
                    pltpu.async_copy(tab_sp.at[sidx_v.at[b, j]],
                                     vals_v.at[b, j], semg)

        @pl.when(c >= NB - 1)
        def _():
            drain_scatters(lax.rem(c + 1, NB))

        @pl.when(c < NCH - 1)
        def _():
            fire_idx(c + 1, lax.rem(c + 1, NB))

        for tab_sp, vals_v, _ in streams:
            if tab_sp is not None:
                for j in range(CH):
                    pltpu.make_async_copy(tab_sp.at[sidx_v.at[b, j]],
                                          vals_v.at[b, j], semg).wait()
        for tab_sp, vals_v, acc_sp in streams:
            for j in range(CH):
                pltpu.async_copy(val_ref(tab_sp, vals_v, b, j),
                                 acc_sp.at[didx_v.at[b, j]], sems, add=True)

    for cc in range(NCH - NB + 1, NCH):
        drain_scatters(cc % NB)


_IDX2 = pltpu.VMEM((NB, CH, 128), jnp.int32)
_VAL2 = pltpu.VMEM((NB, CH, 128), jnp.float32)
_SEMS = [pltpu.SemaphoreType.DMA] * 3



def _sc_deg_body(dst_hbm, dum_hbm, zeros_hbm, out_hbm,
                 didx_v, ones_v, deg_sp, semi, semg, sems):
    cid = lax.axis_index("c")
    sid = lax.axis_index("s")
    wid = cid * NS + sid
    sl = pl.ds(sid * TSL, TSL)

    for c0 in range(0, 128, 16):
        ones_v[0, pl.ds(c0, 16)] = jnp.full((16,), 1.0, jnp.float32)
    pltpu.sync_copy(zeros_hbm.at[sl], deg_sp.at[sl])
    plsc.subcore_barrier()

    _edge_pipeline(wid, None, dst_hbm, dum_hbm, None, didx_v,
                   [(None, ones_v, deg_sp)], semi, semg, sems)

    plsc.subcore_barrier()
    pltpu.sync_copy(deg_sp.at[sl], out_hbm.at[cid, sl])


def _sc_deg(dstp, dum, zeros_t):
    return pl.kernel(
        _sc_deg_body,
        out_type=jax.ShapeDtypeStruct((NC, T), jnp.float32),
        mesh=_mesh(),
        scratch_types=[_IDX2, pltpu.VMEM((1, 128), jnp.float32),
                       pltpu.VMEM_SHARED((T,), jnp.float32)] + _SEMS,
    )(dstp, dum, zeros_t)



def _sc_agg1_body(src_hbm, dst_hbm, dum_hbm, s_hbm, zeros_hbm, out_hbm,
                  sidx_v, didx_v, vals_v, s_sp, acc_sp, semi, semg, sems):
    cid = lax.axis_index("c")
    sid = lax.axis_index("s")
    wid = cid * NS + sid
    sl = pl.ds(sid * TSL, TSL)

    pltpu.async_copy(s_hbm.at[sl], s_sp.at[sl], semi)
    pltpu.async_copy(zeros_hbm.at[sl], acc_sp.at[sl], semi)
    pltpu.make_async_copy(s_hbm.at[sl], s_sp.at[sl], semi).wait()
    pltpu.make_async_copy(zeros_hbm.at[sl], acc_sp.at[sl], semi).wait()
    plsc.subcore_barrier()

    _edge_pipeline(wid, src_hbm, dst_hbm, dum_hbm, sidx_v, didx_v,
                   [(s_sp, vals_v, acc_sp)], semi, semg, sems)

    plsc.subcore_barrier()
    pltpu.sync_copy(acc_sp.at[sl], out_hbm.at[cid, sl])


def _sc_agg1(srcp, dstp, dum, s_t, zeros_t):
    return pl.kernel(
        _sc_agg1_body,
        out_type=jax.ShapeDtypeStruct((NC, T), jnp.float32),
        mesh=_mesh(),
        scratch_types=[_IDX2, _IDX2, _VAL2,
                       pltpu.VMEM_SHARED((T,), jnp.float32),
                       pltpu.VMEM_SHARED((T,), jnp.float32)] + _SEMS,
    )(srcp, dstp, dum, s_t, zeros_t)



def _sc_agg2_body(src_hbm, dst_hbm, dum_hbm, p0_hbm, p1_hbm, zeros_hbm,
                  out_hbm, sidx_v, didx_v, v0_v, v1_v, p0_sp, p1_sp, a0_sp,
                  a1_sp, semi, semg, sems):
    cid = lax.axis_index("c")
    sid = lax.axis_index("s")
    wid = cid * NS + sid
    sl = pl.ds(sid * TSL, TSL)

    pltpu.async_copy(p0_hbm.at[sl], p0_sp.at[sl], semi)
    pltpu.async_copy(p1_hbm.at[sl], p1_sp.at[sl], semi)
    pltpu.async_copy(zeros_hbm.at[sl], a0_sp.at[sl], semi)
    pltpu.async_copy(zeros_hbm.at[sl], a1_sp.at[sl], semi)
    pltpu.make_async_copy(p0_hbm.at[sl], p0_sp.at[sl], semi).wait()
    pltpu.make_async_copy(p1_hbm.at[sl], p1_sp.at[sl], semi).wait()
    pltpu.make_async_copy(zeros_hbm.at[sl], a0_sp.at[sl], semi).wait()
    pltpu.make_async_copy(zeros_hbm.at[sl], a1_sp.at[sl], semi).wait()
    plsc.subcore_barrier()

    _edge_pipeline(wid, src_hbm, dst_hbm, dum_hbm, sidx_v, didx_v,
                   [(p0_sp, v0_v, a0_sp), (p1_sp, v1_v, a1_sp)],
                   semi, semg, sems)

    plsc.subcore_barrier()
    pltpu.async_copy(a0_sp.at[sl], out_hbm.at[cid, 0, sl], semi)
    pltpu.async_copy(a1_sp.at[sl], out_hbm.at[cid, 1, sl], semi)
    pltpu.make_async_copy(a0_sp.at[sl], out_hbm.at[cid, 0, sl], semi).wait()
    pltpu.make_async_copy(a1_sp.at[sl], out_hbm.at[cid, 1, sl], semi).wait()


def _sc_agg2(srcp, dstp, dum, p0_t, p1_t, zeros_t):
    return pl.kernel(
        _sc_agg2_body,
        out_type=jax.ShapeDtypeStruct((NC, 2, T), jnp.float32),
        mesh=_mesh(),
        scratch_types=[_IDX2, _IDX2, _VAL2, _VAL2]
        + [pltpu.VMEM_SHARED((T,), jnp.float32)] * 4 + _SEMS,
    )(srcp, dstp, dum, p0_t, p1_t, zeros_t)



def _glue1_body(degp_ref, x_ref, dis_ref, s_ref):
    deg = degp_ref[0] + degp_ref[1] + 1.0
    dis = lax.rsqrt(deg)
    dis_ref[...] = dis
    s_ref[...] = dis * x_ref[...]


def _glue1(degp, xpad):
    return pl.pallas_call(
        _glue1_body,
        out_shape=[jax.ShapeDtypeStruct((GR, 128), jnp.float32)] * 2,
    )(degp.reshape(NC, GR, 128), xpad)


def _glue2_body(accp_ref, s_ref, dis_ref, prm_ref, p0_ref, p1_ref):
    dis = dis_ref[...]
    u = dis * (accp_ref[0] + accp_ref[1] + s_ref[...])
    h0 = u * prm_ref[0] + prm_ref[2]
    h1 = u * prm_ref[1] + prm_ref[3]
    p0_ref[...] = dis * jnp.maximum(h0, 0.0)
    p1_ref[...] = dis * jnp.maximum(h1, 0.0)


def _glue2(accp, s, dis, prm1):
    return pl.pallas_call(
        _glue2_body,
        in_specs=[
            pl.BlockSpec(memory_space=pltpu.MemorySpace.VMEM),
            pl.BlockSpec(memory_space=pltpu.MemorySpace.VMEM),
            pl.BlockSpec(memory_space=pltpu.MemorySpace.VMEM),
            pl.BlockSpec(memory_space=pltpu.MemorySpace.SMEM),
        ],
        out_shape=[jax.ShapeDtypeStruct((GR, 128), jnp.float32)] * 2,
    )(accp.reshape(NC, GR, 128), s, dis, prm1)


def _glue3_body(a0_ref, a1_ref, p0_ref, p1_ref, dis_ref, prm_ref,
                o0_ref, o1_ref):
    dis = dis_ref[...]
    t0 = dis * (a0_ref[0] + a0_ref[1] + p0_ref[...])
    t1 = dis * (a1_ref[0] + a1_ref[1] + p1_ref[...])
    o0 = t0 * prm_ref[0] + t1 * prm_ref[2] + prm_ref[4]
    o1 = t0 * prm_ref[1] + t1 * prm_ref[3] + prm_ref[5]
    m = jnp.maximum(o0, o1)
    lse = m + jnp.log(jnp.exp(o0 - m) + jnp.exp(o1 - m))
    o0_ref[...] = o0 - lse
    o1_ref[...] = o1 - lse


def _glue3(a0, a1, p0, p1, dis, prm2):
    return pl.pallas_call(
        _glue3_body,
        in_specs=[
            pl.BlockSpec(memory_space=pltpu.MemorySpace.VMEM),
            pl.BlockSpec(memory_space=pltpu.MemorySpace.VMEM),
            pl.BlockSpec(memory_space=pltpu.MemorySpace.VMEM),
            pl.BlockSpec(memory_space=pltpu.MemorySpace.VMEM),
            pl.BlockSpec(memory_space=pltpu.MemorySpace.VMEM),
            pl.BlockSpec(memory_space=pltpu.MemorySpace.SMEM),
        ],
        out_shape=[jax.ShapeDtypeStruct((GR, 128), jnp.float32)] * 2,
    )(a0, a1, p0, p1, dis, prm2)



@jax.jit
def kernel(x, edge_index, W1, b1, W2, b2):
    srcp = edge_index[0].astype(jnp.int32).reshape(RR, 128)
    dstp = edge_index[1].astype(jnp.int32).reshape(RR, 128)
    dum = jnp.full((CH, 128), N, jnp.int32)

    zeros_t = jnp.zeros((T,), jnp.float32)
    xpad = jnp.pad(x[:, 0], (0, T - N)).reshape(GR, 128)

    degp = _sc_deg(dstp, dum, zeros_t)
    dis, s = _glue1(degp, xpad)

    acc1p = _sc_agg1(srcp, dstp, dum, s.reshape(T), zeros_t)

    prm1 = jnp.concatenate([W1[0], b1]).astype(jnp.float32)
    p0, p1 = _glue2(acc1p, s, dis, prm1)

    acc2p = _sc_agg2(srcp, dstp, dum, p0.reshape(T), p1.reshape(T), zeros_t)

    a0 = acc2p[:, 0, :].reshape(NC, GR, 128)
    a1 = acc2p[:, 1, :].reshape(NC, GR, 128)
    prm2 = jnp.concatenate([W2[0], W2[1], b2]).astype(jnp.float32)
    o0, o1 = _glue3(a0, a1, p0, p1, dis, prm2)

    out = jnp.stack([o0.reshape(T)[:N], o1.reshape(T)[:N]], axis=-1)
    return out

# --- scband reference (transcript-rebuilt; emitter-appended) ---
"""Pipeline reference for scband-gcn-72189810311963 (READ-ONLY COPY).

The authoritative reference and input builder live on the scoring server;
editing this copy changes nothing except your own understanding.
"""

import jax, jax.numpy as jnp
import numpy as np

N_NODES = 100000
N_EDGES = 3200000


def gcn_conv(x, edge_index, W, b):
    # Faithful PyG GCNConv: add self-loops, symmetric normalization, linear, scatter-add, bias.
    n = x.shape[0]
    src = edge_index[0]
    dst = edge_index[1]
    loop = jnp.arange(n, dtype=src.dtype)
    src = jnp.concatenate([src, loop])
    dst = jnp.concatenate([dst, loop])
    h = x @ W
    deg = jax.ops.segment_sum(jnp.ones_like(dst, dtype=h.dtype), dst, num_segments=n)
    deg_inv_sqrt = jnp.where(deg > 0, jax.lax.rsqrt(jnp.maximum(deg, 1e-12)), 0.0)
    norm = deg_inv_sqrt[src] * deg_inv_sqrt[dst]
    msg = h[src] * norm[:, None]
    out = jax.ops.segment_sum(msg, dst, num_segments=n)
    return out + b


def setup_inputs(seed: int = 0) -> dict:
    key = jax.random.key(seed)
    k1, k2, k3, k4 = jax.random.split(key, 4)
    x = jax.random.normal(k1, (N_NODES, 1), dtype=jnp.float32)
    edge_index = jax.random.randint(k2, (2, N_EDGES), 0, N_NODES)
    # learned parameters: conv1 (1->2), conv2 (2->2), glorot-style init
    W1 = jax.random.normal(k3, (1, 2), dtype=jnp.float32) * (1.0 / np.sqrt(1.0))
    b1 = jnp.zeros((2,), dtype=jnp.float32)
    W2 = jax.random.normal(k4, (2, 2), dtype=jnp.float32) * (1.0 / np.sqrt(2.0))
    b2 = jnp.zeros((2,), dtype=jnp.float32)
    return {"x": x, "edge_index": edge_index, "W1": W1, "b1": b1, "W2": W2, "b2": b2}


def reference(x, edge_index, W1, b1, W2, b2):
    h = gcn_conv(x, edge_index, W1, b1)
    h = jax.nn.relu(h)
    h = gcn_conv(h, edge_index, W2, b2)
    return jax.nn.log_softmax(h, axis=1)

if __name__ == "__main__":
    import jax
    _d = setup_inputs()
    print(jax.jit(kernel)(*tuple(_d.values())))

</pallas_src>

<mosaic_0001>
#map = affine_map<(d0, d1) -> (0, 0)>
#map1 = affine_map<(d0, d1) -> (0)>
module attributes {stable_mosaic.version = 14 : i64} {
  func.func @_sc_agg1_body(%arg0: i32, %arg1: i32, %arg2: memref<25000x128xi32, #tpu.memory_space<hbm>>, %arg3: memref<25000x128xi32, #tpu.memory_space<hbm>>, %arg4: memref<8x128xi32, #tpu.memory_space<hbm>>, %arg5: memref<100352xf32, #tpu.memory_space<hbm>>, %arg6: memref<100352xf32, #tpu.memory_space<hbm>>, %arg7: memref<2x100352xf32, #tpu.memory_space<hbm>>, %arg8: memref<4x8x128xi32, #tpu.memory_space<vmem>>, %arg9: memref<4x8x128xi32, #tpu.memory_space<vmem>>, %arg10: memref<4x8x128xf32, #tpu.memory_space<vmem>>, %arg11: memref<100352xf32, #tpu.memory_space<vmem_shared>>, %arg12: memref<100352xf32, #tpu.memory_space<vmem_shared>>, %arg13: memref<!tpu.dma_semaphore, #tpu.memory_space<semaphore_mem>>, %arg14: memref<!tpu.dma_semaphore, #tpu.memory_space<semaphore_mem>>, %arg15: memref<!tpu.dma_semaphore, #tpu.memory_space<semaphore_mem>>) attributes {dimension_semantics = [#tpu.dimension_semantics<core_parallel>, #tpu.dimension_semantics<subcore_parallel>], iteration_bounds = array<i64: 2, 16>, scalar_prefetch = 0 : i64, scratch_operands = 8 : i64, tpu.core_type = #tpu.core_type<sc_vector_subcore>, window_params = [{transform_indices = #map}, {transform_indices = #map}, {transform_indices = #map}, {transform_indices = #map1}, {transform_indices = #map1}, {transform_indices = #map}]} {
    %mul3A = arith.constant 16 : i32
    %mul3A_0 = arith.muli %arg0, %mul3A : i32
    %add3A = arith.addi %mul3A_0, %arg1 : i32
    %mul3A_1 = arith.constant 6272 : i32
    %mul3A_2 = arith.muli %arg1, %mul3A_1 : i32
    %dma_start3A = tpu.memref_slice %arg11[%mul3A_2] : memref<100352xf32, #tpu.memory_space<vmem_shared>> -> memref<6272xf32, #tpu.memory_space<vmem_shared>>
    %dma_start3A_3 = tpu.memref_slice %arg5[%mul3A_2] : memref<100352xf32, #tpu.memory_space<hbm>> -> memref<6272xf32, #tpu.memory_space<hbm>>
    tpu.enqueue_dma source(%dma_start3A_3 : memref<6272xf32, #tpu.memory_space<hbm>>) target(%dma_start3A : memref<6272xf32, #tpu.memory_space<vmem_shared>>) target_semaphore(%arg13 : memref<!tpu.dma_semaphore, #tpu.memory_space<semaphore_mem>>)
    %dma_start3A_4 = tpu.memref_slice %arg12[%mul3A_2] : memref<100352xf32, #tpu.memory_space<vmem_shared>> -> memref<6272xf32, #tpu.memory_space<vmem_shared>>
    %dma_start3A_5 = tpu.memref_slice %arg6[%mul3A_2] : memref<100352xf32, #tpu.memory_space<hbm>> -> memref<6272xf32, #tpu.memory_space<hbm>>
    tpu.enqueue_dma source(%dma_start3A_5 : memref<6272xf32, #tpu.memory_space<hbm>>) target(%dma_start3A_4 : memref<6272xf32, #tpu.memory_space<vmem_shared>>) target_semaphore(%arg13 : memref<!tpu.dma_semaphore, #tpu.memory_space<semaphore_mem>>)
    %dma_wait3A = tpu.memref_slice %arg11[%mul3A_2] : memref<100352xf32, #tpu.memory_space<vmem_shared>> -> memref<6272xf32, #tpu.memory_space<vmem_shared>>
    %dma_wait3A_6 = tpu.memref_slice %arg5[%mul3A_2] : memref<100352xf32, #tpu.memory_space<hbm>> -> memref<6272xf32, #tpu.memory_space<hbm>>
    tpu.wait_dma2 semaphore(%arg13 : memref<!tpu.dma_semaphore, #tpu.memory_space<semaphore_mem>>) src(%dma_wait3A_6 : memref<6272xf32, #tpu.memory_space<hbm>>) dst(%dma_wait3A : memref<6272xf32, #tpu.memory_space<vmem_shared>>)
    %dma_wait3A_7 = tpu.memref_slice %arg12[%mul3A_2] : memref<100352xf32, #tpu.memory_space<vmem_shared>> -> memref<6272xf32, #tpu.memory_space<vmem_shared>>
    %dma_wait3A_8 = tpu.memref_slice %arg6[%mul3A_2] : memref<100352xf32, #tpu.memory_space<hbm>> -> memref<6272xf32, #tpu.memory_space<hbm>>
    tpu.wait_dma2 semaphore(%arg13 : memref<!tpu.dma_semaphore, #tpu.memory_space<semaphore_mem>>) src(%dma_wait3A_8 : memref<6272xf32, #tpu.memory_space<hbm>>) dst(%dma_wait3A_7 : memref<6272xf32, #tpu.memory_space<vmem_shared>>)
    %barrier3A = arith.constant 0 : index
    tpu.barrier barrier_id(%barrier3A)
    %mul3A_9 = arith.constant 784 : i32
    %mul3A_10 = arith.muli %add3A, %mul3A_9 : i32
    %add3A_11 = arith.constant 0 : i32
    %add3A_12 = arith.addi %mul3A_10, %add3A_11 : i32
    %lt3A = arith.constant 25000 : i32
    %lt3A_13 = arith.cmpi slt, %add3A_12, %lt3A : i32
    %convert_element_type3A = arith.extui %lt3A_13 : i1 to i32
    %cond3A = arith.constant 0 : i32
    %cond3A_14 = arith.cmpi ne, %convert_element_type3A, %cond3A : i32
    scf.if %cond3A_14 {
      %dma_start3A_312 = arith.constant 0 : i32
      %dma_start3A_313 = arith.constant 0 : i32
      %dma_start3A_314 = arith.constant 0 : i32
      %dma_start3A_315 = tpu.memref_slice %arg8[%dma_start3A_312, %dma_start3A_313, %dma_start3A_314] : memref<4x8x128xi32, #tpu.memory_space<vmem>> -> memref<1x8x128xi32, #tpu.memory_space<vmem>>
      %dma_start3A_316 = tpu.memref_squeeze %dma_start3A_315 : memref<1x8x128xi32, #tpu.memory_space<vmem>> -> memref<8x128xi32, #tpu.memory_space<vmem>>
      %dma_start3A_317 = arith.constant 0 : i32
      %dma_start3A_318 = tpu.memref_slice %arg2[%add3A_12, %dma_start3A_317] : memref<25000x128xi32, #tpu.memory_space<hbm>> -> memref<8x128xi32, #tpu.memory_space<hbm>>
      %dma_start3A_319 = arith.constant 0 : i32
      %dma_start3A_320 = arith.constant 0 : i32
      %dma_start3A_321 = tpu.memref_slice %arg8[%dma_start3A_312, %dma_start3A_319, %dma_start3A_320] : memref<4x8x128xi32, #tpu.memory_space<vmem>> -> memref<1x8x128xi32, #tpu.memory_space<vmem>>
      %dma_start3A_322 = tpu.memref_squeeze %dma_start3A_321 : memref<1x8x128xi32, #tpu.memory_space<vmem>> -> memref<8x128xi32, #tpu.memory_space<vmem>>
      %dma_start3A_323 = arith.constant 0 : i32
      %dma_start3A_324 = tpu.memref_slice %arg2[%add3A_12, %dma_start3A_323] : memref<25000x128xi32, #tpu.memory_space<hbm>> -> memref<8x128xi32, #tpu.memory_space<hbm>>
      tpu.enqueue_dma source(%dma_start3A_324 : memref<8x128xi32, #tpu.memory_space<hbm>>) target(%dma_start3A_322 : memref<8x128xi32, #tpu.memory_space<vmem>>) target_semaphore(%arg13 : memref<!tpu.dma_semaphore, #tpu.memory_space<semaphore_mem>>)
      %dma_start3A_325 = arith.constant 0 : i32
      %dma_start3A_326 = arith.constant 0 : i32
      %dma_start3A_327 = arith.constant 0 : i32
      %dma_start3A_328 = tpu.memref_slice %arg9[%dma_start3A_325, %dma_start3A_326, %dma_start3A_327] : memref<4x8x128xi32, #tpu.memory_space<vmem>> -> memref<1x8x128xi32, #tpu.memory_space<vmem>>
      %dma_start3A_329 = tpu.memref_squeeze %dma_start3A_328 : memref<1x8x128xi32, #tpu.memory_space<vmem>> -> memref<8x128xi32, #tpu.memory_space<vmem>>
      %dma_start3A_330 = arith.constant 0 : i32
      %dma_start3A_331 = tpu.memref_slice %arg3[%add3A_12, %dma_start3A_330] : memref<25000x128xi32, #tpu.memory_space<hbm>> -> memref<8x128xi32, #tpu.memory_space<hbm>>
      %dma_start3A_332 = arith.constant 0 : i32
      %dma_start3A_333 = arith.constant 0 : i32
      %dma_start3A_334 = tpu.memref_slice %arg9[%dma_start3A_325, %dma_start3A_332, %dma_start3A_333] : memref<4x8x128xi32, #tpu.memory_space<vmem>> -> memref<1x8x128xi32, #tpu.memory_space<vmem>>
      %dma_start3A_335 = tpu.memref_squeeze %dma_start3A_334 : memref<1x8x128xi32, #tpu.memory_space<vmem>> -> memref<8x128xi32, #tpu.memory_space<vmem>>
      %dma_start3A_336 = arith.constant 0 : i32
      %dma_start3A_337 = tpu.memref_slice %arg3[%add3A_12, %dma_start3A_336] : memref<25000x128xi32, #tpu.memory_space<hbm>> -> memref<8x128xi32, #tpu.memory_space<hbm>>
      tpu.enqueue_dma source(%dma_start3A_337 : memref<8x128xi32, #tpu.memory_space<hbm>>) target(%dma_start3A_335 : memref<8x128xi32, #tpu.memory_space<vmem>>) target_semaphore(%arg13 : memref<!tpu.dma_semaphore, #tpu.memory_space<semaphore_mem>>)
    } else {
    }
    %ge3A = arith.constant 25000 : i32
    %ge3A_15 = arith.cmpi sge, %add3A_12, %ge3A : i32
    %convert_element_type3A_16 = arith.extui %ge3A_15 : i1 to i32
    %cond3A_17 = arith.constant 0 : i32
    %cond3A_18 = arith.cmpi ne, %convert_element_type3A_16, %cond3A_17 : i32
    scf.if %cond3A_18 {
      %dma_start3A_312 = arith.constant 0 : i32
      %dma_start3A_313 = arith.constant 0 : i32
      %dma_start3A_314 = arith.constant 0 : i32
      %dma_start3A_315 = tpu.memref_slice %arg8[%dma_start3A_312, %dma_start3A_313, %dma_start3A_314] : memref<4x8x128xi32, #tpu.memory_space<vmem>> -> memref<1x8x128xi32, #tpu.memory_space<vmem>>
      %dma_start3A_316 = tpu.memref_squeeze %dma_start3A_315 : memref<1x8x128xi32, #tpu.memory_space<vmem>> -> memref<8x128xi32, #tpu.memory_space<vmem>>
      %dma_start3A_317 = arith.constant 0 : i32
      %dma_start3A_318 = arith.constant 0 : i32
      %dma_start3A_319 = tpu.memref_slice %arg4[%dma_start3A_317, %dma_start3A_318] : memref<8x128xi32, #tpu.memory_space<hbm>> -> memref<8x128xi32, #tpu.memory_space<hbm>>
      %dma_start3A_320 = arith.constant 0 : i32
      %dma_start3A_321 = arith.constant 0 : i32
      %dma_start3A_322 = tpu.memref_slice %arg8[%dma_start3A_312, %dma_start3A_320, %dma_start3A_321] : memref<4x8x128xi32, #tpu.memory_space<vmem>> -> memref<1x8x128xi32, #tpu.memory_space<vmem>>
      %dma_start3A_323 = tpu.memref_squeeze %dma_start3A_322 : memref<1x8x128xi32, #tpu.memory_space<vmem>> -> memref<8x128xi32, #tpu.memory_space<vmem>>
      %dma_start3A_324 = arith.constant 0 : i32
      %dma_start3A_325 = arith.constant 0 : i32
      %dma_start3A_326 = tpu.memref_slice %arg4[%dma_start3A_324, %dma_start3A_325] : memref<8x128xi32, #tpu.memory_space<hbm>> -> memref<8x128xi32, #tpu.memory_space<hbm>>
      tpu.enqueue_dma source(%dma_start3A_326 : memref<8x128xi32, #tpu.memory_space<hbm>>) target(%dma_start3A_323 : memref<8x128xi32, #tpu.memory_space<vmem>>) target_semaphore(%arg13 : memref<!tpu.dma_semaphore, #tpu.memory_space<semaphore_mem>>)
      %dma_start3A_327 = arith.constant 0 : i32
      %dma_start3A_328 = arith.constant 0 : i32
      %dma_start3A_329 = arith.constant 0 : i32
      %dma_start3A_330 = tpu.memref_slice %arg9[%dma_start3A_327, %dma_start3A_328, %dma_start3A_329] : memref<4x8x128xi32, #tpu.memory_space<vmem>> -> memref<1x8x128xi32, #tpu.memory_space<vmem>>
      %dma_start3A_331 = tpu.memref_squeeze %dma_start3A_330 : memref<1x8x128xi32, #tpu.memory_space<vmem>> -> memref<8x128xi32, #tpu.memory_space<vmem>>
      %dma_start3A_332 = arith.constant 0 : i32
      %dma_start3A_333 = arith.constant 0 : i32
      %dma_start3A_334 = tpu.memref_slice %arg4[%dma_start3A_332, %dma_start3A_333] : memref<8x128xi32, #tpu.memory_space<hbm>> -> memref<8x128xi32, #tpu.memory_space<hbm>>
      %dma_start3A_335 = arith.constant 0 : i32
      %dma_start3A_336 = arith.constant 0 : i32
      %dma_start3A_337 = tpu.memref_slice %arg9[%dma_start3A_327, %dma_start3A_335, %dma_start3A_336] : memref<4x8x128xi32, #tpu.memory_space<vmem>> -> memref<1x8x128xi32, #tpu.memory_space<vmem>>
      %dma_start3A_338 = tpu.memref_squeeze %dma_start3A_337 : memref<1x8x128xi32, #tpu.memory_space<vmem>> -> memref<8x128xi32, #tpu.memory_space<vmem>>
      %dma_start3A_339 = arith.constant 0 : i32
      %dma_start3A_340 = arith.constant 0 : i32
      %dma_start3A_341 = tpu.memref_slice %arg4[%dma_start3A_339, %dma_start3A_340] : memref<8x128xi32, #tpu.memory_space<hbm>> -> memref<8x128xi32, #tpu.memory_space<hbm>>
      tpu.enqueue_dma source(%dma_start3A_341 : memref<8x128xi32, #tpu.memory_space<hbm>>) target(%dma_start3A_338 : memref<8x128xi32, #tpu.memory_space<vmem>>) target_semaphore(%arg13 : memref<!tpu.dma_semaphore, #tpu.memory_space<semaphore_mem>>)
    } else {
    }
    %scan3A = arith.constant 0 : i32
    %scan3A_19 = arith.constant 98 : i32
    %scan3A_20 = arith.addi %scan3A, %scan3A_19 : i32
    %scan3A_21 = arith.constant 1 : i32
    scf.for %scan3A_312 = %scan3A to %scan3A_20 step %scan3A_21  : i32 {
      %mul3A_313 = arith.constant 1 : i32
      %mul3A_314 = arith.muli %scan3A_312, %mul3A_313 : i32
      %add3A_315 = arith.constant 0 : i32
      %add3A_316 = arith.addi %add3A_315, %mul3A_314 : i32
      %rem3A = arith.constant 4 : i32
      %rem3A_317 = arith.remsi %add3A_316, %rem3A : i32
      %mul3A_318 = arith.constant 784 : i32
      %mul3A_319 = arith.muli %add3A, %mul3A_318 : i32
      %mul3A_320 = arith.constant 8 : i32
      %mul3A_321 = arith.muli %add3A_316, %mul3A_320 : i32
      %add3A_322 = arith.addi %mul3A_319, %mul3A_321 : i32
      %lt3A_323 = arith.constant 25000 : i32
      %lt3A_324 = arith.cmpi slt, %add3A_322, %lt3A_323 : i32
      %convert_element_type3A_325 = arith.extui %lt3A_324 : i1 to i32
      %cond3A_326 = arith.constant 0 : i32
      %cond3A_327 = arith.cmpi ne, %convert_element_type3A_325, %cond3A_326 : i32
      scf.if %cond3A_327 {
        %dma_wait3A_583 = arith.constant 0 : i32
        %dma_wait3A_584 = arith.constant 0 : i32
        %dma_wait3A_585 = tpu.memref_slice %arg8[%rem3A_317, %dma_wait3A_583, %dma_wait3A_584] : memref<4x8x128xi32, #tpu.memory_space<vmem>> -> memref<1x8x128xi32, #tpu.memory_space<vmem>>
        %dma_wait3A_586 = tpu.memref_squeeze %dma_wait3A_585 : memref<1x8x128xi32, #tpu.memory_space<vmem>> -> memref<8x128xi32, #tpu.memory_space<vmem>>
        %dma_wait3A_587 = arith.constant 0 : i32
        %dma_wait3A_588 = tpu.memref_slice %arg2[%add3A_322, %dma_wait3A_587] : memref<25000x128xi32, #tpu.memory_space<hbm>> -> memref<8x128xi32, #tpu.memory_space<hbm>>
        %dma_wait3A_589 = arith.constant 0 : i32
        %dma_wait3A_590 = arith.constant 0 : i32
        %dma_wait3A_591 = tpu.memref_slice %arg8[%rem3A_317, %dma_wait3A_589, %dma_wait3A_590] : memref<4x8x128xi32, #tpu.memory_space<vmem>> -> memref<1x8x128xi32, #tpu.memory_space<vmem>>
        %dma_wait3A_592 = tpu.memref_squeeze %dma_wait3A_591 : memref<1x8x128xi32, #tpu.memory_space<vmem>> -> memref<8x128xi32, #tpu.memory_space<vmem>>
        %dma_wait3A_593 = arith.constant 0 : i32
        %dma_wait3A_594 = tpu.memref_slice %arg2[%add3A_322, %dma_wait3A_593] : memref<25000x128xi32, #tpu.memory_space<hbm>> -> memref<8x128xi32, #tpu.memory_space<hbm>>
        tpu.wait_dma2 semaphore(%arg13 : memref<!tpu.dma_semaphore, #tpu.memory_space<semaphore_mem>>) src(%dma_wait3A_594 : memref<8x128xi32, #tpu.memory_space<hbm>>) dst(%dma_wait3A_592 : memref<8x128xi32, #tpu.memory_space<vmem>>)
        %dma_wait3A_595 = arith.constant 0 : i32
        %dma_wait3A_596 = arith.constant 0 : i32
        %dma_wait3A_597 = tpu.memref_slice %arg9[%rem3A_317, %dma_wait3A_595, %dma_wait3A_596] : memref<4x8x128xi32, #tpu.memory_space<vmem>> -> memref<1x8x128xi32, #tpu.memory_space<vmem>>
        %dma_wait3A_598 = tpu.memref_squeeze %dma_wait3A_597 : memref<1x8x128xi32, #tpu.memory_space<vmem>> -> memref<8x128xi32, #tpu.memory_space<vmem>>
        %dma_wait3A_599 = arith.constant 0 : i32
        %dma_wait3A_600 = tpu.memref_slice %arg3[%add3A_322, %dma_wait3A_599] : memref<25000x128xi32, #tpu.memory_space<hbm>> -> memref<8x128xi32, #tpu.memory_space<hbm>>
        %dma_wait3A_601 = arith.constant 0 : i32
        %dma_wait3A_602 = arith.constant 0 : i32
        %dma_wait3A_603 = tpu.memref_slice %arg9[%rem3A_317, %dma_wait3A_601, %dma_wait3A_602] : memref<4x8x128xi32, #tpu.memory_space<vmem>> -> memref<1x8x128xi32, #tpu.memory_space<vmem>>
        %dma_wait3A_604 = tpu.memref_squeeze %dma_wait3A_603 : memref<1x8x128xi32, #tpu.memory_space<vmem>> -> memref<8x128xi32, #tpu.memory_space<vmem>>
        %dma_wait3A_605 = arith.constant 0 : i32
        %dma_wait3A_606 = tpu.memref_slice %arg3[%add3A_322, %dma_wait3A_605] : memref<25000x128xi32, #tpu.memory_space<hbm>> -> memref<8x128xi32, #tpu.memory_space<hbm>>
        tpu.wait_dma2 semaphore(%arg13 : memref<!tpu.dma_semaphore, #tpu.memory_space<semaphore_mem>>) src(%dma_wait3A_606 : memref<8x128xi32, #tpu.memory_space<hbm>>) dst(%dma_wait3A_604 : memref<8x128xi32, #tpu.memory_space<vmem>>)
      } else {
      }
      %ge3A_328 = arith.constant 25000 : i32
      %ge3A_329 = arith.cmpi sge, %add3A_322, %ge3A_328 : i32
      %convert_element_type3A_330 = arith.extui %ge3A_329 : i1 to i32
      %cond3A_331 = arith.constant 0 : i32
      %cond3A_332 = arith.cmpi ne, %convert_element_type3A_330, %cond3A_331 : i32
      scf.if %cond3A_332 {
        %dma_wait3A_583 = arith.constant 0 : i32
        %dma_wait3A_584 = arith.constant 0 : i32
        %dma_wait3A_585 = tpu.memref_slice %arg8[%rem3A_317, %dma_wait3A_583, %dma_wait3A_584] : memref<4x8x128xi32, #tpu.memory_space<vmem>> -> memref<1x8x128xi32, #tpu.memory_space<vmem>>
        %dma_wait3A_586 = tpu.memref_squeeze %dma_wait3A_585 : memref<1x8x128xi32, #tpu.memory_space<vmem>> -> memref<8x128xi32, #tpu.memory_space<vmem>>
        %dma_wait3A_587 = arith.constant 0 : i32
        %dma_wait3A_588 = arith.constant 0 : i32
        %dma_wait3A_589 = tpu.memref_slice %arg4[%dma_wait3A_587, %dma_wait3A_588] : memref<8x128xi32, #tpu.memory_space<hbm>> -> memref<8x128xi32, #tpu.memory_space<hbm>>
        %dma_wait3A_590 = arith.constant 0 : i32
        %dma_wait3A_591 = arith.constant 0 : i32
        %dma_wait3A_592 = tpu.memref_slice %arg8[%rem3A_317, %dma_wait3A_590, %dma_wait3A_591] : memref<4x8x128xi32, #tpu.memory_space<vmem>> -> memref<1x8x128xi32, #tpu.memory_space<vmem>>
        %dma_wait3A_593 = tpu.memref_squeeze %dma_wait3A_592 : memref<1x8x128xi32, #tpu.memory_space<vmem>> -> memref<8x128xi32, #tpu.memory_space<vmem>>
        %dma_wait3A_594 = arith.constant 0 : i32
        %dma_wait3A_595 = arith.constant 0 : i32
        %dma_wait3A_596 = tpu.memref_slice %arg4[%dma_wait3A_594, %dma_wait3A_595] : memref<8x128xi32, #tpu.memory_space<hbm>> -> memref<8x128xi32, #tpu.memory_space<hbm>>
        tpu.wait_dma2 semaphore(%arg13 : memref<!tpu.dma_semaphore, #tpu.memory_space<semaphore_mem>>) src(%dma_wait3A_596 : memref<8x128xi32, #tpu.memory_space<hbm>>) dst(%dma_wait3A_593 : memref<8x128xi32, #tpu.memory_space<vmem>>)
        %dma_wait3A_597 = arith.constant 0 : i32
        %dma_wait3A_598 = arith.constant 0 : i32
        %dma_wait3A_599 = tpu.memref_slice %arg9[%rem3A_317, %dma_wait3A_597, %dma_wait3A_598] : memref<4x8x128xi32, #tpu.memory_space<vmem>> -> memref<1x8x128xi32, #tpu.memory_space<vmem>>
        %dma_wait3A_600 = tpu.memref_squeeze %dma_wait3A_599 : memref<1x8x128xi32, #tpu.memory_space<vmem>> -> memref<8x128xi32, #tpu.memory_space<vmem>>
        %dma_wait3A_601 = arith.constant 0 : i32
        %dma_wait3A_602 = arith.constant 0 : i32
        %dma_wait3A_603 = tpu.memref_slice %arg4[%dma_wait3A_601, %dma_wait3A_602] : memref<8x128xi32, #tpu.memory_space<hbm>> -> memref<8x128xi32, #tpu.memory_space<hbm>>
        %dma_wait3A_604 = arith.constant 0 : i32
        %dma_wait3A_605 = arith.constant 0 : i32
        %dma_wait3A_606 = tpu.memref_slice %arg9[%rem3A_317, %dma_wait3A_604, %dma_wait3A_605] : memref<4x8x128xi32, #tpu.memory_space<vmem>> -> memref<1x8x128xi32, #tpu.memory_space<vmem>>
        %dma_wait3A_607 = tpu.memref_squeeze %dma_wait3A_606 : memref<1x8x128xi32, #tpu.memory_space<vmem>> -> memref<8x128xi32, #tpu.memory_space<vmem>>
        %dma_wait3A_608 = arith.constant 0 : i32
        %dma_wait3A_609 = arith.constant 0 : i32
        %dma_wait3A_610 = tpu.memref_slice %arg4[%dma_wait3A_608, %dma_wait3A_609] : memref<8x128xi32, #tpu.memory_space<hbm>> -> memref<8x128xi32, #tpu.memory_space<hbm>>
        tpu.wait_dma2 semaphore(%arg13 : memref<!tpu.dma_semaphore, #tpu.memory_space<semaphore_mem>>) src(%dma_wait3A_610 : memref<8x128xi32, #tpu.memory_space<hbm>>) dst(%dma_wait3A_607 : memref<8x128xi32, #tpu.memory_space<vmem>>)
      } else {
      }
      %dma_start3A_333 = arith.constant 0 : i32
      %dma_start3A_334 = arith.constant 0 : i32
      %dma_start3A_335 = arith.constant 0 : i32
      %dma_start3A_336 = tpu.memref_slice %arg10[%rem3A_317, %dma_start3A_334, %dma_start3A_335] : memref<4x8x128xf32, #tpu.memory_space<vmem>> -> memref<1x1x128xf32, #tpu.memory_space<vmem>>
      %dma_start3A_337 = tpu.memref_squeeze %dma_start3A_336 : memref<1x1x128xf32, #tpu.memory_space<vmem>> -> memref<128xf32, #tpu.memory_space<vmem>>
      %dma_start3A_338 = arith.constant 0 : i32
      %dma_start3A_339 = tpu.memref_slice %arg8[%rem3A_317, %dma_start3A_333, %dma_start3A_338] : memref<4x8x128xi32, #tpu.memory_space<vmem>> -> memref<1x1x128xi32, #tpu.memory_space<vmem>>
      %dma_start3A_340 = tpu.memref_squeeze %dma_start3A_339 : memref<1x1x128xi32, #tpu.memory_space<vmem>> -> memref<128xi32, #tpu.memory_space<vmem>>
      %dma_start3A_341 = arith.constant 0 : i32
      %dma_start3A_342 = tpu.memref_slice %arg11[%dma_start3A_341] : memref<100352xf32, #tpu.memory_space<vmem_shared>> -> memref<100352xf32, #tpu.memory_space<vmem_shared>>
      tpu.enqueue_indirect_dma source(%dma_start3A_342 : memref<100352xf32, #tpu.memory_space<vmem_shared>>) target(%dma_start3A_337 : memref<128xf32, #tpu.memory_space<vmem>>) offsets(%dma_start3A_340 : memref<128xi32, #tpu.memory_space<vmem>>) semaphore(%arg14 : memref<!tpu.dma_semaphore, #tpu.memory_space<semaphore_mem>>)
      %dma_start3A_343 = arith.constant 1 : i32
      %dma_start3A_344 = arith.constant 1 : i32
      %dma_start3A_345 = arith.constant 0 : i32
      %dma_start3A_346 = tpu.memref_slice %arg10[%rem3A_317, %dma_start3A_344, %dma_start3A_345] : memref<4x8x128xf32, #tpu.memory_space<vmem>> -> memref<1x1x128xf32, #tpu.memory_space<vmem>>
      %dma_start3A_347 = tpu.memref_squeeze %dma_start3A_346 : memref<1x1x128xf32, #tpu.memory_space<vmem>> -> memref<128xf32, #tpu.memory_space<vmem>>
      %dma_start3A_348 = arith.constant 0 : i32
      %dma_start3A_349 = tpu.memref_slice %arg8[%rem3A_317, %dma_start3A_343, %dma_start3A_348] : memref<4x8x128xi32, #tpu.memory_space<vmem>> -> memref<1x1x128xi32, #tpu.memory_space<vmem>>
      %dma_start3A_350 = tpu.memref_squeeze %dma_start3A_349 : memref<1x1x128xi32, #tpu.memory_space<vmem>> -> memref<128xi32, #tpu.memory_space<vmem>>
      %dma_start3A_351 = arith.constant 0 : i32
      %dma_start3A_352 = tpu.memref_slice %arg11[%dma_start3A_351] : memref<100352xf32, #tpu.memory_space<vmem_shared>> -> memref<100352xf32, #tpu.memory_space<vmem_shared>>
      tpu.enqueue_indirect_dma source(%dma_start3A_352 : memref<100352xf32, #tpu.memory_space<vmem_shared>>) target(%dma_start3A_347 : memref<128xf32, #tpu.memory_space<vmem>>) offsets(%dma_start3A_350 : memref<128xi32, #tpu.memory_space<vmem>>) semaphore(%arg14 : memref<!tpu.dma_semaphore, #tpu.memory_space<semaphore_mem>>)
      %dma_start3A_353 = arith.constant 2 : i32
      %dma_start3A_354 = arith.constant 2 : i32
      %dma_start3A_355 = arith.constant 0 : i32
      %dma_start3A_356 = tpu.memref_slice %arg10[%rem3A_317, %dma_start3A_354, %dma_start3A_355] : memref<4x8x128xf32, #tpu.memory_space<vmem>> -> memref<1x1x128xf32, #tpu.memory_space<vmem>>
      %dma_start3A_357 = tpu.memref_squeeze %dma_start3A_356 : memref<1x1x128xf32, #tpu.memory_space<vmem>> -> memref<128xf32, #tpu.memory_space<vmem>>
      %dma_start3A_358 = arith.constant 0 : i32
      %dma_start3A_359 = tpu.memref_slice %arg8[%rem3A_317, %dma_start3A_353, %dma_start3A_358] : memref<4x8x128xi32, #tpu.memory_space<vmem>> -> memref<1x1x128xi32, #tpu.memory_space<vmem>>
      %dma_start3A_360 = tpu.memref_squeeze %dma_start3A_359 : memref<1x1x128xi32, #tpu.memory_space<vmem>> -> memref<128xi32, #tpu.memory_space<vmem>>
      %dma_start3A_361 = arith.constant 0 : i32
      %dma_start3A_362 = tpu.memref_slice %arg11[%dma_start3A_361] : memref<100352xf32, #tpu.memory_space<vmem_shared>> -> memref<100352xf32, #tpu.memory_space<vmem_shared>>
      tpu.enqueue_indirect_dma source(%dma_start3A_362 : memref<100352xf32, #tpu.memory_space<vmem_shared>>) target(%dma_start3A_357 : memref<128xf32, #tpu.memory_space<vmem>>) offsets(%dma_start3A_360 : memref<128xi32, #tpu.memory_space<vmem>>) semaphore(%arg14 : memref<!tpu.dma_semaphore, #tpu.memory_space<semaphore_mem>>)
      %dma_start3A_363 = arith.constant 3 : i32
      %dma_start3A_364 = arith.constant 3 : i32
      %dma_start3A_365 = arith.constant 0 : i32
      %dma_start3A_366 = tpu.memref_slice %arg10[%rem3A_317, %dma_start3A_364, %dma_start3A_365] : memref<4x8x128xf32, #tpu.memory_space<vmem>> -> memref<1x1x128xf32, #tpu.memory_space<vmem>>
      %dma_start3A_367 = tpu.memref_squeeze %dma_start3A_366 : memref<1x1x128xf32, #tpu.memory_space<vmem>> -> memref<128xf32, #tpu.memory_space<vmem>>
      %dma_start3A_368 = arith.constant 0 : i32
      %dma_start3A_369 = tpu.memref_slice %arg8[%rem3A_317, %dma_start3A_363, %dma_start3A_368] : memref<4x8x128xi32, #tpu.memory_space<vmem>> -> memref<1x1x128xi32, #tpu.memory_space<vmem>>
      %dma_start3A_370 = tpu.memref_squeeze %dma_start3A_369 : memref<1x1x128xi32, #tpu.memory_space<vmem>> -> memref<128xi32, #tpu.memory_space<vmem>>
      %dma_start3A_371 = arith.constant 0 : i32
      %dma_start3A_372 = tpu.memref_slice %arg11[%dma_start3A_371] : memref<100352xf32, #tpu.memory_space<vmem_shared>> -> memref<100352xf32, #tpu.memory_space<vmem_shared>>
      tpu.enqueue_indirect_dma source(%dma_start3A_372 : memref<100352xf32, #tpu.memory_space<vmem_shared>>) target(%dma_start3A_367 : memref<128xf32, #tpu.memory_space<vmem>>) offsets(%dma_start3A_370 : memref<128xi32, #tpu.memory_space<vmem>>) semaphore(%arg14 : memref<!tpu.dma_semaphore, #tpu.memory_space<semaphore_mem>>)
      %dma_start3A_373 = arith.constant 4 : i32
      %dma_start3A_374 = arith.constant 4 : i32
      %dma_start3A_375 = arith.constant 0 : i32
      %dma_start3A_376 = tpu.memref_slice %arg10[%rem3A_317, %dma_start3A_374, %dma_start3A_375] : memref<4x8x128xf32, #tpu.memory_space<vmem>> -> memref<1x1x128xf32, #tpu.memory_space<vmem>>
      %dma_start3A_377 = tpu.memref_squeeze %dma_start3A_376 : memref<1x1x128xf32, #tpu.memory_space<vmem>> -> memref<128xf32, #tpu.memory_space<vmem>>
      %dma_start3A_378 = arith.constant 0 : i32
      %dma_start3A_379 = tpu.memref_slice %arg8[%rem3A_317, %dma_start3A_373, %dma_start3A_378] : memref<4x8x128xi32, #tpu.memory_space<vmem>> -> memref<1x1x128xi32, #tpu.memory_space<vmem>>
      %dma_start3A_380 = tpu.memref_squeeze %dma_start3A_379 : memref<1x1x128xi32, #tpu.memory_space<vmem>> -> memref<128xi32, #tpu.memory_space<vmem>>
      %dma_start3A_381 = arith.constant 0 : i32
      %dma_start3A_382 = tpu.memref_slice %arg11[%dma_start3A_381] : memref<100352xf32, #tpu.memory_space<vmem_shared>> -> memref<100352xf32, #tpu.memory_space<vmem_shared>>
      tpu.enqueue_indirect_dma source(%dma_start3A_382 : memref<100352xf32, #tpu.memory_space<vmem_shared>>) target(%dma_start3A_377 : memref<128xf32, #tpu.memory_space<vmem>>) offsets(%dma_start3A_380 : memref<128xi32, #tpu.memory_space<vmem>>) semaphore(%arg14 : memref<!tpu.dma_semaphore, #tpu.memory_space<semaphore_mem>>)
      %dma_start3A_383 = arith.constant 5 : i32
      %dma_start3A_384 = arith.constant 5 : i32
      %dma_start3A_385 = arith.constant 0 : i32
      %dma_start3A_386 = tpu.memref_slice %arg10[%rem3A_317, %dma_start3A_384, %dma_start3A_385] : memref<4x8x128xf32, #tpu.memory_space<vmem>> -> memref<1x1x128xf32, #tpu.memory_space<vmem>>
      %dma_start3A_387 = tpu.memref_squeeze %dma_start3A_386 : memref<1x1x128xf32, #tpu.memory_space<vmem>> -> memref<128xf32, #tpu.memory_space<vmem>>
      %dma_start3A_388 = arith.constant 0 : i32
      %dma_start3A_389 = tpu.memref_slice %arg8[%rem3A_317, %dma_start3A_383, %dma_start3A_388] : memref<4x8x128xi32, #tpu.memory_space<vmem>> -> memref<1x1x128xi32, #tpu.memory_space<vmem>>
      %dma_start3A_390 = tpu.memref_squeeze %dma_start3A_389 : memref<1x1x128xi32, #tpu.memory_space<vmem>> -> memref<128xi32, #tpu.memory_space<vmem>>
      %dma_start3A_391 = arith.constant 0 : i32
      %dma_start3A_392 = tpu.memref_slice %arg11[%dma_start3A_391] : memref<100352xf32, #tpu.memory_space<vmem_shared>> -> memref<100352xf32, #tpu.memory_space<vmem_shared>>
      tpu.enqueue_indirect_dma source(%dma_start3A_392 : memref<100352xf32, #tpu.memory_space<vmem_shared>>) target(%dma_start3A_387 : memref<128xf32, #tpu.memory_space<vmem>>) offsets(%dma_start3A_390 : memref<128xi32, #tpu.memory_space<vmem>>) semaphore(%arg14 : memref<!tpu.dma_semaphore, #tpu.memory_space<semaphore_mem>>)
      %dma_start3A_393 = arith.constant 6 : i32
      %dma_start3A_394 = arith.constant 6 : i32
      %dma_start3A_395 = arith.constant 0 : i32
      %dma_start3A_396 = tpu.memref_slice %arg10[%rem3A_317, %dma_start3A_394, %dma_start3A_395] : memref<4x8x128xf32, #tpu.memory_space<vmem>> -> memref<1x1x128xf32, #tpu.memory_space<vmem>>
      %dma_start3A_397 = tpu.memref_squeeze %dma_start3A_396 : memref<1x1x128xf32, #tpu.memory_space<vmem>> -> memref<128xf32, #tpu.memory_space<vmem>>
      %dma_start3A_398 = arith.constant 0 : i32
      %dma_start3A_399 = tpu.memref_slice %arg8[%rem3A_317, %dma_start3A_393, %dma_start3A_398] : memref<4x8x128xi32, #tpu.memory_space<vmem>> -> memref<1x1x128xi32, #tpu.memory_space<vmem>>
      %dma_start3A_400 = tpu.memref_squeeze %dma_start3A_399 : memref<1x1x128xi32, #tpu.memory_space<vmem>> -> memref<128xi32, #tpu.memory_space<vmem>>
      %dma_start3A_401 = arith.constant 0 : i32
      %dma_start3A_402 = tpu.memref_slice %arg11[%dma_start3A_401] : memref<100352xf32, #tpu.memory_space<vmem_shared>> -> memref<100352xf32, #tpu.memory_space<vmem_shared>>
      tpu.enqueue_indirect_dma source(%dma_start3A_402 : memref<100352xf32, #tpu.memory_space<vmem_shared>>) target(%dma_start3A_397 : memref<128xf32, #tpu.memory_space<vmem>>) offsets(%dma_start3A_400 : memref<128xi32, #tpu.memory_space<vmem>>) semaphore(%arg14 : memref<!tpu.dma_semaphore, #tpu.memory_space<semaphore_mem>>)
      %dma_start3A_403 = arith.constant 7 : i32
      %dma_start3A_404 = arith.constant 7 : i32
      %dma_start3A_405 = arith.constant 0 : i32
      %dma_start3A_406 = tpu.memref_slice %arg10[%rem3A_317, %dma_start3A_404, %dma_start3A_405] : memref<4x8x128xf32, #tpu.memory_space<vmem>> -> memref<1x1x128xf32, #tpu.memory_space<vmem>>
      %dma_start3A_407 = tpu.memref_squeeze %dma_start3A_406 : memref<1x1x128xf32, #tpu.memory_space<vmem>> -> memref<128xf32, #tpu.memory_space<vmem>>
      %dma_start3A_408 = arith.constant 0 : i32
      %dma_start3A_409 = tpu.memref_slice %arg8[%rem3A_317, %dma_start3A_403, %dma_start3A_408] : memref<4x8x128xi32, #tpu.memory_space<vmem>> -> memref<1x1x128xi32, #tpu.memory_space<vmem>>
      %dma_start3A_410 = tpu.memref_squeeze %dma_start3A_409 : memref<1x1x128xi32, #tpu.memory_space<vmem>> -> memref<128xi32, #tpu.memory_space<vmem>>
      %dma_start3A_411 = arith.constant 0 : i32
      %dma_start3A_412 = tpu.memref_slice %arg11[%dma_start3A_411] : memref<100352xf32, #tpu.memory_space<vmem_shared>> -> memref<100352xf32, #tpu.memory_space<vmem_shared>>
      tpu.enqueue_indirect_dma source(%dma_start3A_412 : memref<100352xf32, #tpu.memory_space<vmem_shared>>) target(%dma_start3A_407 : memref<128xf32, #tpu.memory_space<vmem>>) offsets(%dma_start3A_410 : memref<128xi32, #tpu.memory_space<vmem>>) semaphore(%arg14 : memref<!tpu.dma_semaphore, #tpu.memory_space<semaphore_mem>>)
      %ge3A_413 = arith.constant 3 : i32
      %ge3A_414 = arith.cmpi sge, %add3A_316, %ge3A_413 : i32
      %convert_element_type3A_415 = arith.extui %ge3A_414 : i1 to i32
      %cond3A_416 = arith.constant 0 : i32
      %cond3A_417 = arith.cmpi ne, %convert_element_type3A_415, %cond3A_416 : i32
      scf.if %cond3A_417 {
        %add3A_583 = arith.constant 1 : i32
        %add3A_584 = arith.addi %add3A_316, %add3A_583 : i32
        %rem3A_585 = arith.constant 4 : i32
        %rem3A_586 = arith.remsi %add3A_584, %rem3A_585 : i32
        %dma_wait3A_587 = arith.constant 0 : i32
        %dma_wait3A_588 = arith.constant 0 : i32
        %dma_wait3A_589 = arith.constant 0 : i32
        %dma_wait3A_590 = tpu.memref_slice %arg10[%rem3A_586, %dma_wait3A_587, %dma_wait3A_589] : memref<4x8x128xf32, #tpu.memory_space<vmem>> -> memref<1x1x128xf32, #tpu.memory_space<vmem>>
        %dma_wait3A_591 = tpu.memref_squeeze %dma_wait3A_590 : memref<1x1x128xf32, #tpu.memory_space<vmem>> -> memref<128xf32, #tpu.memory_space<vmem>>
        %dma_wait3A_592 = arith.constant 0 : i32
        %dma_wait3A_593 = tpu.memref_slice %arg9[%rem3A_586, %dma_wait3A_588, %dma_wait3A_592] : memref<4x8x128xi32, #tpu.memory_space<vmem>> -> memref<1x1x128xi32, #tpu.memory_space<vmem>>
        %dma_wait3A_594 = tpu.memref_squeeze %dma_wait3A_593 : memref<1x1x128xi32, #tpu.memory_space<vmem>> -> memref<128xi32, #tpu.memory_space<vmem>>
        %dma_wait3A_595 = arith.constant 0 : i32
        %dma_wait3A_596 = tpu.memref_slice %arg12[%dma_wait3A_595] : memref<100352xf32, #tpu.memory_space<vmem_shared>> -> memref<100352xf32, #tpu.memory_space<vmem_shared>>
        tpu.wait_indirect_dma semaphore(%arg15 : memref<!tpu.dma_semaphore, #tpu.memory_space<semaphore_mem>>) src(%dma_wait3A_591 : memref<128xf32, #tpu.memory_space<vmem>>) dst(%dma_wait3A_596 : memref<100352xf32, #tpu.memory_space<vmem_shared>>)
        %dma_wait3A_597 = arith.constant 1 : i32
        %dma_wait3A_598 = arith.constant 1 : i32
        %dma_wait3A_599 = arith.constant 0 : i32
        %dma_wait3A_600 = tpu.memref_slice %arg10[%rem3A_586, %dma_wait3A_597, %dma_wait3A_599] : memref<4x8x128xf32, #tpu.memory_space<vmem>> -> memref<1x1x128xf32, #tpu.memory_space<vmem>>
        %dma_wait3A_601 = tpu.memref_squeeze %dma_wait3A_600 : memref<1x1x128xf32, #tpu.memory_space<vmem>> -> memref<128xf32, #tpu.memory_space<vmem>>
        %dma_wait3A_602 = arith.constant 0 : i32
        %dma_wait3A_603 = tpu.memref_slice %arg9[%rem3A_586, %dma_wait3A_598, %dma_wait3A_602] : memref<4x8x128xi32, #tpu.memory_space<vmem>> -> memref<1x1x128xi32, #tpu.memory_space<vmem>>
        %dma_wait3A_604 = tpu.memref_squeeze %dma_wait3A_603 : memref<1x1x128xi32, #tpu.memory_space<vmem>> -> memref<128xi32, #tpu.memory_space<vmem>>
        %dma_wait3A_605 = arith.constant 0 : i32
        %dma_wait3A_606 = tpu.memref_slice %arg12[%dma_wait3A_605] : memref<100352xf32, #tpu.memory_space<vmem_shared>> -> memref<100352xf32, #tpu.memory_space<vmem_shared>>
        tpu.wait_indirect_dma semaphore(%arg15 : memref<!tpu.dma_semaphore, #tpu.memory_space<semaphore_mem>>) src(%dma_wait3A_601 : memref<128xf32, #tpu.memory_space<vmem>>) dst(%dma_wait3A_606 : memref<100352xf32, #tpu.memory_space<vmem_shared>>)
        %dma_wait3A_607 = arith.constant 2 : i32
        %dma_wait3A_608 = arith.constant 2 : i32
        %dma_wait3A_609 = arith.constant 0 : i32
        %dma_wait3A_610 = tpu.memref_slice %arg10[%rem3A_586, %dma_wait3A_607, %dma_wait3A_609] : memref<4x8x128xf32, #tpu.memory_space<vmem>> -> memref<1x1x128xf32, #tpu.memory_space<vmem>>
        %dma_wait3A_611 = tpu.memref_squeeze %dma_wait3A_610 : memref<1x1x128xf32, #tpu.memory_space<vmem>> -> memref<128xf32, #tpu.memory_space<vmem>>
        %dma_wait3A_612 = arith.constant 0 : i32
        %dma_wait3A_613 = tpu.memref_slice %arg9[%rem3A_586, %dma_wait3A_608, %dma_wait3A_612] : memref<4x8x128xi32, #tpu.memory_space<vmem>> -> memref<1x1x128xi32, #tpu.memory_space<vmem>>
        %dma_wait3A_614 = tpu.memref_squeeze %dma_wait3A_613 : memref<1x1x128xi32, #tpu.memory_space<vmem>> -> memref<128xi32, #tpu.memory_space<vmem>>
        %dma_wait3A_615 = arith.constant 0 : i32
        %dma_wait3A_616 = tpu.memref_slice %arg12[%dma_wait3A_615] : memref<100352xf32, #tpu.memory_space<vmem_shared>> -> memref<100352xf32, #tpu.memory_space<vmem_shared>>
        tpu.wait_indirect_dma semaphore(%arg15 : memref<!tpu.dma_semaphore, #tpu.memory_space<semaphore_mem>>) src(%dma_wait3A_611 : memref<128xf32, #tpu.memory_space<vmem>>) dst(%dma_wait3A_616 : memref<100352xf32, #tpu.memory_space<vmem_shared>>)
        %dma_wait3A_617 = arith.constant 3 : i32
        %dma_wait3A_618 = arith.constant 3 : i32
        %dma_wait3A_619 = arith.constant 0 : i32
        %dma_wait3A_620 = tpu.memref_slice %arg10[%rem3A_586, %dma_wait3A_617, %dma_wait3A_619] : memref<4x8x128xf32, #tpu.memory_space<vmem>> -> memref<1x1x128xf32, #tpu.memory_space<vmem>>
        %dma_wait3A_621 = tpu.memref_squeeze %dma_wait3A_620 : memref<1x1x128xf32, #tpu.memory_space<vmem>> -> memref<128xf32, #tpu.memory_space<vmem>>
        %dma_wait3A_622 = arith.constant 0 : i32
        %dma_wait3A_623 = tpu.memref_slice %arg9[%rem3A_586, %dma_wait3A_618, %dma_wait3A_622] : memref<4x8x128xi32, #tpu.memory_space<vmem>> -> memref<1x1x128xi32, #tpu.memory_space<vmem>>
        %dma_wait3A_624 = tpu.memref_squeeze %dma_wait3A_623 : memref<1x1x128xi32, #tpu.memory_space<vmem>> -> memref<128xi32, #tpu.memory_space<vmem>>
        %dma_wait3A_625 = arith.constant 0 : i32
        %dma_wait3A_626 = tpu.memref_slice %arg12[%dma_wait3A_625] : memref<100352xf32, #tpu.memory_space<vmem_shared>> -> memref<100352xf32, #tpu.memory_space<vmem_shared>>
        tpu.wait_indirect_dma semaphore(%arg15 : memref<!tpu.dma_semaphore, #tpu.memory_space<semaphore_mem>>) src(%dma_wait3A_621 : memref<128xf32, #tpu.memory_space<vmem>>) dst(%dma_wait3A_626 : memref<100352xf32, #tpu.memory_space<vmem_shared>>)
        %dma_wait3A_627 = arith.constant 4 : i32
        %dma_wait3A_628 = arith.constant 4 : i32
        %dma_wait3A_629 = arith.constant 0 : i32
        %dma_wait3A_630 = tpu.memref_slice %arg10[%rem3A_586, %dma_wait3A_627, %dma_wait3A_629] : memref<4x8x128xf32, #tpu.memory_space<vmem>> -> memref<1x1x128xf32, #tpu.memory_space<vmem>>
        %dma_wait3A_631 = tpu.memref_squeeze %dma_wait3A_630 : memref<1x1x128xf32, #tpu.memory_space<vmem>> -> memref<128xf32, #tpu.memory_space<vmem>>
        %dma_wait3A_632 = arith.constant 0 : i32
        %dma_wait3A_633 = tpu.memref_slice %arg9[%rem3A_586, %dma_wait3A_628, %dma_wait3A_632] : memref<4x8x128xi32, #tpu.memory_space<vmem>> -> memref<1x1x128xi32, #tpu.memory_space<vmem>>
        %dma_wait3A_634 = tpu.memref_squeeze %dma_wait3A_633 : memref<1x1x128xi32, #tpu.memory_space<vmem>> -> memref<128xi32, #tpu.memory_space<vmem>>
        %dma_wait3A_635 = arith.constant 0 : i32
        %dma_wait3A_636 = tpu.memref_slice %arg12[%dma_wait3A_635] : memref<100352xf32, #tpu.memory_space<vmem_shared>> -> memref<100352xf32, #tpu.memory_space<vmem_shared>>
        tpu.wait_indirect_dma semaphore(%arg15 : memref<!tpu.dma_semaphore, #tpu.memory_space<semaphore_mem>>) src(%dma_wait3A_631 : memref<128xf32, #tpu.memory_space<vmem>>) dst(%dma_wait3A_636 : memref<100352xf32, #tpu.memory_space<vmem_shared>>)
        %dma_wait3A_637 = arith.constant 5 : i32
        %dma_wait3A_638 = arith.constant 5 : i32
        %dma_wait3A_639 = arith.constant 0 : i32
        %dma_wait3A_640 = tpu.memref_slice %arg10[%rem3A_586, %dma_wait3A_637, %dma_wait3A_639] : memref<4x8x128xf32, #tpu.memory_space<vmem>> -> memref<1x1x128xf32, #tpu.memory_space<vmem>>
        %dma_wait3A_641 = tpu.memref_squeeze %dma_wait3A_640 : memref<1x1x128xf32, #tpu.memory_space<vmem>> -> memref<128xf32, #tpu.memory_space<vmem>>
        %dma_wait3A_642 = arith.constant 0 : i32
        %dma_wait3A_643 = tpu.memref_slice %arg9[%rem3A_586, %dma_wait3A_638, %dma_wait3A_642] : memref<4x8x128xi32, #tpu.memory_space<vmem>> -> memref<1x1x128xi32, #tpu.memory_space<vmem>>
        %dma_wait3A_644 = tpu.memref_squeeze %dma_wait3A_643 : memref<1x1x128xi32, #tpu.memory_space<vmem>> -> memref<128xi32, #tpu.memory_space<vmem>>
        %dma_wait3A_645 = arith.constant 0 : i32
        %dma_wait3A_646 = tpu.memref_slice %arg12[%dma_wait3A_645] : memref<100352xf32, #tpu.memory_space<vmem_shared>> -> memref<100352xf32, #tpu.memory_space<vmem_shared>>
        tpu.wait_indirect_dma semaphore(%arg15 : memref<!tpu.dma_semaphore, #tpu.memory_space<semaphore_mem>>) src(%dma_wait3A_641 : memref<128xf32, #tpu.memory_space<vmem>>) dst(%dma_wait3A_646 : memref<100352xf32, #tpu.memory_space<vmem_shared>>)
        %dma_wait3A_647 = arith.constant 6 : i32
        %dma_wait3A_648 = arith.constant 6 : i32
        %dma_wait3A_649 = arith.constant 0 : i32
        %dma_wait3A_650 = tpu.memref_slice %arg10[%rem3A_586, %dma_wait3A_647, %dma_wait3A_649] : memref<4x8x128xf32, #tpu.memory_space<vmem>> -> memref<1x1x128xf32, #tpu.memory_space<vmem>>
        %dma_wait3A_651 = tpu.memref_squeeze %dma_wait3A_650 : memref<1x1x128xf32, #tpu.memory_space<vmem>> -> memref<128xf32, #tpu.memory_space<vmem>>
        %dma_wait3A_652 = arith.constant 0 : i32
        %dma_wait3A_653 = tpu.memref_slice %arg9[%rem3A_586, %dma_wait3A_648, %dma_wait3A_652] : memref<4x8x128xi32, #tpu.memory_space<vmem>> -> memref<1x1x128xi32, #tpu.memory_space<vmem>>
        %dma_wait3A_654 = tpu.memref_squeeze %dma_wait3A_653 : memref<1x1x128xi32, #tpu.memory_space<vmem>> -> memref<128xi32, #tpu.memory_space<vmem>>
        %dma_wait3A_655 = arith.constant 0 : i32
        %dma_wait3A_656 = tpu.memref_slice %arg12[%dma_wait3A_655] : memref<100352xf32, #tpu.memory_space<vmem_shared>> -> memref<100352xf32, #tpu.memory_space<vmem_shared>>
        tpu.wait_indirect_dma semaphore(%arg15 : memref<!tpu.dma_semaphore, #tpu.memory_space<semaphore_mem>>) src(%dma_wait3A_651 : memref<128xf32, #tpu.memory_space<vmem>>) dst(%dma_wait3A_656 : memref<100352xf32, #tpu.memory_space<vmem_shared>>)
        %dma_wait3A_657 = arith.constant 7 : i32
        %dma_wait3A_658 = arith.constant 7 : i32
        %dma_wait3A_659 = arith.constant 0 : i32
        %dma_wait3A_660 = tpu.memref_slice %arg10[%rem3A_586, %dma_wait3A_657, %dma_wait3A_659] : memref<4x8x128xf32, #tpu.memory_space<vmem>> -> memref<1x1x128xf32, #tpu.memory_space<vmem>>
        %dma_wait3A_661 = tpu.memref_squeeze %dma_wait3A_660 : memref<1x1x128xf32, #tpu.memory_space<vmem>> -> memref<128xf32, #tpu.memory_space<vmem>>
        %dma_wait3A_662 = arith.constant 0 : i32
        %dma_wait3A_663 = tpu.memref_slice %arg9[%rem3A_586, %dma_wait3A_658, %dma_wait3A_662] : memref<4x8x128xi32, #tpu.memory_space<vmem>> -> memref<1x1x128xi32, #tpu.memory_space<vmem>>
        %dma_wait3A_664 = tpu.memref_squeeze %dma_wait3A_663 : memref<1x1x128xi32, #tpu.memory_space<vmem>> -> memref<128xi32, #tpu.memory_space<vmem>>
        %dma_wait3A_665 = arith.constant 0 : i32
        %dma_wait3A_666 = tpu.memref_slice %arg12[%dma_wait3A_665] : memref<100352xf32, #tpu.memory_space<vmem_shared>> -> memref<100352xf32, #tpu.memory_space<vmem_shared>>
        tpu.wait_indirect_dma semaphore(%arg15 : memref<!tpu.dma_semaphore, #tpu.memory_space<semaphore_mem>>) src(%dma_wait3A_661 : memref<128xf32, #tpu.memory_space<vmem>>) dst(%dma_wait3A_666 : memref<100352xf32, #tpu.memory_space<vmem_shared>>)
      } else {
      }
      %lt3A_418 = arith.constant 97 : i32
      %lt3A_419 = arith.cmpi slt, %add3A_316, %lt3A_418 : i32
      %convert_element_type3A_420 = arith.extui %lt3A_419 : i1 to i32
      %cond3A_421 = arith.constant 0 : i32
      %cond3A_422 = arith.cmpi ne, %convert_element_type3A_420, %cond3A_421 : i32
      scf.if %cond3A_422 {
        %add3A_583 = arith.constant 1 : i32
        %add3A_584 = arith.addi %add3A_316, %add3A_583 : i32
        %add3A_585 = arith.constant 1 : i32
        %add3A_586 = arith.addi %add3A_316, %add3A_585 : i32
        %rem3A_587 = arith.constant 4 : i32
        %rem3A_588 = arith.remsi %add3A_586, %rem3A_587 : i32
        %mul3A_589 = arith.constant 784 : i32
        %mul3A_590 = arith.muli %add3A, %mul3A_589 : i32
        %mul3A_591 = arith.constant 8 : i32
        %mul3A_592 = arith.muli %add3A_584, %mul3A_591 : i32
        %add3A_593 = arith.addi %mul3A_590, %mul3A_592 : i32
        %lt3A_594 = arith.constant 25000 : i32
        %lt3A_595 = arith.cmpi slt, %add3A_593, %lt3A_594 : i32
        %convert_element_type3A_596 = arith.extui %lt3A_595 : i1 to i32
        %cond3A_597 = arith.constant 0 : i32
        %cond3A_598 = arith.cmpi ne, %convert_element_type3A_596, %cond3A_597 : i32
        scf.if %cond3A_598 {
          %dma_start3A_604 = arith.constant 0 : i32
          %dma_start3A_605 = arith.constant 0 : i32
          %dma_start3A_606 = tpu.memref_slice %arg8[%rem3A_588, %dma_start3A_604, %dma_start3A_605] : memref<4x8x128xi32, #tpu.memory_space<vmem>> -> memref<1x8x128xi32, #tpu.memory_space<vmem>>
          %dma_start3A_607 = tpu.memref_squeeze %dma_start3A_606 : memref<1x8x128xi32, #tpu.memory_space<vmem>> -> memref<8x128xi32, #tpu.memory_space<vmem>>
          %dma_start3A_608 = arith.constant 0 : i32
          %dma_start3A_609 = tpu.memref_slice %arg2[%add3A_593, %dma_start3A_608] : memref<25000x128xi32, #tpu.memory_space<hbm>> -> memref<8x128xi32, #tpu.memory_space<hbm>>
          %dma_start3A_610 = arith.constant 0 : i32
          %dma_start3A_611 = arith.constant 0 : i32
          %dma_start3A_612 = tpu.memref_slice %arg8[%rem3A_588, %dma_start3A_610, %dma_start3A_611] : memref<4x8x128xi32, #tpu.memory_space<vmem>> -> memref<1x8x128xi32, #tpu.memory_space<vmem>>
          %dma_start3A_613 = tpu.memref_squeeze %dma_start3A_612 : memref<1x8x128xi32, #tpu.memory_space<vmem>> -> memref<8x128xi32, #tpu.memory_space<vmem>>
          %dma_start3A_614 = arith.constant 0 : i32
          %dma_start3A_615 = tpu.memref_slice %arg2[%add3A_593, %dma_start3A_614] : memref<25000x128xi32, #tpu.memory_space<hbm>> -> memref<8x128xi32, #tpu.memory_space<hbm>>
          tpu.enqueue_dma source(%dma_start3A_615 : memref<8x128xi32, #tpu.memory_space<hbm>>) target(%dma_start3A_613 : memref<8x128xi32, #tpu.memory_space<vmem>>) target_semaphore(%arg13 : memref<!tpu.dma_semaphore, #tpu.memory_space<semaphore_mem>>)
          %dma_start3A_616 = arith.constant 0 : i32
          %dma_start3A_617 = arith.constant 0 : i32
          %dma_start3A_618 = tpu.memref_slice %arg9[%rem3A_588, %dma_start3A_616, %dma_start3A_617] : memref<4x8x128xi32, #tpu.memory_space<vmem>> -> memref<1x8x128xi32, #tpu.memory_space<vmem>>
          %dma_start3A_619 = tpu.memref_squeeze %dma_start3A_618 : memref<1x8x128xi32, #tpu.memory_space<vmem>> -> memref<8x128xi32, #tpu.memory_space<vmem>>
          %dma_start3A_620 = arith.constant 0 : i32
          %dma_start3A_621 = tpu.memref_slice %arg3[%add3A_593, %dma_start3A_620] : memref<25000x128xi32, #tpu.memory_space<hbm>> -> memref<8x128xi32, #tpu.memory_space<hbm>>
          %dma_start3A_622 = arith.constant 0 : i32
          %dma_start3A_623 = arith.constant 0 : i32
          %dma_start3A_624 = tpu.memref_slice %arg9[%rem3A_588, %dma_start3A_622, %dma_start3A_623] : memref<4x8x128xi32, #tpu.memory_space<vmem>> -> memref<1x8x128xi32, #tpu.memory_space<vmem>>
          %dma_start3A_625 = tpu.memref_squeeze %dma_start3A_624 : memref<1x8x128xi32, #tpu.memory_space<vmem>> -> memref<8x128xi32, #tpu.memory_space<vmem>>
          %dma_start3A_626 = arith.constant 0 : i32
          %dma_start3A_627 = tpu.memref_slice %arg3[%add3A_593, %dma_start3A_626] : memref<25000x128xi32, #tpu.memory_space<hbm>> -> memref<8x128xi32, #tpu.memory_space<hbm>>
          tpu.enqueue_dma source(%dma_start3A_627 : memref<8x128xi32, #tpu.memory_space<hbm>>) target(%dma_start3A_625 : memref<8x128xi32, #tpu.memory_space<vmem>>) target_semaphore(%arg13 : memref<!tpu.dma_semaphore, #tpu.memory_space<semaphore_mem>>)
        } else {
        }
        %ge3A_599 = arith.constant 25000 : i32
        %ge3A_600 = arith.cmpi sge, %add3A_593, %ge3A_599 : i32
        %convert_element_type3A_601 = arith.extui %ge3A_600 : i1 to i32
        %cond3A_602 = arith.constant 0 : i32
        %cond3A_603 = arith.cmpi ne, %convert_element_type3A_601, %cond3A_602 : i32
        scf.if %cond3A_603 {
          %dma_start3A_604 = arith.constant 0 : i32
          %dma_start3A_605 = arith.constant 0 : i32
          %dma_start3A_606 = tpu.memref_slice %arg8[%rem3A_588, %dma_start3A_604, %dma_start3A_605] : memref<4x8x128xi32, #tpu.memory_space<vmem>> -> memref<1x8x128xi32, #tpu.memory_space<vmem>>
          %dma_start3A_607 = tpu.memref_squeeze %dma_start3A_606 : memref<1x8x128xi32, #tpu.memory_space<vmem>> -> memref<8x128xi32, #tpu.memory_space<vmem>>
          %dma_start3A_608 = arith.constant 0 : i32
          %dma_start3A_609 = arith.constant 0 : i32
          %dma_start3A_610 = tpu.memref_slice %arg4[%dma_start3A_608, %dma_start3A_609] : memref<8x128xi32, #tpu.memory_space<hbm>> -> memref<8x128xi32, #tpu.memory_space<hbm>>
          %dma_start3A_611 = arith.constant 0 : i32
          %dma_start3A_612 = arith.constant 0 : i32
          %dma_start3A_613 = tpu.memref_slice %arg8[%rem3A_588, %dma_start3A_611, %dma_start3A_612] : memref<4x8x128xi32, #tpu.memory_space<vmem>> -> memref<1x8x128xi32, #tpu.memory_space<vmem>>
          %dma_start3A_614 = tpu.memref_squeeze %dma_start3A_613 : memref<1x8x128xi32, #tpu.memory_space<vmem>> -> memref<8x128xi32, #tpu.memory_space<vmem>>
          %dma_start3A_615 = arith.constant 0 : i32
          %dma_start3A_616 = arith.constant 0 : i32
          %dma_start3A_617 = tpu.memref_slice %arg4[%dma_start3A_615, %dma_start3A_616] : memref<8x128xi32, #tpu.memory_space<hbm>> -> memref<8x128xi32, #tpu.memory_space<hbm>>
          tpu.enqueue_dma source(%dma_start3A_617 : memref<8x128xi32, #tpu.memory_space<hbm>>) target(%dma_start3A_614 : memref<8x128xi32, #tpu.memory_space<vmem>>) target_semaphore(%arg13 : memref<!tpu.dma_semaphore, #tpu.memory_space<semaphore_mem>>)
          %dma_start3A_618 = arith.constant 0 : i32
          %dma_start3A_619 = arith.constant 0 : i32
          %dma_start3A_620 = tpu.memref_slice %arg9[%rem3A_588, %dma_start3A_618, %dma_start3A_619] : memref<4x8x128xi32, #tpu.memory_space<vmem>> -> memref<1x8x128xi32, #tpu.memory_space<vmem>>
          %dma_start3A_621 = tpu.memref_squeeze %dma_start3A_620 : memref<1x8x128xi32, #tpu.memory_space<vmem>> -> memref<8x128xi32, #tpu.memory_space<vmem>>
          %dma_start3A_622 = arith.constant 0 : i32
          %dma_start3A_623 = arith.constant 0 : i32
          %dma_start3A_624 = tpu.memref_slice %arg4[%dma_start3A_622, %dma_start3A_623] : memref<8x128xi32, #tpu.memory_space<hbm>> -> memref<8x128xi32, #tpu.memory_space<hbm>>
          %dma_start3A_625 = arith.constant 0 : i32
          %dma_start3A_626 = arith.constant 0 : i32
          %dma_start3A_627 = tpu.memref_slice %arg9[%rem3A_588, %dma_start3A_625, %dma_start3A_626] : memref<4x8x128xi32, #tpu.memory_space<vmem>> -> memref<1x8x128xi32, #tpu.memory_space<vmem>>
          %dma_start3A_628 = tpu.memref_squeeze %dma_start3A_627 : memref<1x8x128xi32, #tpu.memory_space<vmem>> -> memref<8x128xi32, #tpu.memory_space<vmem>>
          %dma_start3A_629 = arith.constant 0 : i32
          %dma_start3A_630 = arith.constant 0 : i32
          %dma_start3A_631 = tpu.memref_slice %arg4[%dma_start3A_629, %dma_start3A_630] : memref<8x128xi32, #tpu.memory_space<hbm>> -> memref<8x128xi32, #tpu.memory_space<hbm>>
          tpu.enqueue_dma source(%dma_start3A_631 : memref<8x128xi32, #tpu.memory_space<hbm>>) target(%dma_start3A_628 : memref<8x128xi32, #tpu.memory_space<vmem>>) target_semaphore(%arg13 : memref<!tpu.dma_semaphore, #tpu.memory_space<semaphore_mem>>)
        } else {
        }
      } else {
      }
      %dma_wait3A_423 = arith.constant 0 : i32
      %dma_wait3A_424 = arith.constant 0 : i32
      %dma_wait3A_425 = arith.constant 0 : i32
      %dma_wait3A_426 = tpu.memref_slice %arg10[%rem3A_317, %dma_wait3A_424, %dma_wait3A_425] : memref<4x8x128xf32, #tpu.memory_space<vmem>> -> memref<1x1x128xf32, #tpu.memory_space<vmem>>
      %dma_wait3A_427 = tpu.memref_squeeze %dma_wait3A_426 : memref<1x1x128xf32, #tpu.memory_space<vmem>> -> memref<128xf32, #tpu.memory_space<vmem>>
      %dma_wait3A_428 = arith.constant 0 : i32
      %dma_wait3A_429 = tpu.memref_slice %arg8[%rem3A_317, %dma_wait3A_423, %dma_wait3A_428] : memref<4x8x128xi32, #tpu.memory_space<vmem>> -> memref<1x1x128xi32, #tpu.memory_space<vmem>>
      %dma_wait3A_430 = tpu.memref_squeeze %dma_wait3A_429 : memref<1x1x128xi32, #tpu.memory_space<vmem>> -> memref<128xi32, #tpu.memory_space<vmem>>
      %dma_wait3A_431 = arith.constant 0 : i32
      %dma_wait3A_432 = tpu.memref_slice %arg11[%dma_wait3A_431] : memref<100352xf32, #tpu.memory_space<vmem_shared>> -> memref<100352xf32, #tpu.memory_space<vmem_shared>>
      tpu.wait_indirect_dma semaphore(%arg14 : memref<!tpu.dma_semaphore, #tpu.memory_space<semaphore_mem>>) src(%dma_wait3A_432 : memref<100352xf32, #tpu.memory_space<vmem_shared>>) dst(%dma_wait3A_427 : memref<128xf32, #tpu.memory_space<vmem>>)
      %dma_wait3A_433 = arith.constant 1 : i32
      %dma_wait3A_434 = arith.constant 1 : i32
      %dma_wait3A_435 = arith.constant 0 : i32
      %dma_wait3A_436 = tpu.memref_slice %arg10[%rem3A_317, %dma_wait3A_434, %dma_wait3A_435] : memref<4x8x128xf32, #tpu.memory_space<vmem>> -> memref<1x1x128xf32, #tpu.memory_space<vmem>>
      %dma_wait3A_437 = tpu.memref_squeeze %dma_wait3A_436 : memref<1x1x128xf32, #tpu.memory_space<vmem>> -> memref<128xf32, #tpu.memory_space<vmem>>
      %dma_wait3A_438 = arith.constant 0 : i32
      %dma_wait3A_439 = tpu.memref_slice %arg8[%rem3A_317, %dma_wait3A_433, %dma_wait3A_438] : memref<4x8x128xi32, #tpu.memory_space<vmem>> -> memref<1x1x128xi32, #tpu.memory_space<vmem>>
      %dma_wait3A_440 = tpu.memref_squeeze %dma_wait3A_439 : memref<1x1x128xi32, #tpu.memory_space<vmem>> -> memref<128xi32, #tpu.memory_space<vmem>>
      %dma_wait3A_441 = arith.constant 0 : i32
      %dma_wait3A_442 = tpu.memref_slice %arg11[%dma_wait3A_441] : memref<100352xf32, #tpu.memory_space<vmem_shared>> -> memref<100352xf32, #tpu.memory_space<vmem_shared>>
      tpu.wait_indirect_dma semaphore(%arg14 : memref<!tpu.dma_semaphore, #tpu.memory_space<semaphore_mem>>) src(%dma_wait3A_442 : memref<100352xf32, #tpu.memory_space<vmem_shared>>) dst(%dma_wait3A_437 : memref<128xf32, #tpu.memory_space<vmem>>)
      %dma_wait3A_443 = arith.constant 2 : i32
      %dma_wait3A_444 = arith.constant 2 : i32
      %dma_wait3A_445 = arith.constant 0 : i32
      %dma_wait3A_446 = tpu.memref_slice %arg10[%rem3A_317, %dma_wait3A_444, %dma_wait3A_445] : memref<4x8x128xf32, #tpu.memory_space<vmem>> -> memref<1x1x128xf32, #tpu.memory_space<vmem>>
      %dma_wait3A_447 = tpu.memref_squeeze %dma_wait3A_446 : memref<1x1x128xf32, #tpu.memory_space<vmem>> -> memref<128xf32, #tpu.memory_space<vmem>>
      %dma_wait3A_448 = arith.constant 0 : i32
      %dma_wait3A_449 = tpu.memref_slice %arg8[%rem3A_317, %dma_wait3A_443, %dma_wait3A_448] : memref<4x8x128xi32, #tpu.memory_space<vmem>> -> memref<1x1x128xi32, #tpu.memory_space<vmem>>
      %dma_wait3A_450 = tpu.memref_squeeze %dma_wait3A_449 : memref<1x1x128xi32, #tpu.memory_space<vmem>> -> memref<128xi32, #tpu.memory_space<vmem>>
      %dma_wait3A_451 = arith.constant 0 : i32
      %dma_wait3A_452 = tpu.memref_slice %arg11[%dma_wait3A_451] : memref<100352xf32, #tpu.memory_space<vmem_shared>> -> memref<100352xf32, #tpu.memory_space<vmem_shared>>
      tpu.wait_indirect_dma semaphore(%arg14 : memref<!tpu.dma_semaphore, #tpu.memory_space<semaphore_mem>>) src(%dma_wait3A_452 : memref<100352xf32, #tpu.memory_space<vmem_shared>>) dst(%dma_wait3A_447 : memref<128xf32, #tpu.memory_space<vmem>>)
      %dma_wait3A_453 = arith.constant 3 : i32
      %dma_wait3A_454 = arith.constant 3 : i32
      %dma_wait3A_455 = arith.constant 0 : i32
      %dma_wait3A_456 = tpu.memref_slice %arg10[%rem3A_317, %dma_wait3A_454, %dma_wait3A_455] : memref<4x8x128xf32, #tpu.memory_space<vmem>> -> memref<1x1x128xf32, #tpu.memory_space<vmem>>
      %dma_wait3A_457 = tpu.memref_squeeze %dma_wait3A_456 : memref<1x1x128xf32, #tpu.memory_space<vmem>> -> memref<128xf32, #tpu.memory_space<vmem>>
      %dma_wait3A_458 = arith.constant 0 : i32
      %dma_wait3A_459 = tpu.memref_slice %arg8[%rem3A_317, %dma_wait3A_453, %dma_wait3A_458] : memref<4x8x128xi32, #tpu.memory_space<vmem>> -> memref<1x1x128xi32, #tpu.memory_space<vmem>>
      %dma_wait3A_460 = tpu.memref_squeeze %dma_wait3A_459 : memref<1x1x128xi32, #tpu.memory_space<vmem>> -> memref<128xi32, #tpu.memory_space<vmem>>
      %dma_wait3A_461 = arith.constant 0 : i32
      %dma_wait3A_462 = tpu.memref_slice %arg11[%dma_wait3A_461] : memref<100352xf32, #tpu.memory_space<vmem_shared>> -> memref<100352xf32, #tpu.memory_space<vmem_shared>>
      tpu.wait_indirect_dma semaphore(%arg14 : memref<!tpu.dma_semaphore, #tpu.memory_space<semaphore_mem>>) src(%dma_wait3A_462 : memref<100352xf32, #tpu.memory_space<vmem_shared>>) dst(%dma_wait3A_457 : memref<128xf32, #tpu.memory_space<vmem>>)
      %dma_wait3A_463 = arith.constant 4 : i32
      %dma_wait3A_464 = arith.constant 4 : i32
      %dma_wait3A_465 = arith.constant 0 : i32
      %dma_wait3A_466 = tpu.memref_slice %arg10[%rem3A_317, %dma_wait3A_464, %dma_wait3A_465] : memref<4x8x128xf32, #tpu.memory_space<vmem>> -> memref<1x1x128xf32, #tpu.memory_space<vmem>>
      %dma_wait3A_467 = tpu.memref_squeeze %dma_wait3A_466 : memref<1x1x128xf32, #tpu.memory_space<vmem>> -> memref<128xf32, #tpu.memory_space<vmem>>
      %dma_wait3A_468 = arith.constant 0 : i32
      %dma_wait3A_469 = tpu.memref_slice %arg8[%rem3A_317, %dma_wait3A_463, %dma_wait3A_468] : memref<4x8x128xi32, #tpu.memory_space<vmem>> -> memref<1x1x128xi32, #tpu.memory_space<vmem>>
      %dma_wait3A_470 = tpu.memref_squeeze %dma_wait3A_469 : memref<1x1x128xi32, #tpu.memory_space<vmem>> -> memref<128xi32, #tpu.memory_space<vmem>>
      %dma_wait3A_471 = arith.constant 0 : i32
      %dma_wait3A_472 = tpu.memref_slice %arg11[%dma_wait3A_471] : memref<100352xf32, #tpu.memory_space<vmem_shared>> -> memref<100352xf32, #tpu.memory_space<vmem_shared>>
      tpu.wait_indirect_dma semaphore(%arg14 : memref<!tpu.dma_semaphore, #tpu.memory_space<semaphore_mem>>) src(%dma_wait3A_472 : memref<100352xf32, #tpu.memory_space<vmem_shared>>) dst(%dma_wait3A_467 : memref<128xf32, #tpu.memory_space<vmem>>)
      %dma_wait3A_473 = arith.constant 5 : i32
      %dma_wait3A_474 = arith.constant 5 : i32
      %dma_wait3A_475 = arith.constant 0 : i32
      %dma_wait3A_476 = tpu.memref_slice %arg10[%rem3A_317, %dma_wait3A_474, %dma_wait3A_475] : memref<4x8x128xf32, #tpu.memory_space<vmem>> -> memref<1x1x128xf32, #tpu.memory_space<vmem>>
      %dma_wait3A_477 = tpu.memref_squeeze %dma_wait3A_476 : memref<1x1x128xf32, #tpu.memory_space<vmem>> -> memref<128xf32, #tpu.memory_space<vmem>>
      %dma_wait3A_478 = arith.constant 0 : i32
      %dma_wait3A_479 = tpu.memref_slice %arg8[%rem3A_317, %dma_wait3A_473, %dma_wait3A_478] : memref<4x8x128xi32, #tpu.memory_space<vmem>> -> memref<1x1x128xi32, #tpu.memory_space<vmem>>
      %dma_wait3A_480 = tpu.memref_squeeze %dma_wait3A_479 : memref<1x1x128xi32, #tpu.memory_space<vmem>> -> memref<128xi32, #tpu.memory_space<vmem>>
      %dma_wait3A_481 = arith.constant 0 : i32
      %dma_wait3A_482 = tpu.memref_slice %arg11[%dma_wait3A_481] : memref<100352xf32, #tpu.memory_space<vmem_shared>> -> memref<100352xf32, #tpu.memory_space<vmem_shared>>
      tpu.wait_indirect_dma semaphore(%arg14 : memref<!tpu.dma_semaphore, #tpu.memory_space<semaphore_mem>>) src(%dma_wait3A_482 : memref<100352xf32, #tpu.memory_space<vmem_shared>>) dst(%dma_wait3A_477 : memref<128xf32, #tpu.memory_space<vmem>>)
      %dma_wait3A_483 = arith.constant 6 : i32
      %dma_wait3A_484 = arith.constant 6 : i32
      %dma_wait3A_485 = arith.constant 0 : i32
      %dma_wait3A_486 = tpu.memref_slice %arg10[%rem3A_317, %dma_wait3A_484, %dma_wait3A_485] : memref<4x8x128xf32, #tpu.memory_space<vmem>> -> memref<1x1x128xf32, #tpu.memory_space<vmem>>
      %dma_wait3A_487 = tpu.memref_squeeze %dma_wait3A_486 : memref<1x1x128xf32, #tpu.memory_space<vmem>> -> memref<128xf32, #tpu.memory_space<vmem>>
      %dma_wait3A_488 = arith.constant 0 : i32
      %dma_wait3A_489 = tpu.memref_slice %arg8[%rem3A_317, %dma_wait3A_483, %dma_wait3A_488] : memref<4x8x128xi32, #tpu.memory_space<vmem>> -> memref<1x1x128xi32, #tpu.memory_space<vmem>>
      %dma_wait3A_490 = tpu.memref_squeeze %dma_wait3A_489 : memref<1x1x128xi32, #tpu.memory_space<vmem>> -> memref<128xi32, #tpu.memory_space<vmem>>
      %dma_wait3A_491 = arith.constant 0 : i32
      %dma_wait3A_492 = tpu.memref_slice %arg11[%dma_wait3A_491] : memref<100352xf32, #tpu.memory_space<vmem_shared>> -> memref<100352xf32, #tpu.memory_space<vmem_shared>>
      tpu.wait_indirect_dma semaphore(%arg14 : memref<!tpu.dma_semaphore, #tpu.memory_space<semaphore_mem>>) src(%dma_wait3A_492 : memref<100352xf32, #tpu.memory_space<vmem_shared>>) dst(%dma_wait3A_487 : memref<128xf32, #tpu.memory_space<vmem>>)
      %dma_wait3A_493 = arith.constant 7 : i32
      %dma_wait3A_494 = arith.constant 7 : i32
      %dma_wait3A_495 = arith.constant 0 : i32
      %dma_wait3A_496 = tpu.memref_slice %arg10[%rem3A_317, %dma_wait3A_494, %dma_wait3A_495] : memref<4x8x128xf32, #tpu.memory_space<vmem>> -> memref<1x1x128xf32, #tpu.memory_space<vmem>>
      %dma_wait3A_497 = tpu.memref_squeeze %dma_wait3A_496 : memref<1x1x128xf32, #tpu.memory_space<vmem>> -> memref<128xf32, #tpu.memory_space<vmem>>
      %dma_wait3A_498 = arith.constant 0 : i32
      %dma_wait3A_499 = tpu.memref_slice %arg8[%rem3A_317, %dma_wait3A_493, %dma_wait3A_498] : memref<4x8x128xi32, #tpu.memory_space<vmem>> -> memref<1x1x128xi32, #tpu.memory_space<vmem>>
      %dma_wait3A_500 = tpu.memref_squeeze %dma_wait3A_499 : memref<1x1x128xi32, #tpu.memory_space<vmem>> -> memref<128xi32, #tpu.memory_space<vmem>>
      %dma_wait3A_501 = arith.constant 0 : i32
      %dma_wait3A_502 = tpu.memref_slice %arg11[%dma_wait3A_501] : memref<100352xf32, #tpu.memory_space<vmem_shared>> -> memref<100352xf32, #tpu.memory_space<vmem_shared>>
      tpu.wait_indirect_dma semaphore(%arg14 : memref<!tpu.dma_semaphore, #tpu.memory_space<semaphore_mem>>) src(%dma_wait3A_502 : memref<100352xf32, #tpu.memory_space<vmem_shared>>) dst(%dma_wait3A_497 : memref<128xf32, #tpu.memory_space<vmem>>)
      %dma_start3A_503 = arith.constant 0 : i32
      %dma_start3A_504 = arith.constant 0 : i32
      %dma_start3A_505 = arith.constant 0 : i32
      %dma_start3A_506 = tpu.memref_slice %arg10[%rem3A_317, %dma_start3A_503, %dma_start3A_505] : memref<4x8x128xf32, #tpu.memory_space<vmem>> -> memref<1x1x128xf32, #tpu.memory_space<vmem>>
      %dma_start3A_507 = tpu.memref_squeeze %dma_start3A_506 : memref<1x1x128xf32, #tpu.memory_space<vmem>> -> memref<128xf32, #tpu.memory_space<vmem>>
      %dma_start3A_508 = arith.constant 0 : i32
      %dma_start3A_509 = tpu.memref_slice %arg9[%rem3A_317, %dma_start3A_504, %dma_start3A_508] : memref<4x8x128xi32, #tpu.memory_space<vmem>> -> memref<1x1x128xi32, #tpu.memory_space<vmem>>
      %dma_start3A_510 = tpu.memref_squeeze %dma_start3A_509 : memref<1x1x128xi32, #tpu.memory_space<vmem>> -> memref<128xi32, #tpu.memory_space<vmem>>
      %dma_start3A_511 = arith.constant 0 : i32
      %dma_start3A_512 = tpu.memref_slice %arg12[%dma_start3A_511] : memref<100352xf32, #tpu.memory_space<vmem_shared>> -> memref<100352xf32, #tpu.memory_space<vmem_shared>>
      tpu.enqueue_indirect_dma source(%dma_start3A_507 : memref<128xf32, #tpu.memory_space<vmem>>) target(%dma_start3A_512 : memref<100352xf32, #tpu.memory_space<vmem_shared>>) offsets(%dma_start3A_510 : memref<128xi32, #tpu.memory_space<vmem>>) semaphore(%arg15 : memref<!tpu.dma_semaphore, #tpu.memory_space<semaphore_mem>>) {add = true}
      %dma_start3A_513 = arith.constant 1 : i32
      %dma_start3A_514 = arith.constant 1 : i32
      %dma_start3A_515 = arith.constant 0 : i32
      %dma_start3A_516 = tpu.memref_slice %arg10[%rem3A_317, %dma_start3A_513, %dma_start3A_515] : memref<4x8x128xf32, #tpu.memory_space<vmem>> -> memref<1x1x128xf32, #tpu.memory_space<vmem>>
      %dma_start3A_517 = tpu.memref_squeeze %dma_start3A_516 : memref<1x1x128xf32, #tpu.memory_space<vmem>> -> memref<128xf32, #tpu.memory_space<vmem>>
      %dma_start3A_518 = arith.constant 0 : i32
      %dma_start3A_519 = tpu.memref_slice %arg9[%rem3A_317, %dma_start3A_514, %dma_start3A_518] : memref<4x8x128xi32, #tpu.memory_space<vmem>> -> memref<1x1x128xi32, #tpu.memory_space<vmem>>
      %dma_start3A_520 = tpu.memref_squeeze %dma_start3A_519 : memref<1x1x128xi32, #tpu.memory_space<vmem>> -> memref<128xi32, #tpu.memory_space<vmem>>
      %dma_start3A_521 = arith.constant 0 : i32
      %dma_start3A_522 = tpu.memref_slice %arg12[%dma_start3A_521] : memref<100352xf32, #tpu.memory_space<vmem_shared>> -> memref<100352xf32, #tpu.memory_space<vmem_shared>>
      tpu.enqueue_indirect_dma source(%dma_start3A_517 : memref<128xf32, #tpu.memory_space<vmem>>) target(%dma_start3A_522 : memref<100352xf32, #tpu.memory_space<vmem_shared>>) offsets(%dma_start3A_520 : memref<128xi32, #tpu.memory_space<vmem>>) semaphore(%arg15 : memref<!tpu.dma_semaphore, #tpu.memory_space<semaphore_mem>>) {add = true}
      %dma_start3A_523 = arith.constant 2 : i32
      %dma_start3A_524 = arith.constant 2 : i32
      %dma_start3A_525 = arith.constant 0 : i32
      %dma_start3A_526 = tpu.memref_slice %arg10[%rem3A_317, %dma_start3A_523, %dma_start3A_525] : memref<4x8x128xf32, #tpu.memory_space<vmem>> -> memref<1x1x128xf32, #tpu.memory_space<vmem>>
      %dma_start3A_527 = tpu.memref_squeeze %dma_start3A_526 : memref<1x1x128xf32, #tpu.memory_space<vmem>> -> memref<128xf32, #tpu.memory_space<vmem>>
      %dma_start3A_528 = arith.constant 0 : i32
      %dma_start3A_529 = tpu.memref_slice %arg9[%rem3A_317, %dma_start3A_524, %dma_start3A_528] : memref<4x8x128xi32, #tpu.memory_space<vmem>> -> memref<1x1x128xi32, #tpu.memory_space<vmem>>
      %dma_start3A_530 = tpu.memref_squeeze %dma_start3A_529 : memref<1x1x128xi32, #tpu.memory_space<vmem>> -> memref<128xi32, #tpu.memory_space<vmem>>
      %dma_start3A_531 = arith.constant 0 : i32
      %dma_start3A_532 = tpu.memref_slice %arg12[%dma_start3A_531] : memref<100352xf32, #tpu.memory_space<vmem_shared>> -> memref<100352xf32, #tpu.memory_space<vmem_shared>>
      tpu.enqueue_indirect_dma source(%dma_start3A_527 : memref<128xf32, #tpu.memory_space<vmem>>) target(%dma_start3A_532 : memref<100352xf32, #tpu.memory_space<vmem_shared>>) offsets(%dma_start3A_530 : memref<128xi32, #tpu.memory_space<vmem>>) semaphore(%arg15 : memref<!tpu.dma_semaphore, #tpu.memory_space<semaphore_mem>>) {add = true}
      %dma_start3A_533 = arith.constant 3 : i32
      %dma_start3A_534 = arith.constant 3 : i32
      %dma_start3A_535 = arith.constant 0 : i32
      %dma_start3A_536 = tpu.memref_slice %arg10[%rem3A_317, %dma_start3A_533, %dma_start3A_535] : memref<4x8x128xf32, #tpu.memory_space<vmem>> -> memref<1x1x128xf32, #tpu.memory_space<vmem>>
      %dma_start3A_537 = tpu.memref_squeeze %dma_start3A_536 : memref<1x1x128xf32, #tpu.memory_space<vmem>> -> memref<128xf32, #tpu.memory_space<vmem>>
      %dma_start3A_538 = arith.constant 0 : i32
      %dma_start3A_539 = tpu.memref_slice %arg9[%rem3A_317, %dma_start3A_534, %dma_start3A_538] : memref<4x8x128xi32, #tpu.memory_space<vmem>> -> memref<1x1x128xi32, #tpu.memory_space<vmem>>
      %dma_start3A_540 = tpu.memref_squeeze %dma_start3A_539 : memref<1x1x128xi32, #tpu.memory_space<vmem>> -> memref<128xi32, #tpu.memory_space<vmem>>
      %dma_start3A_541 = arith.constant 0 : i32
      %dma_start3A_542 = tpu.memref_slice %arg12[%dma_start3A_541] : memref<100352xf32, #tpu.memory_space<vmem_shared>> -> memref<100352xf32, #tpu.memory_space<vmem_shared>>
      tpu.enqueue_indirect_dma source(%dma_start3A_537 : memref<128xf32, #tpu.memory_space<vmem>>) target(%dma_start3A_542 : memref<100352xf32, #tpu.memory_space<vmem_shared>>) offsets(%dma_start3A_540 : memref<128xi32, #tpu.memory_space<vmem>>) semaphore(%arg15 : memref<!tpu.dma_semaphore, #tpu.memory_space<semaphore_mem>>) {add = true}
      %dma_start3A_543 = arith.constant 4 : i32
      %dma_start3A_544 = arith.constant 4 : i32
      %dma_start3A_545 = arith.constant 0 : i32
      %dma_start3A_546 = tpu.memref_slice %arg10[%rem3A_317, %dma_start3A_543, %dma_start3A_545] : memref<4x8x128xf32, #tpu.memory_space<vmem>> -> memref<1x1x128xf32, #tpu.memory_space<vmem>>
      %dma_start3A_547 = tpu.memref_squeeze %dma_start3A_546 : memref<1x1x128xf32, #tpu.memory_space<vmem>> -> memref<128xf32, #tpu.memory_space<vmem>>
      %dma_start3A_548 = arith.constant 0 : i32
      %dma_start3A_549 = tpu.memref_slice %arg9[%rem3A_317, %dma_start3A_544, %dma_start3A_548] : memref<4x8x128xi32, #tpu.memory_space<vmem>> -> memref<1x1x128xi32, #tpu.memory_space<vmem>>
      %dma_start3A_550 = tpu.memref_squeeze %dma_start3A_549 : memref<1x1x128xi32, #tpu.memory_space<vmem>> -> memref<128xi32, #tpu.memory_space<vmem>>
      %dma_start3A_551 = arith.constant 0 : i32
      %dma_start3A_552 = tpu.memref_slice %arg12[%dma_start3A_551] : memref<100352xf32, #tpu.memory_space<vmem_shared>> -> memref<100352xf32, #tpu.memory_space<vmem_shared>>
      tpu.enqueue_indirect_dma source(%dma_start3A_547 : memref<128xf32, #tpu.memory_space<vmem>>) target(%dma_start3A_552 : memref<100352xf32, #tpu.memory_space<vmem_shared>>) offsets(%dma_start3A_550 : memref<128xi32, #tpu.memory_space<vmem>>) semaphore(%arg15 : memref<!tpu.dma_semaphore, #tpu.memory_space<semaphore_mem>>) {add = true}
      %dma_start3A_553 = arith.constant 5 : i32
      %dma_start3A_554 = arith.constant 5 : i32
      %dma_start3A_555 = arith.constant 0 : i32
      %dma_start3A_556 = tpu.memref_slice %arg10[%rem3A_317, %dma_start3A_553, %dma_start3A_555] : memref<4x8x128xf32, #tpu.memory_space<vmem>> -> memref<1x1x128xf32, #tpu.memory_space<vmem>>
      %dma_start3A_557 = tpu.memref_squeeze %dma_start3A_556 : memref<1x1x128xf32, #tpu.memory_space<vmem>> -> memref<128xf32, #tpu.memory_space<vmem>>
      %dma_start3A_558 = arith.constant 0 : i32
      %dma_start3A_559 = tpu.memref_slice %arg9[%rem3A_317, %dma_start3A_554, %dma_start3A_558] : memref<4x8x128xi32, #tpu.memory_space<vmem>> -> memref<1x1x128xi32, #tpu.memory_space<vmem>>
      %dma_start3A_560 = tpu.memref_squeeze %dma_start3A_559 : memref<1x1x128xi32, #tpu.memory_space<vmem>> -> memref<128xi32, #tpu.memory_space<vmem>>
      %dma_start3A_561 = arith.constant 0 : i32
      %dma_start3A_562 = tpu.memref_slice %arg12[%dma_start3A_561] : memref<100352xf32, #tpu.memory_space<vmem_shared>> -> memref<100352xf32, #tpu.memory_space<vmem_shared>>
      tpu.enqueue_indirect_dma source(%dma_start3A_557 : memref<128xf32, #tpu.memory_space<vmem>>) target(%dma_start3A_562 : memref<100352xf32, #tpu.memory_space<vmem_shared>>) offsets(%dma_start3A_560 : memref<128xi32, #tpu.memory_space<vmem>>) semaphore(%arg15 : memref<!tpu.dma_semaphore, #tpu.memory_space<semaphore_mem>>) {add = true}
      %dma_start3A_563 = arith.constant 6 : i32
      %dma_start3A_564 = arith.constant 6 : i32
      %dma_start3A_565 = arith.constant 0 : i32
      %dma_start3A_566 = tpu.memref_slice %arg10[%rem3A_317, %dma_start3A_563, %dma_start3A_565] : memref<4x8x128xf32, #tpu.memory_space<vmem>> -> memref<1x1x128xf32, #tpu.memory_space<vmem>>
      %dma_start3A_567 = tpu.memref_squeeze %dma_start3A_566 : memref<1x1x128xf32, #tpu.memory_space<vmem>> -> memref<128xf32, #tpu.memory_space<vmem>>
      %dma_start3A_568 = arith.constant 0 : i32
      %dma_start3A_569 = tpu.memref_slice %arg9[%rem3A_317, %dma_start3A_564, %dma_start3A_568] : memref<4x8x128xi32, #tpu.memory_space<vmem>> -> memref<1x1x128xi32, #tpu.memory_space<vmem>>
      %dma_start3A_570 = tpu.memref_squeeze %dma_start3A_569 : memref<1x1x128xi32, #tpu.memory_space<vmem>> -> memref<128xi32, #tpu.memory_space<vmem>>
      %dma_start3A_571 = arith.constant 0 : i32
      %dma_start3A_572 = tpu.memref_slice %arg12[%dma_start3A_571] : memref<100352xf32, #tpu.memory_space<vmem_shared>> -> memref<100352xf32, #tpu.memory_space<vmem_shared>>
      tpu.enqueue_indirect_dma source(%dma_start3A_567 : memref<128xf32, #tpu.memory_space<vmem>>) target(%dma_start3A_572 : memref<100352xf32, #tpu.memory_space<vmem_shared>>) offsets(%dma_start3A_570 : memref<128xi32, #tpu.memory_space<vmem>>) semaphore(%arg15 : memref<!tpu.dma_semaphore, #tpu.memory_space<semaphore_mem>>) {add = true}
      %dma_start3A_573 = arith.constant 7 : i32
      %dma_start3A_574 = arith.constant 7 : i32
      %dma_start3A_575 = arith.constant 0 : i32
      %dma_start3A_576 = tpu.memref_slice %arg10[%rem3A_317, %dma_start3A_573, %dma_start3A_575] : memref<4x8x128xf32, #tpu.memory_space<vmem>> -> memref<1x1x128xf32, #tpu.memory_space<vmem>>
      %dma_start3A_577 = tpu.memref_squeeze %dma_start3A_576 : memref<1x1x128xf32, #tpu.memory_space<vmem>> -> memref<128xf32, #tpu.memory_space<vmem>>
      %dma_start3A_578 = arith.constant 0 : i32
      %dma_start3A_579 = tpu.memref_slice %arg9[%rem3A_317, %dma_start3A_574, %dma_start3A_578] : memref<4x8x128xi32, #tpu.memory_space<vmem>> -> memref<1x1x128xi32, #tpu.memory_space<vmem>>
      %dma_start3A_580 = tpu.memref_squeeze %dma_start3A_579 : memref<1x1x128xi32, #tpu.memory_space<vmem>> -> memref<128xi32, #tpu.memory_space<vmem>>
      %dma_start3A_581 = arith.constant 0 : i32
      %dma_start3A_582 = tpu.memref_slice %arg12[%dma_start3A_581] : memref<100352xf32, #tpu.memory_space<vmem_shared>> -> memref<100352xf32, #tpu.memory_space<vmem_shared>>
      tpu.enqueue_indirect_dma source(%dma_start3A_577 : memref<128xf32, #tpu.memory_space<vmem>>) target(%dma_start3A_582 : memref<100352xf32, #tpu.memory_space<vmem_shared>>) offsets(%dma_start3A_580 : memref<128xi32, #tpu.memory_space<vmem>>) semaphore(%arg15 : memref<!tpu.dma_semaphore, #tpu.memory_space<semaphore_mem>>) {add = true}
    }
    %scan3A_22 = arith.constant 98 : i32
    %dma_wait3A_23 = arith.constant 3 : i32
    %dma_wait3A_24 = arith.constant 0 : i32
    %dma_wait3A_25 = arith.constant 3 : i32
    %dma_wait3A_26 = arith.constant 0 : i32
    %dma_wait3A_27 = arith.constant 0 : i32
    %dma_wait3A_28 = tpu.memref_slice %arg10[%dma_wait3A_23, %dma_wait3A_24, %dma_wait3A_27] : memref<4x8x128xf32, #tpu.memory_space<vmem>> -> memref<1x1x128xf32, #tpu.memory_space<vmem>>
    %dma_wait3A_29 = tpu.memref_squeeze %dma_wait3A_28 : memref<1x1x128xf32, #tpu.memory_space<vmem>> -> memref<128xf32, #tpu.memory_space<vmem>>
    %dma_wait3A_30 = arith.constant 0 : i32
    %dma_wait3A_31 = tpu.memref_slice %arg9[%dma_wait3A_25, %dma_wait3A_26, %dma_wait3A_30] : memref<4x8x128xi32, #tpu.memory_space<vmem>> -> memref<1x1x128xi32, #tpu.memory_space<vmem>>
    %dma_wait3A_32 = tpu.memref_squeeze %dma_wait3A_31 : memref<1x1x128xi32, #tpu.memory_space<vmem>> -> memref<128xi32, #tpu.memory_space<vmem>>
    %dma_wait3A_33 = arith.constant 0 : i32
    %dma_wait3A_34 = tpu.memref_slice %arg12[%dma_wait3A_33] : memref<100352xf32, #tpu.memory_space<vmem_shared>> -> memref<100352xf32, #tpu.memory_space<vmem_shared>>
    tpu.wait_indirect_dma semaphore(%arg15 : memref<!tpu.dma_semaphore, #tpu.memory_space<semaphore_mem>>) src(%dma_wait3A_29 : memref<128xf32, #tpu.memory_space<vmem>>) dst(%dma_wait3A_34 : memref<100352xf32, #tpu.memory_space<vmem_shared>>)
    %dma_wait3A_35 = arith.constant 3 : i32
    %dma_wait3A_36 = arith.constant 1 : i32
    %dma_wait3A_37 = arith.constant 3 : i32
    %dma_wait3A_38 = arith.constant 1 : i32
    %dma_wait3A_39 = arith.constant 0 : i32
    %dma_wait3A_40 = tpu.memref_slice %arg10[%dma_wait3A_35, %dma_wait3A_36, %dma_wait3A_39] : memref<4x8x128xf32, #tpu.memory_space<vmem>> -> memref<1x1x128xf32, #tpu.memory_space<vmem>>
    %dma_wait3A_41 = tpu.memref_squeeze %dma_wait3A_40 : memref<1x1x128xf32, #tpu.memory_space<vmem>> -> memref<128xf32, #tpu.memory_space<vmem>>
    %dma_wait3A_42 = arith.constant 0 : i32
    %dma_wait3A_43 = tpu.memref_slice %arg9[%dma_wait3A_37, %dma_wait3A_38, %dma_wait3A_42] : memref<4x8x128xi32, #tpu.memory_space<vmem>> -> memref<1x1x128xi32, #tpu.memory_space<vmem>>
    %dma_wait3A_44 = tpu.memref_squeeze %dma_wait3A_43 : memref<1x1x128xi32, #tpu.memory_space<vmem>> -> memref<128xi32, #tpu.memory_space<vmem>>
    %dma_wait3A_45 = arith.constant 0 : i32
    %dma_wait3A_46 = tpu.memref_slice %arg12[%dma_wait3A_45] : memref<100352xf32, #tpu.memory_space<vmem_shared>> -> memref<100352xf32, #tpu.memory_space<vmem_shared>>
    tpu.wait_indirect_dma semaphore(%arg15 : memref<!tpu.dma_semaphore, #tpu.memory_space<semaphore_mem>>) src(%dma_wait3A_41 : memref<128xf32, #tpu.memory_space<vmem>>) dst(%dma_wait3A_46 : memref<100352xf32, #tpu.memory_space<vmem_shared>>)
    %dma_wait3A_47 = arith.constant 3 : i32
    %dma_wait3A_48 = arith.constant 2 : i32
    %dma_wait3A_49 = arith.constant 3 : i32
    %dma_wait3A_50 = arith.constant 2 : i32
    %dma_wait3A_51 = arith.constant 0 : i32
    %dma_wait3A_52 = tpu.memref_slice %arg10[%dma_wait3A_47, %dma_wait3A_48, %dma_wait3A_51] : memref<4x8x128xf32, #tpu.memory_space<vmem>> -> memref<1x1x128xf32, #tpu.memory_space<vmem>>
    %dma_wait3A_53 = tpu.memref_squeeze %dma_wait3A_52 : memref<1x1x128xf32, #tpu.memory_space<vmem>> -> memref<128xf32, #tpu.memory_space<vmem>>
    %dma_wait3A_54 = arith.constant 0 : i32
    %dma_wait3A_55 = tpu.memref_slice %arg9[%dma_wait3A_49, %dma_wait3A_50, %dma_wait3A_54] : memref<4x8x128xi32, #tpu.memory_space<vmem>> -> memref<1x1x128xi32, #tpu.memory_space<vmem>>
    %dma_wait3A_56 = tpu.memref_squeeze %dma_wait3A_55 : memref<1x1x128xi32, #tpu.memory_space<vmem>> -> memref<128xi32, #tpu.memory_space<vmem>>
    %dma_wait3A_57 = arith.constant 0 : i32
    %dma_wait3A_58 = tpu.memref_slice %arg12[%dma_wait3A_57] : memref<100352xf32, #tpu.memory_space<vmem_shared>> -> memref<100352xf32, #tpu.memory_space<vmem_shared>>
    tpu.wait_indirect_dma semaphore(%arg15 : memref<!tpu.dma_semaphore, #tpu.memory_space<semaphore_mem>>) src(%dma_wait3A_53 : memref<128xf32, #tpu.memory_space<vmem>>) dst(%dma_wait3A_58 : memref<100352xf32, #tpu.memory_space<vmem_shared>>)
    %dma_wait3A_59 = arith.constant 3 : i32
    %dma_wait3A_60 = arith.constant 3 : i32
    %dma_wait3A_61 = arith.constant 3 : i32
    %dma_wait3A_62 = arith.constant 3 : i32
    %dma_wait3A_63 = arith.constant 0 : i32
    %dma_wait3A_64 = tpu.memref_slice %arg10[%dma_wait3A_59, %dma_wait3A_60, %dma_wait3A_63] : memref<4x8x128xf32, #tpu.memory_space<vmem>> -> memref<1x1x128xf32, #tpu.memory_space<vmem>>
    %dma_wait3A_65 = tpu.memref_squeeze %dma_wait3A_64 : memref<1x1x128xf32, #tpu.memory_space<vmem>> -> memref<128xf32, #tpu.memory_space<vmem>>
    %dma_wait3A_66 = arith.constant 0 : i32
    %dma_wait3A_67 = tpu.memref_slice %arg9[%dma_wait3A_61, %dma_wait3A_62, %dma_wait3A_66] : memref<4x8x128xi32, #tpu.memory_space<vmem>> -> memref<1x1x128xi32, #tpu.memory_space<vmem>>
    %dma_wait3A_68 = tpu.memref_squeeze %dma_wait3A_67 : memref<1x1x128xi32, #tpu.memory_space<vmem>> -> memref<128xi32, #tpu.memory_space<vmem>>
    %dma_wait3A_69 = arith.constant 0 : i32
    %dma_wait3A_70 = tpu.memref_slice %arg12[%dma_wait3A_69] : memref<100352xf32, #tpu.memory_space<vmem_shared>> -> memref<100352xf32, #tpu.memory_space<vmem_shared>>
    tpu.wait_indirect_dma semaphore(%arg15 : memref<!tpu.dma_semaphore, #tpu.memory_space<semaphore_mem>>) src(%dma_wait3A_65 : memref<128xf32, #tpu.memory_space<vmem>>) dst(%dma_wait3A_70 : memref<100352xf32, #tpu.memory_space<vmem_shared>>)
    %dma_wait3A_71 = arith.constant 3 : i32
    %dma_wait3A_72 = arith.constant 4 : i32
    %dma_wait3A_73 = arith.constant 3 : i32
    %dma_wait3A_74 = arith.constant 4 : i32
    %dma_wait3A_75 = arith.constant 0 : i32
    %dma_wait3A_76 = tpu.memref_slice %arg10[%dma_wait3A_71, %dma_wait3A_72, %dma_wait3A_75] : memref<4x8x128xf32, #tpu.memory_space<vmem>> -> memref<1x1x128xf32, #tpu.memory_space<vmem>>
    %dma_wait3A_77 = tpu.memref_squeeze %dma_wait3A_76 : memref<1x1x128xf32, #tpu.memory_space<vmem>> -> memref<128xf32, #tpu.memory_space<vmem>>
    %dma_wait3A_78 = arith.constant 0 : i32
    %dma_wait3A_79 = tpu.memref_slice %arg9[%dma_wait3A_73, %dma_wait3A_74, %dma_wait3A_78] : memref<4x8x128xi32, #tpu.memory_space<vmem>> -> memref<1x1x128xi32, #tpu.memory_space<vmem>>
    %dma_wait3A_80 = tpu.memref_squeeze %dma_wait3A_79 : memref<1x1x128xi32, #tpu.memory_space<vmem>> -> memref<128xi32, #tpu.memory_space<vmem>>
    %dma_wait3A_81 = arith.constant 0 : i32
    %dma_wait3A_82 = tpu.memref_slice %arg12[%dma_wait3A_81] : memref<100352xf32, #tpu.memory_space<vmem_shared>> -> memref<100352xf32, #tpu.memory_space<vmem_shared>>
    tpu.wait_indirect_dma semaphore(%arg15 : memref<!tpu.dma_semaphore, #tpu.memory_space<semaphore_mem>>) src(%dma_wait3A_77 : memref<128xf32, #tpu.memory_space<vmem>>) dst(%dma_wait3A_82 : memref<100352xf32, #tpu.memory_space<vmem_shared>>)
    %dma_wait3A_83 = arith.constant 3 : i32
    %dma_wait3A_84 = arith.constant 5 : i32
    %dma_wait3A_85 = arith.constant 3 : i32
    %dma_wait3A_86 = arith.constant 5 : i32
    %dma_wait3A_87 = arith.constant 0 : i32
    %dma_wait3A_88 = tpu.memref_slice %arg10[%dma_wait3A_83, %dma_wait3A_84, %dma_wait3A_87] : memref<4x8x128xf32, #tpu.memory_space<vmem>> -> memref<1x1x128xf32, #tpu.memory_space<vmem>>
    %dma_wait3A_89 = tpu.memref_squeeze %dma_wait3A_88 : memref<1x1x128xf32, #tpu.memory_space<vmem>> -> memref<128xf32, #tpu.memory_space<vmem>>
    %dma_wait3A_90 = arith.constant 0 : i32
    %dma_wait3A_91 = tpu.memref_slice %arg9[%dma_wait3A_85, %dma_wait3A_86, %dma_wait3A_90] : memref<4x8x128xi32, #tpu.memory_space<vmem>> -> memref<1x1x128xi32, #tpu.memory_space<vmem>>
    %dma_wait3A_92 = tpu.memref_squeeze %dma_wait3A_91 : memref<1x1x128xi32, #tpu.memory_space<vmem>> -> memref<128xi32, #tpu.memory_space<vmem>>
    %dma_wait3A_93 = arith.constant 0 : i32
    %dma_wait3A_94 = tpu.memref_slice %arg12[%dma_wait3A_93] : memref<100352xf32, #tpu.memory_space<vmem_shared>> -> memref<100352xf32, #tpu.memory_space<vmem_shared>>
    tpu.wait_indirect_dma semaphore(%arg15 : memref<!tpu.dma_semaphore, #tpu.memory_space<semaphore_mem>>) src(%dma_wait3A_89 : memref<128xf32, #tpu.memory_space<vmem>>) dst(%dma_wait3A_94 : memref<100352xf32, #tpu.memory_space<vmem_shared>>)
    %dma_wait3A_95 = arith.constant 3 : i32
    %dma_wait3A_96 = arith.constant 6 : i32
    %dma_wait3A_97 = arith.constant 3 : i32
    %dma_wait3A_98 = arith.constant 6 : i32
    %dma_wait3A_99 = arith.constant 0 : i32
    %dma_wait3A_100 = tpu.memref_slice %arg10[%dma_wait3A_95, %dma_wait3A_96, %dma_wait3A_99] : memref<4x8x128xf32, #tpu.memory_space<vmem>> -> memref<1x1x128xf32, #tpu.memory_space<vmem>>
    %dma_wait3A_101 = tpu.memref_squeeze %dma_wait3A_100 : memref<1x1x128xf32, #tpu.memory_space<vmem>> -> memref<128xf32, #tpu.memory_space<vmem>>
    %dma_wait3A_102 = arith.constant 0 : i32
    %dma_wait3A_103 = tpu.memref_slice %arg9[%dma_wait3A_97, %dma_wait3A_98, %dma_wait3A_102] : memref<4x8x128xi32, #tpu.memory_space<vmem>> -> memref<1x1x128xi32, #tpu.memory_space<vmem>>
    %dma_wait3A_104 = tpu.memref_squeeze %dma_wait3A_103 : memref<1x1x128xi32, #tpu.memory_space<vmem>> -> memref<128xi32, #tpu.memory_space<vmem>>
    %dma_wait3A_105 = arith.constant 0 : i32
    %dma_wait3A_106 = tpu.memref_slice %arg12[%dma_wait3A_105] : memref<100352xf32, #tpu.memory_space<vmem_shared>> -> memref<100352xf32, #tpu.memory_space<vmem_shared>>
    tpu.wait_indirect_dma semaphore(%arg15 : memref<!tpu.dma_semaphore, #tpu.memory_space<semaphore_mem>>) src(%dma_wait3A_101 : memref<128xf32, #tpu.memory_space<vmem>>) dst(%dma_wait3A_106 : memref<100352xf32, #tpu.memory_space<vmem_shared>>)
    %dma_wait3A_107 = arith.constant 3 : i32
    %dma_wait3A_108 = arith.constant 7 : i32
    %dma_wait3A_109 = arith.constant 3 : i32
    %dma_wait3A_110 = arith.constant 7 : i32
    %dma_wait3A_111 = arith.constant 0 : i32
    %dma_wait3A_112 = tpu.memref_slice %arg10[%dma_wait3A_107, %dma_wait3A_108, %dma_wait3A_111] : memref<4x8x128xf32, #tpu.memory_space<vmem>> -> memref<1x1x128xf32, #tpu.memory_space<vmem>>
    %dma_wait3A_113 = tpu.memref_squeeze %dma_wait3A_112 : memref<1x1x128xf32, #tpu.memory_space<vmem>> -> memref<128xf32, #tpu.memory_space<vmem>>
    %dma_wait3A_114 = arith.constant 0 : i32
    %dma_wait3A_115 = tpu.memref_slice %arg9[%dma_wait3A_109, %dma_wait3A_110, %dma_wait3A_114] : memref<4x8x128xi32, #tpu.memory_space<vmem>> -> memref<1x1x128xi32, #tpu.memory_space<vmem>>
    %dma_wait3A_116 = tpu.memref_squeeze %dma_wait3A_115 : memref<1x1x128xi32, #tpu.memory_space<vmem>> -> memref<128xi32, #tpu.memory_space<vmem>>
    %dma_wait3A_117 = arith.constant 0 : i32
    %dma_wait3A_118 = tpu.memref_slice %arg12[%dma_wait3A_117] : memref<100352xf32, #tpu.memory_space<vmem_shared>> -> memref<100352xf32, #tpu.memory_space<vmem_shared>>
    tpu.wait_indirect_dma semaphore(%arg15 : memref<!tpu.dma_semaphore, #tpu.memory_space<semaphore_mem>>) src(%dma_wait3A_113 : memref<128xf32, #tpu.memory_space<vmem>>) dst(%dma_wait3A_118 : memref<100352xf32, #tpu.memory_space<vmem_shared>>)
    %dma_wait3A_119 = arith.constant 0 : i32
    %dma_wait3A_120 = arith.constant 0 : i32
    %dma_wait3A_121 = arith.constant 0 : i32
    %dma_wait3A_122 = arith.constant 0 : i32
    %dma_wait3A_123 = arith.constant 0 : i32
    %dma_wait3A_124 = tpu.memref_slice %arg10[%dma_wait3A_119, %dma_wait3A_120, %dma_wait3A_123] : memref<4x8x128xf32, #tpu.memory_space<vmem>> -> memref<1x1x128xf32, #tpu.memory_space<vmem>>
    %dma_wait3A_125 = tpu.memref_squeeze %dma_wait3A_124 : memref<1x1x128xf32, #tpu.memory_space<vmem>> -> memref<128xf32, #tpu.memory_space<vmem>>
    %dma_wait3A_126 = arith.constant 0 : i32
    %dma_wait3A_127 = tpu.memref_slice %arg9[%dma_wait3A_121, %dma_wait3A_122, %dma_wait3A_126] : memref<4x8x128xi32, #tpu.memory_space<vmem>> -> memref<1x1x128xi32, #tpu.memory_space<vmem>>
    %dma_wait3A_128 = tpu.memref_squeeze %dma_wait3A_127 : memref<1x1x128xi32, #tpu.memory_space<vmem>> -> memref<128xi32, #tpu.memory_space<vmem>>
    %dma_wait3A_129 = arith.constant 0 : i32
    %dma_wait3A_130 = tpu.memref_slice %arg12[%dma_wait3A_129] : memref<100352xf32, #tpu.memory_space<vmem_shared>> -> memref<100352xf32, #tpu.memory_space<vmem_shared>>
    tpu.wait_indirect_dma semaphore(%arg15 : memref<!tpu.dma_semaphore, #tpu.memory_space<semaphore_mem>>) src(%dma_wait3A_125 : memref<128xf32, #tpu.memory_space<vmem>>) dst(%dma_wait3A_130 : memref<100352xf32, #tpu.memory_space<vmem_shared>>)
    %dma_wait3A_131 = arith.constant 0 : i32
    %dma_wait3A_132 = arith.constant 1 : i32
    %dma_wait3A_133 = arith.constant 0 : i32
    %dma_wait3A_134 = arith.constant 1 : i32
    %dma_wait3A_135 = arith.constant 0 : i32
    %dma_wait3A_136 = tpu.memref_slice %arg10[%dma_wait3A_131, %dma_wait3A_132, %dma_wait3A_135] : memref<4x8x128xf32, #tpu.memory_space<vmem>> -> memref<1x1x128xf32, #tpu.memory_space<vmem>>
    %dma_wait3A_137 = tpu.memref_squeeze %dma_wait3A_136 : memref<1x1x128xf32, #tpu.memory_space<vmem>> -> memref<128xf32, #tpu.memory_space<vmem>>
    %dma_wait3A_138 = arith.constant 0 : i32
    %dma_wait3A_139 = tpu.memref_slice %arg9[%dma_wait3A_133, %dma_wait3A_134, %dma_wait3A_138] : memref<4x8x128xi32, #tpu.memory_space<vmem>> -> memref<1x1x128xi32, #tpu.memory_space<vmem>>
    %dma_wait3A_140 = tpu.memref_squeeze %dma_wait3A_139 : memref<1x1x128xi32, #tpu.memory_space<vmem>> -> memref<128xi32, #tpu.memory_space<vmem>>
    %dma_wait3A_141 = arith.constant 0 : i32
    %dma_wait3A_142 = tpu.memref_slice %arg12[%dma_wait3A_141] : memref<100352xf32, #tpu.memory_space<vmem_shared>> -> memref<100352xf32, #tpu.memory_space<vmem_shared>>
    tpu.wait_indirect_dma semaphore(%arg15 : memref<!tpu.dma_semaphore, #tpu.memory_space<semaphore_mem>>) src(%dma_wait3A_137 : memref<128xf32, #tpu.memory_space<vmem>>) dst(%dma_wait3A_142 : memref<100352xf32, #tpu.memory_space<vmem_shared>>)
    %dma_wait3A_143 = arith.constant 0 : i32
    %dma_wait3A_144 = arith.constant 2 : i32
    %dma_wait3A_145 = arith.constant 0 : i32
    %dma_wait3A_146 = arith.constant 2 : i32
    %dma_wait3A_147 = arith.constant 0 : i32
    %dma_wait3A_148 = tpu.memref_slice %arg10[%dma_wait3A_143, %dma_wait3A_144, %dma_wait3A_147] : memref<4x8x128xf32, #tpu.memory_space<vmem>> -> memref<1x1x128xf32, #tpu.memory_space<vmem>>
    %dma_wait3A_149 = tpu.memref_squeeze %dma_wait3A_148 : memref<1x1x128xf32, #tpu.memory_space<vmem>> -> memref<128xf32, #tpu.memory_space<vmem>>
    %dma_wait3A_150 = arith.constant 0 : i32
    %dma_wait3A_151 = tpu.memref_slice %arg9[%dma_wait3A_145, %dma_wait3A_146, %dma_wait3A_150] : memref<4x8x128xi32, #tpu.memory_space<vmem>> -> memref<1x1x128xi32, #tpu.memory_space<vmem>>
    %dma_wait3A_152 = tpu.memref_squeeze %dma_wait3A_151 : memref<1x1x128xi32, #tpu.memory_space<vmem>> -> memref<128xi32, #tpu.memory_space<vmem>>
    %dma_wait3A_153 = arith.constant 0 : i32
    %dma_wait3A_154 = tpu.memref_slice %arg12[%dma_wait3A_153] : memref<100352xf32, #tpu.memory_space<vmem_shared>> -> memref<100352xf32, #tpu.memory_space<vmem_shared>>
    tpu.wait_indirect_dma semaphore(%arg15 : memref<!tpu.dma_semaphore, #tpu.memory_space<semaphore_mem>>) src(%dma_wait3A_149 : memref<128xf32, #tpu.memory_space<vmem>>) dst(%dma_wait3A_154 : memref<100352xf32, #tpu.memory_space<vmem_shared>>)
    %dma_wait3A_155 = arith.constant 0 : i32
    %dma_wait3A_156 = arith.constant 3 : i32
    %dma_wait3A_157 = arith.constant 0 : i32
    %dma_wait3A_158 = arith.constant 3 : i32
    %dma_wait3A_159 = arith.constant 0 : i32
    %dma_wait3A_160 = tpu.memref_slice %arg10[%dma_wait3A_155, %dma_wait3A_156, %dma_wait3A_159] : memref<4x8x128xf32, #tpu.memory_space<vmem>> -> memref<1x1x128xf32, #tpu.memory_space<vmem>>
    %dma_wait3A_161 = tpu.memref_squeeze %dma_wait3A_160 : memref<1x1x128xf32, #tpu.memory_space<vmem>> -> memref<128xf32, #tpu.memory_space<vmem>>
    %dma_wait3A_162 = arith.constant 0 : i32
    %dma_wait3A_163 = tpu.memref_slice %arg9[%dma_wait3A_157, %dma_wait3A_158, %dma_wait3A_162] : memref<4x8x128xi32, #tpu.memory_space<vmem>> -> memref<1x1x128xi32, #tpu.memory_space<vmem>>
    %dma_wait3A_164 = tpu.memref_squeeze %dma_wait3A_163 : memref<1x1x128xi32, #tpu.memory_space<vmem>> -> memref<128xi32, #tpu.memory_space<vmem>>
    %dma_wait3A_165 = arith.constant 0 : i32
    %dma_wait3A_166 = tpu.memref_slice %arg12[%dma_wait3A_165] : memref<100352xf32, #tpu.memory_space<vmem_shared>> -> memref<100352xf32, #tpu.memory_space<vmem_shared>>
    tpu.wait_indirect_dma semaphore(%arg15 : memref<!tpu.dma_semaphore, #tpu.memory_space<semaphore_mem>>) src(%dma_wait3A_161 : memref<128xf32, #tpu.memory_space<vmem>>) dst(%dma_wait3A_166 : memref<100352xf32, #tpu.memory_space<vmem_shared>>)
    %dma_wait3A_167 = arith.constant 0 : i32
    %dma_wait3A_168 = arith.constant 4 : i32
    %dma_wait3A_169 = arith.constant 0 : i32
    %dma_wait3A_170 = arith.constant 4 : i32
    %dma_wait3A_171 = arith.constant 0 : i32
    %dma_wait3A_172 = tpu.memref_slice %arg10[%dma_wait3A_167, %dma_wait3A_168, %dma_wait3A_171] : memref<4x8x128xf32, #tpu.memory_space<vmem>> -> memref<1x1x128xf32, #tpu.memory_space<vmem>>
    %dma_wait3A_173 = tpu.memref_squeeze %dma_wait3A_172 : memref<1x1x128xf32, #tpu.memory_space<vmem>> -> memref<128xf32, #tpu.memory_space<vmem>>
    %dma_wait3A_174 = arith.constant 0 : i32
    %dma_wait3A_175 = tpu.memref_slice %arg9[%dma_wait3A_169, %dma_wait3A_170, %dma_wait3A_174] : memref<4x8x128xi32, #tpu.memory_space<vmem>> -> memref<1x1x128xi32, #tpu.memory_space<vmem>>
    %dma_wait3A_176 = tpu.memref_squeeze %dma_wait3A_175 : memref<1x1x128xi32, #tpu.memory_space<vmem>> -> memref<128xi32, #tpu.memory_space<vmem>>
    %dma_wait3A_177 = arith.constant 0 : i32
    %dma_wait3A_178 = tpu.memref_slice %arg12[%dma_wait3A_177] : memref<100352xf32, #tpu.memory_space<vmem_shared>> -> memref<100352xf32, #tpu.memory_space<vmem_shared>>
    tpu.wait_indirect_dma semaphore(%arg15 : memref<!tpu.dma_semaphore, #tpu.memory_space<semaphore_mem>>) src(%dma_wait3A_173 : memref<128xf32, #tpu.memory_space<vmem>>) dst(%dma_wait3A_178 : memref<100352xf32, #tpu.memory_space<vmem_shared>>)
    %dma_wait3A_179 = arith.constant 0 : i32
    %dma_wait3A_180 = arith.constant 5 : i32
    %dma_wait3A_181 = arith.constant 0 : i32
    %dma_wait3A_182 = arith.constant 5 : i32
    %dma_wait3A_183 = arith.constant 0 : i32
    %dma_wait3A_184 = tpu.memref_slice %arg10[%dma_wait3A_179, %dma_wait3A_180, %dma_wait3A_183] : memref<4x8x128xf32, #tpu.memory_space<vmem>> -> memref<1x1x128xf32, #tpu.memory_space<vmem>>
    %dma_wait3A_185 = tpu.memref_squeeze %dma_wait3A_184 : memref<1x1x128xf32, #tpu.memory_space<vmem>> -> memref<128xf32, #tpu.memory_space<vmem>>
    %dma_wait3A_186 = arith.constant 0 : i32
    %dma_wait3A_187 = tpu.memref_slice %arg9[%dma_wait3A_181, %dma_wait3A_182, %dma_wait3A_186] : memref<4x8x128xi32, #tpu.memory_space<vmem>> -> memref<1x1x128xi32, #tpu.memory_space<vmem>>
    %dma_wait3A_188 = tpu.memref_squeeze %dma_wait3A_187 : memref<1x1x128xi32, #tpu.memory_space<vmem>> -> memref<128xi32, #tpu.memory_space<vmem>>
    %dma_wait3A_189 = arith.constant 0 : i32
    %dma_wait3A_190 = tpu.memref_slice %arg12[%dma_wait3A_189] : memref<100352xf32, #tpu.memory_space<vmem_shared>> -> memref<100352xf32, #tpu.memory_space<vmem_shared>>
    tpu.wait_indirect_dma semaphore(%arg15 : memref<!tpu.dma_semaphore, #tpu.memory_space<semaphore_mem>>) src(%dma_wait3A_185 : memref<128xf32, #tpu.memory_space<vmem>>) dst(%dma_wait3A_190 : memref<100352xf32, #tpu.memory_space<vmem_shared>>)
    %dma_wait3A_191 = arith.constant 0 : i32
    %dma_wait3A_192 = arith.constant 6 : i32
    %dma_wait3A_193 = arith.constant 0 : i32
    %dma_wait3A_194 = arith.constant 6 : i32
    %dma_wait3A_195 = arith.constant 0 : i32
    %dma_wait3A_196 = tpu.memref_slice %arg10[%dma_wait3A_191, %dma_wait3A_192, %dma_wait3A_195] : memref<4x8x128xf32, #tpu.memory_space<vmem>> -> memref<1x1x128xf32, #tpu.memory_space<vmem>>
    %dma_wait3A_197 = tpu.memref_squeeze %dma_wait3A_196 : memref<1x1x128xf32, #tpu.memory_space<vmem>> -> memref<128xf32, #tpu.memory_space<vmem>>
    %dma_wait3A_198 = arith.constant 0 : i32
    %dma_wait3A_199 = tpu.memref_slice %arg9[%dma_wait3A_193, %dma_wait3A_194, %dma_wait3A_198] : memref<4x8x128xi32, #tpu.memory_space<vmem>> -> memref<1x1x128xi32, #tpu.memory_space<vmem>>
    %dma_wait3A_200 = tpu.memref_squeeze %dma_wait3A_199 : memref<1x1x128xi32, #tpu.memory_space<vmem>> -> memref<128xi32, #tpu.memory_space<vmem>>
    %dma_wait3A_201 = arith.constant 0 : i32
    %dma_wait3A_202 = tpu.memref_slice %arg12[%dma_wait3A_201] : memref<100352xf32, #tpu.memory_space<vmem_shared>> -> memref<100352xf32, #tpu.memory_space<vmem_shared>>
    tpu.wait_indirect_dma semaphore(%arg15 : memref<!tpu.dma_semaphore, #tpu.memory_space<semaphore_mem>>) src(%dma_wait3A_197 : memref<128xf32, #tpu.memory_space<vmem>>) dst(%dma_wait3A_202 : memref<100352xf32, #tpu.memory_space<vmem_shared>>)
    %dma_wait3A_203 = arith.constant 0 : i32
    %dma_wait3A_204 = arith.constant 7 : i32
    %dma_wait3A_205 = arith.constant 0 : i32
    %dma_wait3A_206 = arith.constant 7 : i32
    %dma_wait3A_207 = arith.constant 0 : i32
    %dma_wait3A_208 = tpu.memref_slice %arg10[%dma_wait3A_203, %dma_wait3A_204, %dma_wait3A_207] : memref<4x8x128xf32, #tpu.memory_space<vmem>> -> memref<1x1x128xf32, #tpu.memory_space<vmem>>
    %dma_wait3A_209 = tpu.memref_squeeze %dma_wait3A_208 : memref<1x1x128xf32, #tpu.memory_space<vmem>> -> memref<128xf32, #tpu.memory_space<vmem>>
    %dma_wait3A_210 = arith.constant 0 : i32
    %dma_wait3A_211 = tpu.memref_slice %arg9[%dma_wait3A_205, %dma_wait3A_206, %dma_wait3A_210] : memref<4x8x128xi32, #tpu.memory_space<vmem>> -> memref<1x1x128xi32, #tpu.memory_space<vmem>>
    %dma_wait3A_212 = tpu.memref_squeeze %dma_wait3A_211 : memref<1x1x128xi32, #tpu.memory_space<vmem>> -> memref<128xi32, #tpu.memory_space<vmem>>
    %dma_wait3A_213 = arith.constant 0 : i32
    %dma_wait3A_214 = tpu.memref_slice %arg12[%dma_wait3A_213] : memref<100352xf32, #tpu.memory_space<vmem_shared>> -> memref<100352xf32, #tpu.memory_space<vmem_shared>>
    tpu.wait_indirect_dma semaphore(%arg15 : memref<!tpu.dma_semaphore, #tpu.memory_space<semaphore_mem>>) src(%dma_wait3A_209 : memref<128xf32, #tpu.memory_space<vmem>>) dst(%dma_wait3A_214 : memref<100352xf32, #tpu.memory_space<vmem_shared>>)
    %dma_wait3A_215 = arith.constant 1 : i32
    %dma_wait3A_216 = arith.constant 0 : i32
    %dma_wait3A_217 = arith.constant 1 : i32
    %dma_wait3A_218 = arith.constant 0 : i32
    %dma_wait3A_219 = arith.constant 0 : i32
    %dma_wait3A_220 = tpu.memref_slice %arg10[%dma_wait3A_215, %dma_wait3A_216, %dma_wait3A_219] : memref<4x8x128xf32, #tpu.memory_space<vmem>> -> memref<1x1x128xf32, #tpu.memory_space<vmem>>
    %dma_wait3A_221 = tpu.memref_squeeze %dma_wait3A_220 : memref<1x1x128xf32, #tpu.memory_space<vmem>> -> memref<128xf32, #tpu.memory_space<vmem>>
    %dma_wait3A_222 = arith.constant 0 : i32
    %dma_wait3A_223 = tpu.memref_slice %arg9[%dma_wait3A_217, %dma_wait3A_218, %dma_wait3A_222] : memref<4x8x128xi32, #tpu.memory_space<vmem>> -> memref<1x1x128xi32, #tpu.memory_space<vmem>>
    %dma_wait3A_224 = tpu.memref_squeeze %dma_wait3A_223 : memref<1x1x128xi32, #tpu.memory_space<vmem>> -> memref<128xi32, #tpu.memory_space<vmem>>
    %dma_wait3A_225 = arith.constant 0 : i32
    %dma_wait3A_226 = tpu.memref_slice %arg12[%dma_wait3A_225] : memref<100352xf32, #tpu.memory_space<vmem_shared>> -> memref<100352xf32, #tpu.memory_space<vmem_shared>>
    tpu.wait_indirect_dma semaphore(%arg15 : memref<!tpu.dma_semaphore, #tpu.memory_space<semaphore_mem>>) src(%dma_wait3A_221 : memref<128xf32, #tpu.memory_space<vmem>>) dst(%dma_wait3A_226 : memref<100352xf32, #tpu.memory_space<vmem_shared>>)
    %dma_wait3A_227 = arith.constant 1 : i32
    %dma_wait3A_228 = arith.constant 1 : i32
    %dma_wait3A_229 = arith.constant 1 : i32
    %dma_wait3A_230 = arith.constant 1 : i32
    %dma_wait3A_231 = arith.constant 0 : i32
    %dma_wait3A_232 = tpu.memref_slice %arg10[%dma_wait3A_227, %dma_wait3A_228, %dma_wait3A_231] : memref<4x8x128xf32, #tpu.memory_space<vmem>> -> memref<1x1x128xf32, #tpu.memory_space<vmem>>
    %dma_wait3A_233 = tpu.memref_squeeze %dma_wait3A_232 : memref<1x1x128xf32, #tpu.memory_space<vmem>> -> memref<128xf32, #tpu.memory_space<vmem>>
    %dma_wait3A_234 = arith.constant 0 : i32
    %dma_wait3A_235 = tpu.memref_slice %arg9[%dma_wait3A_229, %dma_wait3A_230, %dma_wait3A_234] : memref<4x8x128xi32, #tpu.memory_space<vmem>> -> memref<1x1x128xi32, #tpu.memory_space<vmem>>
    %dma_wait3A_236 = tpu.memref_squeeze %dma_wait3A_235 : memref<1x1x128xi32, #tpu.memory_space<vmem>> -> memref<128xi32, #tpu.memory_space<vmem>>
    %dma_wait3A_237 = arith.constant 0 : i32
    %dma_wait3A_238 = tpu.memref_slice %arg12[%dma_wait3A_237] : memref<100352xf32, #tpu.memory_space<vmem_shared>> -> memref<100352xf32, #tpu.memory_space<vmem_shared>>
    tpu.wait_indirect_dma semaphore(%arg15 : memref<!tpu.dma_semaphore, #tpu.memory_space<semaphore_mem>>) src(%dma_wait3A_233 : memref<128xf32, #tpu.memory_space<vmem>>) dst(%dma_wait3A_238 : memref<100352xf32, #tpu.memory_space<vmem_shared>>)
    %dma_wait3A_239 = arith.constant 1 : i32
    %dma_wait3A_240 = arith.constant 2 : i32
    %dma_wait3A_241 = arith.constant 1 : i32
    %dma_wait3A_242 = arith.constant 2 : i32
    %dma_wait3A_243 = arith.constant 0 : i32
    %dma_wait3A_244 = tpu.memref_slice %arg10[%dma_wait3A_239, %dma_wait3A_240, %dma_wait3A_243] : memref<4x8x128xf32, #tpu.memory_space<vmem>> -> memref<1x1x128xf32, #tpu.memory_space<vmem>>
    %dma_wait3A_245 = tpu.memref_squeeze %dma_wait3A_244 : memref<1x1x128xf32, #tpu.memory_space<vmem>> -> memref<128xf32, #tpu.memory_space<vmem>>
    %dma_wait3A_246 = arith.constant 0 : i32
    %dma_wait3A_247 = tpu.memref_slice %arg9[%dma_wait3A_241, %dma_wait3A_242, %dma_wait3A_246] : memref<4x8x128xi32, #tpu.memory_space<vmem>> -> memref<1x1x128xi32, #tpu.memory_space<vmem>>
    %dma_wait3A_248 = tpu.memref_squeeze %dma_wait3A_247 : memref<1x1x128xi32, #tpu.memory_space<vmem>> -> memref<128xi32, #tpu.memory_space<vmem>>
    %dma_wait3A_249 = arith.constant 0 : i32
    %dma_wait3A_250 = tpu.memref_slice %arg12[%dma_wait3A_249] : memref<100352xf32, #tpu.memory_space<vmem_shared>> -> memref<100352xf32, #tpu.memory_space<vmem_shared>>
    tpu.wait_indirect_dma semaphore(%arg15 : memref<!tpu.dma_semaphore, #tpu.memory_space<semaphore_mem>>) src(%dma_wait3A_245 : memref<128xf32, #tpu.memory_space<vmem>>) dst(%dma_wait3A_250 : memref<100352xf32, #tpu.memory_space<vmem_shared>>)
    %dma_wait3A_251 = arith.constant 1 : i32
    %dma_wait3A_252 = arith.constant 3 : i32
    %dma_wait3A_253 = arith.constant 1 : i32
    %dma_wait3A_254 = arith.constant 3 : i32
    %dma_wait3A_255 = arith.constant 0 : i32
    %dma_wait3A_256 = tpu.memref_slice %arg10[%dma_wait3A_251, %dma_wait3A_252, %dma_wait3A_255] : memref<4x8x128xf32, #tpu.memory_space<vmem>> -> memref<1x1x128xf32, #tpu.memory_space<vmem>>
    %dma_wait3A_257 = tpu.memref_squeeze %dma_wait3A_256 : memref<1x1x128xf32, #tpu.memory_space<vmem>> -> memref<128xf32, #tpu.memory_space<vmem>>
    %dma_wait3A_258 = arith.constant 0 : i32
    %dma_wait3A_259 = tpu.memref_slice %arg9[%dma_wait3A_253, %dma_wait3A_254, %dma_wait3A_258] : memref<4x8x128xi32, #tpu.memory_space<vmem>> -> memref<1x1x128xi32, #tpu.memory_space<vmem>>
    %dma_wait3A_260 = tpu.memref_squeeze %dma_wait3A_259 : memref<1x1x128xi32, #tpu.memory_space<vmem>> -> memref<128xi32, #tpu.memory_space<vmem>>
    %dma_wait3A_261 = arith.constant 0 : i32
    %dma_wait3A_262 = tpu.memref_slice %arg12[%dma_wait3A_261] : memref<100352xf32, #tpu.memory_space<vmem_shared>> -> memref<100352xf32, #tpu.memory_space<vmem_shared>>
    tpu.wait_indirect_dma semaphore(%arg15 : memref<!tpu.dma_semaphore, #tpu.memory_space<semaphore_mem>>) src(%dma_wait3A_257 : memref<128xf32, #tpu.memory_space<vmem>>) dst(%dma_wait3A_262 : memref<100352xf32, #tpu.memory_space<vmem_shared>>)
    %dma_wait3A_263 = arith.constant 1 : i32
    %dma_wait3A_264 = arith.constant 4 : i32
    %dma_wait3A_265 = arith.constant 1 : i32
    %dma_wait3A_266 = arith.constant 4 : i32
    %dma_wait3A_267 = arith.constant 0 : i32
    %dma_wait3A_268 = tpu.memref_slice %arg10[%dma_wait3A_263, %dma_wait3A_264, %dma_wait3A_267] : memref<4x8x128xf32, #tpu.memory_space<vmem>> -> memref<1x1x128xf32, #tpu.memory_space<vmem>>
    %dma_wait3A_269 = tpu.memref_squeeze %dma_wait3A_268 : memref<1x1x128xf32, #tpu.memory_space<vmem>> -> memref<128xf32, #tpu.memory_space<vmem>>
    %dma_wait3A_270 = arith.constant 0 : i32
    %dma_wait3A_271 = tpu.memref_slice %arg9[%dma_wait3A_265, %dma_wait3A_266, %dma_wait3A_270] : memref<4x8x128xi32, #tpu.memory_space<vmem>> -> memref<1x1x128xi32, #tpu.memory_space<vmem>>
    %dma_wait3A_272 = tpu.memref_squeeze %dma_wait3A_271 : memref<1x1x128xi32, #tpu.memory_space<vmem>> -> memref<128xi32, #tpu.memory_space<vmem>>
    %dma_wait3A_273 = arith.constant 0 : i32
    %dma_wait3A_274 = tpu.memref_slice %arg12[%dma_wait3A_273] : memref<100352xf32, #tpu.memory_space<vmem_shared>> -> memref<100352xf32, #tpu.memory_space<vmem_shared>>
    tpu.wait_indirect_dma semaphore(%arg15 : memref<!tpu.dma_semaphore, #tpu.memory_space<semaphore_mem>>) src(%dma_wait3A_269 : memref<128xf32, #tpu.memory_space<vmem>>) dst(%dma_wait3A_274 : memref<100352xf32, #tpu.memory_space<vmem_shared>>)
    %dma_wait3A_275 = arith.constant 1 : i32
    %dma_wait3A_276 = arith.constant 5 : i32
    %dma_wait3A_277 = arith.constant 1 : i32
    %dma_wait3A_278 = arith.constant 5 : i32
    %dma_wait3A_279 = arith.constant 0 : i32
    %dma_wait3A_280 = tpu.memref_slice %arg10[%dma_wait3A_275, %dma_wait3A_276, %dma_wait3A_279] : memref<4x8x128xf32, #tpu.memory_space<vmem>> -> memref<1x1x128xf32, #tpu.memory_space<vmem>>
    %dma_wait3A_281 = tpu.memref_squeeze %dma_wait3A_280 : memref<1x1x128xf32, #tpu.memory_space<vmem>> -> memref<128xf32, #tpu.memory_space<vmem>>
    %dma_wait3A_282 = arith.constant 0 : i32
    %dma_wait3A_283 = tpu.memref_slice %arg9[%dma_wait3A_277, %dma_wait3A_278, %dma_wait3A_282] : memref<4x8x128xi32, #tpu.memory_space<vmem>> -> memref<1x1x128xi32, #tpu.memory_space<vmem>>
    %dma_wait3A_284 = tpu.memref_squeeze %dma_wait3A_283 : memref<1x1x128xi32, #tpu.memory_space<vmem>> -> memref<128xi32, #tpu.memory_space<vmem>>
    %dma_wait3A_285 = arith.constant 0 : i32
    %dma_wait3A_286 = tpu.memref_slice %arg12[%dma_wait3A_285] : memref<100352xf32, #tpu.memory_space<vmem_shared>> -> memref<100352xf32, #tpu.memory_space<vmem_shared>>
    tpu.wait_indirect_dma semaphore(%arg15 : memref<!tpu.dma_semaphore, #tpu.memory_space<semaphore_mem>>) src(%dma_wait3A_281 : memref<128xf32, #tpu.memory_space<vmem>>) dst(%dma_wait3A_286 : memref<100352xf32, #tpu.memory_space<vmem_shared>>)
    %dma_wait3A_287 = arith.constant 1 : i32
    %dma_wait3A_288 = arith.constant 6 : i32
    %dma_wait3A_289 = arith.constant 1 : i32
    %dma_wait3A_290 = arith.constant 6 : i32
    %dma_wait3A_291 = arith.constant 0 : i32
    %dma_wait3A_292 = tpu.memref_slice %arg10[%dma_wait3A_287, %dma_wait3A_288, %dma_wait3A_291] : memref<4x8x128xf32, #tpu.memory_space<vmem>> -> memref<1x1x128xf32, #tpu.memory_space<vmem>>
    %dma_wait3A_293 = tpu.memref_squeeze %dma_wait3A_292 : memref<1x1x128xf32, #tpu.memory_space<vmem>> -> memref<128xf32, #tpu.memory_space<vmem>>
    %dma_wait3A_294 = arith.constant 0 : i32
    %dma_wait3A_295 = tpu.memref_slice %arg9[%dma_wait3A_289, %dma_wait3A_290, %dma_wait3A_294] : memref<4x8x128xi32, #tpu.memory_space<vmem>> -> memref<1x1x128xi32, #tpu.memory_space<vmem>>
    %dma_wait3A_296 = tpu.memref_squeeze %dma_wait3A_295 : memref<1x1x128xi32, #tpu.memory_space<vmem>> -> memref<128xi32, #tpu.memory_space<vmem>>
    %dma_wait3A_297 = arith.constant 0 : i32
    %dma_wait3A_298 = tpu.memref_slice %arg12[%dma_wait3A_297] : memref<100352xf32, #tpu.memory_space<vmem_shared>> -> memref<100352xf32, #tpu.memory_space<vmem_shared>>
    tpu.wait_indirect_dma semaphore(%arg15 : memref<!tpu.dma_semaphore, #tpu.memory_space<semaphore_mem>>) src(%dma_wait3A_293 : memref<128xf32, #tpu.memory_space<vmem>>) dst(%dma_wait3A_298 : memref<100352xf32, #tpu.memory_space<vmem_shared>>)
    %dma_wait3A_299 = arith.constant 1 : i32
    %dma_wait3A_300 = arith.constant 7 : i32
    %dma_wait3A_301 = arith.constant 1 : i32
    %dma_wait3A_302 = arith.constant 7 : i32
    %dma_wait3A_303 = arith.constant 0 : i32
    %dma_wait3A_304 = tpu.memref_slice %arg10[%dma_wait3A_299, %dma_wait3A_300, %dma_wait3A_303] : memref<4x8x128xf32, #tpu.memory_space<vmem>> -> memref<1x1x128xf32, #tpu.memory_space<vmem>>
    %dma_wait3A_305 = tpu.memref_squeeze %dma_wait3A_304 : memref<1x1x128xf32, #tpu.memory_space<vmem>> -> memref<128xf32, #tpu.memory_space<vmem>>
    %dma_wait3A_306 = arith.constant 0 : i32
    %dma_wait3A_307 = tpu.memref_slice %arg9[%dma_wait3A_301, %dma_wait3A_302, %dma_wait3A_306] : memref<4x8x128xi32, #tpu.memory_space<vmem>> -> memref<1x1x128xi32, #tpu.memory_space<vmem>>
    %dma_wait3A_308 = tpu.memref_squeeze %dma_wait3A_307 : memref<1x1x128xi32, #tpu.memory_space<vmem>> -> memref<128xi32, #tpu.memory_space<vmem>>
    %dma_wait3A_309 = arith.constant 0 : i32
    %dma_wait3A_310 = tpu.memref_slice %arg12[%dma_wait3A_309] : memref<100352xf32, #tpu.memory_space<vmem_shared>> -> memref<100352xf32, #tpu.memory_space<vmem_shared>>
    tpu.wait_indirect_dma semaphore(%arg15 : memref<!tpu.dma_semaphore, #tpu.memory_space<semaphore_mem>>) src(%dma_wait3A_305 : memref<128xf32, #tpu.memory_space<vmem>>) dst(%dma_wait3A_310 : memref<100352xf32, #tpu.memory_space<vmem_shared>>)
    %barrier3A_311 = arith.constant 0 : index
    tpu.barrier barrier_id(%barrier3A_311)
    "tpu.region"() ({
      %run_scoped3A = tpu.sem_alloc : memref<!tpu.dma_semaphore, #tpu.memory_space<semaphore_mem>>
      %dma_start3A_312 = tpu.memref_slice %arg7[%arg0, %mul3A_2] : memref<2x100352xf32, #tpu.memory_space<hbm>> -> memref<1x6272xf32, #tpu.memory_space<hbm>>
      %dma_start3A_313 = tpu.memref_squeeze %dma_start3A_312 : memref<1x6272xf32, #tpu.memory_space<hbm>> -> memref<6272xf32, #tpu.memory_space<hbm>>
      %dma_start3A_314 = tpu.memref_slice %arg12[%mul3A_2] : memref<100352xf32, #tpu.memory_space<vmem_shared>> -> memref<6272xf32, #tpu.memory_space<vmem_shared>>
      tpu.enqueue_dma source(%dma_start3A_314 : memref<6272xf32, #tpu.memory_space<vmem_shared>>) target(%dma_start3A_313 : memref<6272xf32, #tpu.memory_space<hbm>>) target_semaphore(%run_scoped3A : memref<!tpu.dma_semaphore, #tpu.memory_space<semaphore_mem>>)
      %dma_wait3A_315 = tpu.memref_slice %arg7[%arg0, %mul3A_2] : memref<2x100352xf32, #tpu.memory_space<hbm>> -> memref<1x6272xf32, #tpu.memory_space<hbm>>
      %dma_wait3A_316 = tpu.memref_squeeze %dma_wait3A_315 : memref<1x6272xf32, #tpu.memory_space<hbm>> -> memref<6272xf32, #tpu.memory_space<hbm>>
      %dma_wait3A_317 = tpu.memref_slice %arg12[%mul3A_2] : memref<100352xf32, #tpu.memory_space<vmem_shared>> -> memref<6272xf32, #tpu.memory_space<vmem_shared>>
      tpu.wait_dma2 semaphore(%run_scoped3A : memref<!tpu.dma_semaphore, #tpu.memory_space<semaphore_mem>>) src(%dma_wait3A_317 : memref<6272xf32, #tpu.memory_space<vmem_shared>>) dst(%dma_wait3A_316 : memref<6272xf32, #tpu.memory_space<hbm>>)
      tpu.yield
    }) : () -> ()
    return
  }
}

#map = affine_map<(d0, d1) -> (0, 0)>
#map1 = affine_map<(d0, d1) -> (0)>
#map2 = affine_map<(d0, d1) -> (0, 0, 0)>
module attributes {stable_mosaic.version = 14 : i64} {
  func.func @_sc_agg2_body(%arg0: i32, %arg1: i32, %arg2: memref<25000x128xi32, #tpu.memory_space<hbm>>, %arg3: memref<25000x128xi32, #tpu.memory_space<hbm>>, %arg4: memref<8x128xi32, #tpu.memory_space<hbm>>, %arg5: memref<100352xf32, #tpu.memory_space<hbm>>, %arg6: memref<100352xf32, #tpu.memory_space<hbm>>, %arg7: memref<100352xf32, #tpu.memory_space<hbm>>, %arg8: memref<2x2x100352xf32, #tpu.memory_space<hbm>>, %arg9: memref<4x8x128xi32, #tpu.memory_space<vmem>>, %arg10: memref<4x8x128xi32, #tpu.memory_space<vmem>>, %arg11: memref<4x8x128xf32, #tpu.memory_space<vmem>>, %arg12: memref<4x8x128xf32, #tpu.memory_space<vmem>>, %arg13: memref<100352xf32, #tpu.memory_space<vmem_shared>>, %arg14: memref<100352xf32, #tpu.memory_space<vmem_shared>>, %arg15: memref<100352xf32, #tpu.memory_space<vmem_shared>>, %arg16: memref<100352xf32, #tpu.memory_space<vmem_shared>>, %arg17: memref<!tpu.dma_semaphore, #tpu.memory_space<semaphore_mem>>, %arg18: memref<!tpu.dma_semaphore, #tpu.memory_space<semaphore_mem>>, %arg19: memref<!tpu.dma_semaphore, #tpu.memory_space<semaphore_mem>>) attributes {dimension_semantics = [#tpu.dimension_semantics<core_parallel>, #tpu.dimension_semantics<subcore_parallel>], iteration_bounds = array<i64: 2, 16>, scalar_prefetch = 0 : i64, scratch_operands = 11 : i64, tpu.core_type = #tpu.core_type<sc_vector_subcore>, window_params = [{transform_indices = #map}, {transform_indices = #map}, {transform_indices = #map}, {transform_indices = #map1}, {transform_indices = #map1}, {transform_indices = #map1}, {transform_indices = #map2}]} {
    %mul3A = arith.constant 16 : i32
    %mul3A_0 = arith.muli %arg0, %mul3A : i32
    %add3A = arith.addi %mul3A_0, %arg1 : i32
    %mul3A_1 = arith.constant 6272 : i32
    %mul3A_2 = arith.muli %arg1, %mul3A_1 : i32
    %dma_start3A = tpu.memref_slice %arg13[%mul3A_2] : memref<100352xf32, #tpu.memory_space<vmem_shared>> -> memref<6272xf32, #tpu.memory_space<vmem_shared>>
    %dma_start3A_3 = tpu.memref_slice %arg5[%mul3A_2] : memref<100352xf32, #tpu.memory_space<hbm>> -> memref<6272xf32, #tpu.memory_space<hbm>>
    tpu.enqueue_dma source(%dma_start3A_3 : memref<6272xf32, #tpu.memory_space<hbm>>) target(%dma_start3A : memref<6272xf32, #tpu.memory_space<vmem_shared>>) target_semaphore(%arg17 : memref<!tpu.dma_semaphore, #tpu.memory_space<semaphore_mem>>)
    %dma_start3A_4 = tpu.memref_slice %arg14[%mul3A_2] : memref<100352xf32, #tpu.memory_space<vmem_shared>> -> memref<6272xf32, #tpu.memory_space<vmem_shared>>
    %dma_start3A_5 = tpu.memref_slice %arg6[%mul3A_2] : memref<100352xf32, #tpu.memory_space<hbm>> -> memref<6272xf32, #tpu.memory_space<hbm>>
    tpu.enqueue_dma source(%dma_start3A_5 : memref<6272xf32, #tpu.memory_space<hbm>>) target(%dma_start3A_4 : memref<6272xf32, #tpu.memory_space<vmem_shared>>) target_semaphore(%arg17 : memref<!tpu.dma_semaphore, #tpu.memory_space<semaphore_mem>>)
    %dma_start3A_6 = tpu.memref_slice %arg15[%mul3A_2] : memref<100352xf32, #tpu.memory_space<vmem_shared>> -> memref<6272xf32, #tpu.memory_space<vmem_shared>>
    %dma_start3A_7 = tpu.memref_slice %arg7[%mul3A_2] : memref<100352xf32, #tpu.memory_space<hbm>> -> memref<6272xf32, #tpu.memory_space<hbm>>
    tpu.enqueue_dma source(%dma_start3A_7 : memref<6272xf32, #tpu.memory_space<hbm>>) target(%dma_start3A_6 : memref<6272xf32, #tpu.memory_space<vmem_shared>>) target_semaphore(%arg17 : memref<!tpu.dma_semaphore, #tpu.memory_space<semaphore_mem>>)
    %dma_start3A_8 = tpu.memref_slice %arg16[%mul3A_2] : memref<100352xf32, #tpu.memory_space<vmem_shared>> -> memref<6272xf32, #tpu.memory_space<vmem_shared>>
    %dma_start3A_9 = tpu.memref_slice %arg7[%mul3A_2] : memref<100352xf32, #tpu.memory_space<hbm>> -> memref<6272xf32, #tpu.memory_space<hbm>>
    tpu.enqueue_dma source(%dma_start3A_9 : memref<6272xf32, #tpu.memory_space<hbm>>) target(%dma_start3A_8 : memref<6272xf32, #tpu.memory_space<vmem_shared>>) target_semaphore(%arg17 : memref<!tpu.dma_semaphore, #tpu.memory_space<semaphore_mem>>)
    %dma_wait3A = tpu.memref_slice %arg13[%mul3A_2] : memref<100352xf32, #tpu.memory_space<vmem_shared>> -> memref<6272xf32, #tpu.memory_space<vmem_shared>>
    %dma_wait3A_10 = tpu.memref_slice %arg5[%mul3A_2] : memref<100352xf32, #tpu.memory_space<hbm>> -> memref<6272xf32, #tpu.memory_space<hbm>>
    tpu.wait_dma2 semaphore(%arg17 : memref<!tpu.dma_semaphore, #tpu.memory_space<semaphore_mem>>) src(%dma_wait3A_10 : memref<6272xf32, #tpu.memory_space<hbm>>) dst(%dma_wait3A : memref<6272xf32, #tpu.memory_space<vmem_shared>>)
    %dma_wait3A_11 = tpu.memref_slice %arg14[%mul3A_2] : memref<100352xf32, #tpu.memory_space<vmem_shared>> -> memref<6272xf32, #tpu.memory_space<vmem_shared>>
    %dma_wait3A_12 = tpu.memref_slice %arg6[%mul3A_2] : memref<100352xf32, #tpu.memory_space<hbm>> -> memref<6272xf32, #tpu.memory_space<hbm>>
    tpu.wait_dma2 semaphore(%arg17 : memref<!tpu.dma_semaphore, #tpu.memory_space<semaphore_mem>>) src(%dma_wait3A_12 : memref<6272xf32, #tpu.memory_space<hbm>>) dst(%dma_wait3A_11 : memref<6272xf32, #tpu.memory_space<vmem_shared>>)
    %dma_wait3A_13 = tpu.memref_slice %arg15[%mul3A_2] : memref<100352xf32, #tpu.memory_space<vmem_shared>> -> memref<6272xf32, #tpu.memory_space<vmem_shared>>
    %dma_wait3A_14 = tpu.memref_slice %arg7[%mul3A_2] : memref<100352xf32, #tpu.memory_space<hbm>> -> memref<6272xf32, #tpu.memory_space<hbm>>
    tpu.wait_dma2 semaphore(%arg17 : memref<!tpu.dma_semaphore, #tpu.memory_space<semaphore_mem>>) src(%dma_wait3A_14 : memref<6272xf32, #tpu.memory_space<hbm>>) dst(%dma_wait3A_13 : memref<6272xf32, #tpu.memory_space<vmem_shared>>)
    %dma_wait3A_15 = tpu.memref_slice %arg16[%mul3A_2] : memref<100352xf32, #tpu.memory_space<vmem_shared>> -> memref<6272xf32, #tpu.memory_space<vmem_shared>>
    %dma_wait3A_16 = tpu.memref_slice %arg7[%mul3A_2] : memref<100352xf32, #tpu.memory_space<hbm>> -> memref<6272xf32, #tpu.memory_space<hbm>>
    tpu.wait_dma2 semaphore(%arg17 : memref<!tpu.dma_semaphore, #tpu.memory_space<semaphore_mem>>) src(%dma_wait3A_16 : memref<6272xf32, #tpu.memory_space<hbm>>) dst(%dma_wait3A_15 : memref<6272xf32, #tpu.memory_space<vmem_shared>>)
    %barrier3A = arith.constant 0 : index
    tpu.barrier barrier_id(%barrier3A)
    %mul3A_17 = arith.constant 784 : i32
    %mul3A_18 = arith.muli %add3A, %mul3A_17 : i32
    %add3A_19 = arith.constant 0 : i32
    %add3A_20 = arith.addi %mul3A_18, %add3A_19 : i32
    %lt3A = arith.constant 25000 : i32
    %lt3A_21 = arith.cmpi slt, %add3A_20, %lt3A : i32
    %convert_element_type3A = arith.extui %lt3A_21 : i1 to i32
    %cond3A = arith.constant 0 : i32
    %cond3A_22 = arith.cmpi ne, %convert_element_type3A, %cond3A : i32
    scf.if %cond3A_22 {
      %dma_start3A_624 = arith.constant 0 : i32
      %dma_start3A_625 = arith.constant 0 : i32
      %dma_start3A_626 = arith.constant 0 : i32
      %dma_start3A_627 = tpu.memref_slice %arg9[%dma_start3A_624, %dma_start3A_625, %dma_start3A_626] : memref<4x8x128xi32, #tpu.memory_space<vmem>> -> memref<1x8x128xi32, #tpu.memory_space<vmem>>
      %dma_start3A_628 = tpu.memref_squeeze %dma_start3A_627 : memref<1x8x128xi32, #tpu.memory_space<vmem>> -> memref<8x128xi32, #tpu.memory_space<vmem>>
      %dma_start3A_629 = arith.constant 0 : i32
      %dma_start3A_630 = tpu.memref_slice %arg2[%add3A_20, %dma_start3A_629] : memref<25000x128xi32, #tpu.memory_space<hbm>> -> memref<8x128xi32, #tpu.memory_space<hbm>>
      %dma_start3A_631 = arith.constant 0 : i32
      %dma_start3A_632 = arith.constant 0 : i32
      %dma_start3A_633 = tpu.memref_slice %arg9[%dma_start3A_624, %dma_start3A_631, %dma_start3A_632] : memref<4x8x128xi32, #tpu.memory_space<vmem>> -> memref<1x8x128xi32, #tpu.memory_space<vmem>>
      %dma_start3A_634 = tpu.memref_squeeze %dma_start3A_633 : memref<1x8x128xi32, #tpu.memory_space<vmem>> -> memref<8x128xi32, #tpu.memory_space<vmem>>
      %dma_start3A_635 = arith.constant 0 : i32
      %dma_start3A_636 = tpu.memref_slice %arg2[%add3A_20, %dma_start3A_635] : memref<25000x128xi32, #tpu.memory_space<hbm>> -> memref<8x128xi32, #tpu.memory_space<hbm>>
      tpu.enqueue_dma source(%dma_start3A_636 : memref<8x128xi32, #tpu.memory_space<hbm>>) target(%dma_start3A_634 : memref<8x128xi32, #tpu.memory_space<vmem>>) target_semaphore(%arg17 : memref<!tpu.dma_semaphore, #tpu.memory_space<semaphore_mem>>)
      %dma_start3A_637 = arith.constant 0 : i32
      %dma_start3A_638 = arith.constant 0 : i32
      %dma_start3A_639 = arith.constant 0 : i32
      %dma_start3A_640 = tpu.memref_slice %arg10[%dma_start3A_637, %dma_start3A_638, %dma_start3A_639] : memref<4x8x128xi32, #tpu.memory_space<vmem>> -> memref<1x8x128xi32, #tpu.memory_space<vmem>>
      %dma_start3A_641 = tpu.memref_squeeze %dma_start3A_640 : memref<1x8x128xi32, #tpu.memory_space<vmem>> -> memref<8x128xi32, #tpu.memory_space<vmem>>
      %dma_start3A_642 = arith.constant 0 : i32
      %dma_start3A_643 = tpu.memref_slice %arg3[%add3A_20, %dma_start3A_642] : memref<25000x128xi32, #tpu.memory_space<hbm>> -> memref<8x128xi32, #tpu.memory_space<hbm>>
      %dma_start3A_644 = arith.constant 0 : i32
      %dma_start3A_645 = arith.constant 0 : i32
      %dma_start3A_646 = tpu.memref_slice %arg10[%dma_start3A_637, %dma_start3A_644, %dma_start3A_645] : memref<4x8x128xi32, #tpu.memory_space<vmem>> -> memref<1x8x128xi32, #tpu.memory_space<vmem>>
      %dma_start3A_647 = tpu.memref_squeeze %dma_start3A_646 : memref<1x8x128xi32, #tpu.memory_space<vmem>> -> memref<8x128xi32, #tpu.memory_space<vmem>>
      %dma_start3A_648 = arith.constant 0 : i32
      %dma_start3A_649 = tpu.memref_slice %arg3[%add3A_20, %dma_start3A_648] : memref<25000x128xi32, #tpu.memory_space<hbm>> -> memref<8x128xi32, #tpu.memory_space<hbm>>
      tpu.enqueue_dma source(%dma_start3A_649 : memref<8x128xi32, #tpu.memory_space<hbm>>) target(%dma_start3A_647 : memref<8x128xi32, #tpu.memory_space<vmem>>) target_semaphore(%arg17 : memref<!tpu.dma_semaphore, #tpu.memory_space<semaphore_mem>>)
    } else {
    }
    %ge3A = arith.constant 25000 : i32
    %ge3A_23 = arith.cmpi sge, %add3A_20, %ge3A : i32
    %convert_element_type3A_24 = arith.extui %ge3A_23 : i1 to i32
    %cond3A_25 = arith.constant 0 : i32
    %cond3A_26 = arith.cmpi ne, %convert_element_type3A_24, %cond3A_25 : i32
    scf.if %cond3A_26 {
      %dma_start3A_624 = arith.constant 0 : i32
      %dma_start3A_625 = arith.constant 0 : i32
      %dma_start3A_626 = arith.constant 0 : i32
      %dma_start3A_627 = tpu.memref_slice %arg9[%dma_start3A_624, %dma_start3A_625, %dma_start3A_626] : memref<4x8x128xi32, #tpu.memory_space<vmem>> -> memref<1x8x128xi32, #tpu.memory_space<vmem>>
      %dma_start3A_628 = tpu.memref_squeeze %dma_start3A_627 : memref<1x8x128xi32, #tpu.memory_space<vmem>> -> memref<8x128xi32, #tpu.memory_space<vmem>>
      %dma_start3A_629 = arith.constant 0 : i32
      %dma_start3A_630 = arith.constant 0 : i32
      %dma_start3A_631 = tpu.memref_slice %arg4[%dma_start3A_629, %dma_start3A_630] : memref<8x128xi32, #tpu.memory_space<hbm>> -> memref<8x128xi32, #tpu.memory_space<hbm>>
      %dma_start3A_632 = arith.constant 0 : i32
      %dma_start3A_633 = arith.constant 0 : i32
      %dma_start3A_634 = tpu.memref_slice %arg9[%dma_start3A_624, %dma_start3A_632, %dma_start3A_633] : memref<4x8x128xi32, #tpu.memory_space<vmem>> -> memref<1x8x128xi32, #tpu.memory_space<vmem>>
      %dma_start3A_635 = tpu.memref_squeeze %dma_start3A_634 : memref<1x8x128xi32, #tpu.memory_space<vmem>> -> memref<8x128xi32, #tpu.memory_space<vmem>>
      %dma_start3A_636 = arith.constant 0 : i32
      %dma_start3A_637 = arith.constant 0 : i32
      %dma_start3A_638 = tpu.memref_slice %arg4[%dma_start3A_636, %dma_start3A_637] : memref<8x128xi32, #tpu.memory_space<hbm>> -> memref<8x128xi32, #tpu.memory_space<hbm>>
      tpu.enqueue_dma source(%dma_start3A_638 : memref<8x128xi32, #tpu.memory_space<hbm>>) target(%dma_start3A_635 : memref<8x128xi32, #tpu.memory_space<vmem>>) target_semaphore(%arg17 : memref<!tpu.dma_semaphore, #tpu.memory_space<semaphore_mem>>)
      %dma_start3A_639 = arith.constant 0 : i32
      %dma_start3A_640 = arith.constant 0 : i32
      %dma_start3A_641 = arith.constant 0 : i32
      %dma_start3A_642 = tpu.memref_slice %arg10[%dma_start3A_639, %dma_start3A_640, %dma_start3A_641] : memref<4x8x128xi32, #tpu.memory_space<vmem>> -> memref<1x8x128xi32, #tpu.memory_space<vmem>>
      %dma_start3A_643 = tpu.memref_squeeze %dma_start3A_642 : memref<1x8x128xi32, #tpu.memory_space<vmem>> -> memref<8x128xi32, #tpu.memory_space<vmem>>
      %dma_start3A_644 = arith.constant 0 : i32
      %dma_start3A_645 = arith.constant 0 : i32
      %dma_start3A_646 = tpu.memref_slice %arg4[%dma_start3A_644, %dma_start3A_645] : memref<8x128xi32, #tpu.memory_space<hbm>> -> memref<8x128xi32, #tpu.memory_space<hbm>>
      %dma_start3A_647 = arith.constant 0 : i32
      %dma_start3A_648 = arith.constant 0 : i32
      %dma_start3A_649 = tpu.memref_slice %arg10[%dma_start3A_639, %dma_start3A_647, %dma_start3A_648] : memref<4x8x128xi32, #tpu.memory_space<vmem>> -> memref<1x8x128xi32, #tpu.memory_space<vmem>>
      %dma_start3A_650 = tpu.memref_squeeze %dma_start3A_649 : memref<1x8x128xi32, #tpu.memory_space<vmem>> -> memref<8x128xi32, #tpu.memory_space<vmem>>
      %dma_start3A_651 = arith.constant 0 : i32
      %dma_start3A_652 = arith.constant 0 : i32
      %dma_start3A_653 = tpu.memref_slice %arg4[%dma_start3A_651, %dma_start3A_652] : memref<8x128xi32, #tpu.memory_space<hbm>> -> memref<8x128xi32, #tpu.memory_space<hbm>>
      tpu.enqueue_dma source(%dma_start3A_653 : memref<8x128xi32, #tpu.memory_space<hbm>>) target(%dma_start3A_650 : memref<8x128xi32, #tpu.memory_space<vmem>>) target_semaphore(%arg17 : memref<!tpu.dma_semaphore, #tpu.memory_space<semaphore_mem>>)
    } else {
    }
    %scan3A = arith.constant 0 : i32
    %scan3A_27 = arith.constant 98 : i32
    %scan3A_28 = arith.addi %scan3A, %scan3A_27 : i32
    %scan3A_29 = arith.constant 1 : i32
    scf.for %scan3A_624 = %scan3A to %scan3A_28 step %scan3A_29  : i32 {
      %mul3A_625 = arith.constant 1 : i32
      %mul3A_626 = arith.muli %scan3A_624, %mul3A_625 : i32
      %add3A_627 = arith.constant 0 : i32
      %add3A_628 = arith.addi %add3A_627, %mul3A_626 : i32
      %rem3A = arith.constant 4 : i32
      %rem3A_629 = arith.remsi %add3A_628, %rem3A : i32
      %mul3A_630 = arith.constant 784 : i32
      %mul3A_631 = arith.muli %add3A, %mul3A_630 : i32
      %mul3A_632 = arith.constant 8 : i32
      %mul3A_633 = arith.muli %add3A_628, %mul3A_632 : i32
      %add3A_634 = arith.addi %mul3A_631, %mul3A_633 : i32
      %lt3A_635 = arith.constant 25000 : i32
      %lt3A_636 = arith.cmpi slt, %add3A_634, %lt3A_635 : i32
      %convert_element_type3A_637 = arith.extui %lt3A_636 : i1 to i32
      %cond3A_638 = arith.constant 0 : i32
      %cond3A_639 = arith.cmpi ne, %convert_element_type3A_637, %cond3A_638 : i32
      scf.if %cond3A_639 {
        %dma_wait3A_1135 = arith.constant 0 : i32
        %dma_wait3A_1136 = arith.constant 0 : i32
        %dma_wait3A_1137 = tpu.memref_slice %arg9[%rem3A_629, %dma_wait3A_1135, %dma_wait3A_1136] : memref<4x8x128xi32, #tpu.memory_space<vmem>> -> memref<1x8x128xi32, #tpu.memory_space<vmem>>
        %dma_wait3A_1138 = tpu.memref_squeeze %dma_wait3A_1137 : memref<1x8x128xi32, #tpu.memory_space<vmem>> -> memref<8x128xi32, #tpu.memory_space<vmem>>
        %dma_wait3A_1139 = arith.constant 0 : i32
        %dma_wait3A_1140 = tpu.memref_slice %arg2[%add3A_634, %dma_wait3A_1139] : memref<25000x128xi32, #tpu.memory_space<hbm>> -> memref<8x128xi32, #tpu.memory_space<hbm>>
        %dma_wait3A_1141 = arith.constant 0 : i32
        %dma_wait3A_1142 = arith.constant 0 : i32
        %dma_wait3A_1143 = tpu.memref_slice %arg9[%rem3A_629, %dma_wait3A_1141, %dma_wait3A_1142] : memref<4x8x128xi32, #tpu.memory_space<vmem>> -> memref<1x8x128xi32, #tpu.memory_space<vmem>>
        %dma_wait3A_1144 = tpu.memref_squeeze %dma_wait3A_1143 : memref<1x8x128xi32, #tpu.memory_space<vmem>> -> memref<8x128xi32, #tpu.memory_space<vmem>>
        %dma_wait3A_1145 = arith.constant 0 : i32
        %dma_wait3A_1146 = tpu.memref_slice %arg2[%add3A_634, %dma_wait3A_1145] : memref<25000x128xi32, #tpu.memory_space<hbm>> -> memref<8x128xi32, #tpu.memory_space<hbm>>
        tpu.wait_dma2 semaphore(%arg17 : memref<!tpu.dma_semaphore, #tpu.memory_space<semaphore_mem>>) src(%dma_wait3A_1146 : memref<8x128xi32, #tpu.memory_space<hbm>>) dst(%dma_wait3A_1144 : memref<8x128xi32, #tpu.memory_space<vmem>>)
        %dma_wait3A_1147 = arith.constant 0 : i32
        %dma_wait3A_1148 = arith.constant 0 : i32
        %dma_wait3A_1149 = tpu.memref_slice %arg10[%rem3A_629, %dma_wait3A_1147, %dma_wait3A_1148] : memref<4x8x128xi32, #tpu.memory_space<vmem>> -> memref<1x8x128xi32, #tpu.memory_space<vmem>>
        %dma_wait3A_1150 = tpu.memref_squeeze %dma_wait3A_1149 : memref<1x8x128xi32, #tpu.memory_space<vmem>> -> memref<8x128xi32, #tpu.memory_space<vmem>>
        %dma_wait3A_1151 = arith.constant 0 : i32
        %dma_wait3A_1152 = tpu.memref_slice %arg3[%add3A_634, %dma_wait3A_1151] : memref<25000x128xi32, #tpu.memory_space<hbm>> -> memref<8x128xi32, #tpu.memory_space<hbm>>
        %dma_wait3A_1153 = arith.constant 0 : i32
        %dma_wait3A_1154 = arith.constant 0 : i32
        %dma_wait3A_1155 = tpu.memref_slice %arg10[%rem3A_629, %dma_wait3A_1153, %dma_wait3A_1154] : memref<4x8x128xi32, #tpu.memory_space<vmem>> -> memref<1x8x128xi32, #tpu.memory_space<vmem>>
        %dma_wait3A_1156 = tpu.memref_squeeze %dma_wait3A_1155 : memref<1x8x128xi32, #tpu.memory_space<vmem>> -> memref<8x128xi32, #tpu.memory_space<vmem>>
        %dma_wait3A_1157 = arith.constant 0 : i32
        %dma_wait3A_1158 = tpu.memref_slice %arg3[%add3A_634, %dma_wait3A_1157] : memref<25000x128xi32, #tpu.memory_space<hbm>> -> memref<8x128xi32, #tpu.memory_space<hbm>>
        tpu.wait_dma2 semaphore(%arg17 : memref<!tpu.dma_semaphore, #tpu.memory_space<semaphore_mem>>) src(%dma_wait3A_1158 : memref<8x128xi32, #tpu.memory_space<hbm>>) dst(%dma_wait3A_1156 : memref<8x128xi32, #tpu.memory_space<vmem>>)
      } else {
      }
      %ge3A_640 = arith.constant 25000 : i32
      %ge3A_641 = arith.cmpi sge, %add3A_634, %ge3A_640 : i32
      %convert_element_type3A_642 = arith.extui %ge3A_641 : i1 to i32
      %cond3A_643 = arith.constant 0 : i32
      %cond3A_644 = arith.cmpi ne, %convert_element_type3A_642, %cond3A_643 : i32
      scf.if %cond3A_644 {
        %dma_wait3A_1135 = arith.constant 0 : i32
        %dma_wait3A_1136 = arith.constant 0 : i32
        %dma_wait3A_1137 = tpu.memref_slice %arg9[%rem3A_629, %dma_wait3A_1135, %dma_wait3A_1136] : memref<4x8x128xi32, #tpu.memory_space<vmem>> -> memref<1x8x128xi32, #tpu.memory_space<vmem>>
        %dma_wait3A_1138 = tpu.memref_squeeze %dma_wait3A_1137 : memref<1x8x128xi32, #tpu.memory_space<vmem>> -> memref<8x128xi32, #tpu.memory_space<vmem>>
        %dma_wait3A_1139 = arith.constant 0 : i32
        %dma_wait3A_1140 = arith.constant 0 : i32
        %dma_wait3A_1141 = tpu.memref_slice %arg4[%dma_wait3A_1139, %dma_wait3A_1140] : memref<8x128xi32, #tpu.memory_space<hbm>> -> memref<8x128xi32, #tpu.memory_space<hbm>>
        %dma_wait3A_1142 = arith.constant 0 : i32
        %dma_wait3A_1143 = arith.constant 0 : i32
        %dma_wait3A_1144 = tpu.memref_slice %arg9[%rem3A_629, %dma_wait3A_1142, %dma_wait3A_1143] : memref<4x8x128xi32, #tpu.memory_space<vmem>> -> memref<1x8x128xi32, #tpu.memory_space<vmem>>
        %dma_wait3A_1145 = tpu.memref_squeeze %dma_wait3A_1144 : memref<1x8x128xi32, #tpu.memory_space<vmem>> -> memref<8x128xi32, #tpu.memory_space<vmem>>
        %dma_wait3A_1146 = arith.constant 0 : i32
        %dma_wait3A_1147 = arith.constant 0 : i32
        %dma_wait3A_1148 = tpu.memref_slice %arg4[%dma_wait3A_1146, %dma_wait3A_1147] : memref<8x128xi32, #tpu.memory_space<hbm>> -> memref<8x128xi32, #tpu.memory_space<hbm>>
        tpu.wait_dma2 semaphore(%arg17 : memref<!tpu.dma_semaphore, #tpu.memory_space<semaphore_mem>>) src(%dma_wait3A_1148 : memref<8x128xi32, #tpu.memory_space<hbm>>) dst(%dma_wait3A_1145 : memref<8x128xi32, #tpu.memory_space<vmem>>)
        %dma_wait3A_1149 = arith.constant 0 : i32
        %dma_wait3A_1150 = arith.constant 0 : i32
        %dma_wait3A_1151 = tpu.memref_slice %arg10[%rem3A_629, %dma_wait3A_1149, %dma_wait3A_1150] : memref<4x8x128xi32, #tpu.memory_space<vmem>> -> memref<1x8x128xi32, #tpu.memory_space<vmem>>
        %dma_wait3A_1152 = tpu.memref_squeeze %dma_wait3A_1151 : memref<1x8x128xi32, #tpu.memory_space<vmem>> -> memref<8x128xi32, #tpu.memory_space<vmem>>
        %dma_wait3A_1153 = arith.constant 0 : i32
        %dma_wait3A_1154 = arith.constant 0 : i32
        %dma_wait3A_1155 = tpu.memref_slice %arg4[%dma_wait3A_1153, %dma_wait3A_1154] : memref<8x128xi32, #tpu.memory_space<hbm>> -> memref<8x128xi32, #tpu.memory_space<hbm>>
        %dma_wait3A_1156 = arith.constant 0 : i32
        %dma_wait3A_1157 = arith.constant 0 : i32
        %dma_wait3A_1158 = tpu.memref_slice %arg10[%rem3A_629, %dma_wait3A_1156, %dma_wait3A_1157] : memref<4x8x128xi32, #tpu.memory_space<vmem>> -> memref<1x8x128xi32, #tpu.memory_space<vmem>>
        %dma_wait3A_1159 = tpu.memref_squeeze %dma_wait3A_1158 : memref<1x8x128xi32, #tpu.memory_space<vmem>> -> memref<8x128xi32, #tpu.memory_space<vmem>>
        %dma_wait3A_1160 = arith.constant 0 : i32
        %dma_wait3A_1161 = arith.constant 0 : i32
        %dma_wait3A_1162 = tpu.memref_slice %arg4[%dma_wait3A_1160, %dma_wait3A_1161] : memref<8x128xi32, #tpu.memory_space<hbm>> -> memref<8x128xi32, #tpu.memory_space<hbm>>
        tpu.wait_dma2 semaphore(%arg17 : memref<!tpu.dma_semaphore, #tpu.memory_space<semaphore_mem>>) src(%dma_wait3A_1162 : memref<8x128xi32, #tpu.memory_space<hbm>>) dst(%dma_wait3A_1159 : memref<8x128xi32, #tpu.memory_space<vmem>>)
      } else {
      }
      %dma_start3A_645 = arith.constant 0 : i32
      %dma_start3A_646 = arith.constant 0 : i32
      %dma_start3A_647 = arith.constant 0 : i32
      %dma_start3A_648 = tpu.memref_slice %arg11[%rem3A_629, %dma_start3A_646, %dma_start3A_647] : memref<4x8x128xf32, #tpu.memory_space<vmem>> -> memref<1x1x128xf32, #tpu.memory_space<vmem>>
      %dma_start3A_649 = tpu.memref_squeeze %dma_start3A_648 : memref<1x1x128xf32, #tpu.memory_space<vmem>> -> memref<128xf32, #tpu.memory_space<vmem>>
      %dma_start3A_650 = arith.constant 0 : i32
      %dma_start3A_651 = tpu.memref_slice %arg9[%rem3A_629, %dma_start3A_645, %dma_start3A_650] : memref<4x8x128xi32, #tpu.memory_space<vmem>> -> memref<1x1x128xi32, #tpu.memory_space<vmem>>
      %dma_start3A_652 = tpu.memref_squeeze %dma_start3A_651 : memref<1x1x128xi32, #tpu.memory_space<vmem>> -> memref<128xi32, #tpu.memory_space<vmem>>
      %dma_start3A_653 = arith.constant 0 : i32
      %dma_start3A_654 = tpu.memref_slice %arg13[%dma_start3A_653] : memref<100352xf32, #tpu.memory_space<vmem_shared>> -> memref<100352xf32, #tpu.memory_space<vmem_shared>>
      tpu.enqueue_indirect_dma source(%dma_start3A_654 : memref<100352xf32, #tpu.memory_space<vmem_shared>>) target(%dma_start3A_649 : memref<128xf32, #tpu.memory_space<vmem>>) offsets(%dma_start3A_652 : memref<128xi32, #tpu.memory_space<vmem>>) semaphore(%arg18 : memref<!tpu.dma_semaphore, #tpu.memory_space<semaphore_mem>>)
      %dma_start3A_655 = arith.constant 1 : i32
      %dma_start3A_656 = arith.constant 1 : i32
      %dma_start3A_657 = arith.constant 0 : i32
      %dma_start3A_658 = tpu.memref_slice %arg11[%rem3A_629, %dma_start3A_656, %dma_start3A_657] : memref<4x8x128xf32, #tpu.memory_space<vmem>> -> memref<1x1x128xf32, #tpu.memory_space<vmem>>
      %dma_start3A_659 = tpu.memref_squeeze %dma_start3A_658 : memref<1x1x128xf32, #tpu.memory_space<vmem>> -> memref<128xf32, #tpu.memory_space<vmem>>
      %dma_start3A_660 = arith.constant 0 : i32
      %dma_start3A_661 = tpu.memref_slice %arg9[%rem3A_629, %dma_start3A_655, %dma_start3A_660] : memref<4x8x128xi32, #tpu.memory_space<vmem>> -> memref<1x1x128xi32, #tpu.memory_space<vmem>>
      %dma_start3A_662 = tpu.memref_squeeze %dma_start3A_661 : memref<1x1x128xi32, #tpu.memory_space<vmem>> -> memref<128xi32, #tpu.memory_space<vmem>>
      %dma_start3A_663 = arith.constant 0 : i32
      %dma_start3A_664 = tpu.memref_slice %arg13[%dma_start3A_663] : memref<100352xf32, #tpu.memory_space<vmem_shared>> -> memref<100352xf32, #tpu.memory_space<vmem_shared>>
      tpu.enqueue_indirect_dma source(%dma_start3A_664 : memref<100352xf32, #tpu.memory_space<vmem_shared>>) target(%dma_start3A_659 : memref<128xf32, #tpu.memory_space<vmem>>) offsets(%dma_start3A_662 : memref<128xi32, #tpu.memory_space<vmem>>) semaphore(%arg18 : memref<!tpu.dma_semaphore, #tpu.memory_space<semaphore_mem>>)
      %dma_start3A_665 = arith.constant 2 : i32
      %dma_start3A_666 = arith.constant 2 : i32
      %dma_start3A_667 = arith.constant 0 : i32
      %dma_start3A_668 = tpu.memref_slice %arg11[%rem3A_629, %dma_start3A_666, %dma_start3A_667] : memref<4x8x128xf32, #tpu.memory_space<vmem>> -> memref<1x1x128xf32, #tpu.memory_space<vmem>>
      %dma_start3A_669 = tpu.memref_squeeze %dma_start3A_668 : memref<1x1x128xf32, #tpu.memory_space<vmem>> -> memref<128xf32, #tpu.memory_space<vmem>>
      %dma_start3A_670 = arith.constant 0 : i32
      %dma_start3A_671 = tpu.memref_slice %arg9[%rem3A_629, %dma_start3A_665, %dma_start3A_670] : memref<4x8x128xi32, #tpu.memory_space<vmem>> -> memref<1x1x128xi32, #tpu.memory_space<vmem>>
      %dma_start3A_672 = tpu.memref_squeeze %dma_start3A_671 : memref<1x1x128xi32, #tpu.memory_space<vmem>> -> memref<128xi32, #tpu.memory_space<vmem>>
      %dma_start3A_673 = arith.constant 0 : i32
      %dma_start3A_674 = tpu.memref_slice %arg13[%dma_start3A_673] : memref<100352xf32, #tpu.memory_space<vmem_shared>> -> memref<100352xf32, #tpu.memory_space<vmem_shared>>
      tpu.enqueue_indirect_dma source(%dma_start3A_674 : memref<100352xf32, #tpu.memory_space<vmem_shared>>) target(%dma_start3A_669 : memref<128xf32, #tpu.memory_space<vmem>>) offsets(%dma_start3A_672 : memref<128xi32, #tpu.memory_space<vmem>>) semaphore(%arg18 : memref<!tpu.dma_semaphore, #tpu.memory_space<semaphore_mem>>)
      %dma_start3A_675 = arith.constant 3 : i32
      %dma_start3A_676 = arith.constant 3 : i32
      %dma_start3A_677 = arith.constant 0 : i32
      %dma_start3A_678 = tpu.memref_slice %arg11[%rem3A_629, %dma_start3A_676, %dma_start3A_677] : memref<4x8x128xf32, #tpu.memory_space<vmem>> -> memref<1x1x128xf32, #tpu.memory_space<vmem>>
      %dma_start3A_679 = tpu.memref_squeeze %dma_start3A_678 : memref<1x1x128xf32, #tpu.memory_space<vmem>> -> memref<128xf32, #tpu.memory_space<vmem>>
      %dma_start3A_680 = arith.constant 0 : i32
      %dma_start3A_681 = tpu.memref_slice %arg9[%rem3A_629, %dma_start3A_675, %dma_start3A_680] : memref<4x8x128xi32, #tpu.memory_space<vmem>> -> memref<1x1x128xi32, #tpu.memory_space<vmem>>
      %dma_start3A_682 = tpu.memref_squeeze %dma_start3A_681 : memref<1x1x128xi32, #tpu.memory_space<vmem>> -> memref<128xi32, #tpu.memory_space<vmem>>
      %dma_start3A_683 = arith.constant 0 : i32
      %dma_start3A_684 = tpu.memref_slice %arg13[%dma_start3A_683] : memref<100352xf32, #tpu.memory_space<vmem_shared>> -> memref<100352xf32, #tpu.memory_space<vmem_shared>>
      tpu.enqueue_indirect_dma source(%dma_start3A_684 : memref<100352xf32, #tpu.memory_space<vmem_shared>>) target(%dma_start3A_679 : memref<128xf32, #tpu.memory_space<vmem>>) offsets(%dma_start3A_682 : memref<128xi32, #tpu.memory_space<vmem>>) semaphore(%arg18 : memref<!tpu.dma_semaphore, #tpu.memory_space<semaphore_mem>>)
      %dma_start3A_685 = arith.constant 4 : i32
      %dma_start3A_686 = arith.constant 4 : i32
      %dma_start3A_687 = arith.constant 0 : i32
      %dma_start3A_688 = tpu.memref_slice %arg11[%rem3A_629, %dma_start3A_686, %dma_start3A_687] : memref<4x8x128xf32, #tpu.memory_space<vmem>> -> memref<1x1x128xf32, #tpu.memory_space<vmem>>
      %dma_start3A_689 = tpu.memref_squeeze %dma_start3A_688 : memref<1x1x128xf32, #tpu.memory_space<vmem>> -> memref<128xf32, #tpu.memory_space<vmem>>
      %dma_start3A_690 = arith.constant 0 : i32
      %dma_start3A_691 = tpu.memref_slice %arg9[%rem3A_629, %dma_start3A_685, %dma_start3A_690] : memref<4x8x128xi32, #tpu.memory_space<vmem>> -> memref<1x1x128xi32, #tpu.memory_space<vmem>>
      %dma_start3A_692 = tpu.memref_squeeze %dma_start3A_691 : memref<1x1x128xi32, #tpu.memory_space<vmem>> -> memref<128xi32, #tpu.memory_space<vmem>>
      %dma_start3A_693 = arith.constant 0 : i32
      %dma_start3A_694 = tpu.memref_slice %arg13[%dma_start3A_693] : memref<100352xf32, #tpu.memory_space<vmem_shared>> -> memref<100352xf32, #tpu.memory_space<vmem_shared>>
      tpu.enqueue_indirect_dma source(%dma_start3A_694 : memref<100352xf32, #tpu.memory_space<vmem_shared>>) target(%dma_start3A_689 : memref<128xf32, #tpu.memory_space<vmem>>) offsets(%dma_start3A_692 : memref<128xi32, #tpu.memory_space<vmem>>) semaphore(%arg18 : memref<!tpu.dma_semaphore, #tpu.memory_space<semaphore_mem>>)
      %dma_start3A_695 = arith.constant 5 : i32
      %dma_start3A_696 = arith.constant 5 : i32
      %dma_start3A_697 = arith.constant 0 : i32
      %dma_start3A_698 = tpu.memref_slice %arg11[%rem3A_629, %dma_start3A_696, %dma_start3A_697] : memref<4x8x128xf32, #tpu.memory_space<vmem>> -> memref<1x1x128xf32, #tpu.memory_space<vmem>>
      %dma_start3A_699 = tpu.memref_squeeze %dma_start3A_698 : memref<1x1x128xf32, #tpu.memory_space<vmem>> -> memref<128xf32, #tpu.memory_space<vmem>>
      %dma_start3A_700 = arith.constant 0 : i32
      %dma_start3A_701 = tpu.memref_slice %arg9[%rem3A_629, %dma_start3A_695, %dma_start3A_700] : memref<4x8x128xi32, #tpu.memory_space<vmem>> -> memref<1x1x128xi32, #tpu.memory_space<vmem>>
      %dma_start3A_702 = tpu.memref_squeeze %dma_start3A_701 : memref<1x1x128xi32, #tpu.memory_space<vmem>> -> memref<128xi32, #tpu.memory_space<vmem>>
      %dma_start3A_703 = arith.constant 0 : i32
      %dma_start3A_704 = tpu.memref_slice %arg13[%dma_start3A_703] : memref<100352xf32, #tpu.memory_space<vmem_shared>> -> memref<100352xf32, #tpu.memory_space<vmem_shared>>
      tpu.enqueue_indirect_dma source(%dma_start3A_704 : memref<100352xf32, #tpu.memory_space<vmem_shared>>) target(%dma_start3A_699 : memref<128xf32, #tpu.memory_space<vmem>>) offsets(%dma_start3A_702 : memref<128xi32, #tpu.memory_space<vmem>>) semaphore(%arg18 : memref<!tpu.dma_semaphore, #tpu.memory_space<semaphore_mem>>)
      %dma_start3A_705 = arith.constant 6 : i32
      %dma_start3A_706 = arith.constant 6 : i32
      %dma_start3A_707 = arith.constant 0 : i32
      %dma_start3A_708 = tpu.memref_slice %arg11[%rem3A_629, %dma_start3A_706, %dma_start3A_707] : memref<4x8x128xf32, #tpu.memory_space<vmem>> -> memref<1x1x128xf32, #tpu.memory_space<vmem>>
      %dma_start3A_709 = tpu.memref_squeeze %dma_start3A_708 : memref<1x1x128xf32, #tpu.memory_space<vmem>> -> memref<128xf32, #tpu.memory_space<vmem>>
      %dma_start3A_710 = arith.constant 0 : i32
      %dma_start3A_711 = tpu.memref_slice %arg9[%rem3A_629, %dma_start3A_705, %dma_start3A_710] : memref<4x8x128xi32, #tpu.memory_space<vmem>> -> memref<1x1x128xi32, #tpu.memory_space<vmem>>
      %dma_start3A_712 = tpu.memref_squeeze %dma_start3A_711 : memref<1x1x128xi32, #tpu.memory_space<vmem>> -> memref<128xi32, #tpu.memory_space<vmem>>
      %dma_start3A_713 = arith.constant 0 : i32
      %dma_start3A_714 = tpu.memref_slice %arg13[%dma_start3A_713] : memref<100352xf32, #tpu.memory_space<vmem_shared>> -> memref<100352xf32, #tpu.memory_space<vmem_shared>>
      tpu.enqueue_indirect_dma source(%dma_start3A_714 : memref<100352xf32, #tpu.memory_space<vmem_shared>>) target(%dma_start3A_709 : memref<128xf32, #tpu.memory_space<vmem>>) offsets(%dma_start3A_712 : memref<128xi32, #tpu.memory_space<vmem>>) semaphore(%arg18 : memref<!tpu.dma_semaphore, #tpu.memory_space<semaphore_mem>>)
      %dma_start3A_715 = arith.constant 7 : i32
      %dma_start3A_716 = arith.constant 7 : i32
      %dma_start3A_717 = arith.constant 0 : i32
      %dma_start3A_718 = tpu.memref_slice %arg11[%rem3A_629, %dma_start3A_716, %dma_start3A_717] : memref<4x8x128xf32, #tpu.memory_space<vmem>> -> memref<1x1x128xf32, #tpu.memory_space<vmem>>
      %dma_start3A_719 = tpu.memref_squeeze %dma_start3A_718 : memref<1x1x128xf32, #tpu.memory_space<vmem>> -> memref<128xf32, #tpu.memory_space<vmem>>
      %dma_start3A_720 = arith.constant 0 : i32
      %dma_start3A_721 = tpu.memref_slice %arg9[%rem3A_629, %dma_start3A_715, %dma_start3A_720] : memref<4x8x128xi32, #tpu.memory_space<vmem>> -> memref<1x1x128xi32, #tpu.memory_space<vmem>>
      %dma_start3A_722 = tpu.memref_squeeze %dma_start3A_721 : memref<1x1x128xi32, #tpu.memory_space<vmem>> -> memref<128xi32, #tpu.memory_space<vmem>>
      %dma_start3A_723 = arith.constant 0 : i32
      %dma_start3A_724 = tpu.memref_slice %arg13[%dma_start3A_723] : memref<100352xf32, #tpu.memory_space<vmem_shared>> -> memref<100352xf32, #tpu.memory_space<vmem_shared>>
      tpu.enqueue_indirect_dma source(%dma_start3A_724 : memref<100352xf32, #tpu.memory_space<vmem_shared>>) target(%dma_start3A_719 : memref<128xf32, #tpu.memory_space<vmem>>) offsets(%dma_start3A_722 : memref<128xi32, #tpu.memory_space<vmem>>) semaphore(%arg18 : memref<!tpu.dma_semaphore, #tpu.memory_space<semaphore_mem>>)
      %dma_start3A_725 = arith.constant 0 : i32
      %dma_start3A_726 = arith.constant 0 : i32
      %dma_start3A_727 = arith.constant 0 : i32
      %dma_start3A_728 = tpu.memref_slice %arg12[%rem3A_629, %dma_start3A_726, %dma_start3A_727] : memref<4x8x128xf32, #tpu.memory_space<vmem>> -> memref<1x1x128xf32, #tpu.memory_space<vmem>>
      %dma_start3A_729 = tpu.memref_squeeze %dma_start3A_728 : memref<1x1x128xf32, #tpu.memory_space<vmem>> -> memref<128xf32, #tpu.memory_space<vmem>>
      %dma_start3A_730 = arith.constant 0 : i32
      %dma_start3A_731 = tpu.memref_slice %arg9[%rem3A_629, %dma_start3A_725, %dma_start3A_730] : memref<4x8x128xi32, #tpu.memory_space<vmem>> -> memref<1x1x128xi32, #tpu.memory_space<vmem>>
      %dma_start3A_732 = tpu.memref_squeeze %dma_start3A_731 : memref<1x1x128xi32, #tpu.memory_space<vmem>> -> memref<128xi32, #tpu.memory_space<vmem>>
      %dma_start3A_733 = arith.constant 0 : i32
      %dma_start3A_734 = tpu.memref_slice %arg14[%dma_start3A_733] : memref<100352xf32, #tpu.memory_space<vmem_shared>> -> memref<100352xf32, #tpu.memory_space<vmem_shared>>
      tpu.enqueue_indirect_dma source(%dma_start3A_734 : memref<100352xf32, #tpu.memory_space<vmem_shared>>) target(%dma_start3A_729 : memref<128xf32, #tpu.memory_space<vmem>>) offsets(%dma_start3A_732 : memref<128xi32, #tpu.memory_space<vmem>>) semaphore(%arg18 : memref<!tpu.dma_semaphore, #tpu.memory_space<semaphore_mem>>)
      %dma_start3A_735 = arith.constant 1 : i32
      %dma_start3A_736 = arith.constant 1 : i32
      %dma_start3A_737 = arith.constant 0 : i32
      %dma_start3A_738 = tpu.memref_slice %arg12[%rem3A_629, %dma_start3A_736, %dma_start3A_737] : memref<4x8x128xf32, #tpu.memory_space<vmem>> -> memref<1x1x128xf32, #tpu.memory_space<vmem>>
      %dma_start3A_739 = tpu.memref_squeeze %dma_start3A_738 : memref<1x1x128xf32, #tpu.memory_space<vmem>> -> memref<128xf32, #tpu.memory_space<vmem>>
      %dma_start3A_740 = arith.constant 0 : i32
      %dma_start3A_741 = tpu.memref_slice %arg9[%rem3A_629, %dma_start3A_735, %dma_start3A_740] : memref<4x8x128xi32, #tpu.memory_space<vmem>> -> memref<1x1x128xi32, #tpu.memory_space<vmem>>
      %dma_start3A_742 = tpu.memref_squeeze %dma_start3A_741 : memref<1x1x128xi32, #tpu.memory_space<vmem>> -> memref<128xi32, #tpu.memory_space<vmem>>
      %dma_start3A_743 = arith.constant 0 : i32
      %dma_start3A_744 = tpu.memref_slice %arg14[%dma_start3A_743] : memref<100352xf32, #tpu.memory_space<vmem_shared>> -> memref<100352xf32, #tpu.memory_space<vmem_shared>>
      tpu.enqueue_indirect_dma source(%dma_start3A_744 : memref<100352xf32, #tpu.memory_space<vmem_shared>>) target(%dma_start3A_739 : memref<128xf32, #tpu.memory_space<vmem>>) offsets(%dma_start3A_742 : memref<128xi32, #tpu.memory_space<vmem>>) semaphore(%arg18 : memref<!tpu.dma_semaphore, #tpu.memory_space<semaphore_mem>>)
      %dma_start3A_745 = arith.constant 2 : i32
      %dma_start3A_746 = arith.constant 2 : i32
      %dma_start3A_747 = arith.constant 0 : i32
      %dma_start3A_748 = tpu.memref_slice %arg12[%rem3A_629, %dma_start3A_746, %dma_start3A_747] : memref<4x8x128xf32, #tpu.memory_space<vmem>> -> memref<1x1x128xf32, #tpu.memory_space<vmem>>
      %dma_start3A_749 = tpu.memref_squeeze %dma_start3A_748 : memref<1x1x128xf32, #tpu.memory_space<vmem>> -> memref<128xf32, #tpu.memory_space<vmem>>
      %dma_start3A_750 = arith.constant 0 : i32
      %dma_start3A_751 = tpu.memref_slice %arg9[%rem3A_629, %dma_start3A_745, %dma_start3A_750] : memref<4x8x128xi32, #tpu.memory_space<vmem>> -> memref<1x1x128xi32, #tpu.memory_space<vmem>>
      %dma_start3A_752 = tpu.memref_squeeze %dma_start3A_751 : memref<1x1x128xi32, #tpu.memory_space<vmem>> -> memref<128xi32, #tpu.memory_space<vmem>>
      %dma_start3A_753 = arith.constant 0 : i32
      %dma_start3A_754 = tpu.memref_slice %arg14[%dma_start3A_753] : memref<100352xf32, #tpu.memory_space<vmem_shared>> -> memref<100352xf32, #tpu.memory_space<vmem_shared>>
      tpu.enqueue_indirect_dma source(%dma_start3A_754 : memref<100352xf32, #tpu.memory_space<vmem_shared>>) target(%dma_start3A_749 : memref<128xf32, #tpu.memory_space<vmem>>) offsets(%dma_start3A_752 : memref<128xi32, #tpu.memory_space<vmem>>) semaphore(%arg18 : memref<!tpu.dma_semaphore, #tpu.memory_space<semaphore_mem>>)
      %dma_start3A_755 = arith.constant 3 : i32
      %dma_start3A_756 = arith.constant 3 : i32
      %dma_start3A_757 = arith.constant 0 : i32
      %dma_start3A_758 = tpu.memref_slice %arg12[%rem3A_629, %dma_start3A_756, %dma_start3A_757] : memref<4x8x128xf32, #tpu.memory_space<vmem>> -> memref<1x1x128xf32, #tpu.memory_space<vmem>>
      %dma_start3A_759 = tpu.memref_squeeze %dma_start3A_758 : memref<1x1x128xf32, #tpu.memory_space<vmem>> -> memref<128xf32, #tpu.memory_space<vmem>>
      %dma_start3A_760 = arith.constant 0 : i32
      %dma_start3A_761 = tpu.memref_slice %arg9[%rem3A_629, %dma_start3A_755, %dma_start3A_760] : memref<4x8x128xi32, #tpu.memory_space<vmem>> -> memref<1x1x128xi32, #tpu.memory_space<vmem>>
      %dma_start3A_762 = tpu.memref_squeeze %dma_start3A_761 : memref<1x1x128xi32, #tpu.memory_space<vmem>> -> memref<128xi32, #tpu.memory_space<vmem>>
      %dma_start3A_763 = arith.constant 0 : i32
      %dma_start3A_764 = tpu.memref_slice %arg14[%dma_start3A_763] : memref<100352xf32, #tpu.memory_space<vmem_shared>> -> memref<100352xf32, #tpu.memory_space<vmem_shared>>
      tpu.enqueue_indirect_dma source(%dma_start3A_764 : memref<100352xf32, #tpu.memory_space<vmem_shared>>) target(%dma_start3A_759 : memref<128xf32, #tpu.memory_space<vmem>>) offsets(%dma_start3A_762 : memref<128xi32, #tpu.memory_space<vmem>>) semaphore(%arg18 : memref<!tpu.dma_semaphore, #tpu.memory_space<semaphore_mem>>)
      %dma_start3A_765 = arith.constant 4 : i32
      %dma_start3A_766 = arith.constant 4 : i32
      %dma_start3A_767 = arith.constant 0 : i32
      %dma_start3A_768 = tpu.memref_slice %arg12[%rem3A_629, %dma_start3A_766, %dma_start3A_767] : memref<4x8x128xf32, #tpu.memory_space<vmem>> -> memref<1x1x128xf32, #tpu.memory_space<vmem>>
      %dma_start3A_769 = tpu.memref_squeeze %dma_start3A_768 : memref<1x1x128xf32, #tpu.memory_space<vmem>> -> memref<128xf32, #tpu.memory_space<vmem>>
      %dma_start3A_770 = arith.constant 0 : i32
      %dma_start3A_771 = tpu.memref_slice %arg9[%rem3A_629, %dma_start3A_765, %dma_start3A_770] : memref<4x8x128xi32, #tpu.memory_space<vmem>> -> memref<1x1x128xi32, #tpu.memory_space<vmem>>
      %dma_start3A_772 = tpu.memref_squeeze %dma_start3A_771 : memref<1x1x128xi32, #tpu.memory_space<vmem>> -> memref<128xi32, #tpu.memory_space<vmem>>
      %dma_start3A_773 = arith.constant 0 : i32
      %dma_start3A_774 = tpu.memref_slice %arg14[%dma_start3A_773] : memref<100352xf32, #tpu.memory_space<vmem_shared>> -> memref<100352xf32, #tpu.memory_space<vmem_shared>>
      tpu.enqueue_indirect_dma source(%dma_start3A_774 : memref<100352xf32, #tpu.memory_space<vmem_shared>>) target(%dma_start3A_769 : memref<128xf32, #tpu.memory_space<vmem>>) offsets(%dma_start3A_772 : memref<128xi32, #tpu.memory_space<vmem>>) semaphore(%arg18 : memref<!tpu.dma_semaphore, #tpu.memory_space<semaphore_mem>>)
      %dma_start3A_775 = arith.constant 5 : i32
      %dma_start3A_776 = arith.constant 5 : i32
      %dma_start3A_777 = arith.constant 0 : i32
      %dma_start3A_778 = tpu.memref_slice %arg12[%rem3A_629, %dma_start3A_776, %dma_start3A_777] : memref<4x8x128xf32, #tpu.memory_space<vmem>> -> memref<1x1x128xf32, #tpu.memory_space<vmem>>
      %dma_start3A_779 = tpu.memref_squeeze %dma_start3A_778 : memref<1x1x128xf32, #tpu.memory_space<vmem>> -> memref<128xf32, #tpu.memory_space<vmem>>
      %dma_start3A_780 = arith.constant 0 : i32
      %dma_start3A_781 = tpu.memref_slice %arg9[%rem3A_629, %dma_start3A_775, %dma_start3A_780] : memref<4x8x128xi32, #tpu.memory_space<vmem>> -> memref<1x1x128xi32, #tpu.memory_space<vmem>>
      %dma_start3A_782 = tpu.memref_squeeze %dma_start3A_781 : memref<1x1x128xi32, #tpu.memory_space<vmem>> -> memref<128xi32, #tpu.memory_space<vmem>>
      %dma_start3A_783 = arith.constant 0 : i32
      %dma_start3A_784 = tpu.memref_slice %arg14[%dma_start3A_783] : memref<100352xf32, #tpu.memory_space<vmem_shared>> -> memref<100352xf32, #tpu.memory_space<vmem_shared>>
      tpu.enqueue_indirect_dma source(%dma_start3A_784 : memref<100352xf32, #tpu.memory_space<vmem_shared>>) target(%dma_start3A_779 : memref<128xf32, #tpu.memory_space<vmem>>) offsets(%dma_start3A_782 : memref<128xi32, #tpu.memory_space<vmem>>) semaphore(%arg18 : memref<!tpu.dma_semaphore, #tpu.memory_space<semaphore_mem>>)
      %dma_start3A_785 = arith.constant 6 : i32
      %dma_start3A_786 = arith.constant 6 : i32
      %dma_start3A_787 = arith.constant 0 : i32
      %dma_start3A_788 = tpu.memref_slice %arg12[%rem3A_629, %dma_start3A_786, %dma_start3A_787] : memref<4x8x128xf32, #tpu.memory_space<vmem>> -> memref<1x1x128xf32, #tpu.memory_space<vmem>>
      %dma_start3A_789 = tpu.memref_squeeze %dma_start3A_788 : memref<1x1x128xf32, #tpu.memory_space<vmem>> -> memref<128xf32, #tpu.memory_space<vmem>>
      %dma_start3A_790 = arith.constant 0 : i32
      %dma_start3A_791 = tpu.memref_slice %arg9[%rem3A_629, %dma_start3A_785, %dma_start3A_790] : memref<4x8x128xi32, #tpu.memory_space<vmem>> -> memref<1x1x128xi32, #tpu.memory_space<vmem>>
      %dma_start3A_792 = tpu.memref_squeeze %dma_start3A_791 : memref<1x1x128xi32, #tpu.memory_space<vmem>> -> memref<128xi32, #tpu.memory_space<vmem>>
      %dma_start3A_793 = arith.constant 0 : i32
      %dma_start3A_794 = tpu.memref_slice %arg14[%dma_start3A_793] : memref<100352xf32, #tpu.memory_space<vmem_shared>> -> memref<100352xf32, #tpu.memory_space<vmem_shared>>
      tpu.enqueue_indirect_dma source(%dma_start3A_794 : memref<100352xf32, #tpu.memory_space<vmem_shared>>) target(%dma_start3A_789 : memref<128xf32, #tpu.memory_space<vmem>>) offsets(%dma_start3A_792 : memref<128xi32, #tpu.memory_space<vmem>>) semaphore(%arg18 : memref<!tpu.dma_semaphore, #tpu.memory_space<semaphore_mem>>)
      %dma_start3A_795 = arith.constant 7 : i32
      %dma_start3A_796 = arith.constant 7 : i32
      %dma_start3A_797 = arith.constant 0 : i32
      %dma_start3A_798 = tpu.memref_slice %arg12[%rem3A_629, %dma_start3A_796, %dma_start3A_797] : memref<4x8x128xf32, #tpu.memory_space<vmem>> -> memref<1x1x128xf32, #tpu.memory_space<vmem>>
      %dma_start3A_799 = tpu.memref_squeeze %dma_start3A_798 : memref<1x1x128xf32, #tpu.memory_space<vmem>> -> memref<128xf32, #tpu.memory_space<vmem>>
      %dma_start3A_800 = arith.constant 0 : i32
      %dma_start3A_801 = tpu.memref_slice %arg9[%rem3A_629, %dma_start3A_795, %dma_start3A_800] : memref<4x8x128xi32, #tpu.memory_space<vmem>> -> memref<1x1x128xi32, #tpu.memory_space<vmem>>
      %dma_start3A_802 = tpu.memref_squeeze %dma_start3A_801 : memref<1x1x128xi32, #tpu.memory_space<vmem>> -> memref<128xi32, #tpu.memory_space<vmem>>
      %dma_start3A_803 = arith.constant 0 : i32
      %dma_start3A_804 = tpu.memref_slice %arg14[%dma_start3A_803] : memref<100352xf32, #tpu.memory_space<vmem_shared>> -> memref<100352xf32, #tpu.memory_space<vmem_shared>>
      tpu.enqueue_indirect_dma source(%dma_start3A_804 : memref<100352xf32, #tpu.memory_space<vmem_shared>>) target(%dma_start3A_799 : memref<128xf32, #tpu.memory_space<vmem>>) offsets(%dma_start3A_802 : memref<128xi32, #tpu.memory_space<vmem>>) semaphore(%arg18 : memref<!tpu.dma_semaphore, #tpu.memory_space<semaphore_mem>>)
      %ge3A_805 = arith.constant 3 : i32
      %ge3A_806 = arith.cmpi sge, %add3A_628, %ge3A_805 : i32
      %convert_element_type3A_807 = arith.extui %ge3A_806 : i1 to i32
      %cond3A_808 = arith.constant 0 : i32
      %cond3A_809 = arith.cmpi ne, %convert_element_type3A_807, %cond3A_808 : i32
      scf.if %cond3A_809 {
        %add3A_1135 = arith.constant 1 : i32
        %add3A_1136 = arith.addi %add3A_628, %add3A_1135 : i32
        %rem3A_1137 = arith.constant 4 : i32
        %rem3A_1138 = arith.remsi %add3A_1136, %rem3A_1137 : i32
        %dma_wait3A_1139 = arith.constant 0 : i32
        %dma_wait3A_1140 = arith.constant 0 : i32
        %dma_wait3A_1141 = arith.constant 0 : i32
        %dma_wait3A_1142 = tpu.memref_slice %arg11[%rem3A_1138, %dma_wait3A_1139, %dma_wait3A_1141] : memref<4x8x128xf32, #tpu.memory_space<vmem>> -> memref<1x1x128xf32, #tpu.memory_space<vmem>>
        %dma_wait3A_1143 = tpu.memref_squeeze %dma_wait3A_1142 : memref<1x1x128xf32, #tpu.memory_space<vmem>> -> memref<128xf32, #tpu.memory_space<vmem>>
        %dma_wait3A_1144 = arith.constant 0 : i32
        %dma_wait3A_1145 = tpu.memref_slice %arg10[%rem3A_1138, %dma_wait3A_1140, %dma_wait3A_1144] : memref<4x8x128xi32, #tpu.memory_space<vmem>> -> memref<1x1x128xi32, #tpu.memory_space<vmem>>
        %dma_wait3A_1146 = tpu.memref_squeeze %dma_wait3A_1145 : memref<1x1x128xi32, #tpu.memory_space<vmem>> -> memref<128xi32, #tpu.memory_space<vmem>>
        %dma_wait3A_1147 = arith.constant 0 : i32
        %dma_wait3A_1148 = tpu.memref_slice %arg15[%dma_wait3A_1147] : memref<100352xf32, #tpu.memory_space<vmem_shared>> -> memref<100352xf32, #tpu.memory_space<vmem_shared>>
        tpu.wait_indirect_dma semaphore(%arg19 : memref<!tpu.dma_semaphore, #tpu.memory_space<semaphore_mem>>) src(%dma_wait3A_1143 : memref<128xf32, #tpu.memory_space<vmem>>) dst(%dma_wait3A_1148 : memref<100352xf32, #tpu.memory_space<vmem_shared>>)
        %dma_wait3A_1149 = arith.constant 1 : i32
        %dma_wait3A_1150 = arith.constant 1 : i32
        %dma_wait3A_1151 = arith.constant 0 : i32
        %dma_wait3A_1152 = tpu.memref_slice %arg11[%rem3A_1138, %dma_wait3A_1149, %dma_wait3A_1151] : memref<4x8x128xf32, #tpu.memory_space<vmem>> -> memref<1x1x128xf32, #tpu.memory_space<vmem>>
        %dma_wait3A_1153 = tpu.memref_squeeze %dma_wait3A_1152 : memref<1x1x128xf32, #tpu.memory_space<vmem>> -> memref<128xf32, #tpu.memory_space<vmem>>
        %dma_wait3A_1154 = arith.constant 0 : i32
        %dma_wait3A_1155 = tpu.memref_slice %arg10[%rem3A_1138, %dma_wait3A_1150, %dma_wait3A_1154] : memref<4x8x128xi32, #tpu.memory_space<vmem>> -> memref<1x1x128xi32, #tpu.memory_space<vmem>>
        %dma_wait3A_1156 = tpu.memref_squeeze %dma_wait3A_1155 : memref<1x1x128xi32, #tpu.memory_space<vmem>> -> memref<128xi32, #tpu.memory_space<vmem>>
        %dma_wait3A_1157 = arith.constant 0 : i32
        %dma_wait3A_1158 = tpu.memref_slice %arg15[%dma_wait3A_1157] : memref<100352xf32, #tpu.memory_space<vmem_shared>> -> memref<100352xf32, #tpu.memory_space<vmem_shared>>
        tpu.wait_indirect_dma semaphore(%arg19 : memref<!tpu.dma_semaphore, #tpu.memory_space<semaphore_mem>>) src(%dma_wait3A_1153 : memref<128xf32, #tpu.memory_space<vmem>>) dst(%dma_wait3A_1158 : memref<100352xf32, #tpu.memory_space<vmem_shared>>)
        %dma_wait3A_1159 = arith.constant 2 : i32
        %dma_wait3A_1160 = arith.constant 2 : i32
        %dma_wait3A_1161 = arith.constant 0 : i32
        %dma_wait3A_1162 = tpu.memref_slice %arg11[%rem3A_1138, %dma_wait3A_1159, %dma_wait3A_1161] : memref<4x8x128xf32, #tpu.memory_space<vmem>> -> memref<1x1x128xf32, #tpu.memory_space<vmem>>
        %dma_wait3A_1163 = tpu.memref_squeeze %dma_wait3A_1162 : memref<1x1x128xf32, #tpu.memory_space<vmem>> -> memref<128xf32, #tpu.memory_space<vmem>>
        %dma_wait3A_1164 = arith.constant 0 : i32
        %dma_wait3A_1165 = tpu.memref_slice %arg10[%rem3A_1138, %dma_wait3A_1160, %dma_wait3A_1164] : memref<4x8x128xi32, #tpu.memory_space<vmem>> -> memref<1x1x128xi32, #tpu.memory_space<vmem>>
        %dma_wait3A_1166 = tpu.memref_squeeze %dma_wait3A_1165 : memref<1x1x128xi32, #tpu.memory_space<vmem>> -> memref<128xi32, #tpu.memory_space<vmem>>
        %dma_wait3A_1167 = arith.constant 0 : i32
        %dma_wait3A_1168 = tpu.memref_slice %arg15[%dma_wait3A_1167] : memref<100352xf32, #tpu.memory_space<vmem_shared>> -> memref<100352xf32, #tpu.memory_space<vmem_shared>>
        tpu.wait_indirect_dma semaphore(%arg19 : memref<!tpu.dma_semaphore, #tpu.memory_space<semaphore_mem>>) src(%dma_wait3A_1163 : memref<128xf32, #tpu.memory_space<vmem>>) dst(%dma_wait3A_1168 : memref<100352xf32, #tpu.memory_space<vmem_shared>>)
        %dma_wait3A_1169 = arith.constant 3 : i32
        %dma_wait3A_1170 = arith.constant 3 : i32
        %dma_wait3A_1171 = arith.constant 0 : i32
        %dma_wait3A_1172 = tpu.memref_slice %arg11[%rem3A_1138, %dma_wait3A_1169, %dma_wait3A_1171] : memref<4x8x128xf32, #tpu.memory_space<vmem>> -> memref<1x1x128xf32, #tpu.memory_space<vmem>>
        %dma_wait3A_1173 = tpu.memref_squeeze %dma_wait3A_1172 : memref<1x1x128xf32, #tpu.memory_space<vmem>> -> memref<128xf32, #tpu.memory_space<vmem>>
        %dma_wait3A_1174 = arith.constant 0 : i32
        %dma_wait3A_1175 = tpu.memref_slice %arg10[%rem3A_1138, %dma_wait3A_1170, %dma_wait3A_1174] : memref<4x8x128xi32, #tpu.memory_space<vmem>> -> memref<1x1x128xi32, #tpu.memory_space<vmem>>
        %dma_wait3A_1176 = tpu.memref_squeeze %dma_wait3A_1175 : memref<1x1x128xi32, #tpu.memory_space<vmem>> -> memref<128xi32, #tpu.memory_space<vmem>>
        %dma_wait3A_1177 = arith.constant 0 : i32
        %dma_wait3A_1178 = tpu.memref_slice %arg15[%dma_wait3A_1177] : memref<100352xf32, #tpu.memory_space<vmem_shared>> -> memref<100352xf32, #tpu.memory_space<vmem_shared>>
        tpu.wait_indirect_dma semaphore(%arg19 : memref<!tpu.dma_semaphore, #tpu.memory_space<semaphore_mem>>) src(%dma_wait3A_1173 : memref<128xf32, #tpu.memory_space<vmem>>) dst(%dma_wait3A_1178 : memref<100352xf32, #tpu.memory_space<vmem_shared>>)
        %dma_wait3A_1179 = arith.constant 4 : i32
        %dma_wait3A_1180 = arith.constant 4 : i32
        %dma_wait3A_1181 = arith.constant 0 : i32
        %dma_wait3A_1182 = tpu.memref_slice %arg11[%rem3A_1138, %dma_wait3A_1179, %dma_wait3A_1181] : memref<4x8x128xf32, #tpu.memory_space<vmem>> -> memref<1x1x128xf32, #tpu.memory_space<vmem>>
        %dma_wait3A_1183 = tpu.memref_squeeze %dma_wait3A_1182 : memref<1x1x128xf32, #tpu.memory_space<vmem>> -> memref<128xf32, #tpu.memory_space<vmem>>
        %dma_wait3A_1184 = arith.constant 0 : i32
        %dma_wait3A_1185 = tpu.memref_slice %arg10[%rem3A_1138, %dma_wait3A_1180, %dma_wait3A_1184] : memref<4x8x128xi32, #tpu.memory_space<vmem>> -> memref<1x1x128xi32, #tpu.memory_space<vmem>>
        %dma_wait3A_1186 = tpu.memref_squeeze %dma_wait3A_1185 : memref<1x1x128xi32, #tpu.memory_space<vmem>> -> memref<128xi32, #tpu.memory_space<vmem>>
        %dma_wait3A_1187 = arith.constant 0 : i32
        %dma_wait3A_1188 = tpu.memref_slice %arg15[%dma_wait3A_1187] : memref<100352xf32, #tpu.memory_space<vmem_shared>> -> memref<100352xf32, #tpu.memory_space<vmem_shared>>
        tpu.wait_indirect_dma semaphore(%arg19 : memref<!tpu.dma_semaphore, #tpu.memory_space<semaphore_mem>>) src(%dma_wait3A_1183 : memref<128xf32, #tpu.memory_space<vmem>>) dst(%dma_wait3A_1188 : memref<100352xf32, #tpu.memory_space<vmem_shared>>)
        %dma_wait3A_1189 = arith.constant 5 : i32
        %dma_wait3A_1190 = arith.constant 5 : i32
        %dma_wait3A_1191 = arith.constant 0 : i32
        %dma_wait3A_1192 = tpu.memref_slice %arg11[%rem3A_1138, %dma_wait3A_1189, %dma_wait3A_1191] : memref<4x8x128xf32, #tpu.memory_space<vmem>> -> memref<1x1x128xf32, #tpu.memory_space<vmem>>
        %dma_wait3A_1193 = tpu.memref_squeeze %dma_wait3A_1192 : memref<1x1x128xf32, #tpu.memory_space<vmem>> -> memref<128xf32, #tpu.memory_space<vmem>>
        %dma_wait3A_1194 = arith.constant 0 : i32
        %dma_wait3A_1195 = tpu.memref_slice %arg10[%rem3A_1138, %dma_wait3A_1190, %dma_wait3A_1194] : memref<4x8x128xi32, #tpu.memory_space<vmem>> -> memref<1x1x128xi32, #tpu.memory_space<vmem>>
        %dma_wait3A_1196 = tpu.memref_squeeze %dma_wait3A_1195 : memref<1x1x128xi32, #tpu.memory_space<vmem>> -> memref<128xi32, #tpu.memory_space<vmem>>
        %dma_wait3A_1197 = arith.constant 0 : i32
        %dma_wait3A_1198 = tpu.memref_slice %arg15[%dma_wait3A_1197] : memref<100352xf32, #tpu.memory_space<vmem_shared>> -> memref<100352xf32, #tpu.memory_space<vmem_shared>>
        tpu.wait_indirect_dma semaphore(%arg19 : memref<!tpu.dma_semaphore, #tpu.memory_space<semaphore_mem>>) src(%dma_wait3A_1193 : memref<128xf32, #tpu.memory_space<vmem>>) dst(%dma_wait3A_1198 : memref<100352xf32, #tpu.memory_space<vmem_shared>>)
        %dma_wait3A_1199 = arith.constant 6 : i32
        %dma_wait3A_1200 = arith.constant 6 : i32
        %dma_wait3A_1201 = arith.constant 0 : i32
        %dma_wait3A_1202 = tpu.memref_slice %arg11[%rem3A_1138, %dma_wait3A_1199, %dma_wait3A_1201] : memref<4x8x128xf32, #tpu.memory_space<vmem>> -> memref<1x1x128xf32, #tpu.memory_space<vmem>>
        %dma_wait3A_1203 = tpu.memref_squeeze %dma_wait3A_1202 : memref<1x1x128xf32, #tpu.memory_space<vmem>> -> memref<128xf32, #tpu.memory_space<vmem>>
        %dma_wait3A_1204 = arith.constant 0 : i32
        %dma_wait3A_1205 = tpu.memref_slice %arg10[%rem3A_1138, %dma_wait3A_1200, %dma_wait3A_1204] : memref<4x8x128xi32, #tpu.memory_space<vmem>> -> memref<1x1x128xi32, #tpu.memory_space<vmem>>
        %dma_wait3A_1206 = tpu.memref_squeeze %dma_wait3A_1205 : memref<1x1x128xi32, #tpu.memory_space<vmem>> -> memref<128xi32, #tpu.memory_space<vmem>>
        %dma_wait3A_1207 = arith.constant 0 : i32
        %dma_wait3A_1208 = tpu.memref_slice %arg15[%dma_wait3A_1207] : memref<100352xf32, #tpu.memory_space<vmem_shared>> -> memref<100352xf32, #tpu.memory_space<vmem_shared>>
        tpu.wait_indirect_dma semaphore(%arg19 : memref<!tpu.dma_semaphore, #tpu.memory_space<semaphore_mem>>) src(%dma_wait3A_1203 : memref<128xf32, #tpu.memory_space<vmem>>) dst(%dma_wait3A_1208 : memref<100352xf32, #tpu.memory_space<vmem_shared>>)
        %dma_wait3A_1209 = arith.constant 7 : i32
        %dma_wait3A_1210 = arith.constant 7 : i32
        %dma_wait3A_1211 = arith.constant 0 : i32
        %dma_wait3A_1212 = tpu.memref_slice %arg11[%rem3A_1138, %dma_wait3A_1209, %dma_wait3A_1211] : memref<4x8x128xf32, #tpu.memory_space<vmem>> -> memref<1x1x128xf32, #tpu.memory_space<vmem>>
        %dma_wait3A_1213 = tpu.memref_squeeze %dma_wait3A_1212 : memref<1x1x128xf32, #tpu.memory_space<vmem>> -> memref<128xf32, #tpu.memory_space<vmem>>
        %dma_wait3A_1214 = arith.constant 0 : i32
        %dma_wait3A_1215 = tpu.memref_slice %arg10[%rem3A_1138, %dma_wait3A_1210, %dma_wait3A_1214] : memref<4x8x128xi32, #tpu.memory_space<vmem>> -> memref<1x1x128xi32, #tpu.memory_space<vmem>>
        %dma_wait3A_1216 = tpu.memref_squeeze %dma_wait3A_1215 : memref<1x1x128xi32, #tpu.memory_space<vmem>> -> memref<128xi32, #tpu.memory_space<vmem>>
        %dma_wait3A_1217 = arith.constant 0 : i32
        %dma_wait3A_1218 = tpu.memref_slice %arg15[%dma_wait3A_1217] : memref<100352xf32, #tpu.memory_space<vmem_shared>> -> memref<100352xf32, #tpu.memory_space<vmem_shared>>
        tpu.wait_indirect_dma semaphore(%arg19 : memref<!tpu.dma_semaphore, #tpu.memory_space<semaphore_mem>>) src(%dma_wait3A_1213 : memref<128xf32, #tpu.memory_space<vmem>>) dst(%dma_wait3A_1218 : memref<100352xf32, #tpu.memory_space<vmem_shared>>)
        %dma_wait3A_1219 = arith.constant 0 : i32
        %dma_wait3A_1220 = arith.constant 0 : i32
        %dma_wait3A_1221 = arith.constant 0 : i32
        %dma_wait3A_1222 = tpu.memref_slice %arg12[%rem3A_1138, %dma_wait3A_1219, %dma_wait3A_1221] : memref<4x8x128xf32, #tpu.memory_space<vmem>> -> memref<1x1x128xf32, #tpu.memory_space<vmem>>
        %dma_wait3A_1223 = tpu.memref_squeeze %dma_wait3A_1222 : memref<1x1x128xf32, #tpu.memory_space<vmem>> -> memref<128xf32, #tpu.memory_space<vmem>>
        %dma_wait3A_1224 = arith.constant 0 : i32
        %dma_wait3A_1225 = tpu.memref_slice %arg10[%rem3A_1138, %dma_wait3A_1220, %dma_wait3A_1224] : memref<4x8x128xi32, #tpu.memory_space<vmem>> -> memref<1x1x128xi32, #tpu.memory_space<vmem>>
        %dma_wait3A_1226 = tpu.memref_squeeze %dma_wait3A_1225 : memref<1x1x128xi32, #tpu.memory_space<vmem>> -> memref<128xi32, #tpu.memory_space<vmem>>
        %dma_wait3A_1227 = arith.constant 0 : i32
        %dma_wait3A_1228 = tpu.memref_slice %arg16[%dma_wait3A_1227] : memref<100352xf32, #tpu.memory_space<vmem_shared>> -> memref<100352xf32, #tpu.memory_space<vmem_shared>>
        tpu.wait_indirect_dma semaphore(%arg19 : memref<!tpu.dma_semaphore, #tpu.memory_space<semaphore_mem>>) src(%dma_wait3A_1223 : memref<128xf32, #tpu.memory_space<vmem>>) dst(%dma_wait3A_1228 : memref<100352xf32, #tpu.memory_space<vmem_shared>>)
        %dma_wait3A_1229 = arith.constant 1 : i32
        %dma_wait3A_1230 = arith.constant 1 : i32
        %dma_wait3A_1231 = arith.constant 0 : i32
        %dma_wait3A_1232 = tpu.memref_slice %arg12[%rem3A_1138, %dma_wait3A_1229, %dma_wait3A_1231] : memref<4x8x128xf32, #tpu.memory_space<vmem>> -> memref<1x1x128xf32, #tpu.memory_space<vmem>>
        %dma_wait3A_1233 = tpu.memref_squeeze %dma_wait3A_1232 : memref<1x1x128xf32, #tpu.memory_space<vmem>> -> memref<128xf32, #tpu.memory_space<vmem>>
        %dma_wait3A_1234 = arith.constant 0 : i32
        %dma_wait3A_1235 = tpu.memref_slice %arg10[%rem3A_1138, %dma_wait3A_1230, %dma_wait3A_1234] : memref<4x8x128xi32, #tpu.memory_space<vmem>> -> memref<1x1x128xi32, #tpu.memory_space<vmem>>
        %dma_wait3A_1236 = tpu.memref_squeeze %dma_wait3A_1235 : memref<1x1x128xi32, #tpu.memory_space<vmem>> -> memref<128xi32, #tpu.memory_space<vmem>>
        %dma_wait3A_1237 = arith.constant 0 : i32
        %dma_wait3A_1238 = tpu.memref_slice %arg16[%dma_wait3A_1237] : memref<100352xf32, #tpu.memory_space<vmem_shared>> -> memref<100352xf32, #tpu.memory_space<vmem_shared>>
        tpu.wait_indirect_dma semaphore(%arg19 : memref<!tpu.dma_semaphore, #tpu.memory_space<semaphore_mem>>) src(%dma_wait3A_1233 : memref<128xf32, #tpu.memory_space<vmem>>) dst(%dma_wait3A_1238 : memref<100352xf32, #tpu.memory_space<vmem_shared>>)
        %dma_wait3A_1239 = arith.constant 2 : i32
        %dma_wait3A_1240 = arith.constant 2 : i32
        %dma_wait3A_1241 = arith.constant 0 : i32
        %dma_wait3A_1242 = tpu.memref_slice %arg12[%rem3A_1138, %dma_wait3A_1239, %dma_wait3A_1241] : memref<4x8x128xf32, #tpu.memory_space<vmem>> -> memref<1x1x128xf32, #tpu.memory_space<vmem>>
        %dma_wait3A_1243 = tpu.memref_squeeze %dma_wait3A_1242 : memref<1x1x128xf32, #tpu.memory_space<vmem>> -> memref<128xf32, #tpu.memory_space<vmem>>
        %dma_wait3A_1244 = arith.constant 0 : i32
        %dma_wait3A_1245 = tpu.memref_slice %arg10[%rem3A_1138, %dma_wait3A_1240, %dma_wait3A_1244] : memref<4x8x128xi32, #tpu.memory_space<vmem>> -> memref<1x1x128xi32, #tpu.memory_space<vmem>>
        %dma_wait3A_1246 = tpu.memref_squeeze %dma_wait3A_1245 : memref<1x1x128xi32, #tpu.memory_space<vmem>> -> memref<128xi32, #tpu.memory_space<vmem>>
        %dma_wait3A_1247 = arith.constant 0 : i32
        %dma_wait3A_1248 = tpu.memref_slice %arg16[%dma_wait3A_1247] : memref<100352xf32, #tpu.memory_space<vmem_shared>> -> memref<100352xf32, #tpu.memory_space<vmem_shared>>
        tpu.wait_indirect_dma semaphore(%arg19 : memref<!tpu.dma_semaphore, #tpu.memory_space<semaphore_mem>>) src(%dma_wait3A_1243 : memref<128xf32, #tpu.memory_space<vmem>>) dst(%dma_wait3A_1248 : memref<100352xf32, #tpu.memory_space<vmem_shared>>)
        %dma_wait3A_1249 = arith.constant 3 : i32
        %dma_wait3A_1250 = arith.constant 3 : i32
        %dma_wait3A_1251 = arith.constant 0 : i32
        %dma_wait3A_1252 = tpu.memref_slice %arg12[%rem3A_1138, %dma_wait3A_1249, %dma_wait3A_1251] : memref<4x8x128xf32, #tpu.memory_space<vmem>> -> memref<1x1x128xf32, #tpu.memory_space<vmem>>
        %dma_wait3A_1253 = tpu.memref_squeeze %dma_wait3A_1252 : memref<1x1x128xf32, #tpu.memory_space<vmem>> -> memref<128xf32, #tpu.memory_space<vmem>>
        %dma_wait3A_1254 = arith.constant 0 : i32
        %dma_wait3A_1255 = tpu.memref_slice %arg10[%rem3A_1138, %dma_wait3A_1250, %dma_wait3A_1254] : memref<4x8x128xi32, #tpu.memory_space<vmem>> -> memref<1x1x128xi32, #tpu.memory_space<vmem>>
        %dma_wait3A_1256 = tpu.memref_squeeze %dma_wait3A_1255 : memref<1x1x128xi32, #tpu.memory_space<vmem>> -> memref<128xi32, #tpu.memory_space<vmem>>
        %dma_wait3A_1257 = arith.constant 0 : i32
        %dma_wait3A_1258 = tpu.memref_slice %arg16[%dma_wait3A_1257] : memref<100352xf32, #tpu.memory_space<vmem_shared>> -> memref<100352xf32, #tpu.memory_space<vmem_shared>>
        tpu.wait_indirect_dma semaphore(%arg19 : memref<!tpu.dma_semaphore, #tpu.memory_space<semaphore_mem>>) src(%dma_wait3A_1253 : memref<128xf32, #tpu.memory_space<vmem>>) dst(%dma_wait3A_1258 : memref<100352xf32, #tpu.memory_space<vmem_shared>>)
        %dma_wait3A_1259 = arith.constant 4 : i32
        %dma_wait3A_1260 = arith.constant 4 : i32
        %dma_wait3A_1261 = arith.constant 0 : i32
        %dma_wait3A_1262 = tpu.memref_slice %arg12[%rem3A_1138, %dma_wait3A_1259, %dma_wait3A_1261] : memref<4x8x128xf32, #tpu.memory_space<vmem>> -> memref<1x1x128xf32, #tpu.memory_space<vmem>>
        %dma_wait3A_1263 = tpu.memref_squeeze %dma_wait3A_1262 : memref<1x1x128xf32, #tpu.memory_space<vmem>> -> memref<128xf32, #tpu.memory_space<vmem>>
        %dma_wait3A_1264 = arith.constant 0 : i32
        %dma_wait3A_1265 = tpu.memref_slice %arg10[%rem3A_1138, %dma_wait3A_1260, %dma_wait3A_1264] : memref<4x8x128xi32, #tpu.memory_space<vmem>> -> memref<1x1x128xi32, #tpu.memory_space<vmem>>
        %dma_wait3A_1266 = tpu.memref_squeeze %dma_wait3A_1265 : memref<1x1x128xi32, #tpu.memory_space<vmem>> -> memref<128xi32, #tpu.memory_space<vmem>>
        %dma_wait3A_1267 = arith.constant 0 : i32
        %dma_wait3A_1268 = tpu.memref_slice %arg16[%dma_wait3A_1267] : memref<100352xf32, #tpu.memory_space<vmem_shared>> -> memref<100352xf32, #tpu.memory_space<vmem_shared>>
        tpu.wait_indirect_dma semaphore(%arg19 : memref<!tpu.dma_semaphore, #tpu.memory_space<semaphore_mem>>) src(%dma_wait3A_1263 : memref<128xf32, #tpu.memory_space<vmem>>) dst(%dma_wait3A_1268 : memref<100352xf32, #tpu.memory_space<vmem_shared>>)
        %dma_wait3A_1269 = arith.constant 5 : i32
        %dma_wait3A_1270 = arith.constant 5 : i32
        %dma_wait3A_1271 = arith.constant 0 : i32
        %dma_wait3A_1272 = tpu.memref_slice %arg12[%rem3A_1138, %dma_wait3A_1269, %dma_wait3A_1271] : memref<4x8x128xf32, #tpu.memory_space<vmem>> -> memref<1x1x128xf32, #tpu.memory_space<vmem>>
        %dma_wait3A_1273 = tpu.memref_squeeze %dma_wait3A_1272 : memref<1x1x128xf32, #tpu.memory_space<vmem>> -> memref<128xf32, #tpu.memory_space<vmem>>
        %dma_wait3A_1274 = arith.constant 0 : i32
        %dma_wait3A_1275 = tpu.memref_slice %arg10[%rem3A_1138, %dma_wait3A_1270, %dma_wait3A_1274] : memref<4x8x128xi32, #tpu.memory_space<vmem>> -> memref<1x1x128xi32, #tpu.memory_space<vmem>>
        %dma_wait3A_1276 = tpu.memref_squeeze %dma_wait3A_1275 : memref<1x1x128xi32, #tpu.memory_space<vmem>> -> memref<128xi32, #tpu.memory_space<vmem>>
        %dma_wait3A_1277 = arith.constant 0 : i32
        %dma_wait3A_1278 = tpu.memref_slice %arg16[%dma_wait3A_1277] : memref<100352xf32, #tpu.memory_space<vmem_shared>> -> memref<100352xf32, #tpu.memory_space<vmem_shared>>
        tpu.wait_indirect_dma semaphore(%arg19 : memref<!tpu.dma_semaphore, #tpu.memory_space<semaphore_mem>>) src(%dma_wait3A_1273 : memref<128xf32, #tpu.memory_space<vmem>>) dst(%dma_wait3A_1278 : memref<100352xf32, #tpu.memory_space<vmem_shared>>)
        %dma_wait3A_1279 = arith.constant 6 : i32
        %dma_wait3A_1280 = arith.constant 6 : i32
        %dma_wait3A_1281 = arith.constant 0 : i32
        %dma_wait3A_1282 = tpu.memref_slice %arg12[%rem3A_1138, %dma_wait3A_1279, %dma_wait3A_1281] : memref<4x8x128xf32, #tpu.memory_space<vmem>> -> memref<1x1x128xf32, #tpu.memory_space<vmem>>
        %dma_wait3A_1283 = tpu.memref_squeeze %dma_wait3A_1282 : memref<1x1x128xf32, #tpu.memory_space<vmem>> -> memref<128xf32, #tpu.memory_space<vmem>>
        %dma_wait3A_1284 = arith.constant 0 : i32
        %dma_wait3A_1285 = tpu.memref_slice %arg10[%rem3A_1138, %dma_wait3A_1280, %dma_wait3A_1284] : memref<4x8x128xi32, #tpu.memory_space<vmem>> -> memref<1x1x128xi32, #tpu.memory_space<vmem>>
        %dma_wait3A_1286 = tpu.memref_squeeze %dma_wait3A_1285 : memref<1x1x128xi32, #tpu.memory_space<vmem>> -> memref<128xi32, #tpu.memory_space<vmem>>
        %dma_wait3A_1287 = arith.constant 0 : i32
        %dma_wait3A_1288 = tpu.memref_slice %arg16[%dma_wait3A_1287] : memref<100352xf32, #tpu.memory_space<vmem_shared>> -> memref<100352xf32, #tpu.memory_space<vmem_shared>>
        tpu.wait_indirect_dma semaphore(%arg19 : memref<!tpu.dma_semaphore, #tpu.memory_space<semaphore_mem>>) src(%dma_wait3A_1283 : memref<128xf32, #tpu.memory_space<vmem>>) dst(%dma_wait3A_1288 : memref<100352xf32, #tpu.memory_space<vmem_shared>>)
        %dma_wait3A_1289 = arith.constant 7 : i32
        %dma_wait3A_1290 = arith.constant 7 : i32
        %dma_wait3A_1291 = arith.constant 0 : i32
        %dma_wait3A_1292 = tpu.memref_slice %arg12[%rem3A_1138, %dma_wait3A_1289, %dma_wait3A_1291] : memref<4x8x128xf32, #tpu.memory_space<vmem>> -> memref<1x1x128xf32, #tpu.memory_space<vmem>>
        %dma_wait3A_1293 = tpu.memref_squeeze %dma_wait3A_1292 : memref<1x1x128xf32, #tpu.memory_space<vmem>> -> memref<128xf32, #tpu.memory_space<vmem>>
        %dma_wait3A_1294 = arith.constant 0 : i32
        %dma_wait3A_1295 = tpu.memref_slice %arg10[%rem3A_1138, %dma_wait3A_1290, %dma_wait3A_1294] : memref<4x8x128xi32, #tpu.memory_space<vmem>> -> memref<1x1x128xi32, #tpu.memory_space<vmem>>
        %dma_wait3A_1296 = tpu.memref_squeeze %dma_wait3A_1295 : memref<1x1x128xi32, #tpu.memory_space<vmem>> -> memref<128xi32, #tpu.memory_space<vmem>>
        %dma_wait3A_1297 = arith.constant 0 : i32
        %dma_wait3A_1298 = tpu.memref_slice %arg16[%dma_wait3A_1297] : memref<100352xf32, #tpu.memory_space<vmem_shared>> -> memref<100352xf32, #tpu.memory_space<vmem_shared>>
        tpu.wait_indirect_dma semaphore(%arg19 : memref<!tpu.dma_semaphore, #tpu.memory_space<semaphore_mem>>) src(%dma_wait3A_1293 : memref<128xf32, #tpu.memory_space<vmem>>) dst(%dma_wait3A_1298 : memref<100352xf32, #tpu.memory_space<vmem_shared>>)
      } else {
      }
      %lt3A_810 = arith.constant 97 : i32
      %lt3A_811 = arith.cmpi slt, %add3A_628, %lt3A_810 : i32
      %convert_element_type3A_812 = arith.extui %lt3A_811 : i1 to i32
      %cond3A_813 = arith.constant 0 : i32
      %cond3A_814 = arith.cmpi ne, %convert_element_type3A_812, %cond3A_813 : i32
      scf.if %cond3A_814 {
        %add3A_1135 = arith.constant 1 : i32
        %add3A_1136 = arith.addi %add3A_628, %add3A_1135 : i32
        %add3A_1137 = arith.constant 1 : i32
        %add3A_1138 = arith.addi %add3A_628, %add3A_1137 : i32
        %rem3A_1139 = arith.constant 4 : i32
        %rem3A_1140 = arith.remsi %add3A_1138, %rem3A_1139 : i32
        %mul3A_1141 = arith.constant 784 : i32
        %mul3A_1142 = arith.muli %add3A, %mul3A_1141 : i32
        %mul3A_1143 = arith.constant 8 : i32
        %mul3A_1144 = arith.muli %add3A_1136, %mul3A_1143 : i32
        %add3A_1145 = arith.addi %mul3A_1142, %mul3A_1144 : i32
        %lt3A_1146 = arith.constant 25000 : i32
        %lt3A_1147 = arith.cmpi slt, %add3A_1145, %lt3A_1146 : i32
        %convert_element_type3A_1148 = arith.extui %lt3A_1147 : i1 to i32
        %cond3A_1149 = arith.constant 0 : i32
        %cond3A_1150 = arith.cmpi ne, %convert_element_type3A_1148, %cond3A_1149 : i32
        scf.if %cond3A_1150 {
          %dma_start3A_1156 = arith.constant 0 : i32
          %dma_start3A_1157 = arith.constant 0 : i32
          %dma_start3A_1158 = tpu.memref_slice %arg9[%rem3A_1140, %dma_start3A_1156, %dma_start3A_1157] : memref<4x8x128xi32, #tpu.memory_space<vmem>> -> memref<1x8x128xi32, #tpu.memory_space<vmem>>
          %dma_start3A_1159 = tpu.memref_squeeze %dma_start3A_1158 : memref<1x8x128xi32, #tpu.memory_space<vmem>> -> memref<8x128xi32, #tpu.memory_space<vmem>>
          %dma_start3A_1160 = arith.constant 0 : i32
          %dma_start3A_1161 = tpu.memref_slice %arg2[%add3A_1145, %dma_start3A_1160] : memref<25000x128xi32, #tpu.memory_space<hbm>> -> memref<8x128xi32, #tpu.memory_space<hbm>>
          %dma_start3A_1162 = arith.constant 0 : i32
          %dma_start3A_1163 = arith.constant 0 : i32
          %dma_start3A_1164 = tpu.memref_slice %arg9[%rem3A_1140, %dma_start3A_1162, %dma_start3A_1163] : memref<4x8x128xi32, #tpu.memory_space<vmem>> -> memref<1x8x128xi32, #tpu.memory_space<vmem>>
          %dma_start3A_1165 = tpu.memref_squeeze %dma_start3A_1164 : memref<1x8x128xi32, #tpu.memory_space<vmem>> -> memref<8x128xi32, #tpu.memory_space<vmem>>
          %dma_start3A_1166 = arith.constant 0 : i32
          %dma_start3A_1167 = tpu.memref_slice %arg2[%add3A_1145, %dma_start3A_1166] : memref<25000x128xi32, #tpu.memory_space<hbm>> -> memref<8x128xi32, #tpu.memory_space<hbm>>
          tpu.enqueue_dma source(%dma_start3A_1167 : memref<8x128xi32, #tpu.memory_space<hbm>>) target(%dma_start3A_1165 : memref<8x128xi32, #tpu.memory_space<vmem>>) target_semaphore(%arg17 : memref<!tpu.dma_semaphore, #tpu.memory_space<semaphore_mem>>)
          %dma_start3A_1168 = arith.constant 0 : i32
          %dma_start3A_1169 = arith.constant 0 : i32
          %dma_start3A_1170 = tpu.memref_slice %arg10[%rem3A_1140, %dma_start3A_1168, %dma_start3A_1169] : memref<4x8x128xi32, #tpu.memory_space<vmem>> -> memref<1x8x128xi32, #tpu.memory_space<vmem>>
          %dma_start3A_1171 = tpu.memref_squeeze %dma_start3A_1170 : memref<1x8x128xi32, #tpu.memory_space<vmem>> -> memref<8x128xi32, #tpu.memory_space<vmem>>
          %dma_start3A_1172 = arith.constant 0 : i32
          %dma_start3A_1173 = tpu.memref_slice %arg3[%add3A_1145, %dma_start3A_1172] : memref<25000x128xi32, #tpu.memory_space<hbm>> -> memref<8x128xi32, #tpu.memory_space<hbm>>
          %dma_start3A_1174 = arith.constant 0 : i32
          %dma_start3A_1175 = arith.constant 0 : i32
          %dma_start3A_1176 = tpu.memref_slice %arg10[%rem3A_1140, %dma_start3A_1174, %dma_start3A_1175] : memref<4x8x128xi32, #tpu.memory_space<vmem>> -> memref<1x8x128xi32, #tpu.memory_space<vmem>>
          %dma_start3A_1177 = tpu.memref_squeeze %dma_start3A_1176 : memref<1x8x128xi32, #tpu.memory_space<vmem>> -> memref<8x128xi32, #tpu.memory_space<vmem>>
          %dma_start3A_1178 = arith.constant 0 : i32
          %dma_start3A_1179 = tpu.memref_slice %arg3[%add3A_1145, %dma_start3A_1178] : memref<25000x128xi32, #tpu.memory_space<hbm>> -> memref<8x128xi32, #tpu.memory_space<hbm>>
          tpu.enqueue_dma source(%dma_start3A_1179 : memref<8x128xi32, #tpu.memory_space<hbm>>) target(%dma_start3A_1177 : memref<8x128xi32, #tpu.memory_space<vmem>>) target_semaphore(%arg17 : memref<!tpu.dma_semaphore, #tpu.memory_space<semaphore_mem>>)
        } else {
        }
        %ge3A_1151 = arith.constant 25000 : i32
        %ge3A_1152 = arith.cmpi sge, %add3A_1145, %ge3A_1151 : i32
        %convert_element_type3A_1153 = arith.extui %ge3A_1152 : i1 to i32
        %cond3A_1154 = arith.constant 0 : i32
        %cond3A_1155 = arith.cmpi ne, %convert_element_type3A_1153, %cond3A_1154 : i32
        scf.if %cond3A_1155 {
          %dma_start3A_1156 = arith.constant 0 : i32
          %dma_start3A_1157 = arith.constant 0 : i32
          %dma_start3A_1158 = tpu.memref_slice %arg9[%rem3A_1140, %dma_start3A_1156, %dma_start3A_1157] : memref<4x8x128xi32, #tpu.memory_space<vmem>> -> memref<1x8x128xi32, #tpu.memory_space<vmem>>
          %dma_start3A_1159 = tpu.memref_squeeze %dma_start3A_1158 : memref<1x8x128xi32, #tpu.memory_space<vmem>> -> memref<8x128xi32, #tpu.memory_space<vmem>>
          %dma_start3A_1160 = arith.constant 0 : i32
          %dma_start3A_1161 = arith.constant 0 : i32
          %dma_start3A_1162 = tpu.memref_slice %arg4[%dma_start3A_1160, %dma_start3A_1161] : memref<8x128xi32, #tpu.memory_space<hbm>> -> memref<8x128xi32, #tpu.memory_space<hbm>>
          %dma_start3A_1163 = arith.constant 0 : i32
          %dma_start3A_1164 = arith.constant 0 : i32
          %dma_start3A_1165 = tpu.memref_slice %arg9[%rem3A_1140, %dma_start3A_1163, %dma_start3A_1164] : memref<4x8x128xi32, #tpu.memory_space<vmem>> -> memref<1x8x128xi32, #tpu.memory_space<vmem>>
          %dma_start3A_1166 = tpu.memref_squeeze %dma_start3A_1165 : memref<1x8x128xi32, #tpu.memory_space<vmem>> -> memref<8x128xi32, #tpu.memory_space<vmem>>
          %dma_start3A_1167 = arith.constant 0 : i32
          %dma_start3A_1168 = arith.constant 0 : i32
          %dma_start3A_1169 = tpu.memref_slice %arg4[%dma_start3A_1167, %dma_start3A_1168] : memref<8x128xi32, #tpu.memory_space<hbm>> -> memref<8x128xi32, #tpu.memory_space<hbm>>
          tpu.enqueue_dma source(%dma_start3A_1169 : memref<8x128xi32, #tpu.memory_space<hbm>>) target(%dma_start3A_1166 : memref<8x128xi32, #tpu.memory_space<vmem>>) target_semaphore(%arg17 : memref<!tpu.dma_semaphore, #tpu.memory_space<semaphore_mem>>)
          %dma_start3A_1170 = arith.constant 0 : i32
          %dma_start3A_1171 = arith.constant 0 : i32
          %dma_start3A_1172 = tpu.memref_slice %arg10[%rem3A_1140, %dma_start3A_1170, %dma_start3A_1171] : memref<4x8x128xi32, #tpu.memory_space<vmem>> -> memref<1x8x128xi32, #tpu.memory_space<vmem>>
          %dma_start3A_1173 = tpu.memref_squeeze %dma_start3A_1172 : memref<1x8x128xi32, #tpu.memory_space<vmem>> -> memref<8x128xi32, #tpu.memory_space<vmem>>
          %dma_start3A_1174 = arith.constant 0 : i32
          %dma_start3A_1175 = arith.constant 0 : i32
          %dma_start3A_1176 = tpu.memref_slice %arg4[%dma_start3A_1174, %dma_start3A_1175] : memref<8x128xi32, #tpu.memory_space<hbm>> -> memref<8x128xi32, #tpu.memory_space<hbm>>
          %dma_start3A_1177 = arith.constant 0 : i32
          %dma_start3A_1178 = arith.constant 0 : i32
          %dma_start3A_1179 = tpu.memref_slice %arg10[%rem3A_1140, %dma_start3A_1177, %dma_start3A_1178] : memref<4x8x128xi32, #tpu.memory_space<vmem>> -> memref<1x8x128xi32, #tpu.memory_space<vmem>>
          %dma_start3A_1180 = tpu.memref_squeeze %dma_start3A_1179 : memref<1x8x128xi32, #tpu.memory_space<vmem>> -> memref<8x128xi32, #tpu.memory_space<vmem>>
          %dma_start3A_1181 = arith.constant 0 : i32
          %dma_start3A_1182 = arith.constant 0 : i32
          %dma_start3A_1183 = tpu.memref_slice %arg4[%dma_start3A_1181, %dma_start3A_1182] : memref<8x128xi32, #tpu.memory_space<hbm>> -> memref<8x128xi32, #tpu.memory_space<hbm>>
          tpu.enqueue_dma source(%dma_start3A_1183 : memref<8x128xi32, #tpu.memory_space<hbm>>) target(%dma_start3A_1180 : memref<8x128xi32, #tpu.memory_space<vmem>>) target_semaphore(%arg17 : memref<!tpu.dma_semaphore, #tpu.memory_space<semaphore_mem>>)
        } else {
        }
      } else {
      }
      %dma_wait3A_815 = arith.constant 0 : i32
      %dma_wait3A_816 = arith.constant 0 : i32
      %dma_wait3A_817 = arith.constant 0 : i32
      %dma_wait3A_818 = tpu.memref_slice %arg11[%rem3A_629, %dma_wait3A_816, %dma_wait3A_817] : memref<4x8x128xf32, #tpu.memory_space<vmem>> -> memref<1x1x128xf32, #tpu.memory_space<vmem>>
      %dma_wait3A_819 = tpu.memref_squeeze %dma_wait3A_818 : memref<1x1x128xf32, #tpu.memory_space<vmem>> -> memref<128xf32, #tpu.memory_space<vmem>>
      %dma_wait3A_820 = arith.constant 0 : i32
      %dma_wait3A_821 = tpu.memref_slice %arg9[%rem3A_629, %dma_wait3A_815, %dma_wait3A_820] : memref<4x8x128xi32, #tpu.memory_space<vmem>> -> memref<1x1x128xi32, #tpu.memory_space<vmem>>
      %dma_wait3A_822 = tpu.memref_squeeze %dma_wait3A_821 : memref<1x1x128xi32, #tpu.memory_space<vmem>> -> memref<128xi32, #tpu.memory_space<vmem>>
      %dma_wait3A_823 = arith.constant 0 : i32
      %dma_wait3A_824 = tpu.memref_slice %arg13[%dma_wait3A_823] : memref<100352xf32, #tpu.memory_space<vmem_shared>> -> memref<100352xf32, #tpu.memory_space<vmem_shared>>
      tpu.wait_indirect_dma semaphore(%arg18 : memref<!tpu.dma_semaphore, #tpu.memory_space<semaphore_mem>>) src(%dma_wait3A_824 : memref<100352xf32, #tpu.memory_space<vmem_shared>>) dst(%dma_wait3A_819 : memref<128xf32, #tpu.memory_space<vmem>>)
      %dma_wait3A_825 = arith.constant 1 : i32
      %dma_wait3A_826 = arith.constant 1 : i32
      %dma_wait3A_827 = arith.constant 0 : i32
      %dma_wait3A_828 = tpu.memref_slice %arg11[%rem3A_629, %dma_wait3A_826, %dma_wait3A_827] : memref<4x8x128xf32, #tpu.memory_space<vmem>> -> memref<1x1x128xf32, #tpu.memory_space<vmem>>
      %dma_wait3A_829 = tpu.memref_squeeze %dma_wait3A_828 : memref<1x1x128xf32, #tpu.memory_space<vmem>> -> memref<128xf32, #tpu.memory_space<vmem>>
      %dma_wait3A_830 = arith.constant 0 : i32
      %dma_wait3A_831 = tpu.memref_slice %arg9[%rem3A_629, %dma_wait3A_825, %dma_wait3A_830] : memref<4x8x128xi32, #tpu.memory_space<vmem>> -> memref<1x1x128xi32, #tpu.memory_space<vmem>>
      %dma_wait3A_832 = tpu.memref_squeeze %dma_wait3A_831 : memref<1x1x128xi32, #tpu.memory_space<vmem>> -> memref<128xi32, #tpu.memory_space<vmem>>
      %dma_wait3A_833 = arith.constant 0 : i32
      %dma_wait3A_834 = tpu.memref_slice %arg13[%dma_wait3A_833] : memref<100352xf32, #tpu.memory_space<vmem_shared>> -> memref<100352xf32, #tpu.memory_space<vmem_shared>>
      tpu.wait_indirect_dma semaphore(%arg18 : memref<!tpu.dma_semaphore, #tpu.memory_space<semaphore_mem>>) src(%dma_wait3A_834 : memref<100352xf32, #tpu.memory_space<vmem_shared>>) dst(%dma_wait3A_829 : memref<128xf32, #tpu.memory_space<vmem>>)
      %dma_wait3A_835 = arith.constant 2 : i32
      %dma_wait3A_836 = arith.constant 2 : i32
      %dma_wait3A_837 = arith.constant 0 : i32
      %dma_wait3A_838 = tpu.memref_slice %arg11[%rem3A_629, %dma_wait3A_836, %dma_wait3A_837] : memref<4x8x128xf32, #tpu.memory_space<vmem>> -> memref<1x1x128xf32, #tpu.memory_space<vmem>>
      %dma_wait3A_839 = tpu.memref_squeeze %dma_wait3A_838 : memref<1x1x128xf32, #tpu.memory_space<vmem>> -> memref<128xf32, #tpu.memory_space<vmem>>
      %dma_wait3A_840 = arith.constant 0 : i32
      %dma_wait3A_841 = tpu.memref_slice %arg9[%rem3A_629, %dma_wait3A_835, %dma_wait3A_840] : memref<4x8x128xi32, #tpu.memory_space<vmem>> -> memref<1x1x128xi32, #tpu.memory_space<vmem>>
      %dma_wait3A_842 = tpu.memref_squeeze %dma_wait3A_841 : memref<1x1x128xi32, #tpu.memory_space<vmem>> -> memref<128xi32, #tpu.memory_space<vmem>>
      %dma_wait3A_843 = arith.constant 0 : i32
      %dma_wait3A_844 = tpu.memref_slice %arg13[%dma_wait3A_843] : memref<100352xf32, #tpu.memory_space<vmem_shared>> -> memref<100352xf32, #tpu.memory_space<vmem_shared>>
      tpu.wait_indirect_dma semaphore(%arg18 : memref<!tpu.dma_semaphore, #tpu.memory_space<semaphore_mem>>) src(%dma_wait3A_844 : memref<100352xf32, #tpu.memory_space<vmem_shared>>) dst(%dma_wait3A_839 : memref<128xf32, #tpu.memory_space<vmem>>)
      %dma_wait3A_845 = arith.constant 3 : i32
      %dma_wait3A_846 = arith.constant 3 : i32
      %dma_wait3A_847 = arith.constant 0 : i32
      %dma_wait3A_848 = tpu.memref_slice %arg11[%rem3A_629, %dma_wait3A_846, %dma_wait3A_847] : memref<4x8x128xf32, #tpu.memory_space<vmem>> -> memref<1x1x128xf32, #tpu.memory_space<vmem>>
      %dma_wait3A_849 = tpu.memref_squeeze %dma_wait3A_848 : memref<1x1x128xf32, #tpu.memory_space<vmem>> -> memref<128xf32, #tpu.memory_space<vmem>>
      %dma_wait3A_850 = arith.constant 0 : i32
      %dma_wait3A_851 = tpu.memref_slice %arg9[%rem3A_629, %dma_wait3A_845, %dma_wait3A_850] : memref<4x8x128xi32, #tpu.memory_space<vmem>> -> memref<1x1x128xi32, #tpu.memory_space<vmem>>
      %dma_wait3A_852 = tpu.memref_squeeze %dma_wait3A_851 : memref<1x1x128xi32, #tpu.memory_space<vmem>> -> memref<128xi32, #tpu.memory_space<vmem>>
      %dma_wait3A_853 = arith.constant 0 : i32
      %dma_wait3A_854 = tpu.memref_slice %arg13[%dma_wait3A_853] : memref<100352xf32, #tpu.memory_space<vmem_shared>> -> memref<100352xf32, #tpu.memory_space<vmem_shared>>
      tpu.wait_indirect_dma semaphore(%arg18 : memref<!tpu.dma_semaphore, #tpu.memory_space<semaphore_mem>>) src(%dma_wait3A_854 : memref<100352xf32, #tpu.memory_space<vmem_shared>>) dst(%dma_wait3A_849 : memref<128xf32, #tpu.memory_space<vmem>>)
      %dma_wait3A_855 = arith.constant 4 : i32
      %dma_wait3A_856 = arith.constant 4 : i32
      %dma_wait3A_857 = arith.constant 0 : i32
      %dma_wait3A_858 = tpu.memref_slice %arg11[%rem3A_629, %dma_wait3A_856, %dma_wait3A_857] : memref<4x8x128xf32, #tpu.memory_space<vmem>> -> memref<1x1x128xf32, #tpu.memory_space<vmem>>
      %dma_wait3A_859 = tpu.memref_squeeze %dma_wait3A_858 : memref<1x1x128xf32, #tpu.memory_space<vmem>> -> memref<128xf32, #tpu.memory_space<vmem>>
      %dma_wait3A_860 = arith.constant 0 : i32
      %dma_wait3A_861 = tpu.memref_slice %arg9[%rem3A_629, %dma_wait3A_855, %dma_wait3A_860] : memref<4x8x128xi32, #tpu.memory_space<vmem>> -> memref<1x1x128xi32, #tpu.memory_space<vmem>>
      %dma_wait3A_862 = tpu.memref_squeeze %dma_wait3A_861 : memref<1x1x128xi32, #tpu.memory_space<vmem>> -> memref<128xi32, #tpu.memory_space<vmem>>
      %dma_wait3A_863 = arith.constant 0 : i32
      %dma_wait3A_864 = tpu.memref_slice %arg13[%dma_wait3A_863] : memref<100352xf32, #tpu.memory_space<vmem_shared>> -> memref<100352xf32, #tpu.memory_space<vmem_shared>>
      tpu.wait_indirect_dma semaphore(%arg18 : memref<!tpu.dma_semaphore, #tpu.memory_space<semaphore_mem>>) src(%dma_wait3A_864 : memref<100352xf32, #tpu.memory_space<vmem_shared>>) dst(%dma_wait3A_859 : memref<128xf32, #tpu.memory_space<vmem>>)
      %dma_wait3A_865 = arith.constant 5 : i32
      %dma_wait3A_866 = arith.constant 5 : i32
      %dma_wait3A_867 = arith.constant 0 : i32
      %dma_wait3A_868 = tpu.memref_slice %arg11[%rem3A_629, %dma_wait3A_866, %dma_wait3A_867] : memref<4x8x128xf32, #tpu.memory_space<vmem>> -> memref<1x1x128xf32, #tpu.memory_space<vmem>>
      %dma_wait3A_869 = tpu.memref_squeeze %dma_wait3A_868 : memref<1x1x128xf32, #tpu.memory_space<vmem>> -> memref<128xf32, #tpu.memory_space<vmem>>
      %dma_wait3A_870 = arith.constant 0 : i32
      %dma_wait3A_871 = tpu.memref_slice %arg9[%rem3A_629, %dma_wait3A_865, %dma_wait3A_870] : memref<4x8x128xi32, #tpu.memory_space<vmem>> -> memref<1x1x128xi32, #tpu.memory_space<vmem>>
      %dma_wait3A_872 = tpu.memref_squeeze %dma_wait3A_871 : memref<1x1x128xi32, #tpu.memory_space<vmem>> -> memref<128xi32, #tpu.memory_space<vmem>>
      %dma_wait3A_873 = arith.constant 0 : i32
      %dma_wait3A_874 = tpu.memref_slice %arg13[%dma_wait3A_873] : memref<100352xf32, #tpu.memory_space<vmem_shared>> -> memref<100352xf32, #tpu.memory_space<vmem_shared>>
      tpu.wait_indirect_dma semaphore(%arg18 : memref<!tpu.dma_semaphore, #tpu.memory_space<semaphore_mem>>) src(%dma_wait3A_874 : memref<100352xf32, #tpu.memory_space<vmem_shared>>) dst(%dma_wait3A_869 : memref<128xf32, #tpu.memory_space<vmem>>)
      %dma_wait3A_875 = arith.constant 6 : i32
      %dma_wait3A_876 = arith.constant 6 : i32
      %dma_wait3A_877 = arith.constant 0 : i32
      %dma_wait3A_878 = tpu.memref_slice %arg11[%rem3A_629, %dma_wait3A_876, %dma_wait3A_877] : memref<4x8x128xf32, #tpu.memory_space<vmem>> -> memref<1x1x128xf32, #tpu.memory_space<vmem>>
      %dma_wait3A_879 = tpu.memref_squeeze %dma_wait3A_878 : memref<1x1x128xf32, #tpu.memory_space<vmem>> -> memref<128xf32, #tpu.memory_space<vmem>>
      %dma_wait3A_880 = arith.constant 0 : i32
      %dma_wait3A_881 = tpu.memref_slice %arg9[%rem3A_629, %dma_wait3A_875, %dma_wait3A_880] : memref<4x8x128xi32, #tpu.memory_space<vmem>> -> memref<1x1x128xi32, #tpu.memory_space<vmem>>
      %dma_wait3A_882 = tpu.memref_squeeze %dma_wait3A_881 : memref<1x1x128xi32, #tpu.memory_space<vmem>> -> memref<128xi32, #tpu.memory_space<vmem>>
      %dma_wait3A_883 = arith.constant 0 : i32
      %dma_wait3A_884 = tpu.memref_slice %arg13[%dma_wait3A_883] : memref<100352xf32, #tpu.memory_space<vmem_shared>> -> memref<100352xf32, #tpu.memory_space<vmem_shared>>
      tpu.wait_indirect_dma semaphore(%arg18 : memref<!tpu.dma_semaphore, #tpu.memory_space<semaphore_mem>>) src(%dma_wait3A_884 : memref<100352xf32, #tpu.memory_space<vmem_shared>>) dst(%dma_wait3A_879 : memref<128xf32, #tpu.memory_space<vmem>>)
      %dma_wait3A_885 = arith.constant 7 : i32
      %dma_wait3A_886 = arith.constant 7 : i32
      %dma_wait3A_887 = arith.constant 0 : i32
      %dma_wait3A_888 = tpu.memref_slice %arg11[%rem3A_629, %dma_wait3A_886, %dma_wait3A_887] : memref<4x8x128xf32, #tpu.memory_space<vmem>> -> memref<1x1x128xf32, #tpu.memory_space<vmem>>
      %dma_wait3A_889 = tpu.memref_squeeze %dma_wait3A_888 : memref<1x1x128xf32, #tpu.memory_space<vmem>> -> memref<128xf32, #tpu.memory_space<vmem>>
      %dma_wait3A_890 = arith.constant 0 : i32
      %dma_wait3A_891 = tpu.memref_slice %arg9[%rem3A_629, %dma_wait3A_885, %dma_wait3A_890] : memref<4x8x128xi32, #tpu.memory_space<vmem>> -> memref<1x1x128xi32, #tpu.memory_space<vmem>>
      %dma_wait3A_892 = tpu.memref_squeeze %dma_wait3A_891 : memref<1x1x128xi32, #tpu.memory_space<vmem>> -> memref<128xi32, #tpu.memory_space<vmem>>
      %dma_wait3A_893 = arith.constant 0 : i32
      %dma_wait3A_894 = tpu.memref_slice %arg13[%dma_wait3A_893] : memref<100352xf32, #tpu.memory_space<vmem_shared>> -> memref<100352xf32, #tpu.memory_space<vmem_shared>>
      tpu.wait_indirect_dma semaphore(%arg18 : memref<!tpu.dma_semaphore, #tpu.memory_space<semaphore_mem>>) src(%dma_wait3A_894 : memref<100352xf32, #tpu.memory_space<vmem_shared>>) dst(%dma_wait3A_889 : memref<128xf32, #tpu.memory_space<vmem>>)
      %dma_wait3A_895 = arith.constant 0 : i32
      %dma_wait3A_896 = arith.constant 0 : i32
      %dma_wait3A_897 = arith.constant 0 : i32
      %dma_wait3A_898 = tpu.memref_slice %arg12[%rem3A_629, %dma_wait3A_896, %dma_wait3A_897] : memref<4x8x128xf32, #tpu.memory_space<vmem>> -> memref<1x1x128xf32, #tpu.memory_space<vmem>>
      %dma_wait3A_899 = tpu.memref_squeeze %dma_wait3A_898 : memref<1x1x128xf32, #tpu.memory_space<vmem>> -> memref<128xf32, #tpu.memory_space<vmem>>
      %dma_wait3A_900 = arith.constant 0 : i32
      %dma_wait3A_901 = tpu.memref_slice %arg9[%rem3A_629, %dma_wait3A_895, %dma_wait3A_900] : memref<4x8x128xi32, #tpu.memory_space<vmem>> -> memref<1x1x128xi32, #tpu.memory_space<vmem>>
      %dma_wait3A_902 = tpu.memref_squeeze %dma_wait3A_901 : memref<1x1x128xi32, #tpu.memory_space<vmem>> -> memref<128xi32, #tpu.memory_space<vmem>>
      %dma_wait3A_903 = arith.constant 0 : i32
      %dma_wait3A_904 = tpu.memref_slice %arg14[%dma_wait3A_903] : memref<100352xf32, #tpu.memory_space<vmem_shared>> -> memref<100352xf32, #tpu.memory_space<vmem_shared>>
      tpu.wait_indirect_dma semaphore(%arg18 : memref<!tpu.dma_semaphore, #tpu.memory_space<semaphore_mem>>) src(%dma_wait3A_904 : memref<100352xf32, #tpu.memory_space<vmem_shared>>) dst(%dma_wait3A_899 : memref<128xf32, #tpu.memory_space<vmem>>)
      %dma_wait3A_905 = arith.constant 1 : i32
      %dma_wait3A_906 = arith.constant 1 : i32
      %dma_wait3A_907 = arith.constant 0 : i32
      %dma_wait3A_908 = tpu.memref_slice %arg12[%rem3A_629, %dma_wait3A_906, %dma_wait3A_907] : memref<4x8x128xf32, #tpu.memory_space<vmem>> -> memref<1x1x128xf32, #tpu.memory_space<vmem>>
      %dma_wait3A_909 = tpu.memref_squeeze %dma_wait3A_908 : memref<1x1x128xf32, #tpu.memory_space<vmem>> -> memref<128xf32, #tpu.memory_space<vmem>>
      %dma_wait3A_910 = arith.constant 0 : i32
      %dma_wait3A_911 = tpu.memref_slice %arg9[%rem3A_629, %dma_wait3A_905, %dma_wait3A_910] : memref<4x8x128xi32, #tpu.memory_space<vmem>> -> memref<1x1x128xi32, #tpu.memory_space<vmem>>
      %dma_wait3A_912 = tpu.memref_squeeze %dma_wait3A_911 : memref<1x1x128xi32, #tpu.memory_space<vmem>> -> memref<128xi32, #tpu.memory_space<vmem>>
      %dma_wait3A_913 = arith.constant 0 : i32
      %dma_wait3A_914 = tpu.memref_slice %arg14[%dma_wait3A_913] : memref<100352xf32, #tpu.memory_space<vmem_shared>> -> memref<100352xf32, #tpu.memory_space<vmem_shared>>
      tpu.wait_indirect_dma semaphore(%arg18 : memref<!tpu.dma_semaphore, #tpu.memory_space<semaphore_mem>>) src(%dma_wait3A_914 : memref<100352xf32, #tpu.memory_space<vmem_shared>>) dst(%dma_wait3A_909 : memref<128xf32, #tpu.memory_space<vmem>>)
      %dma_wait3A_915 = arith.constant 2 : i32
      %dma_wait3A_916 = arith.constant 2 : i32
      %dma_wait3A_917 = arith.constant 0 : i32
      %dma_wait3A_918 = tpu.memref_slice %arg12[%rem3A_629, %dma_wait3A_916, %dma_wait3A_917] : memref<4x8x128xf32, #tpu.memory_space<vmem>> -> memref<1x1x128xf32, #tpu.memory_space<vmem>>
      %dma_wait3A_919 = tpu.memref_squeeze %dma_wait3A_918 : memref<1x1x128xf32, #tpu.memory_space<vmem>> -> memref<128xf32, #tpu.memory_space<vmem>>
      %dma_wait3A_920 = arith.constant 0 : i32
      %dma_wait3A_921 = tpu.memref_slice %arg9[%rem3A_629, %dma_wait3A_915, %dma_wait3A_920] : memref<4x8x128xi32, #tpu.memory_space<vmem>> -> memref<1x1x128xi32, #tpu.memory_space<vmem>>
      %dma_wait3A_922 = tpu.memref_squeeze %dma_wait3A_921 : memref<1x1x128xi32, #tpu.memory_space<vmem>> -> memref<128xi32, #tpu.memory_space<vmem>>
      %dma_wait3A_923 = arith.constant 0 : i32
      %dma_wait3A_924 = tpu.memref_slice %arg14[%dma_wait3A_923] : memref<100352xf32, #tpu.memory_space<vmem_shared>> -> memref<100352xf32, #tpu.memory_space<vmem_shared>>
      tpu.wait_indirect_dma semaphore(%arg18 : memref<!tpu.dma_semaphore, #tpu.memory_space<semaphore_mem>>) src(%dma_wait3A_924 : memref<100352xf32, #tpu.memory_space<vmem_shared>>) dst(%dma_wait3A_919 : memref<128xf32, #tpu.memory_space<vmem>>)
      %dma_wait3A_925 = arith.constant 3 : i32
      %dma_wait3A_926 = arith.constant 3 : i32
      %dma_wait3A_927 = arith.constant 0 : i32
      %dma_wait3A_928 = tpu.memref_slice %arg12[%rem3A_629, %dma_wait3A_926, %dma_wait3A_927] : memref<4x8x128xf32, #tpu.memory_space<vmem>> -> memref<1x1x128xf32, #tpu.memory_space<vmem>>
      %dma_wait3A_929 = tpu.memref_squeeze %dma_wait3A_928 : memref<1x1x128xf32, #tpu.memory_space<vmem>> -> memref<128xf32, #tpu.memory_space<vmem>>
      %dma_wait3A_930 = arith.constant 0 : i32
      %dma_wait3A_931 = tpu.memref_slice %arg9[%rem3A_629, %dma_wait3A_925, %dma_wait3A_930] : memref<4x8x128xi32, #tpu.memory_space<vmem>> -> memref<1x1x128xi32, #tpu.memory_space<vmem>>
      %dma_wait3A_932 = tpu.memref_squeeze %dma_wait3A_931 : memref<1x1x128xi32, #tpu.memory_space<vmem>> -> memref<128xi32, #tpu.memory_space<vmem>>
      %dma_wait3A_933 = arith.constant 0 : i32
      %dma_wait3A_934 = tpu.memref_slice %arg14[%dma_wait3A_933] : memref<100352xf32, #tpu.memory_space<vmem_shared>> -> memref<100352xf32, #tpu.memory_space<vmem_shared>>
      tpu.wait_indirect_dma semaphore(%arg18 : memref<!tpu.dma_semaphore, #tpu.memory_space<semaphore_mem>>) src(%dma_wait3A_934 : memref<100352xf32, #tpu.memory_space<vmem_shared>>) dst(%dma_wait3A_929 : memref<128xf32, #tpu.memory_space<vmem>>)
      %dma_wait3A_935 = arith.constant 4 : i32
      %dma_wait3A_936 = arith.constant 4 : i32
      %dma_wait3A_937 = arith.constant 0 : i32
      %dma_wait3A_938 = tpu.memref_slice %arg12[%rem3A_629, %dma_wait3A_936, %dma_wait3A_937] : memref<4x8x128xf32, #tpu.memory_space<vmem>> -> memref<1x1x128xf32, #tpu.memory_space<vmem>>
      %dma_wait3A_939 = tpu.memref_squeeze %dma_wait3A_938 : memref<1x1x128xf32, #tpu.memory_space<vmem>> -> memref<128xf32, #tpu.memory_space<vmem>>
      %dma_wait3A_940 = arith.constant 0 : i32
      %dma_wait3A_941 = tpu.memref_slice %arg9[%rem3A_629, %dma_wait3A_935, %dma_wait3A_940] : memref<4x8x128xi32, #tpu.memory_space<vmem>> -> memref<1x1x128xi32, #tpu.memory_space<vmem>>
      %dma_wait3A_942 = tpu.memref_squeeze %dma_wait3A_941 : memref<1x1x128xi32, #tpu.memory_space<vmem>> -> memref<128xi32, #tpu.memory_space<vmem>>
      %dma_wait3A_943 = arith.constant 0 : i32
      %dma_wait3A_944 = tpu.memref_slice %arg14[%dma_wait3A_943] : memref<100352xf32, #tpu.memory_space<vmem_shared>> -> memref<100352xf32, #tpu.memory_space<vmem_shared>>
      tpu.wait_indirect_dma semaphore(%arg18 : memref<!tpu.dma_semaphore, #tpu.memory_space<semaphore_mem>>) src(%dma_wait3A_944 : memref<100352xf32, #tpu.memory_space<vmem_shared>>) dst(%dma_wait3A_939 : memref<128xf32, #tpu.memory_space<vmem>>)
      %dma_wait3A_945 = arith.constant 5 : i32
      %dma_wait3A_946 = arith.constant 5 : i32
      %dma_wait3A_947 = arith.constant 0 : i32
      %dma_wait3A_948 = tpu.memref_slice %arg12[%rem3A_629, %dma_wait3A_946, %dma_wait3A_947] : memref<4x8x128xf32, #tpu.memory_space<vmem>> -> memref<1x1x128xf32, #tpu.memory_space<vmem>>
      %dma_wait3A_949 = tpu.memref_squeeze %dma_wait3A_948 : memref<1x1x128xf32, #tpu.memory_space<vmem>> -> memref<128xf32, #tpu.memory_space<vmem>>
      %dma_wait3A_950 = arith.constant 0 : i32
      %dma_wait3A_951 = tpu.memref_slice %arg9[%rem3A_629, %dma_wait3A_945, %dma_wait3A_950] : memref<4x8x128xi32, #tpu.memory_space<vmem>> -> memref<1x1x128xi32, #tpu.memory_space<vmem>>
      %dma_wait3A_952 = tpu.memref_squeeze %dma_wait3A_951 : memref<1x1x128xi32, #tpu.memory_space<vmem>> -> memref<128xi32, #tpu.memory_space<vmem>>
      %dma_wait3A_953 = arith.constant 0 : i32
      %dma_wait3A_954 = tpu.memref_slice %arg14[%dma_wait3A_953] : memref<100352xf32, #tpu.memory_space<vmem_shared>> -> memref<100352xf32, #tpu.memory_space<vmem_shared>>
      tpu.wait_indirect_dma semaphore(%arg18 : memref<!tpu.dma_semaphore, #tpu.memory_space<semaphore_mem>>) src(%dma_wait3A_954 : memref<100352xf32, #tpu.memory_space<vmem_shared>>) dst(%dma_wait3A_949 : memref<128xf32, #tpu.memory_space<vmem>>)
      %dma_wait3A_955 = arith.constant 6 : i32
      %dma_wait3A_956 = arith.constant 6 : i32
      %dma_wait3A_957 = arith.constant 0 : i32
      %dma_wait3A_958 = tpu.memref_slice %arg12[%rem3A_629, %dma_wait3A_956, %dma_wait3A_957] : memref<4x8x128xf32, #tpu.memory_space<vmem>> -> memref<1x1x128xf32, #tpu.memory_space<vmem>>
      %dma_wait3A_959 = tpu.memref_squeeze %dma_wait3A_958 : memref<1x1x128xf32, #tpu.memory_space<vmem>> -> memref<128xf32, #tpu.memory_space<vmem>>
      %dma_wait3A_960 = arith.constant 0 : i32
      %dma_wait3A_961 = tpu.memref_slice %arg9[%rem3A_629, %dma_wait3A_955, %dma_wait3A_960] : memref<4x8x128xi32, #tpu.memory_space<vmem>> -> memref<1x1x128xi32, #tpu.memory_space<vmem>>
      %dma_wait3A_962 = tpu.memref_squeeze %dma_wait3A_961 : memref<1x1x128xi32, #tpu.memory_space<vmem>> -> memref<128xi32, #tpu.memory_space<vmem>>
      %dma_wait3A_963 = arith.constant 0 : i32
      %dma_wait3A_964 = tpu.memref_slice %arg14[%dma_wait3A_963] : memref<100352xf32, #tpu.memory_space<vmem_shared>> -> memref<100352xf32, #tpu.memory_space<vmem_shared>>
      tpu.wait_indirect_dma semaphore(%arg18 : memref<!tpu.dma_semaphore, #tpu.memory_space<semaphore_mem>>) src(%dma_wait3A_964 : memref<100352xf32, #tpu.memory_space<vmem_shared>>) dst(%dma_wait3A_959 : memref<128xf32, #tpu.memory_space<vmem>>)
      %dma_wait3A_965 = arith.constant 7 : i32
      %dma_wait3A_966 = arith.constant 7 : i32
      %dma_wait3A_967 = arith.constant 0 : i32
      %dma_wait3A_968 = tpu.memref_slice %arg12[%rem3A_629, %dma_wait3A_966, %dma_wait3A_967] : memref<4x8x128xf32, #tpu.memory_space<vmem>> -> memref<1x1x128xf32, #tpu.memory_space<vmem>>
      %dma_wait3A_969 = tpu.memref_squeeze %dma_wait3A_968 : memref<1x1x128xf32, #tpu.memory_space<vmem>> -> memref<128xf32, #tpu.memory_space<vmem>>
      %dma_wait3A_970 = arith.constant 0 : i32
      %dma_wait3A_971 = tpu.memref_slice %arg9[%rem3A_629, %dma_wait3A_965, %dma_wait3A_970] : memref<4x8x128xi32, #tpu.memory_space<vmem>> -> memref<1x1x128xi32, #tpu.memory_space<vmem>>
      %dma_wait3A_972 = tpu.memref_squeeze %dma_wait3A_971 : memref<1x1x128xi32, #tpu.memory_space<vmem>> -> memref<128xi32, #tpu.memory_space<vmem>>
      %dma_wait3A_973 = arith.constant 0 : i32
      %dma_wait3A_974 = tpu.memref_slice %arg14[%dma_wait3A_973] : memref<100352xf32, #tpu.memory_space<vmem_shared>> -> memref<100352xf32, #tpu.memory_space<vmem_shared>>
      tpu.wait_indirect_dma semaphore(%arg18 : memref<!tpu.dma_semaphore, #tpu.memory_space<semaphore_mem>>) src(%dma_wait3A_974 : memref<100352xf32, #tpu.memory_space<vmem_shared>>) dst(%dma_wait3A_969 : memref<128xf32, #tpu.memory_space<vmem>>)
      %dma_start3A_975 = arith.constant 0 : i32
      %dma_start3A_976 = arith.constant 0 : i32
      %dma_start3A_977 = arith.constant 0 : i32
      %dma_start3A_978 = tpu.memref_slice %arg11[%rem3A_629, %dma_start3A_975, %dma_start3A_977] : memref<4x8x128xf32, #tpu.memory_space<vmem>> -> memref<1x1x128xf32, #tpu.memory_space<vmem>>
      %dma_start3A_979 = tpu.memref_squeeze %dma_start3A_978 : memref<1x1x128xf32, #tpu.memory_space<vmem>> -> memref<128xf32, #tpu.memory_space<vmem>>
      %dma_start3A_980 = arith.constant 0 : i32
      %dma_start3A_981 = tpu.memref_slice %arg10[%rem3A_629, %dma_start3A_976, %dma_start3A_980] : memref<4x8x128xi32, #tpu.memory_space<vmem>> -> memref<1x1x128xi32, #tpu.memory_space<vmem>>
      %dma_start3A_982 = tpu.memref_squeeze %dma_start3A_981 : memref<1x1x128xi32, #tpu.memory_space<vmem>> -> memref<128xi32, #tpu.memory_space<vmem>>
      %dma_start3A_983 = arith.constant 0 : i32
      %dma_start3A_984 = tpu.memref_slice %arg15[%dma_start3A_983] : memref<100352xf32, #tpu.memory_space<vmem_shared>> -> memref<100352xf32, #tpu.memory_space<vmem_shared>>
      tpu.enqueue_indirect_dma source(%dma_start3A_979 : memref<128xf32, #tpu.memory_space<vmem>>) target(%dma_start3A_984 : memref<100352xf32, #tpu.memory_space<vmem_shared>>) offsets(%dma_start3A_982 : memref<128xi32, #tpu.memory_space<vmem>>) semaphore(%arg19 : memref<!tpu.dma_semaphore, #tpu.memory_space<semaphore_mem>>) {add = true}
      %dma_start3A_985 = arith.constant 1 : i32
      %dma_start3A_986 = arith.constant 1 : i32
      %dma_start3A_987 = arith.constant 0 : i32
      %dma_start3A_988 = tpu.memref_slice %arg11[%rem3A_629, %dma_start3A_985, %dma_start3A_987] : memref<4x8x128xf32, #tpu.memory_space<vmem>> -> memref<1x1x128xf32, #tpu.memory_space<vmem>>
      %dma_start3A_989 = tpu.memref_squeeze %dma_start3A_988 : memref<1x1x128xf32, #tpu.memory_space<vmem>> -> memref<128xf32, #tpu.memory_space<vmem>>
      %dma_start3A_990 = arith.constant 0 : i32
      %dma_start3A_991 = tpu.memref_slice %arg10[%rem3A_629, %dma_start3A_986, %dma_start3A_990] : memref<4x8x128xi32, #tpu.memory_space<vmem>> -> memref<1x1x128xi32, #tpu.memory_space<vmem>>
      %dma_start3A_992 = tpu.memref_squeeze %dma_start3A_991 : memref<1x1x128xi32, #tpu.memory_space<vmem>> -> memref<128xi32, #tpu.memory_space<vmem>>
      %dma_start3A_993 = arith.constant 0 : i32
      %dma_start3A_994 = tpu.memref_slice %arg15[%dma_start3A_993] : memref<100352xf32, #tpu.memory_space<vmem_shared>> -> memref<100352xf32, #tpu.memory_space<vmem_shared>>
      tpu.enqueue_indirect_dma source(%dma_start3A_989 : memref<128xf32, #tpu.memory_space<vmem>>) target(%dma_start3A_994 : memref<100352xf32, #tpu.memory_space<vmem_shared>>) offsets(%dma_start3A_992 : memref<128xi32, #tpu.memory_space<vmem>>) semaphore(%arg19 : memref<!tpu.dma_semaphore, #tpu.memory_space<semaphore_mem>>) {add = true}
      %dma_start3A_995 = arith.constant 2 : i32
      %dma_start3A_996 = arith.constant 2 : i32
      %dma_start3A_997 = arith.constant 0 : i32
      %dma_start3A_998 = tpu.memref_slice %arg11[%rem3A_629, %dma_start3A_995, %dma_start3A_997] : memref<4x8x128xf32, #tpu.memory_space<vmem>> -> memref<1x1x128xf32, #tpu.memory_space<vmem>>
      %dma_start3A_999 = tpu.memref_squeeze %dma_start3A_998 : memref<1x1x128xf32, #tpu.memory_space<vmem>> -> memref<128xf32, #tpu.memory_space<vmem>>
      %dma_start3A_1000 = arith.constant 0 : i32
      %dma_start3A_1001 = tpu.memref_slice %arg10[%rem3A_629, %dma_start3A_996, %dma_start3A_1000] : memref<4x8x128xi32, #tpu.memory_space<vmem>> -> memref<1x1x128xi32, #tpu.memory_space<vmem>>
      %dma_start3A_1002 = tpu.memref_squeeze %dma_start3A_1001 : memref<1x1x128xi32, #tpu.memory_space<vmem>> -> memref<128xi32, #tpu.memory_space<vmem>>
      %dma_start3A_1003 = arith.constant 0 : i32
      %dma_start3A_1004 = tpu.memref_slice %arg15[%dma_start3A_1003] : memref<100352xf32, #tpu.memory_space<vmem_shared>> -> memref<100352xf32, #tpu.memory_space<vmem_shared>>
      tpu.enqueue_indirect_dma source(%dma_start3A_999 : memref<128xf32, #tpu.memory_space<vmem>>) target(%dma_start3A_1004 : memref<100352xf32, #tpu.memory_space<vmem_shared>>) offsets(%dma_start3A_1002 : memref<128xi32, #tpu.memory_space<vmem>>) semaphore(%arg19 : memref<!tpu.dma_semaphore, #tpu.memory_space<semaphore_mem>>) {add = true}
      %dma_start3A_1005 = arith.constant 3 : i32
      %dma_start3A_1006 = arith.constant 3 : i32
      %dma_start3A_1007 = arith.constant 0 : i32
      %dma_start3A_1008 = tpu.memref_slice %arg11[%rem3A_629, %dma_start3A_1005, %dma_start3A_1007] : memref<4x8x128xf32, #tpu.memory_space<vmem>> -> memref<1x1x128xf32, #tpu.memory_space<vmem>>
      %dma_start3A_1009 = tpu.memref_squeeze %dma_start3A_1008 : memref<1x1x128xf32, #tpu.memory_space<vmem>> -> memref<128xf32, #tpu.memory_space<vmem>>
      %dma_start3A_1010 = arith.constant 0 : i32
      %dma_start3A_1011 = tpu.memref_slice %arg10[%rem3A_629, %dma_start3A_1006, %dma_start3A_1010] : memref<4x8x128xi32, #tpu.memory_space<vmem>> -> memref<1x1x128xi32, #tpu.memory_space<vmem>>
      %dma_start3A_1012 = tpu.memref_squeeze %dma_start3A_1011 : memref<1x1x128xi32, #tpu.memory_space<vmem>> -> memref<128xi32, #tpu.memory_space<vmem>>
      %dma_start3A_1013 = arith.constant 0 : i32
      %dma_start3A_1014 = tpu.memref_slice %arg15[%dma_start3A_1013] : memref<100352xf32, #tpu.memory_space<vmem_shared>> -> memref<100352xf32, #tpu.memory_space<vmem_shared>>
      tpu.enqueue_indirect_dma source(%dma_start3A_1009 : memref<128xf32, #tpu.memory_space<vmem>>) target(%dma_start3A_1014 : memref<100352xf32, #tpu.memory_space<vmem_shared>>) offsets(%dma_start3A_1012 : memref<128xi32, #tpu.memory_space<vmem>>) semaphore(%arg19 : memref<!tpu.dma_semaphore, #tpu.memory_space<semaphore_mem>>) {add = true}
      %dma_start3A_1015 = arith.constant 4 : i32
      %dma_start3A_1016 = arith.constant 4 : i32
      %dma_start3A_1017 = arith.constant 0 : i32
      %dma_start3A_1018 = tpu.memref_slice %arg11[%rem3A_629, %dma_start3A_1015, %dma_start3A_1017] : memref<4x8x128xf32, #tpu.memory_space<vmem>> -> memref<1x1x128xf32, #tpu.memory_space<vmem>>
      %dma_start3A_1019 = tpu.memref_squeeze %dma_start3A_1018 : memref<1x1x128xf32, #tpu.memory_space<vmem>> -> memref<128xf32, #tpu.memory_space<vmem>>
      %dma_start3A_1020 = arith.constant 0 : i32
      %dma_start3A_1021 = tpu.memref_slice %arg10[%rem3A_629, %dma_start3A_1016, %dma_start3A_1020] : memref<4x8x128xi32, #tpu.memory_space<vmem>> -> memref<1x1x128xi32, #tpu.memory_space<vmem>>
      %dma_start3A_1022 = tpu.memref_squeeze %dma_start3A_1021 : memref<1x1x128xi32, #tpu.memory_space<vmem>> -> memref<128xi32, #tpu.memory_space<vmem>>
      %dma_start3A_1023 = arith.constant 0 : i32
      %dma_start3A_1024 = tpu.memref_slice %arg15[%dma_start3A_1023] : memref<100352xf32, #tpu.memory_space<vmem_shared>> -> memref<100352xf32, #tpu.memory_space<vmem_shared>>
      tpu.enqueue_indirect_dma source(%dma_start3A_1019 : memref<128xf32, #tpu.memory_space<vmem>>) target(%dma_start3A_1024 : memref<100352xf32, #tpu.memory_space<vmem_shared>>) offsets(%dma_start3A_1022 : memref<128xi32, #tpu.memory_space<vmem>>) semaphore(%arg19 : memref<!tpu.dma_semaphore, #tpu.memory_space<semaphore_mem>>) {add = true}
      %dma_start3A_1025 = arith.constant 5 : i32
      %dma_start3A_1026 = arith.constant 5 : i32
      %dma_start3A_1027 = arith.constant 0 : i32
      %dma_start3A_1028 = tpu.memref_slice %arg11[%rem3A_629, %dma_start3A_1025, %dma_start3A_1027] : memref<4x8x128xf32, #tpu.memory_space<vmem>> -> memref<1x1x128xf32, #tpu.memory_space<vmem>>
      %dma_start3A_1029 = tpu.memref_squeeze %dma_start3A_1028 : memref<1x1x128xf32, #tpu.memory_space<vmem>> -> memref<128xf32, #tpu.memory_space<vmem>>
      %dma_start3A_1030 = arith.constant 0 : i32
      %dma_start3A_1031 = tpu.memref_slice %arg10[%rem3A_629, %dma_start3A_1026, %dma_start3A_1030] : memref<4x8x128xi32, #tpu.memory_space<vmem>> -> memref<1x1x128xi32, #tpu.memory_space<vmem>>
      %dma_start3A_1032 = tpu.memref_squeeze %dma_start3A_1031 : memref<1x1x128xi32, #tpu.memory_space<vmem>> -> memref<128xi32, #tpu.memory_space<vmem>>
      %dma_start3A_1033 = arith.constant 0 : i32
      %dma_start3A_1034 = tpu.memref_slice %arg15[%dma_start3A_1033] : memref<100352xf32, #tpu.memory_space<vmem_shared>> -> memref<100352xf32, #tpu.memory_space<vmem_shared>>
      tpu.enqueue_indirect_dma source(%dma_start3A_1029 : memref<128xf32, #tpu.memory_space<vmem>>) target(%dma_start3A_1034 : memref<100352xf32, #tpu.memory_space<vmem_shared>>) offsets(%dma_start3A_1032 : memref<128xi32, #tpu.memory_space<vmem>>) semaphore(%arg19 : memref<!tpu.dma_semaphore, #tpu.memory_space<semaphore_mem>>) {add = true}
      %dma_start3A_1035 = arith.constant 6 : i32
      %dma_start3A_1036 = arith.constant 6 : i32
      %dma_start3A_1037 = arith.constant 0 : i32
      %dma_start3A_1038 = tpu.memref_slice %arg11[%rem3A_629, %dma_start3A_1035, %dma_start3A_1037] : memref<4x8x128xf32, #tpu.memory_space<vmem>> -> memref<1x1x128xf32, #tpu.memory_space<vmem>>
      %dma_start3A_1039 = tpu.memref_squeeze %dma_start3A_1038 : memref<1x1x128xf32, #tpu.memory_space<vmem>> -> memref<128xf32, #tpu.memory_space<vmem>>
      %dma_start3A_1040 = arith.constant 0 : i32
      %dma_start3A_1041 = tpu.memref_slice %arg10[%rem3A_629, %dma_start3A_1036, %dma_start3A_1040] : memref<4x8x128xi32, #tpu.memory_space<vmem>> -> memref<1x1x128xi32, #tpu.memory_space<vmem>>
      %dma_start3A_1042 = tpu.memref_squeeze %dma_start3A_1041 : memref<1x1x128xi32, #tpu.memory_space<vmem>> -> memref<128xi32, #tpu.memory_space<vmem>>
      %dma_start3A_1043 = arith.constant 0 : i32
      %dma_start3A_1044 = tpu.memref_slice %arg15[%dma_start3A_1043] : memref<100352xf32, #tpu.memory_space<vmem_shared>> -> memref<100352xf32, #tpu.memory_space<vmem_shared>>
      tpu.enqueue_indirect_dma source(%dma_start3A_1039 : memref<128xf32, #tpu.memory_space<vmem>>) target(%dma_start3A_1044 : memref<100352xf32, #tpu.memory_space<vmem_shared>>) offsets(%dma_start3A_1042 : memref<128xi32, #tpu.memory_space<vmem>>) semaphore(%arg19 : memref<!tpu.dma_semaphore, #tpu.memory_space<semaphore_mem>>) {add = true}
      %dma_start3A_1045 = arith.constant 7 : i32
      %dma_start3A_1046 = arith.constant 7 : i32
      %dma_start3A_1047 = arith.constant 0 : i32
      %dma_start3A_1048 = tpu.memref_slice %arg11[%rem3A_629, %dma_start3A_1045, %dma_start3A_1047] : memref<4x8x128xf32, #tpu.memory_space<vmem>> -> memref<1x1x128xf32, #tpu.memory_space<vmem>>
      %dma_start3A_1049 = tpu.memref_squeeze %dma_start3A_1048 : memref<1x1x128xf32, #tpu.memory_space<vmem>> -> memref<128xf32, #tpu.memory_space<vmem>>
      %dma_start3A_1050 = arith.constant 0 : i32
      %dma_start3A_1051 = tpu.memref_slice %arg10[%rem3A_629, %dma_start3A_1046, %dma_start3A_1050] : memref<4x8x128xi32, #tpu.memory_space<vmem>> -> memref<1x1x128xi32, #tpu.memory_space<vmem>>
      %dma_start3A_1052 = tpu.memref_squeeze %dma_start3A_1051 : memref<1x1x128xi32, #tpu.memory_space<vmem>> -> memref<128xi32, #tpu.memory_space<vmem>>
      %dma_start3A_1053 = arith.constant 0 : i32
      %dma_start3A_1054 = tpu.memref_slice %arg15[%dma_start3A_1053] : memref<100352xf32, #tpu.memory_space<vmem_shared>> -> memref<100352xf32, #tpu.memory_space<vmem_shared>>
      tpu.enqueue_indirect_dma source(%dma_start3A_1049 : memref<128xf32, #tpu.memory_space<vmem>>) target(%dma_start3A_1054 : memref<100352xf32, #tpu.memory_space<vmem_shared>>) offsets(%dma_start3A_1052 : memref<128xi32, #tpu.memory_space<vmem>>) semaphore(%arg19 : memref<!tpu.dma_semaphore, #tpu.memory_space<semaphore_mem>>) {add = true}
      %dma_start3A_1055 = arith.constant 0 : i32
      %dma_start3A_1056 = arith.constant 0 : i32
      %dma_start3A_1057 = arith.constant 0 : i32
      %dma_start3A_1058 = tpu.memref_slice %arg12[%rem3A_629, %dma_start3A_1055, %dma_start3A_1057] : memref<4x8x128xf32, #tpu.memory_space<vmem>> -> memref<1x1x128xf32, #tpu.memory_space<vmem>>
      %dma_start3A_1059 = tpu.memref_squeeze %dma_start3A_1058 : memref<1x1x128xf32, #tpu.memory_space<vmem>> -> memref<128xf32, #tpu.memory_space<vmem>>
      %dma_start3A_1060 = arith.constant 0 : i32
      %dma_start3A_1061 = tpu.memref_slice %arg10[%rem3A_629, %dma_start3A_1056, %dma_start3A_1060] : memref<4x8x128xi32, #tpu.memory_space<vmem>> -> memref<1x1x128xi32, #tpu.memory_space<vmem>>
      %dma_start3A_1062 = tpu.memref_squeeze %dma_start3A_1061 : memref<1x1x128xi32, #tpu.memory_space<vmem>> -> memref<128xi32, #tpu.memory_space<vmem>>
      %dma_start3A_1063 = arith.constant 0 : i32
      %dma_start3A_1064 = tpu.memref_slice %arg16[%dma_start3A_1063] : memref<100352xf32, #tpu.memory_space<vmem_shared>> -> memref<100352xf32, #tpu.memory_space<vmem_shared>>
      tpu.enqueue_indirect_dma source(%dma_start3A_1059 : memref<128xf32, #tpu.memory_space<vmem>>) target(%dma_start3A_1064 : memref<100352xf32, #tpu.memory_space<vmem_shared>>) offsets(%dma_start3A_1062 : memref<128xi32, #tpu.memory_space<vmem>>) semaphore(%arg19 : memref<!tpu.dma_semaphore, #tpu.memory_space<semaphore_mem>>) {add = true}
      %dma_start3A_1065 = arith.constant 1 : i32
      %dma_start3A_1066 = arith.constant 1 : i32
      %dma_start3A_1067 = arith.constant 0 : i32
      %dma_start3A_1068 = tpu.memref_slice %arg12[%rem3A_629, %dma_start3A_1065, %dma_start3A_1067] : memref<4x8x128xf32, #tpu.memory_space<vmem>> -> memref<1x1x128xf32, #tpu.memory_space<vmem>>
      %dma_start3A_1069 = tpu.memref_squeeze %dma_start3A_1068 : memref<1x1x128xf32, #tpu.memory_space<vmem>> -> memref<128xf32, #tpu.memory_space<vmem>>
      %dma_start3A_1070 = arith.constant 0 : i32
      %dma_start3A_1071 = tpu.memref_slice %arg10[%rem3A_629, %dma_start3A_1066, %dma_start3A_1070] : memref<4x8x128xi32, #tpu.memory_space<vmem>> -> memref<1x1x128xi32, #tpu.memory_space<vmem>>
      %dma_start3A_1072 = tpu.memref_squeeze %dma_start3A_1071 : memref<1x1x128xi32, #tpu.memory_space<vmem>> -> memref<128xi32, #tpu.memory_space<vmem>>
      %dma_start3A_1073 = arith.constant 0 : i32
      %dma_start3A_1074 = tpu.memref_slice %arg16[%dma_start3A_1073] : memref<100352xf32, #tpu.memory_space<vmem_shared>> -> memref<100352xf32, #tpu.memory_space<vmem_shared>>
      tpu.enqueue_indirect_dma source(%dma_start3A_1069 : memref<128xf32, #tpu.memory_space<vmem>>) target(%dma_start3A_1074 : memref<100352xf32, #tpu.memory_space<vmem_shared>>) offsets(%dma_start3A_1072 : memref<128xi32, #tpu.memory_space<vmem>>) semaphore(%arg19 : memref<!tpu.dma_semaphore, #tpu.memory_space<semaphore_mem>>) {add = true}
      %dma_start3A_1075 = arith.constant 2 : i32
      %dma_start3A_1076 = arith.constant 2 : i32
      %dma_start3A_1077 = arith.constant 0 : i32
      %dma_start3A_1078 = tpu.memref_slice %arg12[%rem3A_629, %dma_start3A_1075, %dma_start3A_1077] : memref<4x8x128xf32, #tpu.memory_space<vmem>> -> memref<1x1x128xf32, #tpu.memory_space<vmem>>
      %dma_start3A_1079 = tpu.memref_squeeze %dma_start3A_1078 : memref<1x1x128xf32, #tpu.memory_space<vmem>> -> memref<128xf32, #tpu.memory_space<vmem>>
      %dma_start3A_1080 = arith.constant 0 : i32
      %dma_start3A_1081 = tpu.memref_slice %arg10[%rem3A_629, %dma_start3A_1076, %dma_start3A_1080] : memref<4x8x128xi32, #tpu.memory_space<vmem>> -> memref<1x1x128xi32, #tpu.memory_space<vmem>>
      %dma_start3A_1082 = tpu.memref_squeeze %dma_start3A_1081 : memref<1x1x128xi32, #tpu.memory_space<vmem>> -> memref<128xi32, #tpu.memory_space<vmem>>
      %dma_start3A_1083 = arith.constant 0 : i32
      %dma_start3A_1084 = tpu.memref_slice %arg16[%dma_start3A_1083] : memref<100352xf32, #tpu.memory_space<vmem_shared>> -> memref<100352xf32, #tpu.memory_space<vmem_shared>>
      tpu.enqueue_indirect_dma source(%dma_start3A_1079 : memref<128xf32, #tpu.memory_space<vmem>>) target(%dma_start3A_1084 : memref<100352xf32, #tpu.memory_space<vmem_shared>>) offsets(%dma_start3A_1082 : memref<128xi32, #tpu.memory_space<vmem>>) semaphore(%arg19 : memref<!tpu.dma_semaphore, #tpu.memory_space<semaphore_mem>>) {add = true}
      %dma_start3A_1085 = arith.constant 3 : i32
      %dma_start3A_1086 = arith.constant 3 : i32
      %dma_start3A_1087 = arith.constant 0 : i32
      %dma_start3A_1088 = tpu.memref_slice %arg12[%rem3A_629, %dma_start3A_1085, %dma_start3A_1087] : memref<4x8x128xf32, #tpu.memory_space<vmem>> -> memref<1x1x128xf32, #tpu.memory_space<vmem>>
      %dma_start3A_1089 = tpu.memref_squeeze %dma_start3A_1088 : memref<1x1x128xf32, #tpu.memory_space<vmem>> -> memref<128xf32, #tpu.memory_space<vmem>>
      %dma_start3A_1090 = arith.constant 0 : i32
      %dma_start3A_1091 = tpu.memref_slice %arg10[%rem3A_629, %dma_start3A_1086, %dma_start3A_1090] : memref<4x8x128xi32, #tpu.memory_space<vmem>> -> memref<1x1x128xi32, #tpu.memory_space<vmem>>
      %dma_start3A_1092 = tpu.memref_squeeze %dma_start3A_1091 : memref<1x1x128xi32, #tpu.memory_space<vmem>> -> memref<128xi32, #tpu.memory_space<vmem>>
      %dma_start3A_1093 = arith.constant 0 : i32
      %dma_start3A_1094 = tpu.memref_slice %arg16[%dma_start3A_1093] : memref<100352xf32, #tpu.memory_space<vmem_shared>> -> memref<100352xf32, #tpu.memory_space<vmem_shared>>
      tpu.enqueue_indirect_dma source(%dma_start3A_1089 : memref<128xf32, #tpu.memory_space<vmem>>) target(%dma_start3A_1094 : memref<100352xf32, #tpu.memory_space<vmem_shared>>) offsets(%dma_start3A_1092 : memref<128xi32, #tpu.memory_space<vmem>>) semaphore(%arg19 : memref<!tpu.dma_semaphore, #tpu.memory_space<semaphore_mem>>) {add = true}
      %dma_start3A_1095 = arith.constant 4 : i32
      %dma_start3A_1096 = arith.constant 4 : i32
      %dma_start3A_1097 = arith.constant 0 : i32
      %dma_start3A_1098 = tpu.memref_slice %arg12[%rem3A_629, %dma_start3A_1095, %dma_start3A_1097] : memref<4x8x128xf32, #tpu.memory_space<vmem>> -> memref<1x1x128xf32, #tpu.memory_space<vmem>>
      %dma_start3A_1099 = tpu.memref_squeeze %dma_start3A_1098 : memref<1x1x128xf32, #tpu.memory_space<vmem>> -> memref<128xf32, #tpu.memory_space<vmem>>
      %dma_start3A_1100 = arith.constant 0 : i32
      %dma_start3A_1101 = tpu.memref_slice %arg10[%rem3A_629, %dma_start3A_1096, %dma_start3A_1100] : memref<4x8x128xi32, #tpu.memory_space<vmem>> -> memref<1x1x128xi32, #tpu.memory_space<vmem>>
      %dma_start3A_1102 = tpu.memref_squeeze %dma_start3A_1101 : memref<1x1x128xi32, #tpu.memory_space<vmem>> -> memref<128xi32, #tpu.memory_space<vmem>>
      %dma_start3A_1103 = arith.constant 0 : i32
      %dma_start3A_1104 = tpu.memref_slice %arg16[%dma_start3A_1103] : memref<100352xf32, #tpu.memory_space<vmem_shared>> -> memref<100352xf32, #tpu.memory_space<vmem_shared>>
      tpu.enqueue_indirect_dma source(%dma_start3A_1099 : memref<128xf32, #tpu.memory_space<vmem>>) target(%dma_start3A_1104 : memref<100352xf32, #tpu.memory_space<vmem_shared>>) offsets(%dma_start3A_1102 : memref<128xi32, #tpu.memory_space<vmem>>) semaphore(%arg19 : memref<!tpu.dma_semaphore, #tpu.memory_space<semaphore_mem>>) {add = true}
      %dma_start3A_1105 = arith.constant 5 : i32
      %dma_start3A_1106 = arith.constant 5 : i32
      %dma_start3A_1107 = arith.constant 0 : i32
      %dma_start3A_1108 = tpu.memref_slice %arg12[%rem3A_629, %dma_start3A_1105, %dma_start3A_1107] : memref<4x8x128xf32, #tpu.memory_space<vmem>> -> memref<1x1x128xf32, #tpu.memory_space<vmem>>
      %dma_start3A_1109 = tpu.memref_squeeze %dma_start3A_1108 : memref<1x1x128xf32, #tpu.memory_space<vmem>> -> memref<128xf32, #tpu.memory_space<vmem>>
      %dma_start3A_1110 = arith.constant 0 : i32
      %dma_start3A_1111 = tpu.memref_slice %arg10[%rem3A_629, %dma_start3A_1106, %dma_start3A_1110] : memref<4x8x128xi32, #tpu.memory_space<vmem>> -> memref<1x1x128xi32, #tpu.memory_space<vmem>>
      %dma_start3A_1112 = tpu.memref_squeeze %dma_start3A_1111 : memref<1x1x128xi32, #tpu.memory_space<vmem>> -> memref<128xi32, #tpu.memory_space<vmem>>
      %dma_start3A_1113 = arith.constant 0 : i32
      %dma_start3A_1114 = tpu.memref_slice %arg16[%dma_start3A_1113] : memref<100352xf32, #tpu.memory_space<vmem_shared>> -> memref<100352xf32, #tpu.memory_space<vmem_shared>>
      tpu.enqueue_indirect_dma source(%dma_start3A_1109 : memref<128xf32, #tpu.memory_space<vmem>>) target(%dma_start3A_1114 : memref<100352xf32, #tpu.memory_space<vmem_shared>>) offsets(%dma_start3A_1112 : memref<128xi32, #tpu.memory_space<vmem>>) semaphore(%arg19 : memref<!tpu.dma_semaphore, #tpu.memory_space<semaphore_mem>>) {add = true}
      %dma_start3A_1115 = arith.constant 6 : i32
      %dma_start3A_1116 = arith.constant 6 : i32
      %dma_start3A_1117 = arith.constant 0 : i32
      %dma_start3A_1118 = tpu.memref_slice %arg12[%rem3A_629, %dma_start3A_1115, %dma_start3A_1117] : memref<4x8x128xf32, #tpu.memory_space<vmem>> -> memref<1x1x128xf32, #tpu.memory_space<vmem>>
      %dma_start3A_1119 = tpu.memref_squeeze %dma_start3A_1118 : memref<1x1x128xf32, #tpu.memory_space<vmem>> -> memref<128xf32, #tpu.memory_space<vmem>>
      %dma_start3A_1120 = arith.constant 0 : i32
      %dma_start3A_1121 = tpu.memref_slice %arg10[%rem3A_629, %dma_start3A_1116, %dma_start3A_1120] : memref<4x8x128xi32, #tpu.memory_space<vmem>> -> memref<1x1x128xi32, #tpu.memory_space<vmem>>
      %dma_start3A_1122 = tpu.memref_squeeze %dma_start3A_1121 : memref<1x1x128xi32, #tpu.memory_space<vmem>> -> memref<128xi32, #tpu.memory_space<vmem>>
      %dma_start3A_1123 = arith.constant 0 : i32
      %dma_start3A_1124 = tpu.memref_slice %arg16[%dma_start3A_1123] : memref<100352xf32, #tpu.memory_space<vmem_shared>> -> memref<100352xf32, #tpu.memory_space<vmem_shared>>
      tpu.enqueue_indirect_dma source(%dma_start3A_1119 : memref<128xf32, #tpu.memory_space<vmem>>) target(%dma_start3A_1124 : memref<100352xf32, #tpu.memory_space<vmem_shared>>) offsets(%dma_start3A_1122 : memref<128xi32, #tpu.memory_space<vmem>>) semaphore(%arg19 : memref<!tpu.dma_semaphore, #tpu.memory_space<semaphore_mem>>) {add = true}
      %dma_start3A_1125 = arith.constant 7 : i32
      %dma_start3A_1126 = arith.constant 7 : i32
      %dma_start3A_1127 = arith.constant 0 : i32
      %dma_start3A_1128 = tpu.memref_slice %arg12[%rem3A_629, %dma_start3A_1125, %dma_start3A_1127] : memref<4x8x128xf32, #tpu.memory_space<vmem>> -> memref<1x1x128xf32, #tpu.memory_space<vmem>>
      %dma_start3A_1129 = tpu.memref_squeeze %dma_start3A_1128 : memref<1x1x128xf32, #tpu.memory_space<vmem>> -> memref<128xf32, #tpu.memory_space<vmem>>
      %dma_start3A_1130 = arith.constant 0 : i32
      %dma_start3A_1131 = tpu.memref_slice %arg10[%rem3A_629, %dma_start3A_1126, %dma_start3A_1130] : memref<4x8x128xi32, #tpu.memory_space<vmem>> -> memref<1x1x128xi32, #tpu.memory_space<vmem>>
      %dma_start3A_1132 = tpu.memref_squeeze %dma_start3A_1131 : memref<1x1x128xi32, #tpu.memory_space<vmem>> -> memref<128xi32, #tpu.memory_space<vmem>>
      %dma_start3A_1133 = arith.constant 0 : i32
      %dma_start3A_1134 = tpu.memref_slice %arg16[%dma_start3A_1133] : memref<100352xf32, #tpu.memory_space<vmem_shared>> -> memref<100352xf32, #tpu.memory_space<vmem_shared>>
      tpu.enqueue_indirect_dma source(%dma_start3A_1129 : memref<128xf32, #tpu.memory_space<vmem>>) target(%dma_start3A_1134 : memref<100352xf32, #tpu.memory_space<vmem_shared>>) offsets(%dma_start3A_1132 : memref<128xi32, #tpu.memory_space<vmem>>) semaphore(%arg19 : memref<!tpu.dma_semaphore, #tpu.memory_space<semaphore_mem>>) {add = true}
    }
    %scan3A_30 = arith.constant 98 : i32
    %dma_wait3A_31 = arith.constant 3 : i32
    %dma_wait3A_32 = arith.constant 0 : i32
    %dma_wait3A_33 = arith.constant 3 : i32
    %dma_wait3A_34 = arith.constant 0 : i32
    %dma_wait3A_35 = arith.constant 0 : i32
    %dma_wait3A_36 = tpu.memref_slice %arg11[%dma_wait3A_31, %dma_wait3A_32, %dma_wait3A_35] : memref<4x8x128xf32, #tpu.memory_space<vmem>> -> memref<1x1x128xf32, #tpu.memory_space<vmem>>
    %dma_wait3A_37 = tpu.memref_squeeze %dma_wait3A_36 : memref<1x1x128xf32, #tpu.memory_space<vmem>> -> memref<128xf32, #tpu.memory_space<vmem>>
    %dma_wait3A_38 = arith.constant 0 : i32
    %dma_wait3A_39 = tpu.memref_slice %arg10[%dma_wait3A_33, %dma_wait3A_34, %dma_wait3A_38] : memref<4x8x128xi32, #tpu.memory_space<vmem>> -> memref<1x1x128xi32, #tpu.memory_space<vmem>>
    %dma_wait3A_40 = tpu.memref_squeeze %dma_wait3A_39 : memref<1x1x128xi32, #tpu.memory_space<vmem>> -> memref<128xi32, #tpu.memory_space<vmem>>
    %dma_wait3A_41 = arith.constant 0 : i32
    %dma_wait3A_42 = tpu.memref_slice %arg15[%dma_wait3A_41] : memref<100352xf32, #tpu.memory_space<vmem_shared>> -> memref<100352xf32, #tpu.memory_space<vmem_shared>>
    tpu.wait_indirect_dma semaphore(%arg19 : memref<!tpu.dma_semaphore, #tpu.memory_space<semaphore_mem>>) src(%dma_wait3A_37 : memref<128xf32, #tpu.memory_space<vmem>>) dst(%dma_wait3A_42 : memref<100352xf32, #tpu.memory_space<vmem_shared>>)
    %dma_wait3A_43 = arith.constant 3 : i32
    %dma_wait3A_44 = arith.constant 1 : i32
    %dma_wait3A_45 = arith.constant 3 : i32
    %dma_wait3A_46 = arith.constant 1 : i32
    %dma_wait3A_47 = arith.constant 0 : i32
    %dma_wait3A_48 = tpu.memref_slice %arg11[%dma_wait3A_43, %dma_wait3A_44, %dma_wait3A_47] : memref<4x8x128xf32, #tpu.memory_space<vmem>> -> memref<1x1x128xf32, #tpu.memory_space<vmem>>
    %dma_wait3A_49 = tpu.memref_squeeze %dma_wait3A_48 : memref<1x1x128xf32, #tpu.memory_space<vmem>> -> memref<128xf32, #tpu.memory_space<vmem>>
    %dma_wait3A_50 = arith.constant 0 : i32
    %dma_wait3A_51 = tpu.memref_slice %arg10[%dma_wait3A_45, %dma_wait3A_46, %dma_wait3A_50] : memref<4x8x128xi32, #tpu.memory_space<vmem>> -> memref<1x1x128xi32, #tpu.memory_space<vmem>>
    %dma_wait3A_52 = tpu.memref_squeeze %dma_wait3A_51 : memref<1x1x128xi32, #tpu.memory_space<vmem>> -> memref<128xi32, #tpu.memory_space<vmem>>
    %dma_wait3A_53 = arith.constant 0 : i32
    %dma_wait3A_54 = tpu.memref_slice %arg15[%dma_wait3A_53] : memref<100352xf32, #tpu.memory_space<vmem_shared>> -> memref<100352xf32, #tpu.memory_space<vmem_shared>>
    tpu.wait_indirect_dma semaphore(%arg19 : memref<!tpu.dma_semaphore, #tpu.memory_space<semaphore_mem>>) src(%dma_wait3A_49 : memref<128xf32, #tpu.memory_space<vmem>>) dst(%dma_wait3A_54 : memref<100352xf32, #tpu.memory_space<vmem_shared>>)
    %dma_wait3A_55 = arith.constant 3 : i32
    %dma_wait3A_56 = arith.constant 2 : i32
    %dma_wait3A_57 = arith.constant 3 : i32
    %dma_wait3A_58 = arith.constant 2 : i32
    %dma_wait3A_59 = arith.constant 0 : i32
    %dma_wait3A_60 = tpu.memref_slice %arg11[%dma_wait3A_55, %dma_wait3A_56, %dma_wait3A_59] : memref<4x8x128xf32, #tpu.memory_space<vmem>> -> memref<1x1x128xf32, #tpu.memory_space<vmem>>
    %dma_wait3A_61 = tpu.memref_squeeze %dma_wait3A_60 : memref<1x1x128xf32, #tpu.memory_space<vmem>> -> memref<128xf32, #tpu.memory_space<vmem>>
    %dma_wait3A_62 = arith.constant 0 : i32
    %dma_wait3A_63 = tpu.memref_slice %arg10[%dma_wait3A_57, %dma_wait3A_58, %dma_wait3A_62] : memref<4x8x128xi32, #tpu.memory_space<vmem>> -> memref<1x1x128xi32, #tpu.memory_space<vmem>>
    %dma_wait3A_64 = tpu.memref_squeeze %dma_wait3A_63 : memref<1x1x128xi32, #tpu.memory_space<vmem>> -> memref<128xi32, #tpu.memory_space<vmem>>
    %dma_wait3A_65 = arith.constant 0 : i32
    %dma_wait3A_66 = tpu.memref_slice %arg15[%dma_wait3A_65] : memref<100352xf32, #tpu.memory_space<vmem_shared>> -> memref<100352xf32, #tpu.memory_space<vmem_shared>>
    tpu.wait_indirect_dma semaphore(%arg19 : memref<!tpu.dma_semaphore, #tpu.memory_space<semaphore_mem>>) src(%dma_wait3A_61 : memref<128xf32, #tpu.memory_space<vmem>>) dst(%dma_wait3A_66 : memref<100352xf32, #tpu.memory_space<vmem_shared>>)
    %dma_wait3A_67 = arith.constant 3 : i32
    %dma_wait3A_68 = arith.constant 3 : i32
    %dma_wait3A_69 = arith.constant 3 : i32
    %dma_wait3A_70 = arith.constant 3 : i32
    %dma_wait3A_71 = arith.constant 0 : i32
    %dma_wait3A_72 = tpu.memref_slice %arg11[%dma_wait3A_67, %dma_wait3A_68, %dma_wait3A_71] : memref<4x8x128xf32, #tpu.memory_space<vmem>> -> memref<1x1x128xf32, #tpu.memory_space<vmem>>
    %dma_wait3A_73 = tpu.memref_squeeze %dma_wait3A_72 : memref<1x1x128xf32, #tpu.memory_space<vmem>> -> memref<128xf32, #tpu.memory_space<vmem>>
    %dma_wait3A_74 = arith.constant 0 : i32
    %dma_wait3A_75 = tpu.memref_slice %arg10[%dma_wait3A_69, %dma_wait3A_70, %dma_wait3A_74] : memref<4x8x128xi32, #tpu.memory_space<vmem>> -> memref<1x1x128xi32, #tpu.memory_space<vmem>>
    %dma_wait3A_76 = tpu.memref_squeeze %dma_wait3A_75 : memref<1x1x128xi32, #tpu.memory_space<vmem>> -> memref<128xi32, #tpu.memory_space<vmem>>
    %dma_wait3A_77 = arith.constant 0 : i32
    %dma_wait3A_78 = tpu.memref_slice %arg15[%dma_wait3A_77] : memref<100352xf32, #tpu.memory_space<vmem_shared>> -> memref<100352xf32, #tpu.memory_space<vmem_shared>>
    tpu.wait_indirect_dma semaphore(%arg19 : memref<!tpu.dma_semaphore, #tpu.memory_space<semaphore_mem>>) src(%dma_wait3A_73 : memref<128xf32, #tpu.memory_space<vmem>>) dst(%dma_wait3A_78 : memref<100352xf32, #tpu.memory_space<vmem_shared>>)
    %dma_wait3A_79 = arith.constant 3 : i32
    %dma_wait3A_80 = arith.constant 4 : i32
    %dma_wait3A_81 = arith.constant 3 : i32
    %dma_wait3A_82 = arith.constant 4 : i32
    %dma_wait3A_83 = arith.constant 0 : i32
    %dma_wait3A_84 = tpu.memref_slice %arg11[%dma_wait3A_79, %dma_wait3A_80, %dma_wait3A_83] : memref<4x8x128xf32, #tpu.memory_space<vmem>> -> memref<1x1x128xf32, #tpu.memory_space<vmem>>
    %dma_wait3A_85 = tpu.memref_squeeze %dma_wait3A_84 : memref<1x1x128xf32, #tpu.memory_space<vmem>> -> memref<128xf32, #tpu.memory_space<vmem>>
    %dma_wait3A_86 = arith.constant 0 : i32
    %dma_wait3A_87 = tpu.memref_slice %arg10[%dma_wait3A_81, %dma_wait3A_82, %dma_wait3A_86] : memref<4x8x128xi32, #tpu.memory_space<vmem>> -> memref<1x1x128xi32, #tpu.memory_space<vmem>>
    %dma_wait3A_88 = tpu.memref_squeeze %dma_wait3A_87 : memref<1x1x128xi32, #tpu.memory_space<vmem>> -> memref<128xi32, #tpu.memory_space<vmem>>
    %dma_wait3A_89 = arith.constant 0 : i32
    %dma_wait3A_90 = tpu.memref_slice %arg15[%dma_wait3A_89] : memref<100352xf32, #tpu.memory_space<vmem_shared>> -> memref<100352xf32, #tpu.memory_space<vmem_shared>>
    tpu.wait_indirect_dma semaphore(%arg19 : memref<!tpu.dma_semaphore, #tpu.memory_space<semaphore_mem>>) src(%dma_wait3A_85 : memref<128xf32, #tpu.memory_space<vmem>>) dst(%dma_wait3A_90 : memref<100352xf32, #tpu.memory_space<vmem_shared>>)
    %dma_wait3A_91 = arith.constant 3 : i32
    %dma_wait3A_92 = arith.constant 5 : i32
    %dma_wait3A_93 = arith.constant 3 : i32
    %dma_wait3A_94 = arith.constant 5 : i32
    %dma_wait3A_95 = arith.constant 0 : i32
    %dma_wait3A_96 = tpu.memref_slice %arg11[%dma_wait3A_91, %dma_wait3A_92, %dma_wait3A_95] : memref<4x8x128xf32, #tpu.memory_space<vmem>> -> memref<1x1x128xf32, #tpu.memory_space<vmem>>
    %dma_wait3A_97 = tpu.memref_squeeze %dma_wait3A_96 : memref<1x1x128xf32, #tpu.memory_space<vmem>> -> memref<128xf32, #tpu.memory_space<vmem>>
    %dma_wait3A_98 = arith.constant 0 : i32
    %dma_wait3A_99 = tpu.memref_slice %arg10[%dma_wait3A_93, %dma_wait3A_94, %dma_wait3A_98] : memref<4x8x128xi32, #tpu.memory_space<vmem>> -> memref<1x1x128xi32, #tpu.memory_space<vmem>>
    %dma_wait3A_100 = tpu.memref_squeeze %dma_wait3A_99 : memref<1x1x128xi32, #tpu.memory_space<vmem>> -> memref<128xi32, #tpu.memory_space<vmem>>
    %dma_wait3A_101 = arith.constant 0 : i32
    %dma_wait3A_102 = tpu.memref_slice %arg15[%dma_wait3A_101] : memref<100352xf32, #tpu.memory_space<vmem_shared>> -> memref<100352xf32, #tpu.memory_space<vmem_shared>>
    tpu.wait_indirect_dma semaphore(%arg19 : memref<!tpu.dma_semaphore, #tpu.memory_space<semaphore_mem>>) src(%dma_wait3A_97 : memref<128xf32, #tpu.memory_space<vmem>>) dst(%dma_wait3A_102 : memref<100352xf32, #tpu.memory_space<vmem_shared>>)
    %dma_wait3A_103 = arith.constant 3 : i32
    %dma_wait3A_104 = arith.constant 6 : i32
    %dma_wait3A_105 = arith.constant 3 : i32
    %dma_wait3A_106 = arith.constant 6 : i32
    %dma_wait3A_107 = arith.constant 0 : i32
    %dma_wait3A_108 = tpu.memref_slice %arg11[%dma_wait3A_103, %dma_wait3A_104, %dma_wait3A_107] : memref<4x8x128xf32, #tpu.memory_space<vmem>> -> memref<1x1x128xf32, #tpu.memory_space<vmem>>
    %dma_wait3A_109 = tpu.memref_squeeze %dma_wait3A_108 : memref<1x1x128xf32, #tpu.memory_space<vmem>> -> memref<128xf32, #tpu.memory_space<vmem>>
    %dma_wait3A_110 = arith.constant 0 : i32
    %dma_wait3A_111 = tpu.memref_slice %arg10[%dma_wait3A_105, %dma_wait3A_106, %dma_wait3A_110] : memref<4x8x128xi32, #tpu.memory_space<vmem>> -> memref<1x1x128xi32, #tpu.memory_space<vmem>>
    %dma_wait3A_112 = tpu.memref_squeeze %dma_wait3A_111 : memref<1x1x128xi32, #tpu.memory_space<vmem>> -> memref<128xi32, #tpu.memory_space<vmem>>
    %dma_wait3A_113 = arith.constant 0 : i32
    %dma_wait3A_114 = tpu.memref_slice %arg15[%dma_wait3A_113] : memref<100352xf32, #tpu.memory_space<vmem_shared>> -> memref<100352xf32, #tpu.memory_space<vmem_shared>>
    tpu.wait_indirect_dma semaphore(%arg19 : memref<!tpu.dma_semaphore, #tpu.memory_space<semaphore_mem>>) src(%dma_wait3A_109 : memref<128xf32, #tpu.memory_space<vmem>>) dst(%dma_wait3A_114 : memref<100352xf32, #tpu.memory_space<vmem_shared>>)
    %dma_wait3A_115 = arith.constant 3 : i32
    %dma_wait3A_116 = arith.constant 7 : i32
    %dma_wait3A_117 = arith.constant 3 : i32
    %dma_wait3A_118 = arith.constant 7 : i32
    %dma_wait3A_119 = arith.constant 0 : i32
    %dma_wait3A_120 = tpu.memref_slice %arg11[%dma_wait3A_115, %dma_wait3A_116, %dma_wait3A_119] : memref<4x8x128xf32, #tpu.memory_space<vmem>> -> memref<1x1x128xf32, #tpu.memory_space<vmem>>
    %dma_wait3A_121 = tpu.memref_squeeze %dma_wait3A_120 : memref<1x1x128xf32, #tpu.memory_space<vmem>> -> memref<128xf32, #tpu.memory_space<vmem>>
    %dma_wait3A_122 = arith.constant 0 : i32
    %dma_wait3A_123 = tpu.memref_slice %arg10[%dma_wait3A_117, %dma_wait3A_118, %dma_wait3A_122] : memref<4x8x128xi32, #tpu.memory_space<vmem>> -> memref<1x1x128xi32, #tpu.memory_space<vmem>>
    %dma_wait3A_124 = tpu.memref_squeeze %dma_wait3A_123 : memref<1x1x128xi32, #tpu.memory_space<vmem>> -> memref<128xi32, #tpu.memory_space<vmem>>
    %dma_wait3A_125 = arith.constant 0 : i32
    %dma_wait3A_126 = tpu.memref_slice %arg15[%dma_wait3A_125] : memref<100352xf32, #tpu.memory_space<vmem_shared>> -> memref<100352xf32, #tpu.memory_space<vmem_shared>>
    tpu.wait_indirect_dma semaphore(%arg19 : memref<!tpu.dma_semaphore, #tpu.memory_space<semaphore_mem>>) src(%dma_wait3A_121 : memref<128xf32, #tpu.memory_space<vmem>>) dst(%dma_wait3A_126 : memref<100352xf32, #tpu.memory_space<vmem_shared>>)
    %dma_wait3A_127 = arith.constant 3 : i32
    %dma_wait3A_128 = arith.constant 0 : i32
    %dma_wait3A_129 = arith.constant 3 : i32
    %dma_wait3A_130 = arith.constant 0 : i32
    %dma_wait3A_131 = arith.constant 0 : i32
    %dma_wait3A_132 = tpu.memref_slice %arg12[%dma_wait3A_127, %dma_wait3A_128, %dma_wait3A_131] : memref<4x8x128xf32, #tpu.memory_space<vmem>> -> memref<1x1x128xf32, #tpu.memory_space<vmem>>
    %dma_wait3A_133 = tpu.memref_squeeze %dma_wait3A_132 : memref<1x1x128xf32, #tpu.memory_space<vmem>> -> memref<128xf32, #tpu.memory_space<vmem>>
    %dma_wait3A_134 = arith.constant 0 : i32
    %dma_wait3A_135 = tpu.memref_slice %arg10[%dma_wait3A_129, %dma_wait3A_130, %dma_wait3A_134] : memref<4x8x128xi32, #tpu.memory_space<vmem>> -> memref<1x1x128xi32, #tpu.memory_space<vmem>>
    %dma_wait3A_136 = tpu.memref_squeeze %dma_wait3A_135 : memref<1x1x128xi32, #tpu.memory_space<vmem>> -> memref<128xi32, #tpu.memory_space<vmem>>
    %dma_wait3A_137 = arith.constant 0 : i32
    %dma_wait3A_138 = tpu.memref_slice %arg16[%dma_wait3A_137] : memref<100352xf32, #tpu.memory_space<vmem_shared>> -> memref<100352xf32, #tpu.memory_space<vmem_shared>>
    tpu.wait_indirect_dma semaphore(%arg19 : memref<!tpu.dma_semaphore, #tpu.memory_space<semaphore_mem>>) src(%dma_wait3A_133 : memref<128xf32, #tpu.memory_space<vmem>>) dst(%dma_wait3A_138 : memref<100352xf32, #tpu.memory_space<vmem_shared>>)
    %dma_wait3A_139 = arith.constant 3 : i32
    %dma_wait3A_140 = arith.constant 1 : i32
    %dma_wait3A_141 = arith.constant 3 : i32
    %dma_wait3A_142 = arith.constant 1 : i32
    %dma_wait3A_143 = arith.constant 0 : i32
    %dma_wait3A_144 = tpu.memref_slice %arg12[%dma_wait3A_139, %dma_wait3A_140, %dma_wait3A_143] : memref<4x8x128xf32, #tpu.memory_space<vmem>> -> memref<1x1x128xf32, #tpu.memory_space<vmem>>
    %dma_wait3A_145 = tpu.memref_squeeze %dma_wait3A_144 : memref<1x1x128xf32, #tpu.memory_space<vmem>> -> memref<128xf32, #tpu.memory_space<vmem>>
    %dma_wait3A_146 = arith.constant 0 : i32
    %dma_wait3A_147 = tpu.memref_slice %arg10[%dma_wait3A_141, %dma_wait3A_142, %dma_wait3A_146] : memref<4x8x128xi32, #tpu.memory_space<vmem>> -> memref<1x1x128xi32, #tpu.memory_space<vmem>>
    %dma_wait3A_148 = tpu.memref_squeeze %dma_wait3A_147 : memref<1x1x128xi32, #tpu.memory_space<vmem>> -> memref<128xi32, #tpu.memory_space<vmem>>
    %dma_wait3A_149 = arith.constant 0 : i32
    %dma_wait3A_150 = tpu.memref_slice %arg16[%dma_wait3A_149] : memref<100352xf32, #tpu.memory_space<vmem_shared>> -> memref<100352xf32, #tpu.memory_space<vmem_shared>>
    tpu.wait_indirect_dma semaphore(%arg19 : memref<!tpu.dma_semaphore, #tpu.memory_space<semaphore_mem>>) src(%dma_wait3A_145 : memref<128xf32, #tpu.memory_space<vmem>>) dst(%dma_wait3A_150 : memref<100352xf32, #tpu.memory_space<vmem_shared>>)
    %dma_wait3A_151 = arith.constant 3 : i32
    %dma_wait3A_152 = arith.constant 2 : i32
    %dma_wait3A_153 = arith.constant 3 : i32
    %dma_wait3A_154 = arith.constant 2 : i32
    %dma_wait3A_155 = arith.constant 0 : i32
    %dma_wait3A_156 = tpu.memref_slice %arg12[%dma_wait3A_151, %dma_wait3A_152, %dma_wait3A_155] : memref<4x8x128xf32, #tpu.memory_space<vmem>> -> memref<1x1x128xf32, #tpu.memory_space<vmem>>
    %dma_wait3A_157 = tpu.memref_squeeze %dma_wait3A_156 : memref<1x1x128xf32, #tpu.memory_space<vmem>> -> memref<128xf32, #tpu.memory_space<vmem>>
    %dma_wait3A_158 = arith.constant 0 : i32
    %dma_wait3A_159 = tpu.memref_slice %arg10[%dma_wait3A_153, %dma_wait3A_154, %dma_wait3A_158] : memref<4x8x128xi32, #tpu.memory_space<vmem>> -> memref<1x1x128xi32, #tpu.memory_space<vmem>>
    %dma_wait3A_160 = tpu.memref_squeeze %dma_wait3A_159 : memref<1x1x128xi32, #tpu.memory_space<vmem>> -> memref<128xi32, #tpu.memory_space<vmem>>
    %dma_wait3A_161 = arith.constant 0 : i32
    %dma_wait3A_162 = tpu.memref_slice %arg16[%dma_wait3A_161] : memref<100352xf32, #tpu.memory_space<vmem_shared>> -> memref<100352xf32, #tpu.memory_space<vmem_shared>>
    tpu.wait_indirect_dma semaphore(%arg19 : memref<!tpu.dma_semaphore, #tpu.memory_space<semaphore_mem>>) src(%dma_wait3A_157 : memref<128xf32, #tpu.memory_space<vmem>>) dst(%dma_wait3A_162 : memref<100352xf32, #tpu.memory_space<vmem_shared>>)
    %dma_wait3A_163 = arith.constant 3 : i32
    %dma_wait3A_164 = arith.constant 3 : i32
    %dma_wait3A_165 = arith.constant 3 : i32
    %dma_wait3A_166 = arith.constant 3 : i32
    %dma_wait3A_167 = arith.constant 0 : i32
    %dma_wait3A_168 = tpu.memref_slice %arg12[%dma_wait3A_163, %dma_wait3A_164, %dma_wait3A_167] : memref<4x8x128xf32, #tpu.memory_space<vmem>> -> memref<1x1x128xf32, #tpu.memory_space<vmem>>
    %dma_wait3A_169 = tpu.memref_squeeze %dma_wait3A_168 : memref<1x1x128xf32, #tpu.memory_space<vmem>> -> memref<128xf32, #tpu.memory_space<vmem>>
    %dma_wait3A_170 = arith.constant 0 : i32
    %dma_wait3A_171 = tpu.memref_slice %arg10[%dma_wait3A_165, %dma_wait3A_166, %dma_wait3A_170] : memref<4x8x128xi32, #tpu.memory_space<vmem>> -> memref<1x1x128xi32, #tpu.memory_space<vmem>>
    %dma_wait3A_172 = tpu.memref_squeeze %dma_wait3A_171 : memref<1x1x128xi32, #tpu.memory_space<vmem>> -> memref<128xi32, #tpu.memory_space<vmem>>
    %dma_wait3A_173 = arith.constant 0 : i32
    %dma_wait3A_174 = tpu.memref_slice %arg16[%dma_wait3A_173] : memref<100352xf32, #tpu.memory_space<vmem_shared>> -> memref<100352xf32, #tpu.memory_space<vmem_shared>>
    tpu.wait_indirect_dma semaphore(%arg19 : memref<!tpu.dma_semaphore, #tpu.memory_space<semaphore_mem>>) src(%dma_wait3A_169 : memref<128xf32, #tpu.memory_space<vmem>>) dst(%dma_wait3A_174 : memref<100352xf32, #tpu.memory_space<vmem_shared>>)
    %dma_wait3A_175 = arith.constant 3 : i32
    %dma_wait3A_176 = arith.constant 4 : i32
    %dma_wait3A_177 = arith.constant 3 : i32
    %dma_wait3A_178 = arith.constant 4 : i32
    %dma_wait3A_179 = arith.constant 0 : i32
    %dma_wait3A_180 = tpu.memref_slice %arg12[%dma_wait3A_175, %dma_wait3A_176, %dma_wait3A_179] : memref<4x8x128xf32, #tpu.memory_space<vmem>> -> memref<1x1x128xf32, #tpu.memory_space<vmem>>
    %dma_wait3A_181 = tpu.memref_squeeze %dma_wait3A_180 : memref<1x1x128xf32, #tpu.memory_space<vmem>> -> memref<128xf32, #tpu.memory_space<vmem>>
    %dma_wait3A_182 = arith.constant 0 : i32
    %dma_wait3A_183 = tpu.memref_slice %arg10[%dma_wait3A_177, %dma_wait3A_178, %dma_wait3A_182] : memref<4x8x128xi32, #tpu.memory_space<vmem>> -> memref<1x1x128xi32, #tpu.memory_space<vmem>>
    %dma_wait3A_184 = tpu.memref_squeeze %dma_wait3A_183 : memref<1x1x128xi32, #tpu.memory_space<vmem>> -> memref<128xi32, #tpu.memory_space<vmem>>
    %dma_wait3A_185 = arith.constant 0 : i32
    %dma_wait3A_186 = tpu.memref_slice %arg16[%dma_wait3A_185] : memref<100352xf32, #tpu.memory_space<vmem_shared>> -> memref<100352xf32, #tpu.memory_space<vmem_shared>>
    tpu.wait_indirect_dma semaphore(%arg19 : memref<!tpu.dma_semaphore, #tpu.memory_space<semaphore_mem>>) src(%dma_wait3A_181 : memref<128xf32, #tpu.memory_space<vmem>>) dst(%dma_wait3A_186 : memref<100352xf32, #tpu.memory_space<vmem_shared>>)
    %dma_wait3A_187 = arith.constant 3 : i32
    %dma_wait3A_188 = arith.constant 5 : i32
    %dma_wait3A_189 = arith.constant 3 : i32
    %dma_wait3A_190 = arith.constant 5 : i32
    %dma_wait3A_191 = arith.constant 0 : i32
    %dma_wait3A_192 = tpu.memref_slice %arg12[%dma_wait3A_187, %dma_wait3A_188, %dma_wait3A_191] : memref<4x8x128xf32, #tpu.memory_space<vmem>> -> memref<1x1x128xf32, #tpu.memory_space<vmem>>
    %dma_wait3A_193 = tpu.memref_squeeze %dma_wait3A_192 : memref<1x1x128xf32, #tpu.memory_space<vmem>> -> memref<128xf32, #tpu.memory_space<vmem>>
    %dma_wait3A_194 = arith.constant 0 : i32
    %dma_wait3A_195 = tpu.memref_slice %arg10[%dma_wait3A_189, %dma_wait3A_190, %dma_wait3A_194] : memref<4x8x128xi32, #tpu.memory_space<vmem>> -> memref<1x1x128xi32, #tpu.memory_space<vmem>>
    %dma_wait3A_196 = tpu.memref_squeeze %dma_wait3A_195 : memref<1x1x128xi32, #tpu.memory_space<vmem>> -> memref<128xi32, #tpu.memory_space<vmem>>
    %dma_wait3A_197 = arith.constant 0 : i32
    %dma_wait3A_198 = tpu.memref_slice %arg16[%dma_wait3A_197] : memref<100352xf32, #tpu.memory_space<vmem_shared>> -> memref<100352xf32, #tpu.memory_space<vmem_shared>>
    tpu.wait_indirect_dma semaphore(%arg19 : memref<!tpu.dma_semaphore, #tpu.memory_space<semaphore_mem>>) src(%dma_wait3A_193 : memref<128xf32, #tpu.memory_space<vmem>>) dst(%dma_wait3A_198 : memref<100352xf32, #tpu.memory_space<vmem_shared>>)
    %dma_wait3A_199 = arith.constant 3 : i32
    %dma_wait3A_200 = arith.constant 6 : i32
    %dma_wait3A_201 = arith.constant 3 : i32
    %dma_wait3A_202 = arith.constant 6 : i32
    %dma_wait3A_203 = arith.constant 0 : i32
    %dma_wait3A_204 = tpu.memref_slice %arg12[%dma_wait3A_199, %dma_wait3A_200, %dma_wait3A_203] : memref<4x8x128xf32, #tpu.memory_space<vmem>> -> memref<1x1x128xf32, #tpu.memory_space<vmem>>
    %dma_wait3A_205 = tpu.memref_squeeze %dma_wait3A_204 : memref<1x1x128xf32, #tpu.memory_space<vmem>> -> memref<128xf32, #tpu.memory_space<vmem>>
    %dma_wait3A_206 = arith.constant 0 : i32
    %dma_wait3A_207 = tpu.memref_slice %arg10[%dma_wait3A_201, %dma_wait3A_202, %dma_wait3A_206] : memref<4x8x128xi32, #tpu.memory_space<vmem>> -> memref<1x1x128xi32, #tpu.memory_space<vmem>>
    %dma_wait3A_208 = tpu.memref_squeeze %dma_wait3A_207 : memref<1x1x128xi32, #tpu.memory_space<vmem>> -> memref<128xi32, #tpu.memory_space<vmem>>
    %dma_wait3A_209 = arith.constant 0 : i32
    %dma_wait3A_210 = tpu.memref_slice %arg16[%dma_wait3A_209] : memref<100352xf32, #tpu.memory_space<vmem_shared>> -> memref<100352xf32, #tpu.memory_space<vmem_shared>>
    tpu.wait_indirect_dma semaphore(%arg19 : memref<!tpu.dma_semaphore, #tpu.memory_space<semaphore_mem>>) src(%dma_wait3A_205 : memref<128xf32, #tpu.memory_space<vmem>>) dst(%dma_wait3A_210 : memref<100352xf32, #tpu.memory_space<vmem_shared>>)
    %dma_wait3A_211 = arith.constant 3 : i32
    %dma_wait3A_212 = arith.constant 7 : i32
    %dma_wait3A_213 = arith.constant 3 : i32
    %dma_wait3A_214 = arith.constant 7 : i32
    %dma_wait3A_215 = arith.constant 0 : i32
    %dma_wait3A_216 = tpu.memref_slice %arg12[%dma_wait3A_211, %dma_wait3A_212, %dma_wait3A_215] : memref<4x8x128xf32, #tpu.memory_space<vmem>> -> memref<1x1x128xf32, #tpu.memory_space<vmem>>
    %dma_wait3A_217 = tpu.memref_squeeze %dma_wait3A_216 : memref<1x1x128xf32, #tpu.memory_space<vmem>> -> memref<128xf32, #tpu.memory_space<vmem>>
    %dma_wait3A_218 = arith.constant 0 : i32
    %dma_wait3A_219 = tpu.memref_slice %arg10[%dma_wait3A_213, %dma_wait3A_214, %dma_wait3A_218] : memref<4x8x128xi32, #tpu.memory_space<vmem>> -> memref<1x1x128xi32, #tpu.memory_space<vmem>>
    %dma_wait3A_220 = tpu.memref_squeeze %dma_wait3A_219 : memref<1x1x128xi32, #tpu.memory_space<vmem>> -> memref<128xi32, #tpu.memory_space<vmem>>
    %dma_wait3A_221 = arith.constant 0 : i32
    %dma_wait3A_222 = tpu.memref_slice %arg16[%dma_wait3A_221] : memref<100352xf32, #tpu.memory_space<vmem_shared>> -> memref<100352xf32, #tpu.memory_space<vmem_shared>>
    tpu.wait_indirect_dma semaphore(%arg19 : memref<!tpu.dma_semaphore, #tpu.memory_space<semaphore_mem>>) src(%dma_wait3A_217 : memref<128xf32, #tpu.memory_space<vmem>>) dst(%dma_wait3A_222 : memref<100352xf32, #tpu.memory_space<vmem_shared>>)
    %dma_wait3A_223 = arith.constant 0 : i32
    %dma_wait3A_224 = arith.constant 0 : i32
    %dma_wait3A_225 = arith.constant 0 : i32
    %dma_wait3A_226 = arith.constant 0 : i32
    %dma_wait3A_227 = arith.constant 0 : i32
    %dma_wait3A_228 = tpu.memref_slice %arg11[%dma_wait3A_223, %dma_wait3A_224, %dma_wait3A_227] : memref<4x8x128xf32, #tpu.memory_space<vmem>> -> memref<1x1x128xf32, #tpu.memory_space<vmem>>
    %dma_wait3A_229 = tpu.memref_squeeze %dma_wait3A_228 : memref<1x1x128xf32, #tpu.memory_space<vmem>> -> memref<128xf32, #tpu.memory_space<vmem>>
    %dma_wait3A_230 = arith.constant 0 : i32
    %dma_wait3A_231 = tpu.memref_slice %arg10[%dma_wait3A_225, %dma_wait3A_226, %dma_wait3A_230] : memref<4x8x128xi32, #tpu.memory_space<vmem>> -> memref<1x1x128xi32, #tpu.memory_space<vmem>>
    %dma_wait3A_232 = tpu.memref_squeeze %dma_wait3A_231 : memref<1x1x128xi32, #tpu.memory_space<vmem>> -> memref<128xi32, #tpu.memory_space<vmem>>
    %dma_wait3A_233 = arith.constant 0 : i32
    %dma_wait3A_234 = tpu.memref_slice %arg15[%dma_wait3A_233] : memref<100352xf32, #tpu.memory_space<vmem_shared>> -> memref<100352xf32, #tpu.memory_space<vmem_shared>>
    tpu.wait_indirect_dma semaphore(%arg19 : memref<!tpu.dma_semaphore, #tpu.memory_space<semaphore_mem>>) src(%dma_wait3A_229 : memref<128xf32, #tpu.memory_space<vmem>>) dst(%dma_wait3A_234 : memref<100352xf32, #tpu.memory_space<vmem_shared>>)
    %dma_wait3A_235 = arith.constant 0 : i32
    %dma_wait3A_236 = arith.constant 1 : i32
    %dma_wait3A_237 = arith.constant 0 : i32
    %dma_wait3A_238 = arith.constant 1 : i32
    %dma_wait3A_239 = arith.constant 0 : i32
    %dma_wait3A_240 = tpu.memref_slice %arg11[%dma_wait3A_235, %dma_wait3A_236, %dma_wait3A_239] : memref<4x8x128xf32, #tpu.memory_space<vmem>> -> memref<1x1x128xf32, #tpu.memory_space<vmem>>
    %dma_wait3A_241 = tpu.memref_squeeze %dma_wait3A_240 : memref<1x1x128xf32, #tpu.memory_space<vmem>> -> memref<128xf32, #tpu.memory_space<vmem>>
    %dma_wait3A_242 = arith.constant 0 : i32
    %dma_wait3A_243 = tpu.memref_slice %arg10[%dma_wait3A_237, %dma_wait3A_238, %dma_wait3A_242] : memref<4x8x128xi32, #tpu.memory_space<vmem>> -> memref<1x1x128xi32, #tpu.memory_space<vmem>>
    %dma_wait3A_244 = tpu.memref_squeeze %dma_wait3A_243 : memref<1x1x128xi32, #tpu.memory_space<vmem>> -> memref<128xi32, #tpu.memory_space<vmem>>
    %dma_wait3A_245 = arith.constant 0 : i32
    %dma_wait3A_246 = tpu.memref_slice %arg15[%dma_wait3A_245] : memref<100352xf32, #tpu.memory_space<vmem_shared>> -> memref<100352xf32, #tpu.memory_space<vmem_shared>>
    tpu.wait_indirect_dma semaphore(%arg19 : memref<!tpu.dma_semaphore, #tpu.memory_space<semaphore_mem>>) src(%dma_wait3A_241 : memref<128xf32, #tpu.memory_space<vmem>>) dst(%dma_wait3A_246 : memref<100352xf32, #tpu.memory_space<vmem_shared>>)
    %dma_wait3A_247 = arith.constant 0 : i32
    %dma_wait3A_248 = arith.constant 2 : i32
    %dma_wait3A_249 = arith.constant 0 : i32
    %dma_wait3A_250 = arith.constant 2 : i32
    %dma_wait3A_251 = arith.constant 0 : i32
    %dma_wait3A_252 = tpu.memref_slice %arg11[%dma_wait3A_247, %dma_wait3A_248, %dma_wait3A_251] : memref<4x8x128xf32, #tpu.memory_space<vmem>> -> memref<1x1x128xf32, #tpu.memory_space<vmem>>
    %dma_wait3A_253 = tpu.memref_squeeze %dma_wait3A_252 : memref<1x1x128xf32, #tpu.memory_space<vmem>> -> memref<128xf32, #tpu.memory_space<vmem>>
    %dma_wait3A_254 = arith.constant 0 : i32
    %dma_wait3A_255 = tpu.memref_slice %arg10[%dma_wait3A_249, %dma_wait3A_250, %dma_wait3A_254] : memref<4x8x128xi32, #tpu.memory_space<vmem>> -> memref<1x1x128xi32, #tpu.memory_space<vmem>>
    %dma_wait3A_256 = tpu.memref_squeeze %dma_wait3A_255 : memref<1x1x128xi32, #tpu.memory_space<vmem>> -> memref<128xi32, #tpu.memory_space<vmem>>
    %dma_wait3A_257 = arith.constant 0 : i32
    %dma_wait3A_258 = tpu.memref_slice %arg15[%dma_wait3A_257] : memref<100352xf32, #tpu.memory_space<vmem_shared>> -> memref<100352xf32, #tpu.memory_space<vmem_shared>>
    tpu.wait_indirect_dma semaphore(%arg19 : memref<!tpu.dma_semaphore, #tpu.memory_space<semaphore_mem>>) src(%dma_wait3A_253 : memref<128xf32, #tpu.memory_space<vmem>>) dst(%dma_wait3A_258 : memref<100352xf32, #tpu.memory_space<vmem_shared>>)
    %dma_wait3A_259 = arith.constant 0 : i32
    %dma_wait3A_260 = arith.constant 3 : i32
    %dma_wait3A_261 = arith.constant 0 : i32
    %dma_wait3A_262 = arith.constant 3 : i32
    %dma_wait3A_263 = arith.constant 0 : i32
    %dma_wait3A_264 = tpu.memref_slice %arg11[%dma_wait3A_259, %dma_wait3A_260, %dma_wait3A_263] : memref<4x8x128xf32, #tpu.memory_space<vmem>> -> memref<1x1x128xf32, #tpu.memory_space<vmem>>
    %dma_wait3A_265 = tpu.memref_squeeze %dma_wait3A_264 : memref<1x1x128xf32, #tpu.memory_space<vmem>> -> memref<128xf32, #tpu.memory_space<vmem>>
    %dma_wait3A_266 = arith.constant 0 : i32
    %dma_wait3A_267 = tpu.memref_slice %arg10[%dma_wait3A_261, %dma_wait3A_262, %dma_wait3A_266] : memref<4x8x128xi32, #tpu.memory_space<vmem>> -> memref<1x1x128xi32, #tpu.memory_space<vmem>>
    %dma_wait3A_268 = tpu.memref_squeeze %dma_wait3A_267 : memref<1x1x128xi32, #tpu.memory_space<vmem>> -> memref<128xi32, #tpu.memory_space<vmem>>
    %dma_wait3A_269 = arith.constant 0 : i32
    %dma_wait3A_270 = tpu.memref_slice %arg15[%dma_wait3A_269] : memref<100352xf32, #tpu.memory_space<vmem_shared>> -> memref<100352xf32, #tpu.memory_space<vmem_shared>>
    tpu.wait_indirect_dma semaphore(%arg19 : memref<!tpu.dma_semaphore, #tpu.memory_space<semaphore_mem>>) src(%dma_wait3A_265 : memref<128xf32, #tpu.memory_space<vmem>>) dst(%dma_wait3A_270 : memref<100352xf32, #tpu.memory_space<vmem_shared>>)
    %dma_wait3A_271 = arith.constant 0 : i32
    %dma_wait3A_272 = arith.constant 4 : i32
    %dma_wait3A_273 = arith.constant 0 : i32
    %dma_wait3A_274 = arith.constant 4 : i32
    %dma_wait3A_275 = arith.constant 0 : i32
    %dma_wait3A_276 = tpu.memref_slice %arg11[%dma_wait3A_271, %dma_wait3A_272, %dma_wait3A_275] : memref<4x8x128xf32, #tpu.memory_space<vmem>> -> memref<1x1x128xf32, #tpu.memory_space<vmem>>
    %dma_wait3A_277 = tpu.memref_squeeze %dma_wait3A_276 : memref<1x1x128xf32, #tpu.memory_space<vmem>> -> memref<128xf32, #tpu.memory_space<vmem>>
    %dma_wait3A_278 = arith.constant 0 : i32
    %dma_wait3A_279 = tpu.memref_slice %arg10[%dma_wait3A_273, %dma_wait3A_274, %dma_wait3A_278] : memref<4x8x128xi32, #tpu.memory_space<vmem>> -> memref<1x1x128xi32, #tpu.memory_space<vmem>>
    %dma_wait3A_280 = tpu.memref_squeeze %dma_wait3A_279 : memref<1x1x128xi32, #tpu.memory_space<vmem>> -> memref<128xi32, #tpu.memory_space<vmem>>
    %dma_wait3A_281 = arith.constant 0 : i32
    %dma_wait3A_282 = tpu.memref_slice %arg15[%dma_wait3A_281] : memref<100352xf32, #tpu.memory_space<vmem_shared>> -> memref<100352xf32, #tpu.memory_space<vmem_shared>>
    tpu.wait_indirect_dma semaphore(%arg19 : memref<!tpu.dma_semaphore, #tpu.memory_space<semaphore_mem>>) src(%dma_wait3A_277 : memref<128xf32, #tpu.memory_space<vmem>>) dst(%dma_wait3A_282 : memref<100352xf32, #tpu.memory_space<vmem_shared>>)
    %dma_wait3A_283 = arith.constant 0 : i32
    %dma_wait3A_284 = arith.constant 5 : i32
    %dma_wait3A_285 = arith.constant 0 : i32
    %dma_wait3A_286 = arith.constant 5 : i32
    %dma_wait3A_287 = arith.constant 0 : i32
    %dma_wait3A_288 = tpu.memref_slice %arg11[%dma_wait3A_283, %dma_wait3A_284, %dma_wait3A_287] : memref<4x8x128xf32, #tpu.memory_space<vmem>> -> memref<1x1x128xf32, #tpu.memory_space<vmem>>
    %dma_wait3A_289 = tpu.memref_squeeze %dma_wait3A_288 : memref<1x1x128xf32, #tpu.memory_space<vmem>> -> memref<128xf32, #tpu.memory_space<vmem>>
    %dma_wait3A_290 = arith.constant 0 : i32
    %dma_wait3A_291 = tpu.memref_slice %arg10[%dma_wait3A_285, %dma_wait3A_286, %dma_wait3A_290] : memref<4x8x128xi32, #tpu.memory_space<vmem>> -> memref<1x1x128xi32, #tpu.memory_space<vmem>>
    %dma_wait3A_292 = tpu.memref_squeeze %dma_wait3A_291 : memref<1x1x128xi32, #tpu.memory_space<vmem>> -> memref<128xi32, #tpu.memory_space<vmem>>
    %dma_wait3A_293 = arith.constant 0 : i32
    %dma_wait3A_294 = tpu.memref_slice %arg15[%dma_wait3A_293] : memref<100352xf32, #tpu.memory_space<vmem_shared>> -> memref<100352xf32, #tpu.memory_space<vmem_shared>>
    tpu.wait_indirect_dma semaphore(%arg19 : memref<!tpu.dma_semaphore, #tpu.memory_space<semaphore_mem>>) src(%dma_wait3A_289 : memref<128xf32, #tpu.memory_space<vmem>>) dst(%dma_wait3A_294 : memref<100352xf32, #tpu.memory_space<vmem_shared>>)
    %dma_wait3A_295 = arith.constant 0 : i32
    %dma_wait3A_296 = arith.constant 6 : i32
    %dma_wait3A_297 = arith.constant 0 : i32
    %dma_wait3A_298 = arith.constant 6 : i32
    %dma_wait3A_299 = arith.constant 0 : i32
    %dma_wait3A_300 = tpu.memref_slice %arg11[%dma_wait3A_295, %dma_wait3A_296, %dma_wait3A_299] : memref<4x8x128xf32, #tpu.memory_space<vmem>> -> memref<1x1x128xf32, #tpu.memory_space<vmem>>
    %dma_wait3A_301 = tpu.memref_squeeze %dma_wait3A_300 : memref<1x1x128xf32, #tpu.memory_space<vmem>> -> memref<128xf32, #tpu.memory_space<vmem>>
    %dma_wait3A_302 = arith.constant 0 : i32
    %dma_wait3A_303 = tpu.memref_slice %arg10[%dma_wait3A_297, %dma_wait3A_298, %dma_wait3A_302] : memref<4x8x128xi32, #tpu.memory_space<vmem>> -> memref<1x1x128xi32, #tpu.memory_space<vmem>>
    %dma_wait3A_304 = tpu.memref_squeeze %dma_wait3A_303 : memref<1x1x128xi32, #tpu.memory_space<vmem>> -> memref<128xi32, #tpu.memory_space<vmem>>
    %dma_wait3A_305 = arith.constant 0 : i32
    %dma_wait3A_306 = tpu.memref_slice %arg15[%dma_wait3A_305] : memref<100352xf32, #tpu.memory_space<vmem_shared>> -> memref<100352xf32, #tpu.memory_space<vmem_shared>>
    tpu.wait_indirect_dma semaphore(%arg19 : memref<!tpu.dma_semaphore, #tpu.memory_space<semaphore_mem>>) src(%dma_wait3A_301 : memref<128xf32, #tpu.memory_space<vmem>>) dst(%dma_wait3A_306 : memref<100352xf32, #tpu.memory_space<vmem_shared>>)
    %dma_wait3A_307 = arith.constant 0 : i32
    %dma_wait3A_308 = arith.constant 7 : i32
    %dma_wait3A_309 = arith.constant 0 : i32
    %dma_wait3A_310 = arith.constant 7 : i32
    %dma_wait3A_311 = arith.constant 0 : i32
    %dma_wait3A_312 = tpu.memref_slice %arg11[%dma_wait3A_307, %dma_wait3A_308, %dma_wait3A_311] : memref<4x8x128xf32, #tpu.memory_space<vmem>> -> memref<1x1x128xf32, #tpu.memory_space<vmem>>
    %dma_wait3A_313 = tpu.memref_squeeze %dma_wait3A_312 : memref<1x1x128xf32, #tpu.memory_space<vmem>> -> memref<128xf32, #tpu.memory_space<vmem>>
    %dma_wait3A_314 = arith.constant 0 : i32
    %dma_wait3A_315 = tpu.memref_slice %arg10[%dma_wait3A_309, %dma_wait3A_310, %dma_wait3A_314] : memref<4x8x128xi32, #tpu.memory_space<vmem>> -> memref<1x1x128xi32, #tpu.memory_space<vmem>>
    %dma_wait3A_316 = tpu.memref_squeeze %dma_wait3A_315 : memref<1x1x128xi32, #tpu.memory_space<vmem>> -> memref<128xi32, #tpu.memory_space<vmem>>
    %dma_wait3A_317 = arith.constant 0 : i32
    %dma_wait3A_318 = tpu.memref_slice %arg15[%dma_wait3A_317] : memref<100352xf32, #tpu.memory_space<vmem_shared>> -> memref<100352xf32, #tpu.memory_space<vmem_shared>>
    tpu.wait_indirect_dma semaphore(%arg19 : memref<!tpu.dma_semaphore, #tpu.memory_space<semaphore_mem>>) src(%dma_wait3A_313 : memref<128xf32, #tpu.memory_space<vmem>>) dst(%dma_wait3A_318 : memref<100352xf32, #tpu.memory_space<vmem_shared>>)
    %dma_wait3A_319 = arith.constant 0 : i32
    %dma_wait3A_320 = arith.constant 0 : i32
    %dma_wait3A_321 = arith.constant 0 : i32
    %dma_wait3A_322 = arith.constant 0 : i32
    %dma_wait3A_323 = arith.constant 0 : i32
    %dma_wait3A_324 = tpu.memref_slice %arg12[%dma_wait3A_319, %dma_wait3A_320, %dma_wait3A_323] : memref<4x8x128xf32, #tpu.memory_space<vmem>> -> memref<1x1x128xf32, #tpu.memory_space<vmem>>
    %dma_wait3A_325 = tpu.memref_squeeze %dma_wait3A_324 : memref<1x1x128xf32, #tpu.memory_space<vmem>> -> memref<128xf32, #tpu.memory_space<vmem>>
    %dma_wait3A_326 = arith.constant 0 : i32
    %dma_wait3A_327 = tpu.memref_slice %arg10[%dma_wait3A_321, %dma_wait3A_322, %dma_wait3A_326] : memref<4x8x128xi32, #tpu.memory_space<vmem>> -> memref<1x1x128xi32, #tpu.memory_space<vmem>>
    %dma_wait3A_328 = tpu.memref_squeeze %dma_wait3A_327 : memref<1x1x128xi32, #tpu.memory_space<vmem>> -> memref<128xi32, #tpu.memory_space<vmem>>
    %dma_wait3A_329 = arith.constant 0 : i32
    %dma_wait3A_330 = tpu.memref_slice %arg16[%dma_wait3A_329] : memref<100352xf32, #tpu.memory_space<vmem_shared>> -> memref<100352xf32, #tpu.memory_space<vmem_shared>>
    tpu.wait_indirect_dma semaphore(%arg19 : memref<!tpu.dma_semaphore, #tpu.memory_space<semaphore_mem>>) src(%dma_wait3A_325 : memref<128xf32, #tpu.memory_space<vmem>>) dst(%dma_wait3A_330 : memref<100352xf32, #tpu.memory_space<vmem_shared>>)
    %dma_wait3A_331 = arith.constant 0 : i32
    %dma_wait3A_332 = arith.constant 1 : i32
    %dma_wait3A_333 = arith.constant 0 : i32
    %dma_wait3A_334 = arith.constant 1 : i32
    %dma_wait3A_335 = arith.constant 0 : i32
    %dma_wait3A_336 = tpu.memref_slice %arg12[%dma_wait3A_331, %dma_wait3A_332, %dma_wait3A_335] : memref<4x8x128xf32, #tpu.memory_space<vmem>> -> memref<1x1x128xf32, #tpu.memory_space<vmem>>
    %dma_wait3A_337 = tpu.memref_squeeze %dma_wait3A_336 : memref<1x1x128xf32, #tpu.memory_space<vmem>> -> memref<128xf32, #tpu.memory_space<vmem>>
    %dma_wait3A_338 = arith.constant 0 : i32
    %dma_wait3A_339 = tpu.memref_slice %arg10[%dma_wait3A_333, %dma_wait3A_334, %dma_wait3A_338] : memref<4x8x128xi32, #tpu.memory_space<vmem>> -> memref<1x1x128xi32, #tpu.memory_space<vmem>>
    %dma_wait3A_340 = tpu.memref_squeeze %dma_wait3A_339 : memref<1x1x128xi32, #tpu.memory_space<vmem>> -> memref<128xi32, #tpu.memory_space<vmem>>
    %dma_wait3A_341 = arith.constant 0 : i32
    %dma_wait3A_342 = tpu.memref_slice %arg16[%dma_wait3A_341] : memref<100352xf32, #tpu.memory_space<vmem_shared>> -> memref<100352xf32, #tpu.memory_space<vmem_shared>>
    tpu.wait_indirect_dma semaphore(%arg19 : memref<!tpu.dma_semaphore, #tpu.memory_space<semaphore_mem>>) src(%dma_wait3A_337 : memref<128xf32, #tpu.memory_space<vmem>>) dst(%dma_wait3A_342 : memref<100352xf32, #tpu.memory_space<vmem_shared>>)
    %dma_wait3A_343 = arith.constant 0 : i32
    %dma_wait3A_344 = arith.constant 2 : i32
    %dma_wait3A_345 = arith.constant 0 : i32
    %dma_wait3A_346 = arith.constant 2 : i32
    %dma_wait3A_347 = arith.constant 0 : i32
    %dma_wait3A_348 = tpu.memref_slice %arg12[%dma_wait3A_343, %dma_wait3A_344, %dma_wait3A_347] : memref<4x8x128xf32, #tpu.memory_space<vmem>> -> memref<1x1x128xf32, #tpu.memory_space<vmem>>
    %dma_wait3A_349 = tpu.memref_squeeze %dma_wait3A_348 : memref<1x1x128xf32, #tpu.memory_space<vmem>> -> memref<128xf32, #tpu.memory_space<vmem>>
    %dma_wait3A_350 = arith.constant 0 : i32
    %dma_wait3A_351 = tpu.memref_slice %arg10[%dma_wait3A_345, %dma_wait3A_346, %dma_wait3A_350] : memref<4x8x128xi32, #tpu.memory_space<vmem>> -> memref<1x1x128xi32, #tpu.memory_space<vmem>>
    %dma_wait3A_352 = tpu.memref_squeeze %dma_wait3A_351 : memref<1x1x128xi32, #tpu.memory_space<vmem>> -> memref<128xi32, #tpu.memory_space<vmem>>
    %dma_wait3A_353 = arith.constant 0 : i32
    %dma_wait3A_354 = tpu.memref_slice %arg16[%dma_wait3A_353] : memref<100352xf32, #tpu.memory_space<vmem_shared>> -> memref<100352xf32, #tpu.memory_space<vmem_shared>>
    tpu.wait_indirect_dma semaphore(%arg19 : memref<!tpu.dma_semaphore, #tpu.memory_space<semaphore_mem>>) src(%dma_wait3A_349 : memref<128xf32, #tpu.memory_space<vmem>>) dst(%dma_wait3A_354 : memref<100352xf32, #tpu.memory_space<vmem_shared>>)
    %dma_wait3A_355 = arith.constant 0 : i32
    %dma_wait3A_356 = arith.constant 3 : i32
    %dma_wait3A_357 = arith.constant 0 : i32
    %dma_wait3A_358 = arith.constant 3 : i32
    %dma_wait3A_359 = arith.constant 0 : i32
    %dma_wait3A_360 = tpu.memref_slice %arg12[%dma_wait3A_355, %dma_wait3A_356, %dma_wait3A_359] : memref<4x8x128xf32, #tpu.memory_space<vmem>> -> memref<1x1x128xf32, #tpu.memory_space<vmem>>
    %dma_wait3A_361 = tpu.memref_squeeze %dma_wait3A_360 : memref<1x1x128xf32, #tpu.memory_space<vmem>> -> memref<128xf32, #tpu.memory_space<vmem>>
    %dma_wait3A_362 = arith.constant 0 : i32
    %dma_wait3A_363 = tpu.memref_slice %arg10[%dma_wait3A_357, %dma_wait3A_358, %dma_wait3A_362] : memref<4x8x128xi32, #tpu.memory_space<vmem>> -> memref<1x1x128xi32, #tpu.memory_space<vmem>>
    %dma_wait3A_364 = tpu.memref_squeeze %dma_wait3A_363 : memref<1x1x128xi32, #tpu.memory_space<vmem>> -> memref<128xi32, #tpu.memory_space<vmem>>
    %dma_wait3A_365 = arith.constant 0 : i32
    %dma_wait3A_366 = tpu.memref_slice %arg16[%dma_wait3A_365] : memref<100352xf32, #tpu.memory_space<vmem_shared>> -> memref<100352xf32, #tpu.memory_space<vmem_shared>>
    tpu.wait_indirect_dma semaphore(%arg19 : memref<!tpu.dma_semaphore, #tpu.memory_space<semaphore_mem>>) src(%dma_wait3A_361 : memref<128xf32, #tpu.memory_space<vmem>>) dst(%dma_wait3A_366 : memref<100352xf32, #tpu.memory_space<vmem_shared>>)
    %dma_wait3A_367 = arith.constant 0 : i32
    %dma_wait3A_368 = arith.constant 4 : i32
    %dma_wait3A_369 = arith.constant 0 : i32
    %dma_wait3A_370 = arith.constant 4 : i32
    %dma_wait3A_371 = arith.constant 0 : i32
    %dma_wait3A_372 = tpu.memref_slice %arg12[%dma_wait3A_367, %dma_wait3A_368, %dma_wait3A_371] : memref<4x8x128xf32, #tpu.memory_space<vmem>> -> memref<1x1x128xf32, #tpu.memory_space<vmem>>
    %dma_wait3A_373 = tpu.memref_squeeze %dma_wait3A_372 : memref<1x1x128xf32, #tpu.memory_space<vmem>> -> memref<128xf32, #tpu.memory_space<vmem>>
    %dma_wait3A_374 = arith.constant 0 : i32
    %dma_wait3A_375 = tpu.memref_slice %arg10[%dma_wait3A_369, %dma_wait3A_370, %dma_wait3A_374] : memref<4x8x128xi32, #tpu.memory_space<vmem>> -> memref<1x1x128xi32, #tpu.memory_space<vmem>>
    %dma_wait3A_376 = tpu.memref_squeeze %dma_wait3A_375 : memref<1x1x128xi32, #tpu.memory_space<vmem>> -> memref<128xi32, #tpu.memory_space<vmem>>
    %dma_wait3A_377 = arith.constant 0 : i32
    %dma_wait3A_378 = tpu.memref_slice %arg16[%dma_wait3A_377] : memref<100352xf32, #tpu.memory_space<vmem_shared>> -> memref<100352xf32, #tpu.memory_space<vmem_shared>>
    tpu.wait_indirect_dma semaphore(%arg19 : memref<!tpu.dma_semaphore, #tpu.memory_space<semaphore_mem>>) src(%dma_wait3A_373 : memref<128xf32, #tpu.memory_space<vmem>>) dst(%dma_wait3A_378 : memref<100352xf32, #tpu.memory_space<vmem_shared>>)
    %dma_wait3A_379 = arith.constant 0 : i32
    %dma_wait3A_380 = arith.constant 5 : i32
    %dma_wait3A_381 = arith.constant 0 : i32
    %dma_wait3A_382 = arith.constant 5 : i32
    %dma_wait3A_383 = arith.constant 0 : i32
    %dma_wait3A_384 = tpu.memref_slice %arg12[%dma_wait3A_379, %dma_wait3A_380, %dma_wait3A_383] : memref<4x8x128xf32, #tpu.memory_space<vmem>> -> memref<1x1x128xf32, #tpu.memory_space<vmem>>
    %dma_wait3A_385 = tpu.memref_squeeze %dma_wait3A_384 : memref<1x1x128xf32, #tpu.memory_space<vmem>> -> memref<128xf32, #tpu.memory_space<vmem>>
    %dma_wait3A_386 = arith.constant 0 : i32
    %dma_wait3A_387 = tpu.memref_slice %arg10[%dma_wait3A_381, %dma_wait3A_382, %dma_wait3A_386] : memref<4x8x128xi32, #tpu.memory_space<vmem>> -> memref<1x1x128xi32, #tpu.memory_space<vmem>>
    %dma_wait3A_388 = tpu.memref_squeeze %dma_wait3A_387 : memref<1x1x128xi32, #tpu.memory_space<vmem>> -> memref<128xi32, #tpu.memory_space<vmem>>
    %dma_wait3A_389 = arith.constant 0 : i32
    %dma_wait3A_390 = tpu.memref_slice %arg16[%dma_wait3A_389] : memref<100352xf32, #tpu.memory_space<vmem_shared>> -> memref<100352xf32, #tpu.memory_space<vmem_shared>>
    tpu.wait_indirect_dma semaphore(%arg19 : memref<!tpu.dma_semaphore, #tpu.memory_space<semaphore_mem>>) src(%dma_wait3A_385 : memref<128xf32, #tpu.memory_space<vmem>>) dst(%dma_wait3A_390 : memref<100352xf32, #tpu.memory_space<vmem_shared>>)
    %dma_wait3A_391 = arith.constant 0 : i32
    %dma_wait3A_392 = arith.constant 6 : i32
    %dma_wait3A_393 = arith.constant 0 : i32
    %dma_wait3A_394 = arith.constant 6 : i32
    %dma_wait3A_395 = arith.constant 0 : i32
    %dma_wait3A_396 = tpu.memref_slice %arg12[%dma_wait3A_391, %dma_wait3A_392, %dma_wait3A_395] : memref<4x8x128xf32, #tpu.memory_space<vmem>> -> memref<1x1x128xf32, #tpu.memory_space<vmem>>
    %dma_wait3A_397 = tpu.memref_squeeze %dma_wait3A_396 : memref<1x1x128xf32, #tpu.memory_space<vmem>> -> memref<128xf32, #tpu.memory_space<vmem>>
    %dma_wait3A_398 = arith.constant 0 : i32
    %dma_wait3A_399 = tpu.memref_slice %arg10[%dma_wait3A_393, %dma_wait3A_394, %dma_wait3A_398] : memref<4x8x128xi32, #tpu.memory_space<vmem>> -> memref<1x1x128xi32, #tpu.memory_space<vmem>>
    %dma_wait3A_400 = tpu.memref_squeeze %dma_wait3A_399 : memref<1x1x128xi32, #tpu.memory_space<vmem>> -> memref<128xi32, #tpu.memory_space<vmem>>
    %dma_wait3A_401 = arith.constant 0 : i32
    %dma_wait3A_402 = tpu.memref_slice %arg16[%dma_wait3A_401] : memref<100352xf32, #tpu.memory_space<vmem_shared>> -> memref<100352xf32, #tpu.memory_space<vmem_shared>>
    tpu.wait_indirect_dma semaphore(%arg19 : memref<!tpu.dma_semaphore, #tpu.memory_space<semaphore_mem>>) src(%dma_wait3A_397 : memref<128xf32, #tpu.memory_space<vmem>>) dst(%dma_wait3A_402 : memref<100352xf32, #tpu.memory_space<vmem_shared>>)
    %dma_wait3A_403 = arith.constant 0 : i32
    %dma_wait3A_404 = arith.constant 7 : i32
    %dma_wait3A_405 = arith.constant 0 : i32
    %dma_wait3A_406 = arith.constant 7 : i32
    %dma_wait3A_407 = arith.constant 0 : i32
    %dma_wait3A_408 = tpu.memref_slice %arg12[%dma_wait3A_403, %dma_wait3A_404, %dma_wait3A_407] : memref<4x8x128xf32, #tpu.memory_space<vmem>> -> memref<1x1x128xf32, #tpu.memory_space<vmem>>
    %dma_wait3A_409 = tpu.memref_squeeze %dma_wait3A_408 : memref<1x1x128xf32, #tpu.memory_space<vmem>> -> memref<128xf32, #tpu.memory_space<vmem>>
    %dma_wait3A_410 = arith.constant 0 : i32
    %dma_wait3A_411 = tpu.memref_slice %arg10[%dma_wait3A_405, %dma_wait3A_406, %dma_wait3A_410] : memref<4x8x128xi32, #tpu.memory_space<vmem>> -> memref<1x1x128xi32, #tpu.memory_space<vmem>>
    %dma_wait3A_412 = tpu.memref_squeeze %dma_wait3A_411 : memref<1x1x128xi32, #tpu.memory_space<vmem>> -> memref<128xi32, #tpu.memory_space<vmem>>
    %dma_wait3A_413 = arith.constant 0 : i32
    %dma_wait3A_414 = tpu.memref_slice %arg16[%dma_wait3A_413] : memref<100352xf32, #tpu.memory_space<vmem_shared>> -> memref<100352xf32, #tpu.memory_space<vmem_shared>>
    tpu.wait_indirect_dma semaphore(%arg19 : memref<!tpu.dma_semaphore, #tpu.memory_space<semaphore_mem>>) src(%dma_wait3A_409 : memref<128xf32, #tpu.memory_space<vmem>>) dst(%dma_wait3A_414 : memref<100352xf32, #tpu.memory_space<vmem_shared>>)
    %dma_wait3A_415 = arith.constant 1 : i32
    %dma_wait3A_416 = arith.constant 0 : i32
    %dma_wait3A_417 = arith.constant 1 : i32
    %dma_wait3A_418 = arith.constant 0 : i32
    %dma_wait3A_419 = arith.constant 0 : i32
    %dma_wait3A_420 = tpu.memref_slice %arg11[%dma_wait3A_415, %dma_wait3A_416, %dma_wait3A_419] : memref<4x8x128xf32, #tpu.memory_space<vmem>> -> memref<1x1x128xf32, #tpu.memory_space<vmem>>
    %dma_wait3A_421 = tpu.memref_squeeze %dma_wait3A_420 : memref<1x1x128xf32, #tpu.memory_space<vmem>> -> memref<128xf32, #tpu.memory_space<vmem>>
    %dma_wait3A_422 = arith.constant 0 : i32
    %dma_wait3A_423 = tpu.memref_slice %arg10[%dma_wait3A_417, %dma_wait3A_418, %dma_wait3A_422] : memref<4x8x128xi32, #tpu.memory_space<vmem>> -> memref<1x1x128xi32, #tpu.memory_space<vmem>>
    %dma_wait3A_424 = tpu.memref_squeeze %dma_wait3A_423 : memref<1x1x128xi32, #tpu.memory_space<vmem>> -> memref<128xi32, #tpu.memory_space<vmem>>
    %dma_wait3A_425 = arith.constant 0 : i32
    %dma_wait3A_426 = tpu.memref_slice %arg15[%dma_wait3A_425] : memref<100352xf32, #tpu.memory_space<vmem_shared>> -> memref<100352xf32, #tpu.memory_space<vmem_shared>>
    tpu.wait_indirect_dma semaphore(%arg19 : memref<!tpu.dma_semaphore, #tpu.memory_space<semaphore_mem>>) src(%dma_wait3A_421 : memref<128xf32, #tpu.memory_space<vmem>>) dst(%dma_wait3A_426 : memref<100352xf32, #tpu.memory_space<vmem_shared>>)
    %dma_wait3A_427 = arith.constant 1 : i32
    %dma_wait3A_428 = arith.constant 1 : i32
    %dma_wait3A_429 = arith.constant 1 : i32
    %dma_wait3A_430 = arith.constant 1 : i32
    %dma_wait3A_431 = arith.constant 0 : i32
    %dma_wait3A_432 = tpu.memref_slice %arg11[%dma_wait3A_427, %dma_wait3A_428, %dma_wait3A_431] : memref<4x8x128xf32, #tpu.memory_space<vmem>> -> memref<1x1x128xf32, #tpu.memory_space<vmem>>
    %dma_wait3A_433 = tpu.memref_squeeze %dma_wait3A_432 : memref<1x1x128xf32, #tpu.memory_space<vmem>> -> memref<128xf32, #tpu.memory_space<vmem>>
    %dma_wait3A_434 = arith.constant 0 : i32
    %dma_wait3A_435 = tpu.memref_slice %arg10[%dma_wait3A_429, %dma_wait3A_430, %dma_wait3A_434] : memref<4x8x128xi32, #tpu.memory_space<vmem>> -> memref<1x1x128xi32, #tpu.memory_space<vmem>>
    %dma_wait3A_436 = tpu.memref_squeeze %dma_wait3A_435 : memref<1x1x128xi32, #tpu.memory_space<vmem>> -> memref<128xi32, #tpu.memory_space<vmem>>
    %dma_wait3A_437 = arith.constant 0 : i32
    %dma_wait3A_438 = tpu.memref_slice %arg15[%dma_wait3A_437] : memref<100352xf32, #tpu.memory_space<vmem_shared>> -> memref<100352xf32, #tpu.memory_space<vmem_shared>>
    tpu.wait_indirect_dma semaphore(%arg19 : memref<!tpu.dma_semaphore, #tpu.memory_space<semaphore_mem>>) src(%dma_wait3A_433 : memref<128xf32, #tpu.memory_space<vmem>>) dst(%dma_wait3A_438 : memref<100352xf32, #tpu.memory_space<vmem_shared>>)
    %dma_wait3A_439 = arith.constant 1 : i32
    %dma_wait3A_440 = arith.constant 2 : i32
    %dma_wait3A_441 = arith.constant 1 : i32
    %dma_wait3A_442 = arith.constant 2 : i32
    %dma_wait3A_443 = arith.constant 0 : i32
    %dma_wait3A_444 = tpu.memref_slice %arg11[%dma_wait3A_439, %dma_wait3A_440, %dma_wait3A_443] : memref<4x8x128xf32, #tpu.memory_space<vmem>> -> memref<1x1x128xf32, #tpu.memory_space<vmem>>
    %dma_wait3A_445 = tpu.memref_squeeze %dma_wait3A_444 : memref<1x1x128xf32, #tpu.memory_space<vmem>> -> memref<128xf32, #tpu.memory_space<vmem>>
    %dma_wait3A_446 = arith.constant 0 : i32
    %dma_wait3A_447 = tpu.memref_slice %arg10[%dma_wait3A_441, %dma_wait3A_442, %dma_wait3A_446] : memref<4x8x128xi32, #tpu.memory_space<vmem>> -> memref<1x1x128xi32, #tpu.memory_space<vmem>>
    %dma_wait3A_448 = tpu.memref_squeeze %dma_wait3A_447 : memref<1x1x128xi32, #tpu.memory_space<vmem>> -> memref<128xi32, #tpu.memory_space<vmem>>
    %dma_wait3A_449 = arith.constant 0 : i32
    %dma_wait3A_450 = tpu.memref_slice %arg15[%dma_wait3A_449] : memref<100352xf32, #tpu.memory_space<vmem_shared>> -> memref<100352xf32, #tpu.memory_space<vmem_shared>>
    tpu.wait_indirect_dma semaphore(%arg19 : memref<!tpu.dma_semaphore, #tpu.memory_space<semaphore_mem>>) src(%dma_wait3A_445 : memref<128xf32, #tpu.memory_space<vmem>>) dst(%dma_wait3A_450 : memref<100352xf32, #tpu.memory_space<vmem_shared>>)
    %dma_wait3A_451 = arith.constant 1 : i32
    %dma_wait3A_452 = arith.constant 3 : i32
    %dma_wait3A_453 = arith.constant 1 : i32
    %dma_wait3A_454 = arith.constant 3 : i32
    %dma_wait3A_455 = arith.constant 0 : i32
    %dma_wait3A_456 = tpu.memref_slice %arg11[%dma_wait3A_451, %dma_wait3A_452, %dma_wait3A_455] : memref<4x8x128xf32, #tpu.memory_space<vmem>> -> memref<1x1x128xf32, #tpu.memory_space<vmem>>
    %dma_wait3A_457 = tpu.memref_squeeze %dma_wait3A_456 : memref<1x1x128xf32, #tpu.memory_space<vmem>> -> memref<128xf32, #tpu.memory_space<vmem>>
    %dma_wait3A_458 = arith.constant 0 : i32
    %dma_wait3A_459 = tpu.memref_slice %arg10[%dma_wait3A_453, %dma_wait3A_454, %dma_wait3A_458] : memref<4x8x128xi32, #tpu.memory_space<vmem>> -> memref<1x1x128xi32, #tpu.memory_space<vmem>>
    %dma_wait3A_460 = tpu.memref_squeeze %dma_wait3A_459 : memref<1x1x128xi32, #tpu.memory_space<vmem>> -> memref<128xi32, #tpu.memory_space<vmem>>
    %dma_wait3A_461 = arith.constant 0 : i32
    %dma_wait3A_462 = tpu.memref_slice %arg15[%dma_wait3A_461] : memref<100352xf32, #tpu.memory_space<vmem_shared>> -> memref<100352xf32, #tpu.memory_space<vmem_shared>>
    tpu.wait_indirect_dma semaphore(%arg19 : memref<!tpu.dma_semaphore, #tpu.memory_space<semaphore_mem>>) src(%dma_wait3A_457 : memref<128xf32, #tpu.memory_space<vmem>>) dst(%dma_wait3A_462 : memref<100352xf32, #tpu.memory_space<vmem_shared>>)
    %dma_wait3A_463 = arith.constant 1 : i32
    %dma_wait3A_464 = arith.constant 4 : i32
    %dma_wait3A_465 = arith.constant 1 : i32
    %dma_wait3A_466 = arith.constant 4 : i32
    %dma_wait3A_467 = arith.constant 0 : i32
    %dma_wait3A_468 = tpu.memref_slice %arg11[%dma_wait3A_463, %dma_wait3A_464, %dma_wait3A_467] : memref<4x8x128xf32, #tpu.memory_space<vmem>> -> memref<1x1x128xf32, #tpu.memory_space<vmem>>
    %dma_wait3A_469 = tpu.memref_squeeze %dma_wait3A_468 : memref<1x1x128xf32, #tpu.memory_space<vmem>> -> memref<128xf32, #tpu.memory_space<vmem>>
    %dma_wait3A_470 = arith.constant 0 : i32
    %dma_wait3A_471 = tpu.memref_slice %arg10[%dma_wait3A_465, %dma_wait3A_466, %dma_wait3A_470] : memref<4x8x128xi32, #tpu.memory_space<vmem>> -> memref<1x1x128xi32, #tpu.memory_space<vmem>>
    %dma_wait3A_472 = tpu.memref_squeeze %dma_wait3A_471 : memref<1x1x128xi32, #tpu.memory_space<vmem>> -> memref<128xi32, #tpu.memory_space<vmem>>
    %dma_wait3A_473 = arith.constant 0 : i32
    %dma_wait3A_474 = tpu.memref_slice %arg15[%dma_wait3A_473] : memref<100352xf32, #tpu.memory_space<vmem_shared>> -> memref<100352xf32, #tpu.memory_space<vmem_shared>>
    tpu.wait_indirect_dma semaphore(%arg19 : memref<!tpu.dma_semaphore, #tpu.memory_space<semaphore_mem>>) src(%dma_wait3A_469 : memref<128xf32, #tpu.memory_space<vmem>>) dst(%dma_wait3A_474 : memref<100352xf32, #tpu.memory_space<vmem_shared>>)
    %dma_wait3A_475 = arith.constant 1 : i32
    %dma_wait3A_476 = arith.constant 5 : i32
    %dma_wait3A_477 = arith.constant 1 : i32
    %dma_wait3A_478 = arith.constant 5 : i32
    %dma_wait3A_479 = arith.constant 0 : i32
    %dma_wait3A_480 = tpu.memref_slice %arg11[%dma_wait3A_475, %dma_wait3A_476, %dma_wait3A_479] : memref<4x8x128xf32, #tpu.memory_space<vmem>> -> memref<1x1x128xf32, #tpu.memory_space<vmem>>
    %dma_wait3A_481 = tpu.memref_squeeze %dma_wait3A_480 : memref<1x1x128xf32, #tpu.memory_space<vmem>> -> memref<128xf32, #tpu.memory_space<vmem>>
    %dma_wait3A_482 = arith.constant 0 : i32
    %dma_wait3A_483 = tpu.memref_slice %arg10[%dma_wait3A_477, %dma_wait3A_478, %dma_wait3A_482] : memref<4x8x128xi32, #tpu.memory_space<vmem>> -> memref<1x1x128xi32, #tpu.memory_space<vmem>>
    %dma_wait3A_484 = tpu.memref_squeeze %dma_wait3A_483 : memref<1x1x128xi32, #tpu.memory_space<vmem>> -> memref<128xi32, #tpu.memory_space<vmem>>
    %dma_wait3A_485 = arith.constant 0 : i32
    %dma_wait3A_486 = tpu.memref_slice %arg15[%dma_wait3A_485] : memref<100352xf32, #tpu.memory_space<vmem_shared>> -> memref<100352xf32, #tpu.memory_space<vmem_shared>>
    tpu.wait_indirect_dma semaphore(%arg19 : memref<!tpu.dma_semaphore, #tpu.memory_space<semaphore_mem>>) src(%dma_wait3A_481 : memref<128xf32, #tpu.memory_space<vmem>>) dst(%dma_wait3A_486 : memref<100352xf32, #tpu.memory_space<vmem_shared>>)
    %dma_wait3A_487 = arith.constant 1 : i32
    %dma_wait3A_488 = arith.constant 6 : i32
    %dma_wait3A_489 = arith.constant 1 : i32
    %dma_wait3A_490 = arith.constant 6 : i32
    %dma_wait3A_491 = arith.constant 0 : i32
    %dma_wait3A_492 = tpu.memref_slice %arg11[%dma_wait3A_487, %dma_wait3A_488, %dma_wait3A_491] : memref<4x8x128xf32, #tpu.memory_space<vmem>> -> memref<1x1x128xf32, #tpu.memory_space<vmem>>
    %dma_wait3A_493 = tpu.memref_squeeze %dma_wait3A_492 : memref<1x1x128xf32, #tpu.memory_space<vmem>> -> memref<128xf32, #tpu.memory_space<vmem>>
    %dma_wait3A_494 = arith.constant 0 : i32
    %dma_wait3A_495 = tpu.memref_slice %arg10[%dma_wait3A_489, %dma_wait3A_490, %dma_wait3A_494] : memref<4x8x128xi32, #tpu.memory_space<vmem>> -> memref<1x1x128xi32, #tpu.memory_space<vmem>>
    %dma_wait3A_496 = tpu.memref_squeeze %dma_wait3A_495 : memref<1x1x128xi32, #tpu.memory_space<vmem>> -> memref<128xi32, #tpu.memory_space<vmem>>
    %dma_wait3A_497 = arith.constant 0 : i32
    %dma_wait3A_498 = tpu.memref_slice %arg15[%dma_wait3A_497] : memref<100352xf32, #tpu.memory_space<vmem_shared>> -> memref<100352xf32, #tpu.memory_space<vmem_shared>>
    tpu.wait_indirect_dma semaphore(%arg19 : memref<!tpu.dma_semaphore, #tpu.memory_space<semaphore_mem>>) src(%dma_wait3A_493 : memref<128xf32, #tpu.memory_space<vmem>>) dst(%dma_wait3A_498 : memref<100352xf32, #tpu.memory_space<vmem_shared>>)
    %dma_wait3A_499 = arith.constant 1 : i32
    %dma_wait3A_500 = arith.constant 7 : i32
    %dma_wait3A_501 = arith.constant 1 : i32
    %dma_wait3A_502 = arith.constant 7 : i32
    %dma_wait3A_503 = arith.constant 0 : i32
    %dma_wait3A_504 = tpu.memref_slice %arg11[%dma_wait3A_499, %dma_wait3A_500, %dma_wait3A_503] : memref<4x8x128xf32, #tpu.memory_space<vmem>> -> memref<1x1x128xf32, #tpu.memory_space<vmem>>
    %dma_wait3A_505 = tpu.memref_squeeze %dma_wait3A_504 : memref<1x1x128xf32, #tpu.memory_space<vmem>> -> memref<128xf32, #tpu.memory_space<vmem>>
    %dma_wait3A_506 = arith.constant 0 : i32
    %dma_wait3A_507 = tpu.memref_slice %arg10[%dma_wait3A_501, %dma_wait3A_502, %dma_wait3A_506] : memref<4x8x128xi32, #tpu.memory_space<vmem>> -> memref<1x1x128xi32, #tpu.memory_space<vmem>>
    %dma_wait3A_508 = tpu.memref_squeeze %dma_wait3A_507 : memref<1x1x128xi32, #tpu.memory_space<vmem>> -> memref<128xi32, #tpu.memory_space<vmem>>
    %dma_wait3A_509 = arith.constant 0 : i32
    %dma_wait3A_510 = tpu.memref_slice %arg15[%dma_wait3A_509] : memref<100352xf32, #tpu.memory_space<vmem_shared>> -> memref<100352xf32, #tpu.memory_space<vmem_shared>>
    tpu.wait_indirect_dma semaphore(%arg19 : memref<!tpu.dma_semaphore, #tpu.memory_space<semaphore_mem>>) src(%dma_wait3A_505 : memref<128xf32, #tpu.memory_space<vmem>>) dst(%dma_wait3A_510 : memref<100352xf32, #tpu.memory_space<vmem_shared>>)
    %dma_wait3A_511 = arith.constant 1 : i32
    %dma_wait3A_512 = arith.constant 0 : i32
    %dma_wait3A_513 = arith.constant 1 : i32
    %dma_wait3A_514 = arith.constant 0 : i32
    %dma_wait3A_515 = arith.constant 0 : i32
    %dma_wait3A_516 = tpu.memref_slice %arg12[%dma_wait3A_511, %dma_wait3A_512, %dma_wait3A_515] : memref<4x8x128xf32, #tpu.memory_space<vmem>> -> memref<1x1x128xf32, #tpu.memory_space<vmem>>
    %dma_wait3A_517 = tpu.memref_squeeze %dma_wait3A_516 : memref<1x1x128xf32, #tpu.memory_space<vmem>> -> memref<128xf32, #tpu.memory_space<vmem>>
    %dma_wait3A_518 = arith.constant 0 : i32
    %dma_wait3A_519 = tpu.memref_slice %arg10[%dma_wait3A_513, %dma_wait3A_514, %dma_wait3A_518] : memref<4x8x128xi32, #tpu.memory_space<vmem>> -> memref<1x1x128xi32, #tpu.memory_space<vmem>>
    %dma_wait3A_520 = tpu.memref_squeeze %dma_wait3A_519 : memref<1x1x128xi32, #tpu.memory_space<vmem>> -> memref<128xi32, #tpu.memory_space<vmem>>
    %dma_wait3A_521 = arith.constant 0 : i32
    %dma_wait3A_522 = tpu.memref_slice %arg16[%dma_wait3A_521] : memref<100352xf32, #tpu.memory_space<vmem_shared>> -> memref<100352xf32, #tpu.memory_space<vmem_shared>>
    tpu.wait_indirect_dma semaphore(%arg19 : memref<!tpu.dma_semaphore, #tpu.memory_space<semaphore_mem>>) src(%dma_wait3A_517 : memref<128xf32, #tpu.memory_space<vmem>>) dst(%dma_wait3A_522 : memref<100352xf32, #tpu.memory_space<vmem_shared>>)
    %dma_wait3A_523 = arith.constant 1 : i32
    %dma_wait3A_524 = arith.constant 1 : i32
    %dma_wait3A_525 = arith.constant 1 : i32
    %dma_wait3A_526 = arith.constant 1 : i32
    %dma_wait3A_527 = arith.constant 0 : i32
    %dma_wait3A_528 = tpu.memref_slice %arg12[%dma_wait3A_523, %dma_wait3A_524, %dma_wait3A_527] : memref<4x8x128xf32, #tpu.memory_space<vmem>> -> memref<1x1x128xf32, #tpu.memory_space<vmem>>
    %dma_wait3A_529 = tpu.memref_squeeze %dma_wait3A_528 : memref<1x1x128xf32, #tpu.memory_space<vmem>> -> memref<128xf32, #tpu.memory_space<vmem>>
    %dma_wait3A_530 = arith.constant 0 : i32
    %dma_wait3A_531 = tpu.memref_slice %arg10[%dma_wait3A_525, %dma_wait3A_526, %dma_wait3A_530] : memref<4x8x128xi32, #tpu.memory_space<vmem>> -> memref<1x1x128xi32, #tpu.memory_space<vmem>>
    %dma_wait3A_532 = tpu.memref_squeeze %dma_wait3A_531 : memref<1x1x128xi32, #tpu.memory_space<vmem>> -> memref<128xi32, #tpu.memory_space<vmem>>
    %dma_wait3A_533 = arith.constant 0 : i32
    %dma_wait3A_534 = tpu.memref_slice %arg16[%dma_wait3A_533] : memref<100352xf32, #tpu.memory_space<vmem_shared>> -> memref<100352xf32, #tpu.memory_space<vmem_shared>>
    tpu.wait_indirect_dma semaphore(%arg19 : memref<!tpu.dma_semaphore, #tpu.memory_space<semaphore_mem>>) src(%dma_wait3A_529 : memref<128xf32, #tpu.memory_space<vmem>>) dst(%dma_wait3A_534 : memref<100352xf32, #tpu.memory_space<vmem_shared>>)
    %dma_wait3A_535 = arith.constant 1 : i32
    %dma_wait3A_536 = arith.constant 2 : i32
    %dma_wait3A_537 = arith.constant 1 : i32
    %dma_wait3A_538 = arith.constant 2 : i32
    %dma_wait3A_539 = arith.constant 0 : i32
    %dma_wait3A_540 = tpu.memref_slice %arg12[%dma_wait3A_535, %dma_wait3A_536, %dma_wait3A_539] : memref<4x8x128xf32, #tpu.memory_space<vmem>> -> memref<1x1x128xf32, #tpu.memory_space<vmem>>
    %dma_wait3A_541 = tpu.memref_squeeze %dma_wait3A_540 : memref<1x1x128xf32, #tpu.memory_space<vmem>> -> memref<128xf32, #tpu.memory_space<vmem>>
    %dma_wait3A_542 = arith.constant 0 : i32
    %dma_wait3A_543 = tpu.memref_slice %arg10[%dma_wait3A_537, %dma_wait3A_538, %dma_wait3A_542] : memref<4x8x128xi32, #tpu.memory_space<vmem>> -> memref<1x1x128xi32, #tpu.memory_space<vmem>>
    %dma_wait3A_544 = tpu.memref_squeeze %dma_wait3A_543 : memref<1x1x128xi32, #tpu.memory_space<vmem>> -> memref<128xi32, #tpu.memory_space<vmem>>
    %dma_wait3A_545 = arith.constant 0 : i32
    %dma_wait3A_546 = tpu.memref_slice %arg16[%dma_wait3A_545] : memref<100352xf32, #tpu.memory_space<vmem_shared>> -> memref<100352xf32, #tpu.memory_space<vmem_shared>>
    tpu.wait_indirect_dma semaphore(%arg19 : memref<!tpu.dma_semaphore, #tpu.memory_space<semaphore_mem>>) src(%dma_wait3A_541 : memref<128xf32, #tpu.memory_space<vmem>>) dst(%dma_wait3A_546 : memref<100352xf32, #tpu.memory_space<vmem_shared>>)
    %dma_wait3A_547 = arith.constant 1 : i32
    %dma_wait3A_548 = arith.constant 3 : i32
    %dma_wait3A_549 = arith.constant 1 : i32
    %dma_wait3A_550 = arith.constant 3 : i32
    %dma_wait3A_551 = arith.constant 0 : i32
    %dma_wait3A_552 = tpu.memref_slice %arg12[%dma_wait3A_547, %dma_wait3A_548, %dma_wait3A_551] : memref<4x8x128xf32, #tpu.memory_space<vmem>> -> memref<1x1x128xf32, #tpu.memory_space<vmem>>
    %dma_wait3A_553 = tpu.memref_squeeze %dma_wait3A_552 : memref<1x1x128xf32, #tpu.memory_space<vmem>> -> memref<128xf32, #tpu.memory_space<vmem>>
    %dma_wait3A_554 = arith.constant 0 : i32
    %dma_wait3A_555 = tpu.memref_slice %arg10[%dma_wait3A_549, %dma_wait3A_550, %dma_wait3A_554] : memref<4x8x128xi32, #tpu.memory_space<vmem>> -> memref<1x1x128xi32, #tpu.memory_space<vmem>>
    %dma_wait3A_556 = tpu.memref_squeeze %dma_wait3A_555 : memref<1x1x128xi32, #tpu.memory_space<vmem>> -> memref<128xi32, #tpu.memory_space<vmem>>
    %dma_wait3A_557 = arith.constant 0 : i32
    %dma_wait3A_558 = tpu.memref_slice %arg16[%dma_wait3A_557] : memref<100352xf32, #tpu.memory_space<vmem_shared>> -> memref<100352xf32, #tpu.memory_space<vmem_shared>>
    tpu.wait_indirect_dma semaphore(%arg19 : memref<!tpu.dma_semaphore, #tpu.memory_space<semaphore_mem>>) src(%dma_wait3A_553 : memref<128xf32, #tpu.memory_space<vmem>>) dst(%dma_wait3A_558 : memref<100352xf32, #tpu.memory_space<vmem_shared>>)
    %dma_wait3A_559 = arith.constant 1 : i32
    %dma_wait3A_560 = arith.constant 4 : i32
    %dma_wait3A_561 = arith.constant 1 : i32
    %dma_wait3A_562 = arith.constant 4 : i32
    %dma_wait3A_563 = arith.constant 0 : i32
    %dma_wait3A_564 = tpu.memref_slice %arg12[%dma_wait3A_559, %dma_wait3A_560, %dma_wait3A_563] : memref<4x8x128xf32, #tpu.memory_space<vmem>> -> memref<1x1x128xf32, #tpu.memory_space<vmem>>
    %dma_wait3A_565 = tpu.memref_squeeze %dma_wait3A_564 : memref<1x1x128xf32, #tpu.memory_space<vmem>> -> memref<128xf32, #tpu.memory_space<vmem>>
    %dma_wait3A_566 = arith.constant 0 : i32
    %dma_wait3A_567 = tpu.memref_slice %arg10[%dma_wait3A_561, %dma_wait3A_562, %dma_wait3A_566] : memref<4x8x128xi32, #tpu.memory_space<vmem>> -> memref<1x1x128xi32, #tpu.memory_space<vmem>>
    %dma_wait3A_568 = tpu.memref_squeeze %dma_wait3A_567 : memref<1x1x128xi32, #tpu.memory_space<vmem>> -> memref<128xi32, #tpu.memory_space<vmem>>
    %dma_wait3A_569 = arith.constant 0 : i32
    %dma_wait3A_570 = tpu.memref_slice %arg16[%dma_wait3A_569] : memref<100352xf32, #tpu.memory_space<vmem_shared>> -> memref<100352xf32, #tpu.memory_space<vmem_shared>>
    tpu.wait_indirect_dma semaphore(%arg19 : memref<!tpu.dma_semaphore, #tpu.memory_space<semaphore_mem>>) src(%dma_wait3A_565 : memref<128xf32, #tpu.memory_space<vmem>>) dst(%dma_wait3A_570 : memref<100352xf32, #tpu.memory_space<vmem_shared>>)
    %dma_wait3A_571 = arith.constant 1 : i32
    %dma_wait3A_572 = arith.constant 5 : i32
    %dma_wait3A_573 = arith.constant 1 : i32
    %dma_wait3A_574 = arith.constant 5 : i32
    %dma_wait3A_575 = arith.constant 0 : i32
    %dma_wait3A_576 = tpu.memref_slice %arg12[%dma_wait3A_571, %dma_wait3A_572, %dma_wait3A_575] : memref<4x8x128xf32, #tpu.memory_space<vmem>> -> memref<1x1x128xf32, #tpu.memory_space<vmem>>
    %dma_wait3A_577 = tpu.memref_squeeze %dma_wait3A_576 : memref<1x1x128xf32, #tpu.memory_space<vmem>> -> memref<128xf32, #tpu.memory_space<vmem>>
    %dma_wait3A_578 = arith.constant 0 : i32
    %dma_wait3A_579 = tpu.memref_slice %arg10[%dma_wait3A_573, %dma_wait3A_574, %dma_wait3A_578] : memref<4x8x128xi32, #tpu.memory_space<vmem>> -> memref<1x1x128xi32, #tpu.memory_space<vmem>>
    %dma_wait3A_580 = tpu.memref_squeeze %dma_wait3A_579 : memref<1x1x128xi32, #tpu.memory_space<vmem>> -> memref<128xi32, #tpu.memory_space<vmem>>
    %dma_wait3A_581 = arith.constant 0 : i32
    %dma_wait3A_582 = tpu.memref_slice %arg16[%dma_wait3A_581] : memref<100352xf32, #tpu.memory_space<vmem_shared>> -> memref<100352xf32, #tpu.memory_space<vmem_shared>>
    tpu.wait_indirect_dma semaphore(%arg19 : memref<!tpu.dma_semaphore, #tpu.memory_space<semaphore_mem>>) src(%dma_wait3A_577 : memref<128xf32, #tpu.memory_space<vmem>>) dst(%dma_wait3A_582 : memref<100352xf32, #tpu.memory_space<vmem_shared>>)
    %dma_wait3A_583 = arith.constant 1 : i32
    %dma_wait3A_584 = arith.constant 6 : i32
    %dma_wait3A_585 = arith.constant 1 : i32
    %dma_wait3A_586 = arith.constant 6 : i32
    %dma_wait3A_587 = arith.constant 0 : i32
    %dma_wait3A_588 = tpu.memref_slice %arg12[%dma_wait3A_583, %dma_wait3A_584, %dma_wait3A_587] : memref<4x8x128xf32, #tpu.memory_space<vmem>> -> memref<1x1x128xf32, #tpu.memory_space<vmem>>
    %dma_wait3A_589 = tpu.memref_squeeze %dma_wait3A_588 : memref<1x1x128xf32, #tpu.memory_space<vmem>> -> memref<128xf32, #tpu.memory_space<vmem>>
    %dma_wait3A_590 = arith.constant 0 : i32
    %dma_wait3A_591 = tpu.memref_slice %arg10[%dma_wait3A_585, %dma_wait3A_586, %dma_wait3A_590] : memref<4x8x128xi32, #tpu.memory_space<vmem>> -> memref<1x1x128xi32, #tpu.memory_space<vmem>>
    %dma_wait3A_592 = tpu.memref_squeeze %dma_wait3A_591 : memref<1x1x128xi32, #tpu.memory_space<vmem>> -> memref<128xi32, #tpu.memory_space<vmem>>
    %dma_wait3A_593 = arith.constant 0 : i32
    %dma_wait3A_594 = tpu.memref_slice %arg16[%dma_wait3A_593] : memref<100352xf32, #tpu.memory_space<vmem_shared>> -> memref<100352xf32, #tpu.memory_space<vmem_shared>>
    tpu.wait_indirect_dma semaphore(%arg19 : memref<!tpu.dma_semaphore, #tpu.memory_space<semaphore_mem>>) src(%dma_wait3A_589 : memref<128xf32, #tpu.memory_space<vmem>>) dst(%dma_wait3A_594 : memref<100352xf32, #tpu.memory_space<vmem_shared>>)
    %dma_wait3A_595 = arith.constant 1 : i32
    %dma_wait3A_596 = arith.constant 7 : i32
    %dma_wait3A_597 = arith.constant 1 : i32
    %dma_wait3A_598 = arith.constant 7 : i32
    %dma_wait3A_599 = arith.constant 0 : i32
    %dma_wait3A_600 = tpu.memref_slice %arg12[%dma_wait3A_595, %dma_wait3A_596, %dma_wait3A_599] : memref<4x8x128xf32, #tpu.memory_space<vmem>> -> memref<1x1x128xf32, #tpu.memory_space<vmem>>
    %dma_wait3A_601 = tpu.memref_squeeze %dma_wait3A_600 : memref<1x1x128xf32, #tpu.memory_space<vmem>> -> memref<128xf32, #tpu.memory_space<vmem>>
    %dma_wait3A_602 = arith.constant 0 : i32
    %dma_wait3A_603 = tpu.memref_slice %arg10[%dma_wait3A_597, %dma_wait3A_598, %dma_wait3A_602] : memref<4x8x128xi32, #tpu.memory_space<vmem>> -> memref<1x1x128xi32, #tpu.memory_space<vmem>>
    %dma_wait3A_604 = tpu.memref_squeeze %dma_wait3A_603 : memref<1x1x128xi32, #tpu.memory_space<vmem>> -> memref<128xi32, #tpu.memory_space<vmem>>
    %dma_wait3A_605 = arith.constant 0 : i32
    %dma_wait3A_606 = tpu.memref_slice %arg16[%dma_wait3A_605] : memref<100352xf32, #tpu.memory_space<vmem_shared>> -> memref<100352xf32, #tpu.memory_space<vmem_shared>>
    tpu.wait_indirect_dma semaphore(%arg19 : memref<!tpu.dma_semaphore, #tpu.memory_space<semaphore_mem>>) src(%dma_wait3A_601 : memref<128xf32, #tpu.memory_space<vmem>>) dst(%dma_wait3A_606 : memref<100352xf32, #tpu.memory_space<vmem_shared>>)
    %barrier3A_607 = arith.constant 0 : index
    tpu.barrier barrier_id(%barrier3A_607)
    %dma_start3A_608 = arith.constant 0 : i32
    %dma_start3A_609 = tpu.memref_slice %arg8[%arg0, %dma_start3A_608, %mul3A_2] : memref<2x2x100352xf32, #tpu.memory_space<hbm>> -> memref<1x1x6272xf32, #tpu.memory_space<hbm>>
    %dma_start3A_610 = tpu.memref_squeeze %dma_start3A_609 : memref<1x1x6272xf32, #tpu.memory_space<hbm>> -> memref<6272xf32, #tpu.memory_space<hbm>>
    %dma_start3A_611 = tpu.memref_slice %arg15[%mul3A_2] : memref<100352xf32, #tpu.memory_space<vmem_shared>> -> memref<6272xf32, #tpu.memory_space<vmem_shared>>
    tpu.enqueue_dma source(%dma_start3A_611 : memref<6272xf32, #tpu.memory_space<vmem_shared>>) target(%dma_start3A_610 : memref<6272xf32, #tpu.memory_space<hbm>>) target_semaphore(%arg17 : memref<!tpu.dma_semaphore, #tpu.memory_space<semaphore_mem>>)
    %dma_start3A_612 = arith.constant 1 : i32
    %dma_start3A_613 = tpu.memref_slice %arg8[%arg0, %dma_start3A_612, %mul3A_2] : memref<2x2x100352xf32, #tpu.memory_space<hbm>> -> memref<1x1x6272xf32, #tpu.memory_space<hbm>>
    %dma_start3A_614 = tpu.memref_squeeze %dma_start3A_613 : memref<1x1x6272xf32, #tpu.memory_space<hbm>> -> memref<6272xf32, #tpu.memory_space<hbm>>
    %dma_start3A_615 = tpu.memref_slice %arg16[%mul3A_2] : memref<100352xf32, #tpu.memory_space<vmem_shared>> -> memref<6272xf32, #tpu.memory_space<vmem_shared>>
    tpu.enqueue_dma source(%dma_start3A_615 : memref<6272xf32, #tpu.memory_space<vmem_shared>>) target(%dma_start3A_614 : memref<6272xf32, #tpu.memory_space<hbm>>) target_semaphore(%arg17 : memref<!tpu.dma_semaphore, #tpu.memory_space<semaphore_mem>>)
    %dma_wait3A_616 = arith.constant 0 : i32
    %dma_wait3A_617 = tpu.memref_slice %arg8[%arg0, %dma_wait3A_616, %mul3A_2] : memref<2x2x100352xf32, #tpu.memory_space<hbm>> -> memref<1x1x6272xf32, #tpu.memory_space<hbm>>
    %dma_wait3A_618 = tpu.memref_squeeze %dma_wait3A_617 : memref<1x1x6272xf32, #tpu.memory_space<hbm>> -> memref<6272xf32, #tpu.memory_space<hbm>>
    %dma_wait3A_619 = tpu.memref_slice %arg15[%mul3A_2] : memref<100352xf32, #tpu.memory_space<vmem_shared>> -> memref<6272xf32, #tpu.memory_space<vmem_shared>>
    tpu.wait_dma2 semaphore(%arg17 : memref<!tpu.dma_semaphore, #tpu.memory_space<semaphore_mem>>) src(%dma_wait3A_619 : memref<6272xf32, #tpu.memory_space<vmem_shared>>) dst(%dma_wait3A_618 : memref<6272xf32, #tpu.memory_space<hbm>>)
    %dma_wait3A_620 = arith.constant 1 : i32
    %dma_wait3A_621 = tpu.memref_slice %arg8[%arg0, %dma_wait3A_620, %mul3A_2] : memref<2x2x100352xf32, #tpu.memory_space<hbm>> -> memref<1x1x6272xf32, #tpu.memory_space<hbm>>
    %dma_wait3A_622 = tpu.memref_squeeze %dma_wait3A_621 : memref<1x1x6272xf32, #tpu.memory_space<hbm>> -> memref<6272xf32, #tpu.memory_space<hbm>>
    %dma_wait3A_623 = tpu.memref_slice %arg16[%mul3A_2] : memref<100352xf32, #tpu.memory_space<vmem_shared>> -> memref<6272xf32, #tpu.memory_space<vmem_shared>>
    tpu.wait_dma2 semaphore(%arg17 : memref<!tpu.dma_semaphore, #tpu.memory_space<semaphore_mem>>) src(%dma_wait3A_623 : memref<6272xf32, #tpu.memory_space<vmem_shared>>) dst(%dma_wait3A_622 : memref<6272xf32, #tpu.memory_space<hbm>>)
    return
  }
}

#map = affine_map<(d0, d1) -> (0, 0)>
#map1 = affine_map<(d0, d1) -> (0)>
module attributes {stable_mosaic.version = 14 : i64} {
  func.func @_sc_deg_body(%arg0: i32, %arg1: i32, %arg2: memref<25000x128xi32, #tpu.memory_space<hbm>>, %arg3: memref<8x128xi32, #tpu.memory_space<hbm>>, %arg4: memref<100352xf32, #tpu.memory_space<hbm>>, %arg5: memref<2x100352xf32, #tpu.memory_space<hbm>>, %arg6: memref<4x8x128xi32, #tpu.memory_space<vmem>>, %arg7: memref<1x128xf32, #tpu.memory_space<vmem>>, %arg8: memref<100352xf32, #tpu.memory_space<vmem_shared>>, %arg9: memref<!tpu.dma_semaphore, #tpu.memory_space<semaphore_mem>>, %arg10: memref<!tpu.dma_semaphore, #tpu.memory_space<semaphore_mem>>, %arg11: memref<!tpu.dma_semaphore, #tpu.memory_space<semaphore_mem>>) attributes {dimension_semantics = [#tpu.dimension_semantics<core_parallel>, #tpu.dimension_semantics<subcore_parallel>], iteration_bounds = array<i64: 2, 16>, scalar_prefetch = 0 : i64, scratch_operands = 6 : i64, tpu.core_type = #tpu.core_type<sc_vector_subcore>, window_params = [{transform_indices = #map}, {transform_indices = #map}, {transform_indices = #map1}, {transform_indices = #map}]} {
    %mul3A = arith.constant 16 : i32
    %mul3A_0 = arith.muli %arg0, %mul3A : i32
    %add3A = arith.addi %mul3A_0, %arg1 : i32
    %mul3A_1 = arith.constant 6272 : i32
    %mul3A_2 = arith.muli %arg1, %mul3A_1 : i32
    %broadcast_in_dim3A = arith.constant 1.000000e+00 : f32
    %broadcast_in_dim3A_3 = vector.broadcast %broadcast_in_dim3A : f32 to vector<16xf32>
    %swap3A = arith.constant 0 : i32
    %swap3A_4 = arith.index_cast %swap3A : i32 to index
    %swap3A_5 = arith.constant 0 : index
    %swap3A_6 = tpu.vector_load %arg7[%swap3A_4, %swap3A_5] {strides = array<i32>} : memref<1x128xf32, #tpu.memory_space<vmem>>, vector<1x16xf32>,
    %swap3A_7 = vector.shape_cast %swap3A_6 : vector<1x16xf32> to vector<16xf32>
    %swap3A_8 = vector.shape_cast %broadcast_in_dim3A_3 : vector<16xf32> to vector<1x16xf32>
    tpu.vector_store %arg7[%swap3A_4, %swap3A_5], %swap3A_8 {strides = array<i32>} : memref<1x128xf32, #tpu.memory_space<vmem>>, vector<1x16xf32>,
    %broadcast_in_dim3A_9 = arith.constant 1.000000e+00 : f32
    %broadcast_in_dim3A_10 = vector.broadcast %broadcast_in_dim3A_9 : f32 to vector<16xf32>
    %swap3A_11 = arith.constant 0 : i32
    %swap3A_12 = arith.index_cast %swap3A_11 : i32 to index
    %swap3A_13 = arith.constant 16 : index
    %swap3A_14 = tpu.vector_load %arg7[%swap3A_12, %swap3A_13] {strides = array<i32>} : memref<1x128xf32, #tpu.memory_space<vmem>>, vector<1x16xf32>,
    %swap3A_15 = vector.shape_cast %swap3A_14 : vector<1x16xf32> to vector<16xf32>
    %swap3A_16 = vector.shape_cast %broadcast_in_dim3A_10 : vector<16xf32> to vector<1x16xf32>
    tpu.vector_store %arg7[%swap3A_12, %swap3A_13], %swap3A_16 {strides = array<i32>} : memref<1x128xf32, #tpu.memory_space<vmem>>, vector<1x16xf32>,
    %broadcast_in_dim3A_17 = arith.constant 1.000000e+00 : f32
    %broadcast_in_dim3A_18 = vector.broadcast %broadcast_in_dim3A_17 : f32 to vector<16xf32>
    %swap3A_19 = arith.constant 0 : i32
    %swap3A_20 = arith.index_cast %swap3A_19 : i32 to index
    %swap3A_21 = arith.constant 32 : index
    %swap3A_22 = tpu.vector_load %arg7[%swap3A_20, %swap3A_21] {strides = array<i32>} : memref<1x128xf32, #tpu.memory_space<vmem>>, vector<1x16xf32>,
    %swap3A_23 = vector.shape_cast %swap3A_22 : vector<1x16xf32> to vector<16xf32>
    %swap3A_24 = vector.shape_cast %broadcast_in_dim3A_18 : vector<16xf32> to vector<1x16xf32>
    tpu.vector_store %arg7[%swap3A_20, %swap3A_21], %swap3A_24 {strides = array<i32>} : memref<1x128xf32, #tpu.memory_space<vmem>>, vector<1x16xf32>,
    %broadcast_in_dim3A_25 = arith.constant 1.000000e+00 : f32
    %broadcast_in_dim3A_26 = vector.broadcast %broadcast_in_dim3A_25 : f32 to vector<16xf32>
    %swap3A_27 = arith.constant 0 : i32
    %swap3A_28 = arith.index_cast %swap3A_27 : i32 to index
    %swap3A_29 = arith.constant 48 : index
    %swap3A_30 = tpu.vector_load %arg7[%swap3A_28, %swap3A_29] {strides = array<i32>} : memref<1x128xf32, #tpu.memory_space<vmem>>, vector<1x16xf32>,
    %swap3A_31 = vector.shape_cast %swap3A_30 : vector<1x16xf32> to vector<16xf32>
    %swap3A_32 = vector.shape_cast %broadcast_in_dim3A_26 : vector<16xf32> to vector<1x16xf32>
    tpu.vector_store %arg7[%swap3A_28, %swap3A_29], %swap3A_32 {strides = array<i32>} : memref<1x128xf32, #tpu.memory_space<vmem>>, vector<1x16xf32>,
    %broadcast_in_dim3A_33 = arith.constant 1.000000e+00 : f32
    %broadcast_in_dim3A_34 = vector.broadcast %broadcast_in_dim3A_33 : f32 to vector<16xf32>
    %swap3A_35 = arith.constant 0 : i32
    %swap3A_36 = arith.index_cast %swap3A_35 : i32 to index
    %swap3A_37 = arith.constant 64 : index
    %swap3A_38 = tpu.vector_load %arg7[%swap3A_36, %swap3A_37] {strides = array<i32>} : memref<1x128xf32, #tpu.memory_space<vmem>>, vector<1x16xf32>,
    %swap3A_39 = vector.shape_cast %swap3A_38 : vector<1x16xf32> to vector<16xf32>
    %swap3A_40 = vector.shape_cast %broadcast_in_dim3A_34 : vector<16xf32> to vector<1x16xf32>
    tpu.vector_store %arg7[%swap3A_36, %swap3A_37], %swap3A_40 {strides = array<i32>} : memref<1x128xf32, #tpu.memory_space<vmem>>, vector<1x16xf32>,
    %broadcast_in_dim3A_41 = arith.constant 1.000000e+00 : f32
    %broadcast_in_dim3A_42 = vector.broadcast %broadcast_in_dim3A_41 : f32 to vector<16xf32>
    %swap3A_43 = arith.constant 0 : i32
    %swap3A_44 = arith.index_cast %swap3A_43 : i32 to index
    %swap3A_45 = arith.constant 80 : index
    %swap3A_46 = tpu.vector_load %arg7[%swap3A_44, %swap3A_45] {strides = array<i32>} : memref<1x128xf32, #tpu.memory_space<vmem>>, vector<1x16xf32>,
    %swap3A_47 = vector.shape_cast %swap3A_46 : vector<1x16xf32> to vector<16xf32>
    %swap3A_48 = vector.shape_cast %broadcast_in_dim3A_42 : vector<16xf32> to vector<1x16xf32>
    tpu.vector_store %arg7[%swap3A_44, %swap3A_45], %swap3A_48 {strides = array<i32>} : memref<1x128xf32, #tpu.memory_space<vmem>>, vector<1x16xf32>,
    %broadcast_in_dim3A_49 = arith.constant 1.000000e+00 : f32
    %broadcast_in_dim3A_50 = vector.broadcast %broadcast_in_dim3A_49 : f32 to vector<16xf32>
    %swap3A_51 = arith.constant 0 : i32
    %swap3A_52 = arith.index_cast %swap3A_51 : i32 to index
    %swap3A_53 = arith.constant 96 : index
    %swap3A_54 = tpu.vector_load %arg7[%swap3A_52, %swap3A_53] {strides = array<i32>} : memref<1x128xf32, #tpu.memory_space<vmem>>, vector<1x16xf32>,
    %swap3A_55 = vector.shape_cast %swap3A_54 : vector<1x16xf32> to vector<16xf32>
    %swap3A_56 = vector.shape_cast %broadcast_in_dim3A_50 : vector<16xf32> to vector<1x16xf32>
    tpu.vector_store %arg7[%swap3A_52, %swap3A_53], %swap3A_56 {strides = array<i32>} : memref<1x128xf32, #tpu.memory_space<vmem>>, vector<1x16xf32>,
    %broadcast_in_dim3A_57 = arith.constant 1.000000e+00 : f32
    %broadcast_in_dim3A_58 = vector.broadcast %broadcast_in_dim3A_57 : f32 to vector<16xf32>
    %swap3A_59 = arith.constant 0 : i32
    %swap3A_60 = arith.index_cast %swap3A_59 : i32 to index
    %swap3A_61 = arith.constant 112 : index
    %swap3A_62 = tpu.vector_load %arg7[%swap3A_60, %swap3A_61] {strides = array<i32>} : memref<1x128xf32, #tpu.memory_space<vmem>>, vector<1x16xf32>,
    %swap3A_63 = vector.shape_cast %swap3A_62 : vector<1x16xf32> to vector<16xf32>
    %swap3A_64 = vector.shape_cast %broadcast_in_dim3A_58 : vector<16xf32> to vector<1x16xf32>
    tpu.vector_store %arg7[%swap3A_60, %swap3A_61], %swap3A_64 {strides = array<i32>} : memref<1x128xf32, #tpu.memory_space<vmem>>, vector<1x16xf32>,
    "tpu.region"() ({
      %run_scoped3A = tpu.sem_alloc : memref<!tpu.dma_semaphore, #tpu.memory_space<semaphore_mem>>
      %dma_start3A = tpu.memref_slice %arg8[%mul3A_2] : memref<100352xf32, #tpu.memory_space<vmem_shared>> -> memref<6272xf32, #tpu.memory_space<vmem_shared>>
      %dma_start3A_343 = tpu.memref_slice %arg4[%mul3A_2] : memref<100352xf32, #tpu.memory_space<hbm>> -> memref<6272xf32, #tpu.memory_space<hbm>>
      tpu.enqueue_dma source(%dma_start3A_343 : memref<6272xf32, #tpu.memory_space<hbm>>) target(%dma_start3A : memref<6272xf32, #tpu.memory_space<vmem_shared>>) target_semaphore(%run_scoped3A : memref<!tpu.dma_semaphore, #tpu.memory_space<semaphore_mem>>)
      %dma_wait3A_344 = tpu.memref_slice %arg8[%mul3A_2] : memref<100352xf32, #tpu.memory_space<vmem_shared>> -> memref<6272xf32, #tpu.memory_space<vmem_shared>>
      %dma_wait3A_345 = tpu.memref_slice %arg4[%mul3A_2] : memref<100352xf32, #tpu.memory_space<hbm>> -> memref<6272xf32, #tpu.memory_space<hbm>>
      tpu.wait_dma2 semaphore(%run_scoped3A : memref<!tpu.dma_semaphore, #tpu.memory_space<semaphore_mem>>) src(%dma_wait3A_345 : memref<6272xf32, #tpu.memory_space<hbm>>) dst(%dma_wait3A_344 : memref<6272xf32, #tpu.memory_space<vmem_shared>>)
      tpu.yield
    }) : () -> ()
    %barrier3A = arith.constant 0 : index
    tpu.barrier barrier_id(%barrier3A)
    %mul3A_65 = arith.constant 784 : i32
    %mul3A_66 = arith.muli %add3A, %mul3A_65 : i32
    %add3A_67 = arith.constant 0 : i32
    %add3A_68 = arith.addi %mul3A_66, %add3A_67 : i32
    %lt3A = arith.constant 25000 : i32
    %lt3A_69 = arith.cmpi slt, %add3A_68, %lt3A : i32
    %convert_element_type3A = arith.extui %lt3A_69 : i1 to i32
    %cond3A = arith.constant 0 : i32
    %cond3A_70 = arith.cmpi ne, %convert_element_type3A, %cond3A : i32
    scf.if %cond3A_70 {
      %dma_start3A = arith.constant 0 : i32
      %dma_start3A_343 = arith.constant 0 : i32
      %dma_start3A_344 = arith.constant 0 : i32
      %dma_start3A_345 = tpu.memref_slice %arg6[%dma_start3A, %dma_start3A_343, %dma_start3A_344] : memref<4x8x128xi32, #tpu.memory_space<vmem>> -> memref<1x8x128xi32, #tpu.memory_space<vmem>>
      %dma_start3A_346 = tpu.memref_squeeze %dma_start3A_345 : memref<1x8x128xi32, #tpu.memory_space<vmem>> -> memref<8x128xi32, #tpu.memory_space<vmem>>
      %dma_start3A_347 = arith.constant 0 : i32
      %dma_start3A_348 = tpu.memref_slice %arg2[%add3A_68, %dma_start3A_347] : memref<25000x128xi32, #tpu.memory_space<hbm>> -> memref<8x128xi32, #tpu.memory_space<hbm>>
      %dma_start3A_349 = arith.constant 0 : i32
      %dma_start3A_350 = arith.constant 0 : i32
      %dma_start3A_351 = tpu.memref_slice %arg6[%dma_start3A, %dma_start3A_349, %dma_start3A_350] : memref<4x8x128xi32, #tpu.memory_space<vmem>> -> memref<1x8x128xi32, #tpu.memory_space<vmem>>
      %dma_start3A_352 = tpu.memref_squeeze %dma_start3A_351 : memref<1x8x128xi32, #tpu.memory_space<vmem>> -> memref<8x128xi32, #tpu.memory_space<vmem>>
      %dma_start3A_353 = arith.constant 0 : i32
      %dma_start3A_354 = tpu.memref_slice %arg2[%add3A_68, %dma_start3A_353] : memref<25000x128xi32, #tpu.memory_space<hbm>> -> memref<8x128xi32, #tpu.memory_space<hbm>>
      tpu.enqueue_dma source(%dma_start3A_354 : memref<8x128xi32, #tpu.memory_space<hbm>>) target(%dma_start3A_352 : memref<8x128xi32, #tpu.memory_space<vmem>>) target_semaphore(%arg9 : memref<!tpu.dma_semaphore, #tpu.memory_space<semaphore_mem>>)
    } else {
    }
    %ge3A = arith.constant 25000 : i32
    %ge3A_71 = arith.cmpi sge, %add3A_68, %ge3A : i32
    %convert_element_type3A_72 = arith.extui %ge3A_71 : i1 to i32
    %cond3A_73 = arith.constant 0 : i32
    %cond3A_74 = arith.cmpi ne, %convert_element_type3A_72, %cond3A_73 : i32
    scf.if %cond3A_74 {
      %dma_start3A = arith.constant 0 : i32
      %dma_start3A_343 = arith.constant 0 : i32
      %dma_start3A_344 = arith.constant 0 : i32
      %dma_start3A_345 = tpu.memref_slice %arg6[%dma_start3A, %dma_start3A_343, %dma_start3A_344] : memref<4x8x128xi32, #tpu.memory_space<vmem>> -> memref<1x8x128xi32, #tpu.memory_space<vmem>>
      %dma_start3A_346 = tpu.memref_squeeze %dma_start3A_345 : memref<1x8x128xi32, #tpu.memory_space<vmem>> -> memref<8x128xi32, #tpu.memory_space<vmem>>
      %dma_start3A_347 = arith.constant 0 : i32
      %dma_start3A_348 = arith.constant 0 : i32
      %dma_start3A_349 = tpu.memref_slice %arg3[%dma_start3A_347, %dma_start3A_348] : memref<8x128xi32, #tpu.memory_space<hbm>> -> memref<8x128xi32, #tpu.memory_space<hbm>>
      %dma_start3A_350 = arith.constant 0 : i32
      %dma_start3A_351 = arith.constant 0 : i32
      %dma_start3A_352 = tpu.memref_slice %arg6[%dma_start3A, %dma_start3A_350, %dma_start3A_351] : memref<4x8x128xi32, #tpu.memory_space<vmem>> -> memref<1x8x128xi32, #tpu.memory_space<vmem>>
      %dma_start3A_353 = tpu.memref_squeeze %dma_start3A_352 : memref<1x8x128xi32, #tpu.memory_space<vmem>> -> memref<8x128xi32, #tpu.memory_space<vmem>>
      %dma_start3A_354 = arith.constant 0 : i32
      %dma_start3A_355 = arith.constant 0 : i32
      %dma_start3A_356 = tpu.memref_slice %arg3[%dma_start3A_354, %dma_start3A_355] : memref<8x128xi32, #tpu.memory_space<hbm>> -> memref<8x128xi32, #tpu.memory_space<hbm>>
      tpu.enqueue_dma source(%dma_start3A_356 : memref<8x128xi32, #tpu.memory_space<hbm>>) target(%dma_start3A_353 : memref<8x128xi32, #tpu.memory_space<vmem>>) target_semaphore(%arg9 : memref<!tpu.dma_semaphore, #tpu.memory_space<semaphore_mem>>)
    } else {
    }
    %scan3A = arith.constant 0 : i32
    %scan3A_75 = arith.constant 98 : i32
    %scan3A_76 = arith.addi %scan3A, %scan3A_75 : i32
    %scan3A_77 = arith.constant 1 : i32
    scf.for %scan3A_343 = %scan3A to %scan3A_76 step %scan3A_77  : i32 {
      %mul3A_344 = arith.constant 1 : i32
      %mul3A_345 = arith.muli %scan3A_343, %mul3A_344 : i32
      %add3A_346 = arith.constant 0 : i32
      %add3A_347 = arith.addi %add3A_346, %mul3A_345 : i32
      %rem3A = arith.constant 4 : i32
      %rem3A_348 = arith.remsi %add3A_347, %rem3A : i32
      %mul3A_349 = arith.constant 784 : i32
      %mul3A_350 = arith.muli %add3A, %mul3A_349 : i32
      %mul3A_351 = arith.constant 8 : i32
      %mul3A_352 = arith.muli %add3A_347, %mul3A_351 : i32
      %add3A_353 = arith.addi %mul3A_350, %mul3A_352 : i32
      %lt3A_354 = arith.constant 25000 : i32
      %lt3A_355 = arith.cmpi slt, %add3A_353, %lt3A_354 : i32
      %convert_element_type3A_356 = arith.extui %lt3A_355 : i1 to i32
      %cond3A_357 = arith.constant 0 : i32
      %cond3A_358 = arith.cmpi ne, %convert_element_type3A_356, %cond3A_357 : i32
      scf.if %cond3A_358 {
        %dma_wait3A_453 = arith.constant 0 : i32
        %dma_wait3A_454 = arith.constant 0 : i32
        %dma_wait3A_455 = tpu.memref_slice %arg6[%rem3A_348, %dma_wait3A_453, %dma_wait3A_454] : memref<4x8x128xi32, #tpu.memory_space<vmem>> -> memref<1x8x128xi32, #tpu.memory_space<vmem>>
        %dma_wait3A_456 = tpu.memref_squeeze %dma_wait3A_455 : memref<1x8x128xi32, #tpu.memory_space<vmem>> -> memref<8x128xi32, #tpu.memory_space<vmem>>
        %dma_wait3A_457 = arith.constant 0 : i32
        %dma_wait3A_458 = tpu.memref_slice %arg2[%add3A_353, %dma_wait3A_457] : memref<25000x128xi32, #tpu.memory_space<hbm>> -> memref<8x128xi32, #tpu.memory_space<hbm>>
        %dma_wait3A_459 = arith.constant 0 : i32
        %dma_wait3A_460 = arith.constant 0 : i32
        %dma_wait3A_461 = tpu.memref_slice %arg6[%rem3A_348, %dma_wait3A_459, %dma_wait3A_460] : memref<4x8x128xi32, #tpu.memory_space<vmem>> -> memref<1x8x128xi32, #tpu.memory_space<vmem>>
        %dma_wait3A_462 = tpu.memref_squeeze %dma_wait3A_461 : memref<1x8x128xi32, #tpu.memory_space<vmem>> -> memref<8x128xi32, #tpu.memory_space<vmem>>
        %dma_wait3A_463 = arith.constant 0 : i32
        %dma_wait3A_464 = tpu.memref_slice %arg2[%add3A_353, %dma_wait3A_463] : memref<25000x128xi32, #tpu.memory_space<hbm>> -> memref<8x128xi32, #tpu.memory_space<hbm>>
        tpu.wait_dma2 semaphore(%arg9 : memref<!tpu.dma_semaphore, #tpu.memory_space<semaphore_mem>>) src(%dma_wait3A_464 : memref<8x128xi32, #tpu.memory_space<hbm>>) dst(%dma_wait3A_462 : memref<8x128xi32, #tpu.memory_space<vmem>>)
      } else {
      }
      %ge3A_359 = arith.constant 25000 : i32
      %ge3A_360 = arith.cmpi sge, %add3A_353, %ge3A_359 : i32
      %convert_element_type3A_361 = arith.extui %ge3A_360 : i1 to i32
      %cond3A_362 = arith.constant 0 : i32
      %cond3A_363 = arith.cmpi ne, %convert_element_type3A_361, %cond3A_362 : i32
      scf.if %cond3A_363 {
        %dma_wait3A_453 = arith.constant 0 : i32
        %dma_wait3A_454 = arith.constant 0 : i32
        %dma_wait3A_455 = tpu.memref_slice %arg6[%rem3A_348, %dma_wait3A_453, %dma_wait3A_454] : memref<4x8x128xi32, #tpu.memory_space<vmem>> -> memref<1x8x128xi32, #tpu.memory_space<vmem>>
        %dma_wait3A_456 = tpu.memref_squeeze %dma_wait3A_455 : memref<1x8x128xi32, #tpu.memory_space<vmem>> -> memref<8x128xi32, #tpu.memory_space<vmem>>
        %dma_wait3A_457 = arith.constant 0 : i32
        %dma_wait3A_458 = arith.constant 0 : i32
        %dma_wait3A_459 = tpu.memref_slice %arg3[%dma_wait3A_457, %dma_wait3A_458] : memref<8x128xi32, #tpu.memory_space<hbm>> -> memref<8x128xi32, #tpu.memory_space<hbm>>
        %dma_wait3A_460 = arith.constant 0 : i32
        %dma_wait3A_461 = arith.constant 0 : i32
        %dma_wait3A_462 = tpu.memref_slice %arg6[%rem3A_348, %dma_wait3A_460, %dma_wait3A_461] : memref<4x8x128xi32, #tpu.memory_space<vmem>> -> memref<1x8x128xi32, #tpu.memory_space<vmem>>
        %dma_wait3A_463 = tpu.memref_squeeze %dma_wait3A_462 : memref<1x8x128xi32, #tpu.memory_space<vmem>> -> memref<8x128xi32, #tpu.memory_space<vmem>>
        %dma_wait3A_464 = arith.constant 0 : i32
        %dma_wait3A_465 = arith.constant 0 : i32
        %dma_wait3A_466 = tpu.memref_slice %arg3[%dma_wait3A_464, %dma_wait3A_465] : memref<8x128xi32, #tpu.memory_space<hbm>> -> memref<8x128xi32, #tpu.memory_space<hbm>>
        tpu.wait_dma2 semaphore(%arg9 : memref<!tpu.dma_semaphore, #tpu.memory_space<semaphore_mem>>) src(%dma_wait3A_466 : memref<8x128xi32, #tpu.memory_space<hbm>>) dst(%dma_wait3A_463 : memref<8x128xi32, #tpu.memory_space<vmem>>)
      } else {
      }
      %ge3A_364 = arith.constant 3 : i32
      %ge3A_365 = arith.cmpi sge, %add3A_347, %ge3A_364 : i32
      %convert_element_type3A_366 = arith.extui %ge3A_365 : i1 to i32
      %cond3A_367 = arith.constant 0 : i32
      %cond3A_368 = arith.cmpi ne, %convert_element_type3A_366, %cond3A_367 : i32
      scf.if %cond3A_368 {
        %add3A_453 = arith.constant 1 : i32
        %add3A_454 = arith.addi %add3A_347, %add3A_453 : i32
        %rem3A_455 = arith.constant 4 : i32
        %rem3A_456 = arith.remsi %add3A_454, %rem3A_455 : i32
        %dma_wait3A_457 = arith.constant 0 : i32
        %dma_wait3A_458 = arith.constant 0 : i32
        %dma_wait3A_459 = arith.constant 0 : i32
        %dma_wait3A_460 = tpu.memref_slice %arg7[%dma_wait3A_457, %dma_wait3A_459] : memref<1x128xf32, #tpu.memory_space<vmem>> -> memref<1x128xf32, #tpu.memory_space<vmem>>
        %dma_wait3A_461 = tpu.memref_squeeze %dma_wait3A_460 : memref<1x128xf32, #tpu.memory_space<vmem>> -> memref<128xf32, #tpu.memory_space<vmem>>
        %dma_wait3A_462 = arith.constant 0 : i32
        %dma_wait3A_463 = tpu.memref_slice %arg6[%rem3A_456, %dma_wait3A_458, %dma_wait3A_462] : memref<4x8x128xi32, #tpu.memory_space<vmem>> -> memref<1x1x128xi32, #tpu.memory_space<vmem>>
        %dma_wait3A_464 = tpu.memref_squeeze %dma_wait3A_463 : memref<1x1x128xi32, #tpu.memory_space<vmem>> -> memref<128xi32, #tpu.memory_space<vmem>>
        %dma_wait3A_465 = arith.constant 0 : i32
        %dma_wait3A_466 = tpu.memref_slice %arg8[%dma_wait3A_465] : memref<100352xf32, #tpu.memory_space<vmem_shared>> -> memref<100352xf32, #tpu.memory_space<vmem_shared>>
        tpu.wait_indirect_dma semaphore(%arg11 : memref<!tpu.dma_semaphore, #tpu.memory_space<semaphore_mem>>) src(%dma_wait3A_461 : memref<128xf32, #tpu.memory_space<vmem>>) dst(%dma_wait3A_466 : memref<100352xf32, #tpu.memory_space<vmem_shared>>)
        %dma_wait3A_467 = arith.constant 0 : i32
        %dma_wait3A_468 = arith.constant 1 : i32
        %dma_wait3A_469 = arith.constant 0 : i32
        %dma_wait3A_470 = tpu.memref_slice %arg7[%dma_wait3A_467, %dma_wait3A_469] : memref<1x128xf32, #tpu.memory_space<vmem>> -> memref<1x128xf32, #tpu.memory_space<vmem>>
        %dma_wait3A_471 = tpu.memref_squeeze %dma_wait3A_470 : memref<1x128xf32, #tpu.memory_space<vmem>> -> memref<128xf32, #tpu.memory_space<vmem>>
        %dma_wait3A_472 = arith.constant 0 : i32
        %dma_wait3A_473 = tpu.memref_slice %arg6[%rem3A_456, %dma_wait3A_468, %dma_wait3A_472] : memref<4x8x128xi32, #tpu.memory_space<vmem>> -> memref<1x1x128xi32, #tpu.memory_space<vmem>>
        %dma_wait3A_474 = tpu.memref_squeeze %dma_wait3A_473 : memref<1x1x128xi32, #tpu.memory_space<vmem>> -> memref<128xi32, #tpu.memory_space<vmem>>
        %dma_wait3A_475 = arith.constant 0 : i32
        %dma_wait3A_476 = tpu.memref_slice %arg8[%dma_wait3A_475] : memref<100352xf32, #tpu.memory_space<vmem_shared>> -> memref<100352xf32, #tpu.memory_space<vmem_shared>>
        tpu.wait_indirect_dma semaphore(%arg11 : memref<!tpu.dma_semaphore, #tpu.memory_space<semaphore_mem>>) src(%dma_wait3A_471 : memref<128xf32, #tpu.memory_space<vmem>>) dst(%dma_wait3A_476 : memref<100352xf32, #tpu.memory_space<vmem_shared>>)
        %dma_wait3A_477 = arith.constant 0 : i32
        %dma_wait3A_478 = arith.constant 2 : i32
        %dma_wait3A_479 = arith.constant 0 : i32
        %dma_wait3A_480 = tpu.memref_slice %arg7[%dma_wait3A_477, %dma_wait3A_479] : memref<1x128xf32, #tpu.memory_space<vmem>> -> memref<1x128xf32, #tpu.memory_space<vmem>>
        %dma_wait3A_481 = tpu.memref_squeeze %dma_wait3A_480 : memref<1x128xf32, #tpu.memory_space<vmem>> -> memref<128xf32, #tpu.memory_space<vmem>>
        %dma_wait3A_482 = arith.constant 0 : i32
        %dma_wait3A_483 = tpu.memref_slice %arg6[%rem3A_456, %dma_wait3A_478, %dma_wait3A_482] : memref<4x8x128xi32, #tpu.memory_space<vmem>> -> memref<1x1x128xi32, #tpu.memory_space<vmem>>
        %dma_wait3A_484 = tpu.memref_squeeze %dma_wait3A_483 : memref<1x1x128xi32, #tpu.memory_space<vmem>> -> memref<128xi32, #tpu.memory_space<vmem>>
        %dma_wait3A_485 = arith.constant 0 : i32
        %dma_wait3A_486 = tpu.memref_slice %arg8[%dma_wait3A_485] : memref<100352xf32, #tpu.memory_space<vmem_shared>> -> memref<100352xf32, #tpu.memory_space<vmem_shared>>
        tpu.wait_indirect_dma semaphore(%arg11 : memref<!tpu.dma_semaphore, #tpu.memory_space<semaphore_mem>>) src(%dma_wait3A_481 : memref<128xf32, #tpu.memory_space<vmem>>) dst(%dma_wait3A_486 : memref<100352xf32, #tpu.memory_space<vmem_shared>>)
        %dma_wait3A_487 = arith.constant 0 : i32
        %dma_wait3A_488 = arith.constant 3 : i32
        %dma_wait3A_489 = arith.constant 0 : i32
        %dma_wait3A_490 = tpu.memref_slice %arg7[%dma_wait3A_487, %dma_wait3A_489] : memref<1x128xf32, #tpu.memory_space<vmem>> -> memref<1x128xf32, #tpu.memory_space<vmem>>
        %dma_wait3A_491 = tpu.memref_squeeze %dma_wait3A_490 : memref<1x128xf32, #tpu.memory_space<vmem>> -> memref<128xf32, #tpu.memory_space<vmem>>
        %dma_wait3A_492 = arith.constant 0 : i32
        %dma_wait3A_493 = tpu.memref_slice %arg6[%rem3A_456, %dma_wait3A_488, %dma_wait3A_492] : memref<4x8x128xi32, #tpu.memory_space<vmem>> -> memref<1x1x128xi32, #tpu.memory_space<vmem>>
        %dma_wait3A_494 = tpu.memref_squeeze %dma_wait3A_493 : memref<1x1x128xi32, #tpu.memory_space<vmem>> -> memref<128xi32, #tpu.memory_space<vmem>>
        %dma_wait3A_495 = arith.constant 0 : i32
        %dma_wait3A_496 = tpu.memref_slice %arg8[%dma_wait3A_495] : memref<100352xf32, #tpu.memory_space<vmem_shared>> -> memref<100352xf32, #tpu.memory_space<vmem_shared>>
        tpu.wait_indirect_dma semaphore(%arg11 : memref<!tpu.dma_semaphore, #tpu.memory_space<semaphore_mem>>) src(%dma_wait3A_491 : memref<128xf32, #tpu.memory_space<vmem>>) dst(%dma_wait3A_496 : memref<100352xf32, #tpu.memory_space<vmem_shared>>)
        %dma_wait3A_497 = arith.constant 0 : i32
        %dma_wait3A_498 = arith.constant 4 : i32
        %dma_wait3A_499 = arith.constant 0 : i32
        %dma_wait3A_500 = tpu.memref_slice %arg7[%dma_wait3A_497, %dma_wait3A_499] : memref<1x128xf32, #tpu.memory_space<vmem>> -> memref<1x128xf32, #tpu.memory_space<vmem>>
        %dma_wait3A_501 = tpu.memref_squeeze %dma_wait3A_500 : memref<1x128xf32, #tpu.memory_space<vmem>> -> memref<128xf32, #tpu.memory_space<vmem>>
        %dma_wait3A_502 = arith.constant 0 : i32
        %dma_wait3A_503 = tpu.memref_slice %arg6[%rem3A_456, %dma_wait3A_498, %dma_wait3A_502] : memref<4x8x128xi32, #tpu.memory_space<vmem>> -> memref<1x1x128xi32, #tpu.memory_space<vmem>>
        %dma_wait3A_504 = tpu.memref_squeeze %dma_wait3A_503 : memref<1x1x128xi32, #tpu.memory_space<vmem>> -> memref<128xi32, #tpu.memory_space<vmem>>
        %dma_wait3A_505 = arith.constant 0 : i32
        %dma_wait3A_506 = tpu.memref_slice %arg8[%dma_wait3A_505] : memref<100352xf32, #tpu.memory_space<vmem_shared>> -> memref<100352xf32, #tpu.memory_space<vmem_shared>>
        tpu.wait_indirect_dma semaphore(%arg11 : memref<!tpu.dma_semaphore, #tpu.memory_space<semaphore_mem>>) src(%dma_wait3A_501 : memref<128xf32, #tpu.memory_space<vmem>>) dst(%dma_wait3A_506 : memref<100352xf32, #tpu.memory_space<vmem_shared>>)
        %dma_wait3A_507 = arith.constant 0 : i32
        %dma_wait3A_508 = arith.constant 5 : i32
        %dma_wait3A_509 = arith.constant 0 : i32
        %dma_wait3A_510 = tpu.memref_slice %arg7[%dma_wait3A_507, %dma_wait3A_509] : memref<1x128xf32, #tpu.memory_space<vmem>> -> memref<1x128xf32, #tpu.memory_space<vmem>>
        %dma_wait3A_511 = tpu.memref_squeeze %dma_wait3A_510 : memref<1x128xf32, #tpu.memory_space<vmem>> -> memref<128xf32, #tpu.memory_space<vmem>>
        %dma_wait3A_512 = arith.constant 0 : i32
        %dma_wait3A_513 = tpu.memref_slice %arg6[%rem3A_456, %dma_wait3A_508, %dma_wait3A_512] : memref<4x8x128xi32, #tpu.memory_space<vmem>> -> memref<1x1x128xi32, #tpu.memory_space<vmem>>
        %dma_wait3A_514 = tpu.memref_squeeze %dma_wait3A_513 : memref<1x1x128xi32, #tpu.memory_space<vmem>> -> memref<128xi32, #tpu.memory_space<vmem>>
        %dma_wait3A_515 = arith.constant 0 : i32
        %dma_wait3A_516 = tpu.memref_slice %arg8[%dma_wait3A_515] : memref<100352xf32, #tpu.memory_space<vmem_shared>> -> memref<100352xf32, #tpu.memory_space<vmem_shared>>
        tpu.wait_indirect_dma semaphore(%arg11 : memref<!tpu.dma_semaphore, #tpu.memory_space<semaphore_mem>>) src(%dma_wait3A_511 : memref<128xf32, #tpu.memory_space<vmem>>) dst(%dma_wait3A_516 : memref<100352xf32, #tpu.memory_space<vmem_shared>>)
        %dma_wait3A_517 = arith.constant 0 : i32
        %dma_wait3A_518 = arith.constant 6 : i32
        %dma_wait3A_519 = arith.constant 0 : i32
        %dma_wait3A_520 = tpu.memref_slice %arg7[%dma_wait3A_517, %dma_wait3A_519] : memref<1x128xf32, #tpu.memory_space<vmem>> -> memref<1x128xf32, #tpu.memory_space<vmem>>
        %dma_wait3A_521 = tpu.memref_squeeze %dma_wait3A_520 : memref<1x128xf32, #tpu.memory_space<vmem>> -> memref<128xf32, #tpu.memory_space<vmem>>
        %dma_wait3A_522 = arith.constant 0 : i32
        %dma_wait3A_523 = tpu.memref_slice %arg6[%rem3A_456, %dma_wait3A_518, %dma_wait3A_522] : memref<4x8x128xi32, #tpu.memory_space<vmem>> -> memref<1x1x128xi32, #tpu.memory_space<vmem>>
        %dma_wait3A_524 = tpu.memref_squeeze %dma_wait3A_523 : memref<1x1x128xi32, #tpu.memory_space<vmem>> -> memref<128xi32, #tpu.memory_space<vmem>>
        %dma_wait3A_525 = arith.constant 0 : i32
        %dma_wait3A_526 = tpu.memref_slice %arg8[%dma_wait3A_525] : memref<100352xf32, #tpu.memory_space<vmem_shared>> -> memref<100352xf32, #tpu.memory_space<vmem_shared>>
        tpu.wait_indirect_dma semaphore(%arg11 : memref<!tpu.dma_semaphore, #tpu.memory_space<semaphore_mem>>) src(%dma_wait3A_521 : memref<128xf32, #tpu.memory_space<vmem>>) dst(%dma_wait3A_526 : memref<100352xf32, #tpu.memory_space<vmem_shared>>)
        %dma_wait3A_527 = arith.constant 0 : i32
        %dma_wait3A_528 = arith.constant 7 : i32
        %dma_wait3A_529 = arith.constant 0 : i32
        %dma_wait3A_530 = tpu.memref_slice %arg7[%dma_wait3A_527, %dma_wait3A_529] : memref<1x128xf32, #tpu.memory_space<vmem>> -> memref<1x128xf32, #tpu.memory_space<vmem>>
        %dma_wait3A_531 = tpu.memref_squeeze %dma_wait3A_530 : memref<1x128xf32, #tpu.memory_space<vmem>> -> memref<128xf32, #tpu.memory_space<vmem>>
        %dma_wait3A_532 = arith.constant 0 : i32
        %dma_wait3A_533 = tpu.memref_slice %arg6[%rem3A_456, %dma_wait3A_528, %dma_wait3A_532] : memref<4x8x128xi32, #tpu.memory_space<vmem>> -> memref<1x1x128xi32, #tpu.memory_space<vmem>>
        %dma_wait3A_534 = tpu.memref_squeeze %dma_wait3A_533 : memref<1x1x128xi32, #tpu.memory_space<vmem>> -> memref<128xi32, #tpu.memory_space<vmem>>
        %dma_wait3A_535 = arith.constant 0 : i32
        %dma_wait3A_536 = tpu.memref_slice %arg8[%dma_wait3A_535] : memref<100352xf32, #tpu.memory_space<vmem_shared>> -> memref<100352xf32, #tpu.memory_space<vmem_shared>>
        tpu.wait_indirect_dma semaphore(%arg11 : memref<!tpu.dma_semaphore, #tpu.memory_space<semaphore_mem>>) src(%dma_wait3A_531 : memref<128xf32, #tpu.memory_space<vmem>>) dst(%dma_wait3A_536 : memref<100352xf32, #tpu.memory_space<vmem_shared>>)
      } else {
      }
      %lt3A_369 = arith.constant 97 : i32
      %lt3A_370 = arith.cmpi slt, %add3A_347, %lt3A_369 : i32
      %convert_element_type3A_371 = arith.extui %lt3A_370 : i1 to i32
      %cond3A_372 = arith.constant 0 : i32
      %cond3A_373 = arith.cmpi ne, %convert_element_type3A_371, %cond3A_372 : i32
      scf.if %cond3A_373 {
        %add3A_453 = arith.constant 1 : i32
        %add3A_454 = arith.addi %add3A_347, %add3A_453 : i32
        %add3A_455 = arith.constant 1 : i32
        %add3A_456 = arith.addi %add3A_347, %add3A_455 : i32
        %rem3A_457 = arith.constant 4 : i32
        %rem3A_458 = arith.remsi %add3A_456, %rem3A_457 : i32
        %mul3A_459 = arith.constant 784 : i32
        %mul3A_460 = arith.muli %add3A, %mul3A_459 : i32
        %mul3A_461 = arith.constant 8 : i32
        %mul3A_462 = arith.muli %add3A_454, %mul3A_461 : i32
        %add3A_463 = arith.addi %mul3A_460, %mul3A_462 : i32
        %lt3A_464 = arith.constant 25000 : i32
        %lt3A_465 = arith.cmpi slt, %add3A_463, %lt3A_464 : i32
        %convert_element_type3A_466 = arith.extui %lt3A_465 : i1 to i32
        %cond3A_467 = arith.constant 0 : i32
        %cond3A_468 = arith.cmpi ne, %convert_element_type3A_466, %cond3A_467 : i32
        scf.if %cond3A_468 {
          %dma_start3A_474 = arith.constant 0 : i32
          %dma_start3A_475 = arith.constant 0 : i32
          %dma_start3A_476 = tpu.memref_slice %arg6[%rem3A_458, %dma_start3A_474, %dma_start3A_475] : memref<4x8x128xi32, #tpu.memory_space<vmem>> -> memref<1x8x128xi32, #tpu.memory_space<vmem>>
          %dma_start3A_477 = tpu.memref_squeeze %dma_start3A_476 : memref<1x8x128xi32, #tpu.memory_space<vmem>> -> memref<8x128xi32, #tpu.memory_space<vmem>>
          %dma_start3A_478 = arith.constant 0 : i32
          %dma_start3A_479 = tpu.memref_slice %arg2[%add3A_463, %dma_start3A_478] : memref<25000x128xi32, #tpu.memory_space<hbm>> -> memref<8x128xi32, #tpu.memory_space<hbm>>
          %dma_start3A_480 = arith.constant 0 : i32
          %dma_start3A_481 = arith.constant 0 : i32
          %dma_start3A_482 = tpu.memref_slice %arg6[%rem3A_458, %dma_start3A_480, %dma_start3A_481] : memref<4x8x128xi32, #tpu.memory_space<vmem>> -> memref<1x8x128xi32, #tpu.memory_space<vmem>>
          %dma_start3A_483 = tpu.memref_squeeze %dma_start3A_482 : memref<1x8x128xi32, #tpu.memory_space<vmem>> -> memref<8x128xi32, #tpu.memory_space<vmem>>
          %dma_start3A_484 = arith.constant 0 : i32
          %dma_start3A_485 = tpu.memref_slice %arg2[%add3A_463, %dma_start3A_484] : memref<25000x128xi32, #tpu.memory_space<hbm>> -> memref<8x128xi32, #tpu.memory_space<hbm>>
          tpu.enqueue_dma source(%dma_start3A_485 : memref<8x128xi32, #tpu.memory_space<hbm>>) target(%dma_start3A_483 : memref<8x128xi32, #tpu.memory_space<vmem>>) target_semaphore(%arg9 : memref<!tpu.dma_semaphore, #tpu.memory_space<semaphore_mem>>)
        } else {
        }
        %ge3A_469 = arith.constant 25000 : i32
        %ge3A_470 = arith.cmpi sge, %add3A_463, %ge3A_469 : i32
        %convert_element_type3A_471 = arith.extui %ge3A_470 : i1 to i32
        %cond3A_472 = arith.constant 0 : i32
        %cond3A_473 = arith.cmpi ne, %convert_element_type3A_471, %cond3A_472 : i32
        scf.if %cond3A_473 {
          %dma_start3A_474 = arith.constant 0 : i32
          %dma_start3A_475 = arith.constant 0 : i32
          %dma_start3A_476 = tpu.memref_slice %arg6[%rem3A_458, %dma_start3A_474, %dma_start3A_475] : memref<4x8x128xi32, #tpu.memory_space<vmem>> -> memref<1x8x128xi32, #tpu.memory_space<vmem>>
          %dma_start3A_477 = tpu.memref_squeeze %dma_start3A_476 : memref<1x8x128xi32, #tpu.memory_space<vmem>> -> memref<8x128xi32, #tpu.memory_space<vmem>>
          %dma_start3A_478 = arith.constant 0 : i32
          %dma_start3A_479 = arith.constant 0 : i32
          %dma_start3A_480 = tpu.memref_slice %arg3[%dma_start3A_478, %dma_start3A_479] : memref<8x128xi32, #tpu.memory_space<hbm>> -> memref<8x128xi32, #tpu.memory_space<hbm>>
          %dma_start3A_481 = arith.constant 0 : i32
          %dma_start3A_482 = arith.constant 0 : i32
          %dma_start3A_483 = tpu.memref_slice %arg6[%rem3A_458, %dma_start3A_481, %dma_start3A_482] : memref<4x8x128xi32, #tpu.memory_space<vmem>> -> memref<1x8x128xi32, #tpu.memory_space<vmem>>
          %dma_start3A_484 = tpu.memref_squeeze %dma_start3A_483 : memref<1x8x128xi32, #tpu.memory_space<vmem>> -> memref<8x128xi32, #tpu.memory_space<vmem>>
          %dma_start3A_485 = arith.constant 0 : i32
          %dma_start3A_486 = arith.constant 0 : i32
          %dma_start3A_487 = tpu.memref_slice %arg3[%dma_start3A_485, %dma_start3A_486] : memref<8x128xi32, #tpu.memory_space<hbm>> -> memref<8x128xi32, #tpu.memory_space<hbm>>
          tpu.enqueue_dma source(%dma_start3A_487 : memref<8x128xi32, #tpu.memory_space<hbm>>) target(%dma_start3A_484 : memref<8x128xi32, #tpu.memory_space<vmem>>) target_semaphore(%arg9 : memref<!tpu.dma_semaphore, #tpu.memory_space<semaphore_mem>>)
        } else {
        }
      } else {
      }
      %dma_start3A = arith.constant 0 : i32
      %dma_start3A_374 = arith.constant 0 : i32
      %dma_start3A_375 = arith.constant 0 : i32
      %dma_start3A_376 = tpu.memref_slice %arg7[%dma_start3A, %dma_start3A_375] : memref<1x128xf32, #tpu.memory_space<vmem>> -> memref<1x128xf32, #tpu.memory_space<vmem>>
      %dma_start3A_377 = tpu.memref_squeeze %dma_start3A_376 : memref<1x128xf32, #tpu.memory_space<vmem>> -> memref<128xf32, #tpu.memory_space<vmem>>
      %dma_start3A_378 = arith.constant 0 : i32
      %dma_start3A_379 = tpu.memref_slice %arg6[%rem3A_348, %dma_start3A_374, %dma_start3A_378] : memref<4x8x128xi32, #tpu.memory_space<vmem>> -> memref<1x1x128xi32, #tpu.memory_space<vmem>>
      %dma_start3A_380 = tpu.memref_squeeze %dma_start3A_379 : memref<1x1x128xi32, #tpu.memory_space<vmem>> -> memref<128xi32, #tpu.memory_space<vmem>>
      %dma_start3A_381 = arith.constant 0 : i32
      %dma_start3A_382 = tpu.memref_slice %arg8[%dma_start3A_381] : memref<100352xf32, #tpu.memory_space<vmem_shared>> -> memref<100352xf32, #tpu.memory_space<vmem_shared>>
      tpu.enqueue_indirect_dma source(%dma_start3A_377 : memref<128xf32, #tpu.memory_space<vmem>>) target(%dma_start3A_382 : memref<100352xf32, #tpu.memory_space<vmem_shared>>) offsets(%dma_start3A_380 : memref<128xi32, #tpu.memory_space<vmem>>) semaphore(%arg11 : memref<!tpu.dma_semaphore, #tpu.memory_space<semaphore_mem>>) {add = true}
      %dma_start3A_383 = arith.constant 0 : i32
      %dma_start3A_384 = arith.constant 1 : i32
      %dma_start3A_385 = arith.constant 0 : i32
      %dma_start3A_386 = tpu.memref_slice %arg7[%dma_start3A_383, %dma_start3A_385] : memref<1x128xf32, #tpu.memory_space<vmem>> -> memref<1x128xf32, #tpu.memory_space<vmem>>
      %dma_start3A_387 = tpu.memref_squeeze %dma_start3A_386 : memref<1x128xf32, #tpu.memory_space<vmem>> -> memref<128xf32, #tpu.memory_space<vmem>>
      %dma_start3A_388 = arith.constant 0 : i32
      %dma_start3A_389 = tpu.memref_slice %arg6[%rem3A_348, %dma_start3A_384, %dma_start3A_388] : memref<4x8x128xi32, #tpu.memory_space<vmem>> -> memref<1x1x128xi32, #tpu.memory_space<vmem>>
      %dma_start3A_390 = tpu.memref_squeeze %dma_start3A_389 : memref<1x1x128xi32, #tpu.memory_space<vmem>> -> memref<128xi32, #tpu.memory_space<vmem>>
      %dma_start3A_391 = arith.constant 0 : i32
      %dma_start3A_392 = tpu.memref_slice %arg8[%dma_start3A_391] : memref<100352xf32, #tpu.memory_space<vmem_shared>> -> memref<100352xf32, #tpu.memory_space<vmem_shared>>
      tpu.enqueue_indirect_dma source(%dma_start3A_387 : memref<128xf32, #tpu.memory_space<vmem>>) target(%dma_start3A_392 : memref<100352xf32, #tpu.memory_space<vmem_shared>>) offsets(%dma_start3A_390 : memref<128xi32, #tpu.memory_space<vmem>>) semaphore(%arg11 : memref<!tpu.dma_semaphore, #tpu.memory_space<semaphore_mem>>) {add = true}
      %dma_start3A_393 = arith.constant 0 : i32
      %dma_start3A_394 = arith.constant 2 : i32
      %dma_start3A_395 = arith.constant 0 : i32
      %dma_start3A_396 = tpu.memref_slice %arg7[%dma_start3A_393, %dma_start3A_395] : memref<1x128xf32, #tpu.memory_space<vmem>> -> memref<1x128xf32, #tpu.memory_space<vmem>>
      %dma_start3A_397 = tpu.memref_squeeze %dma_start3A_396 : memref<1x128xf32, #tpu.memory_space<vmem>> -> memref<128xf32, #tpu.memory_space<vmem>>
      %dma_start3A_398 = arith.constant 0 : i32
      %dma_start3A_399 = tpu.memref_slice %arg6[%rem3A_348, %dma_start3A_394, %dma_start3A_398] : memref<4x8x128xi32, #tpu.memory_space<vmem>> -> memref<1x1x128xi32, #tpu.memory_space<vmem>>
      %dma_start3A_400 = tpu.memref_squeeze %dma_start3A_399 : memref<1x1x128xi32, #tpu.memory_space<vmem>> -> memref<128xi32, #tpu.memory_space<vmem>>
      %dma_start3A_401 = arith.constant 0 : i32
      %dma_start3A_402 = tpu.memref_slice %arg8[%dma_start3A_401] : memref<100352xf32, #tpu.memory_space<vmem_shared>> -> memref<100352xf32, #tpu.memory_space<vmem_shared>>
      tpu.enqueue_indirect_dma source(%dma_start3A_397 : memref<128xf32, #tpu.memory_space<vmem>>) target(%dma_start3A_402 : memref<100352xf32, #tpu.memory_space<vmem_shared>>) offsets(%dma_start3A_400 : memref<128xi32, #tpu.memory_space<vmem>>) semaphore(%arg11 : memref<!tpu.dma_semaphore, #tpu.memory_space<semaphore_mem>>) {add = true}
      %dma_start3A_403 = arith.constant 0 : i32
      %dma_start3A_404 = arith.constant 3 : i32
      %dma_start3A_405 = arith.constant 0 : i32
      %dma_start3A_406 = tpu.memref_slice %arg7[%dma_start3A_403, %dma_start3A_405] : memref<1x128xf32, #tpu.memory_space<vmem>> -> memref<1x128xf32, #tpu.memory_space<vmem>>
      %dma_start3A_407 = tpu.memref_squeeze %dma_start3A_406 : memref<1x128xf32, #tpu.memory_space<vmem>> -> memref<128xf32, #tpu.memory_space<vmem>>
      %dma_start3A_408 = arith.constant 0 : i32
      %dma_start3A_409 = tpu.memref_slice %arg6[%rem3A_348, %dma_start3A_404, %dma_start3A_408] : memref<4x8x128xi32, #tpu.memory_space<vmem>> -> memref<1x1x128xi32, #tpu.memory_space<vmem>>
      %dma_start3A_410 = tpu.memref_squeeze %dma_start3A_409 : memref<1x1x128xi32, #tpu.memory_space<vmem>> -> memref<128xi32, #tpu.memory_space<vmem>>
      %dma_start3A_411 = arith.constant 0 : i32
      %dma_start3A_412 = tpu.memref_slice %arg8[%dma_start3A_411] : memref<100352xf32, #tpu.memory_space<vmem_shared>> -> memref<100352xf32, #tpu.memory_space<vmem_shared>>
      tpu.enqueue_indirect_dma source(%dma_start3A_407 : memref<128xf32, #tpu.memory_space<vmem>>) target(%dma_start3A_412 : memref<100352xf32, #tpu.memory_space<vmem_shared>>) offsets(%dma_start3A_410 : memref<128xi32, #tpu.memory_space<vmem>>) semaphore(%arg11 : memref<!tpu.dma_semaphore, #tpu.memory_space<semaphore_mem>>) {add = true}
      %dma_start3A_413 = arith.constant 0 : i32
      %dma_start3A_414 = arith.constant 4 : i32
      %dma_start3A_415 = arith.constant 0 : i32
      %dma_start3A_416 = tpu.memref_slice %arg7[%dma_start3A_413, %dma_start3A_415] : memref<1x128xf32, #tpu.memory_space<vmem>> -> memref<1x128xf32, #tpu.memory_space<vmem>>
      %dma_start3A_417 = tpu.memref_squeeze %dma_start3A_416 : memref<1x128xf32, #tpu.memory_space<vmem>> -> memref<128xf32, #tpu.memory_space<vmem>>
      %dma_start3A_418 = arith.constant 0 : i32
      %dma_start3A_419 = tpu.memref_slice %arg6[%rem3A_348, %dma_start3A_414, %dma_start3A_418] : memref<4x8x128xi32, #tpu.memory_space<vmem>> -> memref<1x1x128xi32, #tpu.memory_space<vmem>>
      %dma_start3A_420 = tpu.memref_squeeze %dma_start3A_419 : memref<1x1x128xi32, #tpu.memory_space<vmem>> -> memref<128xi32, #tpu.memory_space<vmem>>
      %dma_start3A_421 = arith.constant 0 : i32
      %dma_start3A_422 = tpu.memref_slice %arg8[%dma_start3A_421] : memref<100352xf32, #tpu.memory_space<vmem_shared>> -> memref<100352xf32, #tpu.memory_space<vmem_shared>>
      tpu.enqueue_indirect_dma source(%dma_start3A_417 : memref<128xf32, #tpu.memory_space<vmem>>) target(%dma_start3A_422 : memref<100352xf32, #tpu.memory_space<vmem_shared>>) offsets(%dma_start3A_420 : memref<128xi32, #tpu.memory_space<vmem>>) semaphore(%arg11 : memref<!tpu.dma_semaphore, #tpu.memory_space<semaphore_mem>>) {add = true}
      %dma_start3A_423 = arith.constant 0 : i32
      %dma_start3A_424 = arith.constant 5 : i32
      %dma_start3A_425 = arith.constant 0 : i32
      %dma_start3A_426 = tpu.memref_slice %arg7[%dma_start3A_423, %dma_start3A_425] : memref<1x128xf32, #tpu.memory_space<vmem>> -> memref<1x128xf32, #tpu.memory_space<vmem>>
      %dma_start3A_427 = tpu.memref_squeeze %dma_start3A_426 : memref<1x128xf32, #tpu.memory_space<vmem>> -> memref<128xf32, #tpu.memory_space<vmem>>
      %dma_start3A_428 = arith.constant 0 : i32
      %dma_start3A_429 = tpu.memref_slice %arg6[%rem3A_348, %dma_start3A_424, %dma_start3A_428] : memref<4x8x128xi32, #tpu.memory_space<vmem>> -> memref<1x1x128xi32, #tpu.memory_space<vmem>>
      %dma_start3A_430 = tpu.memref_squeeze %dma_start3A_429 : memref<1x1x128xi32, #tpu.memory_space<vmem>> -> memref<128xi32, #tpu.memory_space<vmem>>
      %dma_start3A_431 = arith.constant 0 : i32
      %dma_start3A_432 = tpu.memref_slice %arg8[%dma_start3A_431] : memref<100352xf32, #tpu.memory_space<vmem_shared>> -> memref<100352xf32, #tpu.memory_space<vmem_shared>>
      tpu.enqueue_indirect_dma source(%dma_start3A_427 : memref<128xf32, #tpu.memory_space<vmem>>) target(%dma_start3A_432 : memref<100352xf32, #tpu.memory_space<vmem_shared>>) offsets(%dma_start3A_430 : memref<128xi32, #tpu.memory_space<vmem>>) semaphore(%arg11 : memref<!tpu.dma_semaphore, #tpu.memory_space<semaphore_mem>>) {add = true}
      %dma_start3A_433 = arith.constant 0 : i32
      %dma_start3A_434 = arith.constant 6 : i32
      %dma_start3A_435 = arith.constant 0 : i32
      %dma_start3A_436 = tpu.memref_slice %arg7[%dma_start3A_433, %dma_start3A_435] : memref<1x128xf32, #tpu.memory_space<vmem>> -> memref<1x128xf32, #tpu.memory_space<vmem>>
      %dma_start3A_437 = tpu.memref_squeeze %dma_start3A_436 : memref<1x128xf32, #tpu.memory_space<vmem>> -> memref<128xf32, #tpu.memory_space<vmem>>
      %dma_start3A_438 = arith.constant 0 : i32
      %dma_start3A_439 = tpu.memref_slice %arg6[%rem3A_348, %dma_start3A_434, %dma_start3A_438] : memref<4x8x128xi32, #tpu.memory_space<vmem>> -> memref<1x1x128xi32, #tpu.memory_space<vmem>>
      %dma_start3A_440 = tpu.memref_squeeze %dma_start3A_439 : memref<1x1x128xi32, #tpu.memory_space<vmem>> -> memref<128xi32, #tpu.memory_space<vmem>>
      %dma_start3A_441 = arith.constant 0 : i32
      %dma_start3A_442 = tpu.memref_slice %arg8[%dma_start3A_441] : memref<100352xf32, #tpu.memory_space<vmem_shared>> -> memref<100352xf32, #tpu.memory_space<vmem_shared>>
      tpu.enqueue_indirect_dma source(%dma_start3A_437 : memref<128xf32, #tpu.memory_space<vmem>>) target(%dma_start3A_442 : memref<100352xf32, #tpu.memory_space<vmem_shared>>) offsets(%dma_start3A_440 : memref<128xi32, #tpu.memory_space<vmem>>) semaphore(%arg11 : memref<!tpu.dma_semaphore, #tpu.memory_space<semaphore_mem>>) {add = true}
      %dma_start3A_443 = arith.constant 0 : i32
      %dma_start3A_444 = arith.constant 7 : i32
      %dma_start3A_445 = arith.constant 0 : i32
      %dma_start3A_446 = tpu.memref_slice %arg7[%dma_start3A_443, %dma_start3A_445] : memref<1x128xf32, #tpu.memory_space<vmem>> -> memref<1x128xf32, #tpu.memory_space<vmem>>
      %dma_start3A_447 = tpu.memref_squeeze %dma_start3A_446 : memref<1x128xf32, #tpu.memory_space<vmem>> -> memref<128xf32, #tpu.memory_space<vmem>>
      %dma_start3A_448 = arith.constant 0 : i32
      %dma_start3A_449 = tpu.memref_slice %arg6[%rem3A_348, %dma_start3A_444, %dma_start3A_448] : memref<4x8x128xi32, #tpu.memory_space<vmem>> -> memref<1x1x128xi32, #tpu.memory_space<vmem>>
      %dma_start3A_450 = tpu.memref_squeeze %dma_start3A_449 : memref<1x1x128xi32, #tpu.memory_space<vmem>> -> memref<128xi32, #tpu.memory_space<vmem>>
      %dma_start3A_451 = arith.constant 0 : i32
      %dma_start3A_452 = tpu.memref_slice %arg8[%dma_start3A_451] : memref<100352xf32, #tpu.memory_space<vmem_shared>> -> memref<100352xf32, #tpu.memory_space<vmem_shared>>
      tpu.enqueue_indirect_dma source(%dma_start3A_447 : memref<128xf32, #tpu.memory_space<vmem>>) target(%dma_start3A_452 : memref<100352xf32, #tpu.memory_space<vmem_shared>>) offsets(%dma_start3A_450 : memref<128xi32, #tpu.memory_space<vmem>>) semaphore(%arg11 : memref<!tpu.dma_semaphore, #tpu.memory_space<semaphore_mem>>) {add = true}
    }
    %scan3A_78 = arith.constant 98 : i32
    %dma_wait3A = arith.constant 0 : i32
    %dma_wait3A_79 = arith.constant 3 : i32
    %dma_wait3A_80 = arith.constant 0 : i32
    %dma_wait3A_81 = arith.constant 0 : i32
    %dma_wait3A_82 = tpu.memref_slice %arg7[%dma_wait3A, %dma_wait3A_81] : memref<1x128xf32, #tpu.memory_space<vmem>> -> memref<1x128xf32, #tpu.memory_space<vmem>>
    %dma_wait3A_83 = tpu.memref_squeeze %dma_wait3A_82 : memref<1x128xf32, #tpu.memory_space<vmem>> -> memref<128xf32, #tpu.memory_space<vmem>>
    %dma_wait3A_84 = arith.constant 0 : i32
    %dma_wait3A_85 = tpu.memref_slice %arg6[%dma_wait3A_79, %dma_wait3A_80, %dma_wait3A_84] : memref<4x8x128xi32, #tpu.memory_space<vmem>> -> memref<1x1x128xi32, #tpu.memory_space<vmem>>
    %dma_wait3A_86 = tpu.memref_squeeze %dma_wait3A_85 : memref<1x1x128xi32, #tpu.memory_space<vmem>> -> memref<128xi32, #tpu.memory_space<vmem>>
    %dma_wait3A_87 = arith.constant 0 : i32
    %dma_wait3A_88 = tpu.memref_slice %arg8[%dma_wait3A_87] : memref<100352xf32, #tpu.memory_space<vmem_shared>> -> memref<100352xf32, #tpu.memory_space<vmem_shared>>
    tpu.wait_indirect_dma semaphore(%arg11 : memref<!tpu.dma_semaphore, #tpu.memory_space<semaphore_mem>>) src(%dma_wait3A_83 : memref<128xf32, #tpu.memory_space<vmem>>) dst(%dma_wait3A_88 : memref<100352xf32, #tpu.memory_space<vmem_shared>>)
    %dma_wait3A_89 = arith.constant 0 : i32
    %dma_wait3A_90 = arith.constant 3 : i32
    %dma_wait3A_91 = arith.constant 1 : i32
    %dma_wait3A_92 = arith.constant 0 : i32
    %dma_wait3A_93 = tpu.memref_slice %arg7[%dma_wait3A_89, %dma_wait3A_92] : memref<1x128xf32, #tpu.memory_space<vmem>> -> memref<1x128xf32, #tpu.memory_space<vmem>>
    %dma_wait3A_94 = tpu.memref_squeeze %dma_wait3A_93 : memref<1x128xf32, #tpu.memory_space<vmem>> -> memref<128xf32, #tpu.memory_space<vmem>>
    %dma_wait3A_95 = arith.constant 0 : i32
    %dma_wait3A_96 = tpu.memref_slice %arg6[%dma_wait3A_90, %dma_wait3A_91, %dma_wait3A_95] : memref<4x8x128xi32, #tpu.memory_space<vmem>> -> memref<1x1x128xi32, #tpu.memory_space<vmem>>
    %dma_wait3A_97 = tpu.memref_squeeze %dma_wait3A_96 : memref<1x1x128xi32, #tpu.memory_space<vmem>> -> memref<128xi32, #tpu.memory_space<vmem>>
    %dma_wait3A_98 = arith.constant 0 : i32
    %dma_wait3A_99 = tpu.memref_slice %arg8[%dma_wait3A_98] : memref<100352xf32, #tpu.memory_space<vmem_shared>> -> memref<100352xf32, #tpu.memory_space<vmem_shared>>
    tpu.wait_indirect_dma semaphore(%arg11 : memref<!tpu.dma_semaphore, #tpu.memory_space<semaphore_mem>>) src(%dma_wait3A_94 : memref<128xf32, #tpu.memory_space<vmem>>) dst(%dma_wait3A_99 : memref<100352xf32, #tpu.memory_space<vmem_shared>>)
    %dma_wait3A_100 = arith.constant 0 : i32
    %dma_wait3A_101 = arith.constant 3 : i32
    %dma_wait3A_102 = arith.constant 2 : i32
    %dma_wait3A_103 = arith.constant 0 : i32
    %dma_wait3A_104 = tpu.memref_slice %arg7[%dma_wait3A_100, %dma_wait3A_103] : memref<1x128xf32, #tpu.memory_space<vmem>> -> memref<1x128xf32, #tpu.memory_space<vmem>>
    %dma_wait3A_105 = tpu.memref_squeeze %dma_wait3A_104 : memref<1x128xf32, #tpu.memory_space<vmem>> -> memref<128xf32, #tpu.memory_space<vmem>>
    %dma_wait3A_106 = arith.constant 0 : i32
    %dma_wait3A_107 = tpu.memref_slice %arg6[%dma_wait3A_101, %dma_wait3A_102, %dma_wait3A_106] : memref<4x8x128xi32, #tpu.memory_space<vmem>> -> memref<1x1x128xi32, #tpu.memory_space<vmem>>
    %dma_wait3A_108 = tpu.memref_squeeze %dma_wait3A_107 : memref<1x1x128xi32, #tpu.memory_space<vmem>> -> memref<128xi32, #tpu.memory_space<vmem>>
    %dma_wait3A_109 = arith.constant 0 : i32
    %dma_wait3A_110 = tpu.memref_slice %arg8[%dma_wait3A_109] : memref<100352xf32, #tpu.memory_space<vmem_shared>> -> memref<100352xf32, #tpu.memory_space<vmem_shared>>
    tpu.wait_indirect_dma semaphore(%arg11 : memref<!tpu.dma_semaphore, #tpu.memory_space<semaphore_mem>>) src(%dma_wait3A_105 : memref<128xf32, #tpu.memory_space<vmem>>) dst(%dma_wait3A_110 : memref<100352xf32, #tpu.memory_space<vmem_shared>>)
    %dma_wait3A_111 = arith.constant 0 : i32
    %dma_wait3A_112 = arith.constant 3 : i32
    %dma_wait3A_113 = arith.constant 3 : i32
    %dma_wait3A_114 = arith.constant 0 : i32
    %dma_wait3A_115 = tpu.memref_slice %arg7[%dma_wait3A_111, %dma_wait3A_114] : memref<1x128xf32, #tpu.memory_space<vmem>> -> memref<1x128xf32, #tpu.memory_space<vmem>>
    %dma_wait3A_116 = tpu.memref_squeeze %dma_wait3A_115 : memref<1x128xf32, #tpu.memory_space<vmem>> -> memref<128xf32, #tpu.memory_space<vmem>>
    %dma_wait3A_117 = arith.constant 0 : i32
    %dma_wait3A_118 = tpu.memref_slice %arg6[%dma_wait3A_112, %dma_wait3A_113, %dma_wait3A_117] : memref<4x8x128xi32, #tpu.memory_space<vmem>> -> memref<1x1x128xi32, #tpu.memory_space<vmem>>
    %dma_wait3A_119 = tpu.memref_squeeze %dma_wait3A_118 : memref<1x1x128xi32, #tpu.memory_space<vmem>> -> memref<128xi32, #tpu.memory_space<vmem>>
    %dma_wait3A_120 = arith.constant 0 : i32
    %dma_wait3A_121 = tpu.memref_slice %arg8[%dma_wait3A_120] : memref<100352xf32, #tpu.memory_space<vmem_shared>> -> memref<100352xf32, #tpu.memory_space<vmem_shared>>
    tpu.wait_indirect_dma semaphore(%arg11 : memref<!tpu.dma_semaphore, #tpu.memory_space<semaphore_mem>>) src(%dma_wait3A_116 : memref<128xf32, #tpu.memory_space<vmem>>) dst(%dma_wait3A_121 : memref<100352xf32, #tpu.memory_space<vmem_shared>>)
    %dma_wait3A_122 = arith.constant 0 : i32
    %dma_wait3A_123 = arith.constant 3 : i32
    %dma_wait3A_124 = arith.constant 4 : i32
    %dma_wait3A_125 = arith.constant 0 : i32
    %dma_wait3A_126 = tpu.memref_slice %arg7[%dma_wait3A_122, %dma_wait3A_125] : memref<1x128xf32, #tpu.memory_space<vmem>> -> memref<1x128xf32, #tpu.memory_space<vmem>>
    %dma_wait3A_127 = tpu.memref_squeeze %dma_wait3A_126 : memref<1x128xf32, #tpu.memory_space<vmem>> -> memref<128xf32, #tpu.memory_space<vmem>>
    %dma_wait3A_128 = arith.constant 0 : i32
    %dma_wait3A_129 = tpu.memref_slice %arg6[%dma_wait3A_123, %dma_wait3A_124, %dma_wait3A_128] : memref<4x8x128xi32, #tpu.memory_space<vmem>> -> memref<1x1x128xi32, #tpu.memory_space<vmem>>
    %dma_wait3A_130 = tpu.memref_squeeze %dma_wait3A_129 : memref<1x1x128xi32, #tpu.memory_space<vmem>> -> memref<128xi32, #tpu.memory_space<vmem>>
    %dma_wait3A_131 = arith.constant 0 : i32
    %dma_wait3A_132 = tpu.memref_slice %arg8[%dma_wait3A_131] : memref<100352xf32, #tpu.memory_space<vmem_shared>> -> memref<100352xf32, #tpu.memory_space<vmem_shared>>
    tpu.wait_indirect_dma semaphore(%arg11 : memref<!tpu.dma_semaphore, #tpu.memory_space<semaphore_mem>>) src(%dma_wait3A_127 : memref<128xf32, #tpu.memory_space<vmem>>) dst(%dma_wait3A_132 : memref<100352xf32, #tpu.memory_space<vmem_shared>>)
    %dma_wait3A_133 = arith.constant 0 : i32
    %dma_wait3A_134 = arith.constant 3 : i32
    %dma_wait3A_135 = arith.constant 5 : i32
    %dma_wait3A_136 = arith.constant 0 : i32
    %dma_wait3A_137 = tpu.memref_slice %arg7[%dma_wait3A_133, %dma_wait3A_136] : memref<1x128xf32, #tpu.memory_space<vmem>> -> memref<1x128xf32, #tpu.memory_space<vmem>>
    %dma_wait3A_138 = tpu.memref_squeeze %dma_wait3A_137 : memref<1x128xf32, #tpu.memory_space<vmem>> -> memref<128xf32, #tpu.memory_space<vmem>>
    %dma_wait3A_139 = arith.constant 0 : i32
    %dma_wait3A_140 = tpu.memref_slice %arg6[%dma_wait3A_134, %dma_wait3A_135, %dma_wait3A_139] : memref<4x8x128xi32, #tpu.memory_space<vmem>> -> memref<1x1x128xi32, #tpu.memory_space<vmem>>
    %dma_wait3A_141 = tpu.memref_squeeze %dma_wait3A_140 : memref<1x1x128xi32, #tpu.memory_space<vmem>> -> memref<128xi32, #tpu.memory_space<vmem>>
    %dma_wait3A_142 = arith.constant 0 : i32
    %dma_wait3A_143 = tpu.memref_slice %arg8[%dma_wait3A_142] : memref<100352xf32, #tpu.memory_space<vmem_shared>> -> memref<100352xf32, #tpu.memory_space<vmem_shared>>
    tpu.wait_indirect_dma semaphore(%arg11 : memref<!tpu.dma_semaphore, #tpu.memory_space<semaphore_mem>>) src(%dma_wait3A_138 : memref<128xf32, #tpu.memory_space<vmem>>) dst(%dma_wait3A_143 : memref<100352xf32, #tpu.memory_space<vmem_shared>>)
    %dma_wait3A_144 = arith.constant 0 : i32
    %dma_wait3A_145 = arith.constant 3 : i32
    %dma_wait3A_146 = arith.constant 6 : i32
    %dma_wait3A_147 = arith.constant 0 : i32
    %dma_wait3A_148 = tpu.memref_slice %arg7[%dma_wait3A_144, %dma_wait3A_147] : memref<1x128xf32, #tpu.memory_space<vmem>> -> memref<1x128xf32, #tpu.memory_space<vmem>>
    %dma_wait3A_149 = tpu.memref_squeeze %dma_wait3A_148 : memref<1x128xf32, #tpu.memory_space<vmem>> -> memref<128xf32, #tpu.memory_space<vmem>>
    %dma_wait3A_150 = arith.constant 0 : i32
    %dma_wait3A_151 = tpu.memref_slice %arg6[%dma_wait3A_145, %dma_wait3A_146, %dma_wait3A_150] : memref<4x8x128xi32, #tpu.memory_space<vmem>> -> memref<1x1x128xi32, #tpu.memory_space<vmem>>
    %dma_wait3A_152 = tpu.memref_squeeze %dma_wait3A_151 : memref<1x1x128xi32, #tpu.memory_space<vmem>> -> memref<128xi32, #tpu.memory_space<vmem>>
    %dma_wait3A_153 = arith.constant 0 : i32
    %dma_wait3A_154 = tpu.memref_slice %arg8[%dma_wait3A_153] : memref<100352xf32, #tpu.memory_space<vmem_shared>> -> memref<100352xf32, #tpu.memory_space<vmem_shared>>
    tpu.wait_indirect_dma semaphore(%arg11 : memref<!tpu.dma_semaphore, #tpu.memory_space<semaphore_mem>>) src(%dma_wait3A_149 : memref<128xf32, #tpu.memory_space<vmem>>) dst(%dma_wait3A_154 : memref<100352xf32, #tpu.memory_space<vmem_shared>>)
    %dma_wait3A_155 = arith.constant 0 : i32
    %dma_wait3A_156 = arith.constant 3 : i32
    %dma_wait3A_157 = arith.constant 7 : i32
    %dma_wait3A_158 = arith.constant 0 : i32
    %dma_wait3A_159 = tpu.memref_slice %arg7[%dma_wait3A_155, %dma_wait3A_158] : memref<1x128xf32, #tpu.memory_space<vmem>> -> memref<1x128xf32, #tpu.memory_space<vmem>>
    %dma_wait3A_160 = tpu.memref_squeeze %dma_wait3A_159 : memref<1x128xf32, #tpu.memory_space<vmem>> -> memref<128xf32, #tpu.memory_space<vmem>>
    %dma_wait3A_161 = arith.constant 0 : i32
    %dma_wait3A_162 = tpu.memref_slice %arg6[%dma_wait3A_156, %dma_wait3A_157, %dma_wait3A_161] : memref<4x8x128xi32, #tpu.memory_space<vmem>> -> memref<1x1x128xi32, #tpu.memory_space<vmem>>
    %dma_wait3A_163 = tpu.memref_squeeze %dma_wait3A_162 : memref<1x1x128xi32, #tpu.memory_space<vmem>> -> memref<128xi32, #tpu.memory_space<vmem>>
    %dma_wait3A_164 = arith.constant 0 : i32
    %dma_wait3A_165 = tpu.memref_slice %arg8[%dma_wait3A_164] : memref<100352xf32, #tpu.memory_space<vmem_shared>> -> memref<100352xf32, #tpu.memory_space<vmem_shared>>
    tpu.wait_indirect_dma semaphore(%arg11 : memref<!tpu.dma_semaphore, #tpu.memory_space<semaphore_mem>>) src(%dma_wait3A_160 : memref<128xf32, #tpu.memory_space<vmem>>) dst(%dma_wait3A_165 : memref<100352xf32, #tpu.memory_space<vmem_shared>>)
    %dma_wait3A_166 = arith.constant 0 : i32
    %dma_wait3A_167 = arith.constant 0 : i32
    %dma_wait3A_168 = arith.constant 0 : i32
    %dma_wait3A_169 = arith.constant 0 : i32
    %dma_wait3A_170 = tpu.memref_slice %arg7[%dma_wait3A_166, %dma_wait3A_169] : memref<1x128xf32, #tpu.memory_space<vmem>> -> memref<1x128xf32, #tpu.memory_space<vmem>>
    %dma_wait3A_171 = tpu.memref_squeeze %dma_wait3A_170 : memref<1x128xf32, #tpu.memory_space<vmem>> -> memref<128xf32, #tpu.memory_space<vmem>>
    %dma_wait3A_172 = arith.constant 0 : i32
    %dma_wait3A_173 = tpu.memref_slice %arg6[%dma_wait3A_167, %dma_wait3A_168, %dma_wait3A_172] : memref<4x8x128xi32, #tpu.memory_space<vmem>> -> memref<1x1x128xi32, #tpu.memory_space<vmem>>
    %dma_wait3A_174 = tpu.memref_squeeze %dma_wait3A_173 : memref<1x1x128xi32, #tpu.memory_space<vmem>> -> memref<128xi32, #tpu.memory_space<vmem>>
    %dma_wait3A_175 = arith.constant 0 : i32
    %dma_wait3A_176 = tpu.memref_slice %arg8[%dma_wait3A_175] : memref<100352xf32, #tpu.memory_space<vmem_shared>> -> memref<100352xf32, #tpu.memory_space<vmem_shared>>
    tpu.wait_indirect_dma semaphore(%arg11 : memref<!tpu.dma_semaphore, #tpu.memory_space<semaphore_mem>>) src(%dma_wait3A_171 : memref<128xf32, #tpu.memory_space<vmem>>) dst(%dma_wait3A_176 : memref<100352xf32, #tpu.memory_space<vmem_shared>>)
    %dma_wait3A_177 = arith.constant 0 : i32
    %dma_wait3A_178 = arith.constant 0 : i32
    %dma_wait3A_179 = arith.constant 1 : i32
    %dma_wait3A_180 = arith.constant 0 : i32
    %dma_wait3A_181 = tpu.memref_slice %arg7[%dma_wait3A_177, %dma_wait3A_180] : memref<1x128xf32, #tpu.memory_space<vmem>> -> memref<1x128xf32, #tpu.memory_space<vmem>>
    %dma_wait3A_182 = tpu.memref_squeeze %dma_wait3A_181 : memref<1x128xf32, #tpu.memory_space<vmem>> -> memref<128xf32, #tpu.memory_space<vmem>>
    %dma_wait3A_183 = arith.constant 0 : i32
    %dma_wait3A_184 = tpu.memref_slice %arg6[%dma_wait3A_178, %dma_wait3A_179, %dma_wait3A_183] : memref<4x8x128xi32, #tpu.memory_space<vmem>> -> memref<1x1x128xi32, #tpu.memory_space<vmem>>
    %dma_wait3A_185 = tpu.memref_squeeze %dma_wait3A_184 : memref<1x1x128xi32, #tpu.memory_space<vmem>> -> memref<128xi32, #tpu.memory_space<vmem>>
    %dma_wait3A_186 = arith.constant 0 : i32
    %dma_wait3A_187 = tpu.memref_slice %arg8[%dma_wait3A_186] : memref<100352xf32, #tpu.memory_space<vmem_shared>> -> memref<100352xf32, #tpu.memory_space<vmem_shared>>
    tpu.wait_indirect_dma semaphore(%arg11 : memref<!tpu.dma_semaphore, #tpu.memory_space<semaphore_mem>>) src(%dma_wait3A_182 : memref<128xf32, #tpu.memory_space<vmem>>) dst(%dma_wait3A_187 : memref<100352xf32, #tpu.memory_space<vmem_shared>>)
    %dma_wait3A_188 = arith.constant 0 : i32
    %dma_wait3A_189 = arith.constant 0 : i32
    %dma_wait3A_190 = arith.constant 2 : i32
    %dma_wait3A_191 = arith.constant 0 : i32
    %dma_wait3A_192 = tpu.memref_slice %arg7[%dma_wait3A_188, %dma_wait3A_191] : memref<1x128xf32, #tpu.memory_space<vmem>> -> memref<1x128xf32, #tpu.memory_space<vmem>>
    %dma_wait3A_193 = tpu.memref_squeeze %dma_wait3A_192 : memref<1x128xf32, #tpu.memory_space<vmem>> -> memref<128xf32, #tpu.memory_space<vmem>>
    %dma_wait3A_194 = arith.constant 0 : i32
    %dma_wait3A_195 = tpu.memref_slice %arg6[%dma_wait3A_189, %dma_wait3A_190, %dma_wait3A_194] : memref<4x8x128xi32, #tpu.memory_space<vmem>> -> memref<1x1x128xi32, #tpu.memory_space<vmem>>
    %dma_wait3A_196 = tpu.memref_squeeze %dma_wait3A_195 : memref<1x1x128xi32, #tpu.memory_space<vmem>> -> memref<128xi32, #tpu.memory_space<vmem>>
    %dma_wait3A_197 = arith.constant 0 : i32
    %dma_wait3A_198 = tpu.memref_slice %arg8[%dma_wait3A_197] : memref<100352xf32, #tpu.memory_space<vmem_shared>> -> memref<100352xf32, #tpu.memory_space<vmem_shared>>
    tpu.wait_indirect_dma semaphore(%arg11 : memref<!tpu.dma_semaphore, #tpu.memory_space<semaphore_mem>>) src(%dma_wait3A_193 : memref<128xf32, #tpu.memory_space<vmem>>) dst(%dma_wait3A_198 : memref<100352xf32, #tpu.memory_space<vmem_shared>>)
    %dma_wait3A_199 = arith.constant 0 : i32
    %dma_wait3A_200 = arith.constant 0 : i32
    %dma_wait3A_201 = arith.constant 3 : i32
    %dma_wait3A_202 = arith.constant 0 : i32
    %dma_wait3A_203 = tpu.memref_slice %arg7[%dma_wait3A_199, %dma_wait3A_202] : memref<1x128xf32, #tpu.memory_space<vmem>> -> memref<1x128xf32, #tpu.memory_space<vmem>>
    %dma_wait3A_204 = tpu.memref_squeeze %dma_wait3A_203 : memref<1x128xf32, #tpu.memory_space<vmem>> -> memref<128xf32, #tpu.memory_space<vmem>>
    %dma_wait3A_205 = arith.constant 0 : i32
    %dma_wait3A_206 = tpu.memref_slice %arg6[%dma_wait3A_200, %dma_wait3A_201, %dma_wait3A_205] : memref<4x8x128xi32, #tpu.memory_space<vmem>> -> memref<1x1x128xi32, #tpu.memory_space<vmem>>
    %dma_wait3A_207 = tpu.memref_squeeze %dma_wait3A_206 : memref<1x1x128xi32, #tpu.memory_space<vmem>> -> memref<128xi32, #tpu.memory_space<vmem>>
    %dma_wait3A_208 = arith.constant 0 : i32
    %dma_wait3A_209 = tpu.memref_slice %arg8[%dma_wait3A_208] : memref<100352xf32, #tpu.memory_space<vmem_shared>> -> memref<100352xf32, #tpu.memory_space<vmem_shared>>
    tpu.wait_indirect_dma semaphore(%arg11 : memref<!tpu.dma_semaphore, #tpu.memory_space<semaphore_mem>>) src(%dma_wait3A_204 : memref<128xf32, #tpu.memory_space<vmem>>) dst(%dma_wait3A_209 : memref<100352xf32, #tpu.memory_space<vmem_shared>>)
    %dma_wait3A_210 = arith.constant 0 : i32
    %dma_wait3A_211 = arith.constant 0 : i32
    %dma_wait3A_212 = arith.constant 4 : i32
    %dma_wait3A_213 = arith.constant 0 : i32
    %dma_wait3A_214 = tpu.memref_slice %arg7[%dma_wait3A_210, %dma_wait3A_213] : memref<1x128xf32, #tpu.memory_space<vmem>> -> memref<1x128xf32, #tpu.memory_space<vmem>>
    %dma_wait3A_215 = tpu.memref_squeeze %dma_wait3A_214 : memref<1x128xf32, #tpu.memory_space<vmem>> -> memref<128xf32, #tpu.memory_space<vmem>>
    %dma_wait3A_216 = arith.constant 0 : i32
    %dma_wait3A_217 = tpu.memref_slice %arg6[%dma_wait3A_211, %dma_wait3A_212, %dma_wait3A_216] : memref<4x8x128xi32, #tpu.memory_space<vmem>> -> memref<1x1x128xi32, #tpu.memory_space<vmem>>
    %dma_wait3A_218 = tpu.memref_squeeze %dma_wait3A_217 : memref<1x1x128xi32, #tpu.memory_space<vmem>> -> memref<128xi32, #tpu.memory_space<vmem>>
    %dma_wait3A_219 = arith.constant 0 : i32
    %dma_wait3A_220 = tpu.memref_slice %arg8[%dma_wait3A_219] : memref<100352xf32, #tpu.memory_space<vmem_shared>> -> memref<100352xf32, #tpu.memory_space<vmem_shared>>
    tpu.wait_indirect_dma semaphore(%arg11 : memref<!tpu.dma_semaphore, #tpu.memory_space<semaphore_mem>>) src(%dma_wait3A_215 : memref<128xf32, #tpu.memory_space<vmem>>) dst(%dma_wait3A_220 : memref<100352xf32, #tpu.memory_space<vmem_shared>>)
    %dma_wait3A_221 = arith.constant 0 : i32
    %dma_wait3A_222 = arith.constant 0 : i32
    %dma_wait3A_223 = arith.constant 5 : i32
    %dma_wait3A_224 = arith.constant 0 : i32
    %dma_wait3A_225 = tpu.memref_slice %arg7[%dma_wait3A_221, %dma_wait3A_224] : memref<1x128xf32, #tpu.memory_space<vmem>> -> memref<1x128xf32, #tpu.memory_space<vmem>>
    %dma_wait3A_226 = tpu.memref_squeeze %dma_wait3A_225 : memref<1x128xf32, #tpu.memory_space<vmem>> -> memref<128xf32, #tpu.memory_space<vmem>>
    %dma_wait3A_227 = arith.constant 0 : i32
    %dma_wait3A_228 = tpu.memref_slice %arg6[%dma_wait3A_222, %dma_wait3A_223, %dma_wait3A_227] : memref<4x8x128xi32, #tpu.memory_space<vmem>> -> memref<1x1x128xi32, #tpu.memory_space<vmem>>
    %dma_wait3A_229 = tpu.memref_squeeze %dma_wait3A_228 : memref<1x1x128xi32, #tpu.memory_space<vmem>> -> memref<128xi32, #tpu.memory_space<vmem>>
    %dma_wait3A_230 = arith.constant 0 : i32
    %dma_wait3A_231 = tpu.memref_slice %arg8[%dma_wait3A_230] : memref<100352xf32, #tpu.memory_space<vmem_shared>> -> memref<100352xf32, #tpu.memory_space<vmem_shared>>
    tpu.wait_indirect_dma semaphore(%arg11 : memref<!tpu.dma_semaphore, #tpu.memory_space<semaphore_mem>>) src(%dma_wait3A_226 : memref<128xf32, #tpu.memory_space<vmem>>) dst(%dma_wait3A_231 : memref<100352xf32, #tpu.memory_space<vmem_shared>>)
    %dma_wait3A_232 = arith.constant 0 : i32
    %dma_wait3A_233 = arith.constant 0 : i32
    %dma_wait3A_234 = arith.constant 6 : i32
    %dma_wait3A_235 = arith.constant 0 : i32
    %dma_wait3A_236 = tpu.memref_slice %arg7[%dma_wait3A_232, %dma_wait3A_235] : memref<1x128xf32, #tpu.memory_space<vmem>> -> memref<1x128xf32, #tpu.memory_space<vmem>>
    %dma_wait3A_237 = tpu.memref_squeeze %dma_wait3A_236 : memref<1x128xf32, #tpu.memory_space<vmem>> -> memref<128xf32, #tpu.memory_space<vmem>>
    %dma_wait3A_238 = arith.constant 0 : i32
    %dma_wait3A_239 = tpu.memref_slice %arg6[%dma_wait3A_233, %dma_wait3A_234, %dma_wait3A_238] : memref<4x8x128xi32, #tpu.memory_space<vmem>> -> memref<1x1x128xi32, #tpu.memory_space<vmem>>
    %dma_wait3A_240 = tpu.memref_squeeze %dma_wait3A_239 : memref<1x1x128xi32, #tpu.memory_space<vmem>> -> memref<128xi32, #tpu.memory_space<vmem>>
    %dma_wait3A_241 = arith.constant 0 : i32
    %dma_wait3A_242 = tpu.memref_slice %arg8[%dma_wait3A_241] : memref<100352xf32, #tpu.memory_space<vmem_shared>> -> memref<100352xf32, #tpu.memory_space<vmem_shared>>
    tpu.wait_indirect_dma semaphore(%arg11 : memref<!tpu.dma_semaphore, #tpu.memory_space<semaphore_mem>>) src(%dma_wait3A_237 : memref<128xf32, #tpu.memory_space<vmem>>) dst(%dma_wait3A_242 : memref<100352xf32, #tpu.memory_space<vmem_shared>>)
    %dma_wait3A_243 = arith.constant 0 : i32
    %dma_wait3A_244 = arith.constant 0 : i32
    %dma_wait3A_245 = arith.constant 7 : i32
    %dma_wait3A_246 = arith.constant 0 : i32
    %dma_wait3A_247 = tpu.memref_slice %arg7[%dma_wait3A_243, %dma_wait3A_246] : memref<1x128xf32, #tpu.memory_space<vmem>> -> memref<1x128xf32, #tpu.memory_space<vmem>>
    %dma_wait3A_248 = tpu.memref_squeeze %dma_wait3A_247 : memref<1x128xf32, #tpu.memory_space<vmem>> -> memref<128xf32, #tpu.memory_space<vmem>>
    %dma_wait3A_249 = arith.constant 0 : i32
    %dma_wait3A_250 = tpu.memref_slice %arg6[%dma_wait3A_244, %dma_wait3A_245, %dma_wait3A_249] : memref<4x8x128xi32, #tpu.memory_space<vmem>> -> memref<1x1x128xi32, #tpu.memory_space<vmem>>
    %dma_wait3A_251 = tpu.memref_squeeze %dma_wait3A_250 : memref<1x1x128xi32, #tpu.memory_space<vmem>> -> memref<128xi32, #tpu.memory_space<vmem>>
    %dma_wait3A_252 = arith.constant 0 : i32
    %dma_wait3A_253 = tpu.memref_slice %arg8[%dma_wait3A_252] : memref<100352xf32, #tpu.memory_space<vmem_shared>> -> memref<100352xf32, #tpu.memory_space<vmem_shared>>
    tpu.wait_indirect_dma semaphore(%arg11 : memref<!tpu.dma_semaphore, #tpu.memory_space<semaphore_mem>>) src(%dma_wait3A_248 : memref<128xf32, #tpu.memory_space<vmem>>) dst(%dma_wait3A_253 : memref<100352xf32, #tpu.memory_space<vmem_shared>>)
    %dma_wait3A_254 = arith.constant 0 : i32
    %dma_wait3A_255 = arith.constant 1 : i32
    %dma_wait3A_256 = arith.constant 0 : i32
    %dma_wait3A_257 = arith.constant 0 : i32
    %dma_wait3A_258 = tpu.memref_slice %arg7[%dma_wait3A_254, %dma_wait3A_257] : memref<1x128xf32, #tpu.memory_space<vmem>> -> memref<1x128xf32, #tpu.memory_space<vmem>>
    %dma_wait3A_259 = tpu.memref_squeeze %dma_wait3A_258 : memref<1x128xf32, #tpu.memory_space<vmem>> -> memref<128xf32, #tpu.memory_space<vmem>>
    %dma_wait3A_260 = arith.constant 0 : i32
    %dma_wait3A_261 = tpu.memref_slice %arg6[%dma_wait3A_255, %dma_wait3A_256, %dma_wait3A_260] : memref<4x8x128xi32, #tpu.memory_space<vmem>> -> memref<1x1x128xi32, #tpu.memory_space<vmem>>
    %dma_wait3A_262 = tpu.memref_squeeze %dma_wait3A_261 : memref<1x1x128xi32, #tpu.memory_space<vmem>> -> memref<128xi32, #tpu.memory_space<vmem>>
    %dma_wait3A_263 = arith.constant 0 : i32
    %dma_wait3A_264 = tpu.memref_slice %arg8[%dma_wait3A_263] : memref<100352xf32, #tpu.memory_space<vmem_shared>> -> memref<100352xf32, #tpu.memory_space<vmem_shared>>
    tpu.wait_indirect_dma semaphore(%arg11 : memref<!tpu.dma_semaphore, #tpu.memory_space<semaphore_mem>>) src(%dma_wait3A_259 : memref<128xf32, #tpu.memory_space<vmem>>) dst(%dma_wait3A_264 : memref<100352xf32, #tpu.memory_space<vmem_shared>>)
    %dma_wait3A_265 = arith.constant 0 : i32
    %dma_wait3A_266 = arith.constant 1 : i32
    %dma_wait3A_267 = arith.constant 1 : i32
    %dma_wait3A_268 = arith.constant 0 : i32
    %dma_wait3A_269 = tpu.memref_slice %arg7[%dma_wait3A_265, %dma_wait3A_268] : memref<1x128xf32, #tpu.memory_space<vmem>> -> memref<1x128xf32, #tpu.memory_space<vmem>>
    %dma_wait3A_270 = tpu.memref_squeeze %dma_wait3A_269 : memref<1x128xf32, #tpu.memory_space<vmem>> -> memref<128xf32, #tpu.memory_space<vmem>>
    %dma_wait3A_271 = arith.constant 0 : i32
    %dma_wait3A_272 = tpu.memref_slice %arg6[%dma_wait3A_266, %dma_wait3A_267, %dma_wait3A_271] : memref<4x8x128xi32, #tpu.memory_space<vmem>> -> memref<1x1x128xi32, #tpu.memory_space<vmem>>
    %dma_wait3A_273 = tpu.memref_squeeze %dma_wait3A_272 : memref<1x1x128xi32, #tpu.memory_space<vmem>> -> memref<128xi32, #tpu.memory_space<vmem>>
    %dma_wait3A_274 = arith.constant 0 : i32
    %dma_wait3A_275 = tpu.memref_slice %arg8[%dma_wait3A_274] : memref<100352xf32, #tpu.memory_space<vmem_shared>> -> memref<100352xf32, #tpu.memory_space<vmem_shared>>
    tpu.wait_indirect_dma semaphore(%arg11 : memref<!tpu.dma_semaphore, #tpu.memory_space<semaphore_mem>>) src(%dma_wait3A_270 : memref<128xf32, #tpu.memory_space<vmem>>) dst(%dma_wait3A_275 : memref<100352xf32, #tpu.memory_space<vmem_shared>>)
    %dma_wait3A_276 = arith.constant 0 : i32
    %dma_wait3A_277 = arith.constant 1 : i32
    %dma_wait3A_278 = arith.constant 2 : i32
    %dma_wait3A_279 = arith.constant 0 : i32
    %dma_wait3A_280 = tpu.memref_slice %arg7[%dma_wait3A_276, %dma_wait3A_279] : memref<1x128xf32, #tpu.memory_space<vmem>> -> memref<1x128xf32, #tpu.memory_space<vmem>>
    %dma_wait3A_281 = tpu.memref_squeeze %dma_wait3A_280 : memref<1x128xf32, #tpu.memory_space<vmem>> -> memref<128xf32, #tpu.memory_space<vmem>>
    %dma_wait3A_282 = arith.constant 0 : i32
    %dma_wait3A_283 = tpu.memref_slice %arg6[%dma_wait3A_277, %dma_wait3A_278, %dma_wait3A_282] : memref<4x8x128xi32, #tpu.memory_space<vmem>> -> memref<1x1x128xi32, #tpu.memory_space<vmem>>
    %dma_wait3A_284 = tpu.memref_squeeze %dma_wait3A_283 : memref<1x1x128xi32, #tpu.memory_space<vmem>> -> memref<128xi32, #tpu.memory_space<vmem>>
    %dma_wait3A_285 = arith.constant 0 : i32
    %dma_wait3A_286 = tpu.memref_slice %arg8[%dma_wait3A_285] : memref<100352xf32, #tpu.memory_space<vmem_shared>> -> memref<100352xf32, #tpu.memory_space<vmem_shared>>
    tpu.wait_indirect_dma semaphore(%arg11 : memref<!tpu.dma_semaphore, #tpu.memory_space<semaphore_mem>>) src(%dma_wait3A_281 : memref<128xf32, #tpu.memory_space<vmem>>) dst(%dma_wait3A_286 : memref<100352xf32, #tpu.memory_space<vmem_shared>>)
    %dma_wait3A_287 = arith.constant 0 : i32
    %dma_wait3A_288 = arith.constant 1 : i32
    %dma_wait3A_289 = arith.constant 3 : i32
    %dma_wait3A_290 = arith.constant 0 : i32
    %dma_wait3A_291 = tpu.memref_slice %arg7[%dma_wait3A_287, %dma_wait3A_290] : memref<1x128xf32, #tpu.memory_space<vmem>> -> memref<1x128xf32, #tpu.memory_space<vmem>>
    %dma_wait3A_292 = tpu.memref_squeeze %dma_wait3A_291 : memref<1x128xf32, #tpu.memory_space<vmem>> -> memref<128xf32, #tpu.memory_space<vmem>>
    %dma_wait3A_293 = arith.constant 0 : i32
    %dma_wait3A_294 = tpu.memref_slice %arg6[%dma_wait3A_288, %dma_wait3A_289, %dma_wait3A_293] : memref<4x8x128xi32, #tpu.memory_space<vmem>> -> memref<1x1x128xi32, #tpu.memory_space<vmem>>
    %dma_wait3A_295 = tpu.memref_squeeze %dma_wait3A_294 : memref<1x1x128xi32, #tpu.memory_space<vmem>> -> memref<128xi32, #tpu.memory_space<vmem>>
    %dma_wait3A_296 = arith.constant 0 : i32
    %dma_wait3A_297 = tpu.memref_slice %arg8[%dma_wait3A_296] : memref<100352xf32, #tpu.memory_space<vmem_shared>> -> memref<100352xf32, #tpu.memory_space<vmem_shared>>
    tpu.wait_indirect_dma semaphore(%arg11 : memref<!tpu.dma_semaphore, #tpu.memory_space<semaphore_mem>>) src(%dma_wait3A_292 : memref<128xf32, #tpu.memory_space<vmem>>) dst(%dma_wait3A_297 : memref<100352xf32, #tpu.memory_space<vmem_shared>>)
    %dma_wait3A_298 = arith.constant 0 : i32
    %dma_wait3A_299 = arith.constant 1 : i32
    %dma_wait3A_300 = arith.constant 4 : i32
    %dma_wait3A_301 = arith.constant 0 : i32
    %dma_wait3A_302 = tpu.memref_slice %arg7[%dma_wait3A_298, %dma_wait3A_301] : memref<1x128xf32, #tpu.memory_space<vmem>> -> memref<1x128xf32, #tpu.memory_space<vmem>>
    %dma_wait3A_303 = tpu.memref_squeeze %dma_wait3A_302 : memref<1x128xf32, #tpu.memory_space<vmem>> -> memref<128xf32, #tpu.memory_space<vmem>>
    %dma_wait3A_304 = arith.constant 0 : i32
    %dma_wait3A_305 = tpu.memref_slice %arg6[%dma_wait3A_299, %dma_wait3A_300, %dma_wait3A_304] : memref<4x8x128xi32, #tpu.memory_space<vmem>> -> memref<1x1x128xi32, #tpu.memory_space<vmem>>
    %dma_wait3A_306 = tpu.memref_squeeze %dma_wait3A_305 : memref<1x1x128xi32, #tpu.memory_space<vmem>> -> memref<128xi32, #tpu.memory_space<vmem>>
    %dma_wait3A_307 = arith.constant 0 : i32
    %dma_wait3A_308 = tpu.memref_slice %arg8[%dma_wait3A_307] : memref<100352xf32, #tpu.memory_space<vmem_shared>> -> memref<100352xf32, #tpu.memory_space<vmem_shared>>
    tpu.wait_indirect_dma semaphore(%arg11 : memref<!tpu.dma_semaphore, #tpu.memory_space<semaphore_mem>>) src(%dma_wait3A_303 : memref<128xf32, #tpu.memory_space<vmem>>) dst(%dma_wait3A_308 : memref<100352xf32, #tpu.memory_space<vmem_shared>>)
    %dma_wait3A_309 = arith.constant 0 : i32
    %dma_wait3A_310 = arith.constant 1 : i32
    %dma_wait3A_311 = arith.constant 5 : i32
    %dma_wait3A_312 = arith.constant 0 : i32
    %dma_wait3A_313 = tpu.memref_slice %arg7[%dma_wait3A_309, %dma_wait3A_312] : memref<1x128xf32, #tpu.memory_space<vmem>> -> memref<1x128xf32, #tpu.memory_space<vmem>>
    %dma_wait3A_314 = tpu.memref_squeeze %dma_wait3A_313 : memref<1x128xf32, #tpu.memory_space<vmem>> -> memref<128xf32, #tpu.memory_space<vmem>>
    %dma_wait3A_315 = arith.constant 0 : i32
    %dma_wait3A_316 = tpu.memref_slice %arg6[%dma_wait3A_310, %dma_wait3A_311, %dma_wait3A_315] : memref<4x8x128xi32, #tpu.memory_space<vmem>> -> memref<1x1x128xi32, #tpu.memory_space<vmem>>
    %dma_wait3A_317 = tpu.memref_squeeze %dma_wait3A_316 : memref<1x1x128xi32, #tpu.memory_space<vmem>> -> memref<128xi32, #tpu.memory_space<vmem>>
    %dma_wait3A_318 = arith.constant 0 : i32
    %dma_wait3A_319 = tpu.memref_slice %arg8[%dma_wait3A_318] : memref<100352xf32, #tpu.memory_space<vmem_shared>> -> memref<100352xf32, #tpu.memory_space<vmem_shared>>
    tpu.wait_indirect_dma semaphore(%arg11 : memref<!tpu.dma_semaphore, #tpu.memory_space<semaphore_mem>>) src(%dma_wait3A_314 : memref<128xf32, #tpu.memory_space<vmem>>) dst(%dma_wait3A_319 : memref<100352xf32, #tpu.memory_space<vmem_shared>>)
    %dma_wait3A_320 = arith.constant 0 : i32
    %dma_wait3A_321 = arith.constant 1 : i32
    %dma_wait3A_322 = arith.constant 6 : i32
    %dma_wait3A_323 = arith.constant 0 : i32
    %dma_wait3A_324 = tpu.memref_slice %arg7[%dma_wait3A_320, %dma_wait3A_323] : memref<1x128xf32, #tpu.memory_space<vmem>> -> memref<1x128xf32, #tpu.memory_space<vmem>>
    %dma_wait3A_325 = tpu.memref_squeeze %dma_wait3A_324 : memref<1x128xf32, #tpu.memory_space<vmem>> -> memref<128xf32, #tpu.memory_space<vmem>>
    %dma_wait3A_326 = arith.constant 0 : i32
    %dma_wait3A_327 = tpu.memref_slice %arg6[%dma_wait3A_321, %dma_wait3A_322, %dma_wait3A_326] : memref<4x8x128xi32, #tpu.memory_space<vmem>> -> memref<1x1x128xi32, #tpu.memory_space<vmem>>
    %dma_wait3A_328 = tpu.memref_squeeze %dma_wait3A_327 : memref<1x1x128xi32, #tpu.memory_space<vmem>> -> memref<128xi32, #tpu.memory_space<vmem>>
    %dma_wait3A_329 = arith.constant 0 : i32
    %dma_wait3A_330 = tpu.memref_slice %arg8[%dma_wait3A_329] : memref<100352xf32, #tpu.memory_space<vmem_shared>> -> memref<100352xf32, #tpu.memory_space<vmem_shared>>
    tpu.wait_indirect_dma semaphore(%arg11 : memref<!tpu.dma_semaphore, #tpu.memory_space<semaphore_mem>>) src(%dma_wait3A_325 : memref<128xf32, #tpu.memory_space<vmem>>) dst(%dma_wait3A_330 : memref<100352xf32, #tpu.memory_space<vmem_shared>>)
    %dma_wait3A_331 = arith.constant 0 : i32
    %dma_wait3A_332 = arith.constant 1 : i32
    %dma_wait3A_333 = arith.constant 7 : i32
    %dma_wait3A_334 = arith.constant 0 : i32
    %dma_wait3A_335 = tpu.memref_slice %arg7[%dma_wait3A_331, %dma_wait3A_334] : memref<1x128xf32, #tpu.memory_space<vmem>> -> memref<1x128xf32, #tpu.memory_space<vmem>>
    %dma_wait3A_336 = tpu.memref_squeeze %dma_wait3A_335 : memref<1x128xf32, #tpu.memory_space<vmem>> -> memref<128xf32, #tpu.memory_space<vmem>>
    %dma_wait3A_337 = arith.constant 0 : i32
    %dma_wait3A_338 = tpu.memref_slice %arg6[%dma_wait3A_332, %dma_wait3A_333, %dma_wait3A_337] : memref<4x8x128xi32, #tpu.memory_space<vmem>> -> memref<1x1x128xi32, #tpu.memory_space<vmem>>
    %dma_wait3A_339 = tpu.memref_squeeze %dma_wait3A_338 : memref<1x1x128xi32, #tpu.memory_space<vmem>> -> memref<128xi32, #tpu.memory_space<vmem>>
    %dma_wait3A_340 = arith.constant 0 : i32
    %dma_wait3A_341 = tpu.memref_slice %arg8[%dma_wait3A_340] : memref<100352xf32, #tpu.memory_space<vmem_shared>> -> memref<100352xf32, #tpu.memory_space<vmem_shared>>
    tpu.wait_indirect_dma semaphore(%arg11 : memref<!tpu.dma_semaphore, #tpu.memory_space<semaphore_mem>>) src(%dma_wait3A_336 : memref<128xf32, #tpu.memory_space<vmem>>) dst(%dma_wait3A_341 : memref<100352xf32, #tpu.memory_space<vmem_shared>>)
    %barrier3A_342 = arith.constant 0 : index
    tpu.barrier barrier_id(%barrier3A_342)
    "tpu.region"() ({
      %run_scoped3A = tpu.sem_alloc : memref<!tpu.dma_semaphore, #tpu.memory_space<semaphore_mem>>
      %dma_start3A = tpu.memref_slice %arg5[%arg0, %mul3A_2] : memref<2x100352xf32, #tpu.memory_space<hbm>> -> memref<1x6272xf32, #tpu.memory_space<hbm>>
      %dma_start3A_343 = tpu.memref_squeeze %dma_start3A : memref<1x6272xf32, #tpu.memory_space<hbm>> -> memref<6272xf32, #tpu.memory_space<hbm>>
      %dma_start3A_344 = tpu.memref_slice %arg8[%mul3A_2] : memref<100352xf32, #tpu.memory_space<vmem_shared>> -> memref<6272xf32, #tpu.memory_space<vmem_shared>>
      tpu.enqueue_dma source(%dma_start3A_344 : memref<6272xf32, #tpu.memory_space<vmem_shared>>) target(%dma_start3A_343 : memref<6272xf32, #tpu.memory_space<hbm>>) target_semaphore(%run_scoped3A : memref<!tpu.dma_semaphore, #tpu.memory_space<semaphore_mem>>)
      %dma_wait3A_345 = tpu.memref_slice %arg5[%arg0, %mul3A_2] : memref<2x100352xf32, #tpu.memory_space<hbm>> -> memref<1x6272xf32, #tpu.memory_space<hbm>>
      %dma_wait3A_346 = tpu.memref_squeeze %dma_wait3A_345 : memref<1x6272xf32, #tpu.memory_space<hbm>> -> memref<6272xf32, #tpu.memory_space<hbm>>
      %dma_wait3A_347 = tpu.memref_slice %arg8[%mul3A_2] : memref<100352xf32, #tpu.memory_space<vmem_shared>> -> memref<6272xf32, #tpu.memory_space<vmem_shared>>
      tpu.wait_dma2 semaphore(%run_scoped3A : memref<!tpu.dma_semaphore, #tpu.memory_space<semaphore_mem>>) src(%dma_wait3A_347 : memref<6272xf32, #tpu.memory_space<vmem_shared>>) dst(%dma_wait3A_346 : memref<6272xf32, #tpu.memory_space<hbm>>)
      tpu.yield
    }) : () -> ()
    return
  }
}

module attributes {stable_mosaic.version = 14 : i64} {
  func.func @_glue1_body(%arg0: memref<2x784x128xf32, #tpu.memory_space<vmem>>, %arg1: memref<784x128xf32, #tpu.memory_space<vmem>>, %arg2: memref<784x128xf32, #tpu.memory_space<vmem>>, %arg3: memref<784x128xf32, #tpu.memory_space<vmem>>) attributes {dimension_semantics = [], scalar_prefetch = 0 : i64, scratch_operands = 0 : i64, tpu.core_type = #tpu.core_type<tc>} {
    %get3A = arith.constant 0 : index
    %get3A_0 = arith.constant 0 : index
    %get3A_1 = arith.constant 0 : index
    %get3A_2 = vector.load %arg0[%get3A, %get3A_0, %get3A_1] : memref<2x784x128xf32, #tpu.memory_space<vmem>>, vector<1x784x128xf32>
    %get3A_3 = vector.shape_cast %get3A_2 : vector<1x784x128xf32> to vector<784x128xf32>
    %get3A_4 = arith.constant 1 : index
    %get3A_5 = arith.constant 0 : index
    %get3A_6 = arith.constant 0 : index
    %get3A_7 = vector.load %arg0[%get3A_4, %get3A_5, %get3A_6] : memref<2x784x128xf32, #tpu.memory_space<vmem>>, vector<1x784x128xf32>
    %get3A_8 = vector.shape_cast %get3A_7 : vector<1x784x128xf32> to vector<784x128xf32>
    %add3A = arith.addf %get3A_3, %get3A_8 : vector<784x128xf32>
    %add3A_9 = arith.constant 1.000000e+00 : f32
    %add3A_10 = vector.broadcast %add3A_9 : f32 to vector<784x128xf32>
    %add3A_11 = arith.addf %add3A, %add3A_10 : vector<784x128xf32>
    %rsqrt3A = math.rsqrt %add3A_11 : vector<784x128xf32>
    %swap3A = arith.constant 0 : index
    %swap3A_12 = arith.constant 0 : index
    %swap3A_13 = vector.load %arg2[%swap3A, %swap3A_12] : memref<784x128xf32, #tpu.memory_space<vmem>>, vector<784x128xf32>
    tpu.vector_store %arg2[%swap3A, %swap3A_12], %rsqrt3A {strides = array<i32>} : memref<784x128xf32, #tpu.memory_space<vmem>>, vector<784x128xf32>,
    %get3A_14 = arith.constant 0 : index
    %get3A_15 = arith.constant 0 : index
    %get3A_16 = vector.load %arg1[%get3A_14, %get3A_15] : memref<784x128xf32, #tpu.memory_space<vmem>>, vector<784x128xf32>
    %mul3A = arith.mulf %rsqrt3A, %get3A_16 : vector<784x128xf32>
    %swap3A_17 = arith.constant 0 : index
    %swap3A_18 = arith.constant 0 : index
    %swap3A_19 = vector.load %arg3[%swap3A_17, %swap3A_18] : memref<784x128xf32, #tpu.memory_space<vmem>>, vector<784x128xf32>
    tpu.vector_store %arg3[%swap3A_17, %swap3A_18], %mul3A {strides = array<i32>} : memref<784x128xf32, #tpu.memory_space<vmem>>, vector<784x128xf32>,
    return
  }
}

module attributes {stable_mosaic.version = 14 : i64} {
  func.func @_glue2_body(%arg0: memref<2x784x128xf32, #tpu.memory_space<vmem>>, %arg1: memref<784x128xf32, #tpu.memory_space<vmem>>, %arg2: memref<784x128xf32, #tpu.memory_space<vmem>>, %arg3: memref<4xf32, #tpu.memory_space<smem>>, %arg4: memref<784x128xf32, #tpu.memory_space<vmem>>, %arg5: memref<784x128xf32, #tpu.memory_space<vmem>>) attributes {dimension_semantics = [], scalar_prefetch = 0 : i64, scratch_operands = 0 : i64, tpu.core_type = #tpu.core_type<tc>} {
    %get3A = arith.constant 0 : index
    %get3A_0 = arith.constant 0 : index
    %get3A_1 = vector.load %arg2[%get3A, %get3A_0] : memref<784x128xf32, #tpu.memory_space<vmem>>, vector<784x128xf32>
    %get3A_2 = arith.constant 0 : index
    %get3A_3 = arith.constant 0 : index
    %get3A_4 = arith.constant 0 : index
    %get3A_5 = vector.load %arg0[%get3A_2, %get3A_3, %get3A_4] : memref<2x784x128xf32, #tpu.memory_space<vmem>>, vector<1x784x128xf32>
    %get3A_6 = vector.shape_cast %get3A_5 : vector<1x784x128xf32> to vector<784x128xf32>
    %get3A_7 = arith.constant 1 : index
    %get3A_8 = arith.constant 0 : index
    %get3A_9 = arith.constant 0 : index
    %get3A_10 = vector.load %arg0[%get3A_7, %get3A_8, %get3A_9] : memref<2x784x128xf32, #tpu.memory_space<vmem>>, vector<1x784x128xf32>
    %get3A_11 = vector.shape_cast %get3A_10 : vector<1x784x128xf32> to vector<784x128xf32>
    %add3A = arith.addf %get3A_6, %get3A_11 : vector<784x128xf32>
    %get3A_12 = arith.constant 0 : index
    %get3A_13 = arith.constant 0 : index
    %get3A_14 = vector.load %arg1[%get3A_12, %get3A_13] : memref<784x128xf32, #tpu.memory_space<vmem>>, vector<784x128xf32>
    %add3A_15 = arith.addf %add3A, %get3A_14 : vector<784x128xf32>
    %mul3A = arith.mulf %get3A_1, %add3A_15 : vector<784x128xf32>
    %get3A_16 = arith.constant 0 : index
    %get3A_17 = memref.load %arg3[%get3A_16] : memref<4xf32, #tpu.memory_space<smem>>
    %mul3A_18 = vector.broadcast %get3A_17 : f32 to vector<784x128xf32>
    %mul3A_19 = arith.mulf %mul3A, %mul3A_18 : vector<784x128xf32>
    %get3A_20 = arith.constant 2 : index
    %get3A_21 = memref.load %arg3[%get3A_20] : memref<4xf32, #tpu.memory_space<smem>>
    %add3A_22 = vector.broadcast %get3A_21 : f32 to vector<784x128xf32>
    %add3A_23 = arith.addf %mul3A_19, %add3A_22 : vector<784x128xf32>
    %get3A_24 = arith.constant 1 : index
    %get3A_25 = memref.load %arg3[%get3A_24] : memref<4xf32, #tpu.memory_space<smem>>
    %mul3A_26 = vector.broadcast %get3A_25 : f32 to vector<784x128xf32>
    %mul3A_27 = arith.mulf %mul3A, %mul3A_26 : vector<784x128xf32>
    %get3A_28 = arith.constant 3 : index
    %get3A_29 = memref.load %arg3[%get3A_28] : memref<4xf32, #tpu.memory_space<smem>>
    %add3A_30 = vector.broadcast %get3A_29 : f32 to vector<784x128xf32>
    %add3A_31 = arith.addf %mul3A_27, %add3A_30 : vector<784x128xf32>
    %max3A = arith.constant 0.000000e+00 : f32
    %max3A_32 = vector.broadcast %max3A : f32 to vector<784x128xf32>
    %max3A_33 = arith.maximumf %add3A_23, %max3A_32 : vector<784x128xf32>
    %mul3A_34 = arith.mulf %get3A_1, %max3A_33 : vector<784x128xf32>
    %swap3A = arith.constant 0 : index
    %swap3A_35 = arith.constant 0 : index
    %swap3A_36 = vector.load %arg4[%swap3A, %swap3A_35] : memref<784x128xf32, #tpu.memory_space<vmem>>, vector<784x128xf32>
    tpu.vector_store %arg4[%swap3A, %swap3A_35], %mul3A_34 {strides = array<i32>} : memref<784x128xf32, #tpu.memory_space<vmem>>, vector<784x128xf32>,
    %max3A_37 = arith.constant 0.000000e+00 : f32
    %max3A_38 = vector.broadcast %max3A_37 : f32 to vector<784x128xf32>
    %max3A_39 = arith.maximumf %add3A_31, %max3A_38 : vector<784x128xf32>
    %mul3A_40 = arith.mulf %get3A_1, %max3A_39 : vector<784x128xf32>
    %swap3A_41 = arith.constant 0 : index
    %swap3A_42 = arith.constant 0 : index
    %swap3A_43 = vector.load %arg5[%swap3A_41, %swap3A_42] : memref<784x128xf32, #tpu.memory_space<vmem>>, vector<784x128xf32>
    tpu.vector_store %arg5[%swap3A_41, %swap3A_42], %mul3A_40 {strides = array<i32>} : memref<784x128xf32, #tpu.memory_space<vmem>>, vector<784x128xf32>,
    return
  }
}

module attributes {stable_mosaic.version = 14 : i64} {
  func.func @_glue3_body(%arg0: memref<2x784x128xf32, #tpu.memory_space<vmem>>, %arg1: memref<2x784x128xf32, #tpu.memory_space<vmem>>, %arg2: memref<784x128xf32, #tpu.memory_space<vmem>>, %arg3: memref<784x128xf32, #tpu.memory_space<vmem>>, %arg4: memref<784x128xf32, #tpu.memory_space<vmem>>, %arg5: memref<6xf32, #tpu.memory_space<smem>>, %arg6: memref<784x128xf32, #tpu.memory_space<vmem>>, %arg7: memref<784x128xf32, #tpu.memory_space<vmem>>) attributes {dimension_semantics = [], scalar_prefetch = 0 : i64, scratch_operands = 0 : i64, tpu.core_type = #tpu.core_type<tc>} {
    %get3A = arith.constant 0 : index
    %get3A_0 = arith.constant 0 : index
    %get3A_1 = vector.load %arg4[%get3A, %get3A_0] : memref<784x128xf32, #tpu.memory_space<vmem>>, vector<784x128xf32>
    %get3A_2 = arith.constant 0 : index
    %get3A_3 = arith.constant 0 : index
    %get3A_4 = arith.constant 0 : index
    %get3A_5 = vector.load %arg0[%get3A_2, %get3A_3, %get3A_4] : memref<2x784x128xf32, #tpu.memory_space<vmem>>, vector<1x784x128xf32>
    %get3A_6 = vector.shape_cast %get3A_5 : vector<1x784x128xf32> to vector<784x128xf32>
    %get3A_7 = arith.constant 1 : index
    %get3A_8 = arith.constant 0 : index
    %get3A_9 = arith.constant 0 : index
    %get3A_10 = vector.load %arg0[%get3A_7, %get3A_8, %get3A_9] : memref<2x784x128xf32, #tpu.memory_space<vmem>>, vector<1x784x128xf32>
    %get3A_11 = vector.shape_cast %get3A_10 : vector<1x784x128xf32> to vector<784x128xf32>
    %add3A = arith.addf %get3A_6, %get3A_11 : vector<784x128xf32>
    %get3A_12 = arith.constant 0 : index
    %get3A_13 = arith.constant 0 : index
    %get3A_14 = vector.load %arg2[%get3A_12, %get3A_13] : memref<784x128xf32, #tpu.memory_space<vmem>>, vector<784x128xf32>
    %add3A_15 = arith.addf %add3A, %get3A_14 : vector<784x128xf32>
    %mul3A = arith.mulf %get3A_1, %add3A_15 : vector<784x128xf32>
    %get3A_16 = arith.constant 0 : index
    %get3A_17 = arith.constant 0 : index
    %get3A_18 = arith.constant 0 : index
    %get3A_19 = vector.load %arg1[%get3A_16, %get3A_17, %get3A_18] : memref<2x784x128xf32, #tpu.memory_space<vmem>>, vector<1x784x128xf32>
    %get3A_20 = vector.shape_cast %get3A_19 : vector<1x784x128xf32> to vector<784x128xf32>
    %get3A_21 = arith.constant 1 : index
    %get3A_22 = arith.constant 0 : index
    %get3A_23 = arith.constant 0 : index
    %get3A_24 = vector.load %arg1[%get3A_21, %get3A_22, %get3A_23] : memref<2x784x128xf32, #tpu.memory_space<vmem>>, vector<1x784x128xf32>
    %get3A_25 = vector.shape_cast %get3A_24 : vector<1x784x128xf32> to vector<784x128xf32>
    %add3A_26 = arith.addf %get3A_20, %get3A_25 : vector<784x128xf32>
    %get3A_27 = arith.constant 0 : index
    %get3A_28 = arith.constant 0 : index
    %get3A_29 = vector.load %arg3[%get3A_27, %get3A_28] : memref<784x128xf32, #tpu.memory_space<vmem>>, vector<784x128xf32>
    %add3A_30 = arith.addf %add3A_26, %get3A_29 : vector<784x128xf32>
    %mul3A_31 = arith.mulf %get3A_1, %add3A_30 : vector<784x128xf32>
    %get3A_32 = arith.constant 0 : index
    %get3A_33 = memref.load %arg5[%get3A_32] : memref<6xf32, #tpu.memory_space<smem>>
    %mul3A_34 = vector.broadcast %get3A_33 : f32 to vector<784x128xf32>
    %mul3A_35 = arith.mulf %mul3A, %mul3A_34 : vector<784x128xf32>
    %get3A_36 = arith.constant 2 : index
    %get3A_37 = memref.load %arg5[%get3A_36] : memref<6xf32, #tpu.memory_space<smem>>
    %mul3A_38 = vector.broadcast %get3A_37 : f32 to vector<784x128xf32>
    %mul3A_39 = arith.mulf %mul3A_31, %mul3A_38 : vector<784x128xf32>
    %add3A_40 = arith.addf %mul3A_35, %mul3A_39 : vector<784x128xf32>
    %get3A_41 = arith.constant 4 : index
    %get3A_42 = memref.load %arg5[%get3A_41] : memref<6xf32, #tpu.memory_space<smem>>
    %add3A_43 = vector.broadcast %get3A_42 : f32 to vector<784x128xf32>
    %add3A_44 = arith.addf %add3A_40, %add3A_43 : vector<784x128xf32>
    %get3A_45 = arith.constant 1 : index
    %get3A_46 = memref.load %arg5[%get3A_45] : memref<6xf32, #tpu.memory_space<smem>>
    %mul3A_47 = vector.broadcast %get3A_46 : f32 to vector<784x128xf32>
    %mul3A_48 = arith.mulf %mul3A, %mul3A_47 : vector<784x128xf32>
    %get3A_49 = arith.constant 3 : index
    %get3A_50 = memref.load %arg5[%get3A_49] : memref<6xf32, #tpu.memory_space<smem>>
    %mul3A_51 = vector.broadcast %get3A_50 : f32 to vector<784x128xf32>
    %mul3A_52 = arith.mulf %mul3A_31, %mul3A_51 : vector<784x128xf32>
    %add3A_53 = arith.addf %mul3A_48, %mul3A_52 : vector<784x128xf32>
    %get3A_54 = arith.constant 5 : index
    %get3A_55 = memref.load %arg5[%get3A_54] : memref<6xf32, #tpu.memory_space<smem>>
    %add3A_56 = vector.broadcast %get3A_55 : f32 to vector<784x128xf32>
    %add3A_57 = arith.addf %add3A_53, %add3A_56 : vector<784x128xf32>
    %max3A = arith.maximumf %add3A_44, %add3A_57 : vector<784x128xf32>
    %sub3A = arith.subf %add3A_44, %max3A : vector<784x128xf32>
    %exp3A = math.exp %sub3A : vector<784x128xf32>
    %sub3A_58 = arith.subf %add3A_57, %max3A : vector<784x128xf32>
    %exp3A_59 = math.exp %sub3A_58 : vector<784x128xf32>
    %add3A_60 = arith.addf %exp3A, %exp3A_59 : vector<784x128xf32>
    %log3A = math.log %add3A_60 : vector<784x128xf32>
    %add3A_61 = arith.addf %max3A, %log3A : vector<784x128xf32>
    %sub3A_62 = arith.subf %add3A_44, %add3A_61 : vector<784x128xf32>
    %swap3A = arith.constant 0 : index
    %swap3A_63 = arith.constant 0 : index
    %swap3A_64 = vector.load %arg6[%swap3A, %swap3A_63] : memref<784x128xf32, #tpu.memory_space<vmem>>, vector<784x128xf32>
    tpu.vector_store %arg6[%swap3A, %swap3A_63], %sub3A_62 {strides = array<i32>} : memref<784x128xf32, #tpu.memory_space<vmem>>, vector<784x128xf32>,
    %sub3A_65 = arith.subf %add3A_57, %add3A_61 : vector<784x128xf32>
    %swap3A_66 = arith.constant 0 : index
    %swap3A_67 = arith.constant 0 : index
    %swap3A_68 = vector.load %arg7[%swap3A_66, %swap3A_67] : memref<784x128xf32, #tpu.memory_space<vmem>>, vector<784x128xf32>
    tpu.vector_store %arg7[%swap3A_66, %swap3A_67], %sub3A_65 {strides = array<i32>} : memref<784x128xf32, #tpu.memory_space<vmem>>, vector<784x128xf32>,
    return
  }
}

</mosaic_0001>

<sc_bundles>
// kernel: kernel.11.cloned.1.call-start
scs
__scs_entry_jumppad:
0x0: {  	(pc) =	sbr.rel $0x88, $3  }
0x1: {  	(tag) =	ssettag $0x0;
	lr =	simm.s32 $0x1  }
0x2: {  	[smem:$0x3F9B] =	sst lr;
	_ =	strace $0xD0000000  }
0x3: {  	_ = 	snop  }
0x4: {  	_ = 	snop  }
0x5: {  	_ = 	snop  }
0x6: {  	_ = 	snop  }
0x7: {  	_ = 	snop  }
__scs_overlays_trampoline_lowered:
0x8: {  	[smem:$0x3FAA] =	sst s0  }
0x9: {  	[smem:$0x3FAB] =	sst s1  }
0xa: {  	[smem:$0x3FAC] =	sst s2  }
0xb: {  	[smem:$0x3FAD] =	sst s3  }
0xc: {  	[smem:$0x3FAE] =	sst s4  }
0xd: {  	[smem:$0x3FAF] =	sst s5  }
0xe: {  	[smem:$0x3FB0] =	sst s6  }
0xf: {  	[smem:$0x3FB1] =	sst s7  }
0x10: {  	[smem:$0x3FB2] =	sst s8  }
0x11: {  	[smem:$0x3FB3] =	sst s9;
	s0 =	simm.s32 @!p0 $0x0  }
0x12: {  	s1 =	sld [smem:$0x3F99];
	s0 =	simm.s32 @p0 $0x1  }
0x13: {  	[smem:$0x3FB4] =	sst s0;
	s0 =	simm.s32 @!p1 $0x0  }
0x14: {  	s2 =	sld [smem:$0x3F98];
	s0 =	simm.s32 @p1 $0x1  }
0x15: {  	[smem:$0x3FB5] =	sst s0;
	s0 =	simm.s32 @!p2 $0x0  }
0x16: {  	s3 =	sld [smem:$0x3FDB];
	s0 =	simm.s32 @p2 $0x1  }
0x17: {  	s4 =	simm.s32 $0x1BF5;
	[smem:$0x3FB7] =	sst s0  }
0x18: {  	s0 =	sld [smem:$0x3F9A];
	_ =	swait.ge [sflag:s4], $0x0  }
0x19: {  	s7 =	sld [smem:$0x3F9B]  }
0x1a: {  	s8 =	sadd.s32 $0xFFFFE003, lr  }
0x1b: {  	s9 =	sadd.s32 $0xFFFFFEF7, lr;
	s5 =	simm.s32 $0xFFFFFFFF;
	p2 =	slt.u32 s8, $0xFFFFF086  }
0x1c: {  	p1 =	slt.u32 s9, $0xF7A;
	s5 =	simm.s32 @!p2 $0x0  }
0x1d: {  	s5 =	simm.s32 @p1 $0x1;
	p0 =	seq.s32 s7, s2  }
0x1e: {  	s7 =	smul.u32 @!p0 $0xF7A, s2;
	p2 =	seq.s32 @!p0 s5, $0x0  }
0x1f: {  	s9 =	smul.u32 $0xF7A, s1;
	s8 =	simm.s32 @!p0 $0x1BF5;
	p2 =	por !p2, p0  }
0x20: {  	[sflag:s8] =	ssyncset.s32 @!p0 $0xFFFFF086;
	s6 =	sadd.s32 @!p0 s3, s7;
	s7 =	simm.s32 @!p0 $0x108  }
0x21: {  	s3 =	sadd.s32 s3, s9;
	s6 =	sadd.s32 @!p0 $0x88, s6;
	s7 =	simm.s32 @p2 $0x1082  }
0x22: {  	[simem:s7], [sflag:s8] =	dma.local @!p0 [hbm:s6], $0xF7A  }
0x23: {  	s9 =	sor.u32 $0xD0000000, s2;
	s6 =	simm.s32 $0x108;
	_ =	swait.ge @!p0 [sflag:s8], $0x0  }
0x24: {  	s3 =	sadd.s32 $0x88, s3;
	s6 =	simm.s32 @!p1 $0x1082;
	[sflag:s4] =	ssyncset.s32 $0xFFFFF086  }
0x25: {  	[simem:s6], [sflag:s4] =	dma.local [hbm:s3], $0xF7A  }
0x26: {  	[smem:$0x3F9B] =	sst s1;
	(tag) =	ssettag s2;
	_ =	strace s9  }
0x27: {  	s1 =	sld [smem:$0x3FAB]  }
0x28: {  	s2 =	sld [smem:$0x3FAC]  }
0x29: {  	s4 =	sld [smem:$0x3FAE]  }
0x2a: {  	p0 =	seq.s32 s5, $0x0;
	s5 =	sld [smem:$0x3FAF]  }
0x2b: {  	s6 =	sld [smem:$0x3FB0]  }
0x2c: {  	s7 =	sld [smem:$0x3FB1]  }
0x2d: {  	s3 =	simm.s32 $0x108;
	s8 =	sld [smem:$0x3FB2]  }
0x2e: {  	s3 =	simm.s32 @!p0 $0x1082;
	s9 =	sld [smem:$0x3FB3]  }
0x2f: {  	lr =	sadd.s32 s0, s3;
	s0 =	sld [smem:$0x3FAA]  }
0x30: {  	s3 =	sld [smem:$0x3FAD]  }
0x31: {  	[smem:$0x3FB6] =	sst s10  }
0x32: {  	s10 =	sld [smem:$0x3FB4];
	_ =	sdelay $0x3  }
0x33: {  	p0 =	seq.s32 s10, $0x1;
	s10 =	sld [smem:$0x3FB6];
	_ =	sdelay $0x3  }
0x34: {  	[smem:$0x3FB6] =	sst s10  }
0x35: {  	s10 =	sld [smem:$0x3FB5];
	_ =	sdelay $0x3  }
0x36: {  	p1 =	seq.s32 s10, $0x1;
	s10 =	sld [smem:$0x3FB6];
	_ =	sdelay $0x3  }
0x37: {  	[smem:$0x3FB6] =	sst s10  }
0x38: {  	s10 =	sld [smem:$0x3FB7]  }
0x39: {  	_ = 	snop;
	(pc) =	sbr.ind lr, $3  }
0x3a: {  	_ = 	snop  }
0x3b: {  	_ = 	snop  }
0x3c: {  	p2 =	seq.s32 s10, $0x1;
	s10 =	sld [smem:$0x3FB6]  }
0x3d: {  	_ =	shalt  }
0x3e: {  	_ =	shalt  }
0x3f: {  	_ =	shalt  }
0x40: {  	_ =	shalt  }
0x41: {  	_ =	shalt  }
0x42: {  	_ =	shalt  }
0x43: {  	_ =	shalt  }
0x44: {  	_ =	shalt  }
0x45: {  	_ =	shalt  }
0x46: {  	_ =	shalt  }
0x47: {  	_ =	shalt  }
0x48: {  	_ =	shalt  }
0x49: {  	_ =	shalt  }
0x4a: {  	_ =	shalt  }
0x4b: {  	_ =	shalt  }
0x4c: {  	_ =	shalt  }
0x4d: {  	_ =	shalt  }
0x4e: {  	_ =	shalt  }
0x4f: {  	_ =	shalt  }
0x50: {  	_ =	shalt  }
0x51: {  	_ =	shalt  }
0x52: {  	_ =	shalt  }
0x53: {  	_ =	shalt  }
0x54: {  	_ =	shalt  }
0x55: {  	_ =	shalt  }
0x56: {  	_ =	shalt  }
0x57: {  	_ =	shalt  }
0x58: {  	_ =	shalt  }
0x59: {  	_ =	shalt  }
0x5a: {  	_ =	shalt  }
0x5b: {  	_ =	shalt  }
0x5c: {  	_ =	shalt  }
0x5d: {  	_ =	shalt  }
0x5e: {  	_ =	shalt  }
0x5f: {  	_ =	shalt  }
0x60: {  	_ =	shalt  }
0x61: {  	_ =	shalt  }
0x62: {  	_ =	shalt  }
0x63: {  	_ =	shalt  }
0x64: {  	_ =	shalt  }
0x65: {  	_ =	shalt  }
0x66: {  	_ =	shalt  }
0x67: {  	_ =	shalt  }
0x68: {  	_ =	shalt  }
0x69: {  	_ =	shalt  }
0x6a: {  	_ =	shalt  }
0x6b: {  	_ =	shalt  }
0x6c: {  	_ =	shalt  }
0x6d: {  	_ =	shalt  }
0x6e: {  	_ =	shalt  }
0x6f: {  	_ =	shalt  }
0x70: {  	_ =	shalt  }
0x71: {  	_ =	shalt  }
0x72: {  	_ =	shalt  }
0x73: {  	_ =	shalt  }
0x74: {  	_ =	shalt  }
0x75: {  	_ =	shalt  }
0x76: {  	_ =	shalt  }
0x77: {  	_ =	shalt  }
0x78: {  	_ =	shalt  }
0x79: {  	_ =	shalt  }
0x7a: {  	_ =	shalt  }
0x7b: {  	_ =	shalt  }
0x7c: {  	_ =	shalt  }
0x7d: {  	_ =	shalt  }
0x7e: {  	_ =	shalt  }
0x7f: {  	_ =	shalt  }
0x80: {  	_ =	shalt  }
0x81: {  	_ =	shalt  }
0x82: {  	_ =	shalt  }
0x83: {  	_ =	shalt  }
0x84: {  	_ =	shalt  }
0x85: {  	_ =	shalt  }
0x86: {  	_ =	shalt  }
0x87: {  	_ =	shalt  }
.Lfunc_end0:
.L_simem_size_0:
called_computation.1_lowered:
.L_overlay_start_0:
0x88: {  	s2 =	sld [smem:$0x3FD9]  }
0x89: {  	s3 =	sld [smem:$0x3FFE];
	_ =	sdelay $0x1  }
0x8a: {  	s1 =	srdreg.scid  }
0x8b: {  	s0 =	sand.u32 $0x1, s1  }
0x8c: {  	s17 =	sshll.u32 s0, $0xA;
	s2 =	sadd.s32 s3, s2  }
0x8d: {  	s2 =	sadd.s32 s2, s17  }
0x8e: {  	[smem:$0x3FC2] =	sst s2  }
0x8f: {  	_ = 	snop  }
0x90: {  	s2 =	sld [smem:$0x3FD0];
	(tm) =	ssettm $0x1  }
0x91: {  	s18 =	sld [smem:$0x3FFB];
	_ =	sdelay $0x3  }
0x92: {  	_ =	strace s18  }
0x93: {  	s3 =	sld [smem:$0x3FFC];
	_ =	sdelay $0x3  }
0x94: {  	_ =	strace s3  }
0x95: {  	s3 =	sld [smem:$0x3FFD];
	_ =	sdelay $0x3  }
0x96: {  	_ =	strace s3  }
0x97: {  	_ =	strace $0x8FFFFFFF  }
0x98: {  	s19 =	sld [smem:$0x3FDB];
	_ =	sdelay $0x1  }
0x99: {  	s4 =	simm.s32 $_scs_section_size  }
0x9a: {  	s5 =	simm.s32 $_size__tile_overlayer_lowered;
	s6 =	simm.s32 $_tile_overlayer_lowered  }
0x9b: {  	s22 =	simm.s32 $0x1BFF;
	s21 =	sshll.u32 s6, $0x1;
	s3 =	sadd.s32 s4, s19  }
0x9c: {  	s7 =	simm.s32 $0x0;
	s20 =	sshll.u32 s5, $0x1;
	s5 =	sadd.s32 s21, s3  }
0x9d: {  	[timem:s7], [sflag:s22] =	dma.local [hbm:s5], s20  }
0x9e: {  	_ =	swait.ge [sflag:s22], s20  }
0x9f: {  	s4 =	ssub.s32 $0x0, s20;
	[sflag:s22] =	ssyncset.done $0x0  }
0xa0: {  	[sflag:s22] =	ssyncadd.s32 s4;
	_ =	sdelay $0x1  }
0xa1: {  	s23 =	simm.s32 $0x1B8B  }
0xa2: {  	_ =	swait.ge [sflag:s23], $0x1  }
0xa3: {  	[sflag:s23] =	ssyncset.done $0x0  }
0xa4: {  	s25 =	simm.s32 $0x1B8E;
	s24 =	sld [smem:$0x3FFE];
	[sflag:s23] =	ssyncadd.s32 $0xFFFFFFFF  }
0xa5: {  	s26 =	simm.s32 $execute0_lowered;
	[smem:$0x3FD2] =	sst s25  }
0xa6: {  	s5 =	sshll.u32 s26, $0x1;
	_ =	strace $0x80000049;
	[dreg:$0x1] =	wrdreg $0xFFFFFFFF  }
0xa7: {  	s28 =	simm.s32 $_size_execute0_lowered;
	s3 =	sadd.s32 s3, s5;
	[dreg:$0x0] =	wrdreg $0x0  }
0xa8: {  	s5 =	sshll.u32 s28, $0x1;
	[dreg:$0x2] =	wrdreg s3  }
0xa9: {  	[dreg:$0x3] =	wrdreg s5  }
0xaa: {  	[dreg:$0x4] =	wrdreg $0xC0  }
0xab: {  	_ =	task [dreg:s7], $0x5FFFF  }
0xac: {  	[dreg:$0x1] =	wrdreg $0xFFFFFFFF  }
0xad: {  	[dreg:$0x0] =	wrdreg $0x60  }
0xae: {  	[dreg:$0x2] =	wrdreg s24  }
0xaf: {  	[dreg:$0x3] =	wrdreg s2  }
0xb0: {  	[dreg:$0x4] =	wrdreg $0x30000  }
0xb1: {  	[dreg:$0x5] =	wrdreg $0x48800  }
0xb2: {  	[dreg:$0x6] =	wrdreg $0x9  }
0xb3: {  	_ =	task.clear_ibuf [dreg:s7], $0x7FFFF;
	_ =	strace $0x90000049  }
0xb4: {  	s29 =	simm.s32 $0x9;
	_ =	strace $0x8000004B  }
0xb5: {  	_ =	swait.ge [sflag:s29], $0x1  }
0xb6: {  	[sflag:s29] =	ssyncadd.s32 $0xFFFFFFFF  }
0xb7: {  	_ =	strace $0x9000004B  }
0xb8: {  	_ =	sfence  }
0xb9: {  	s30 =	sld [smem:$0x0];
	_ =	sdelay $0x2  }
0xba: {  	s31 =	sshll.u32 s1, $0xD;
	s1 =	sshrl.u32 s1, $0x2  }
0xbb: {  	s3 =	sand.u32 $0x4000, s31;
	s1 =	sadd.s32 s1, s30  }
0xbc: {  	s0 =	sor.u32 s3, s0;
	s1 =	sshll.u32 s1, $0x11  }
0xbd: {  	s0 =	sor.u32 s1, s0  }
0xbe: {  	s0 =	sadd.s32 $0x8F2B, s0  }
0xbf: {  	[sflag:s0] =	ssyncadd.remote.s32 $0x1  }
0xc0: {  	_ =	sfence.sel $0xFFFF  }
0xc1: {  	[dreg:$0x0] =	wrdreg $0xFFFFFFFF;
	(pc) =	sbr.abs _section_cstart, $3  }
0xc2: {  	[dreg:$0x1] =	wrdreg $0xFFFFFFFF  }
0xc3: {  	_ =	task.clear_ibuf [dreg:s7], $0x2FFFF;
	_ =	strace $0x9FFFFFFF  }
0xc4: {  	(tm) =	ssettm $0x7FFFFFFF  }
0xc5: {  	_ =	shalt  }
tec
execute0_lowered:
.L_overlay_start_1:
0x0: {  	(tag) =	ssettag $0x1  }
0x1: {  	s0 =	rddreg [dreg:$0x0]  }
0x2: {  	s2 =	rddreg [dreg:$0x1]  }
0x3: {  	s1 =	rddreg [dreg:$0x2]  }
0x4: {  	s3 =	rddreg [dreg:$0x3];
	s4 =	simm.s32 $0x0  }
0x5: {  	s14 =	stileid.u32;
	s6 =	srdreg.scid;
	s19 =	simm.s32 $0x1  }
0x6: {  	[smem:$0x7FF] =	sst s4;
	s21 =	smul.u32 $0x1880, s14;
	s5 =	sadd.s32 $0x64600, s0  }
0x7: {  	s8 =	sand.u32 $0x1, s6;
	s9 =	smul.u32 $0x3100, s14;
	s6 =	sadd.s32 $0x2A00, s0  }
0x8: {  	s7 =	sadd.s32 $0xC6200, s0;
	s25 =	sshll.u32 s14, $0x6;
	_ =	strace $0x8000004A  }
0x9: {  	s10 =	sshll.u32 s8, $0x7;
	s22 =	ssub.s32 $0x2, s8;
	s8 =	sshll.u32 s8, $0x4  }
0xa: {  	[dreg:$0x5] =	wrdreg s25;
	s11 =	sshrl.u32 s21, $0x3;
	s9 =	sor.u32 s10, s9  }
0xb: {  	s13 =	sshrl.u32 s22, $0x1;
	s8 =	sor.u32 s14, s8;
	s24 =	sadd.s32 s21, s1  }
0xc: {  	s10 =	sor.u32 $0x1C01, s25;
	s4 =	sadd.s32 s21, s3;
	s21 =	simm.s32 $0x80  }
0xd: {  	s12 =	sadd.s32 s11, s0;
	[dreg:$0x7] =	wrdreg s10;
	s2 =	sadd.s32 s2, s11  }
0xe: {  	s23 =	ssub.s32 s22, s13;
	s31 =	sshrl.u32 s24, $0x3;
	[dreg:$0x8] =	wrdreg s2  }
0xf: {  	s26 =	smul.u32 $0x3100, s8;
	s12 =	sadd.s32 $0xC6400, s12;
	[dreg:$0xd] =	wrdreg s31  }
0x10: {  	s9 =	sshrl.u32 s9, $0x3;
	s30 =	smax.u32 s23, $0x1;
	[dreg:$0x6] =	wrdreg s12  }
.Ltmp0:
0x11: {  	s28 =	sadd.s32 s5, s26;
	[dreg:$0xc] =	wrdreg s30;
	(pc) =	sbr.rel .LBB2_1-.Ltmp0, $4  }
0x12: {  	s0 =	sadd.s32 s9, s0;
	s29 =	sadd.s32 s6, s26;
	[dreg:$0x9] =	wrdreg s28  }
0x13: {  	s22 =	simm.s32 $0x2;
	s0 =	sadd.s32 $0xC9600, s0;
	[dreg:$0xa] =	wrdreg s29  }
0x14: {  	s12 =	smul.u32 $0x310, s8;
	s8 =	sshrl.u32 s4, $0x3;
	[dreg:$0xb] =	wrdreg s0  }
0x15: {  	s23 =	simm.s32 $0x3;
	s4 =	simm.s32 $0x0;
	[dreg:$0xe] =	wrdreg s8  }
.LBB2_5:
0x16: {  	_ =	swait.ge [sflag:s23], $0x80  }
0x17: {  	[sflag:s23] =	ssyncset.done $0x0  }
0x18: {  	[sflag:s23] =	ssyncadd.s32 $0xFFFFFF80  }
0x19: {  	_ =	swait.ge [sflag:s23], $0x80  }
0x1a: {  	[sflag:s23] =	ssyncset.done $0x0  }
0x1b: {  	[sflag:s23] =	ssyncadd.s32 $0xFFFFFF80  }
0x1c: {  	_ =	swait.ge [sflag:s23], $0x80  }
0x1d: {  	[sflag:s23] =	ssyncset.done $0x0  }
0x1e: {  	[sflag:s23] =	ssyncadd.s32 $0xFFFFFF80  }
0x1f: {  	_ =	swait.ge [sflag:s23], $0x80  }
0x20: {  	[sflag:s23] =	ssyncset.done $0x0  }
0x21: {  	[sflag:s23] =	ssyncadd.s32 $0xFFFFFF80  }
0x22: {  	_ =	swait.ge [sflag:s23], $0x80  }
0x23: {  	[sflag:s23] =	ssyncset.done $0x0  }
0x24: {  	[sflag:s23] =	ssyncadd.s32 $0xFFFFFF80  }
0x25: {  	_ =	swait.ge [sflag:s23], $0x80  }
0x26: {  	[sflag:s23] =	ssyncset.done $0x0  }
0x27: {  	[sflag:s23] =	ssyncadd.s32 $0xFFFFFF80  }
0x28: {  	_ =	swait.ge [sflag:s23], $0x80  }
0x29: {  	[sflag:s23] =	ssyncset.done $0x0  }
0x2a: {  	[sflag:s23] =	ssyncadd.s32 $0xFFFFFF80  }
0x2b: {  	_ =	swait.ge [sflag:s23], $0x80  }
0x2c: {  	[sflag:s23] =	ssyncset.done $0x0  }
0x2d: {  	[sflag:s23] =	ssyncadd.s32 $0xFFFFFF80  }
0x2e: {  	_ =	swait.ge [sflag:s23], $0x80  }
0x2f: {  	[sflag:s23] =	ssyncset.done $0x0  }
0x30: {  	[sflag:s23] =	ssyncadd.s32 $0xFFFFFF80  }
0x31: {  	_ =	swait.ge [sflag:s23], $0x80  }
0x32: {  	[sflag:s23] =	ssyncset.done $0x0  }
0x33: {  	[sflag:s23] =	ssyncadd.s32 $0xFFFFFF80  }
0x34: {  	_ =	swait.ge [sflag:s23], $0x80  }
0x35: {  	[sflag:s23] =	ssyncset.done $0x0  }
0x36: {  	[sflag:s23] =	ssyncadd.s32 $0xFFFFFF80  }
0x37: {  	_ =	swait.ge [sflag:s23], $0x80  }
0x38: {  	[sflag:s23] =	ssyncset.done $0x0  }
0x39: {  	[sflag:s23] =	ssyncadd.s32 $0xFFFFFF80  }
0x3a: {  	_ =	swait.ge [sflag:s23], $0x80  }
0x3b: {  	[sflag:s23] =	ssyncset.done $0x0  }
0x3c: {  	[sflag:s23] =	ssyncadd.s32 $0xFFFFFF80  }
0x3d: {  	_ =	swait.ge [sflag:s23], $0x80  }
0x3e: {  	[sflag:s23] =	ssyncset.done $0x0  }
0x3f: {  	[sflag:s23] =	ssyncadd.s32 $0xFFFFFF80  }
0x40: {  	_ =	swait.ge [sflag:s23], $0x80  }
0x41: {  	[sflag:s23] =	ssyncset.done $0x0  }
0x42: {  	[sflag:s23] =	ssyncadd.s32 $0xFFFFFF80  }
0x43: {  	_ =	swait.ge [sflag:s23], $0x80  }
0x44: {  	[sflag:s23] =	ssyncset.done $0x0  }
0x45: {  	[sflag:s23] =	ssyncadd.s32 $0xFFFFFF80  }
0x46: {  	_ =	swait.ge [sflag:s23], $0x80  }
0x47: {  	[sflag:s23] =	ssyncset.done $0x0  }
0x48: {  	[sflag:s23] =	ssyncadd.s32 $0xFFFFFF80  }
0x49: {  	_ =	swait.ge [sflag:s23], $0x80  }
0x4a: {  	[sflag:s23] =	ssyncset.done $0x0  }
0x4b: {  	[sflag:s23] =	ssyncadd.s32 $0xFFFFFF80  }
0x4c: {  	_ =	swait.ge [sflag:s23], $0x80  }
0x4d: {  	[sflag:s23] =	ssyncset.done $0x0  }
0x4e: {  	[sflag:s23] =	ssyncadd.s32 $0xFFFFFF80  }
0x4f: {  	_ =	swait.ge [sflag:s23], $0x80  }
0x50: {  	[sflag:s23] =	ssyncset.done $0x0  }
0x51: {  	[sflag:s23] =	ssyncadd.s32 $0xFFFFFF80  }
0x52: {  	_ =	swait.ge [sflag:s23], $0x80  }
0x53: {  	[sflag:s23] =	ssyncset.done $0x0  }
0x54: {  	[sflag:s23] =	ssyncadd.s32 $0xFFFFFF80  }
0x55: {  	_ =	swait.ge [sflag:s23], $0x80  }
0x56: {  	[sflag:s23] =	ssyncset.done $0x0  }
0x57: {  	[sflag:s23] =	ssyncadd.s32 $0xFFFFFF80  }
0x58: {  	_ =	swait.ge [sflag:s23], $0x80  }
0x59: {  	[sflag:s23] =	ssyncset.done $0x0  }
0x5a: {  	[sflag:s23] =	ssyncadd.s32 $0xFFFFFF80  }
0x5b: {  	_ =	swait.ge [sflag:s23], $0x80  }
0x5c: {  	[sflag:s23] =	ssyncset.done $0x0  }
0x5d: {  	[sflag:s23] =	ssyncadd.s32 $0xFFFFFF80  }
0x5e: {  	[bflag:$0x0] =	sbarrier.arrive $0xFFFF  }
0x5f: {  	s0 =	rddreg [dreg:$0x5]  }
0x60: {  	s4 =	simm.s32 $0x20;
	s9 =	simm.s32 $0x10;
	s2 =	rddreg [dreg:$0xb]  }
0x61: {  	s29 =	simm.s32 $0x4;
	s8 =	rddreg [dreg:$0xe];
	s0 =	sor.u32 $0x1C04, s0  }
0x62: {  	[hbm:s2@s4], [sflag:s0] =	dma.strided [spmem:s8@s9], $0x310, s19, $0x10   }
0x63: {  	_ =	swait.ge [sflag:s29], $0x310  }
0x64: {  	s30 =	rddreg [dreg:$0xf]  }
0x65: {  	s31 =	rddreg [dreg:$0xc];
	s4 =	sadd.s32 $0x1, s30  }
0x66: {  	p0 =	sne.s32 s4, s31  }
.Ltmp1:
0x67: {  	_ = 	snop;
	(pc) =	sbr.rel @!p0 .LBB2_6-.Ltmp1, $3  }
0x68: {  	_ =	sdelay $0x1  }
0x69: {  	[sflag:s29] =	ssyncset.done $0x0  }
0x6a: {  	[sflag:s29] =	ssyncadd.s32 $0xFFFFFCF0  }
.LBB2_1:
0x6b: {  	[dreg:$0xf] =	wrdreg s4  }
0x6c: {  	s0 =	rddreg [dreg:$0x6]  }
0x6d: {  	s2 =	rddreg [dreg:$0x7]  }
0x6e: {  	s26 =	rddreg [dreg:$0xd]  }
0x6f: {  	[spmem:s26], [sflag:s2] =	dma.local [hbm:s0], $0x310  }
0x70: {  	s0 =	rddreg [dreg:$0x8]  }
0x71: {  	[spmem:s8], [sflag:s2] =	dma.local [hbm:s0], $0x310  }
0x72: {  	_ =	swait.ge [sflag:s19], $0x310  }
0x73: {  	[sflag:s19] =	ssyncset.done $0x0  }
0x74: {  	[sflag:s19] =	ssyncadd.s32 $0xFFFFFCF0  }
0x75: {  	_ =	swait.ge [sflag:s19], $0x310  }
0x76: {  	[sflag:s19] =	ssyncset.done $0x0  }
0x77: {  	[sflag:s19] =	ssyncadd.s32 $0xFFFFFCF0  }
.Ltmp2:
0x78: {  	[bflag:$0x0] =	sbarrier.arrive $0xFFFF;
	(pc) =	sbr.rel .LBB2_2-.Ltmp2, $4  }
0x79: {  	s28 =	simm.s32 $0x0;
	s29 =	rddreg [dreg:$0x9]  }
0x7a: {  	[tilespmem:s28], [sflag:$0x1] =	stream.linear.gather [hbm4b:s29+s28], $0x400, $0x38;
	[tilespmem:$0x6100] =	vst v63  }
0x7b: {  	s31 =	simm.s32 $0x1000;
	s17 =	simm.s32 $0x0;
	s30 =	rddreg [dreg:$0xa]  }
0x7c: {  	[tilespmem:s31], [sflag:$0x1] =	stream.linear.gather [hbm4b:s30+s28], $0x400, $0x38;
	[tilespmem:$0x6100] =	vst v63  }
.LBB2_4:
0x7d: {  	_ =	swait.ge [sflag:s22], $0x80  }
0x7e: {  	[sflag:s22] =	ssyncset.done $0x0  }
0x7f: {  	[sflag:s22] =	ssyncadd.s32 $0xFFFFFF80  }
0x80: {  	_ =	swait.ge [sflag:s22], $0x80  }
0x81: {  	[sflag:s22] =	ssyncset.done $0x0  }
0x82: {  	[sflag:s22] =	ssyncadd.s32 $0xFFFFFF80  }
0x83: {  	_ =	swait.ge [sflag:s22], $0x80  }
0x84: {  	[sflag:s22] =	ssyncset.done $0x0  }
0x85: {  	[sflag:s22] =	ssyncadd.s32 $0xFFFFFF80  }
0x86: {  	_ =	swait.ge [sflag:s22], $0x80  }
0x87: {  	[sflag:s22] =	ssyncset.done $0x0  }
0x88: {  	[sflag:s22] =	ssyncadd.s32 $0xFFFFFF80  }
0x89: {  	_ =	swait.ge [sflag:s22], $0x80  }
0x8a: {  	[sflag:s22] =	ssyncset.done $0x0  }
0x8b: {  	[sflag:s22] =	ssyncadd.s32 $0xFFFFFF80  }
0x8c: {  	_ =	swait.ge [sflag:s22], $0x80  }
0x8d: {  	[sflag:s22] =	ssyncset.done $0x0  }
0x8e: {  	[sflag:s22] =	ssyncadd.s32 $0xFFFFFF80  }
0x8f: {  	_ =	swait.ge [sflag:s22], $0x80  }
0x90: {  	[sflag:s22] =	ssyncset.done $0x0  }
0x91: {  	[sflag:s22] =	ssyncadd.s32 $0xFFFFFF80  }
0x92: {  	_ =	swait.ge [sflag:s22], $0x80  }
0x93: {  	[sflag:s22] =	ssyncset.done $0x0  }
0x94: {  	s10 =	sor.u32 $0x1000, s29;
	[sflag:s22] =	ssyncadd.s32 $0xFFFFFF80  }
0x95: {  	[spmem:s3] =	stream.indirect.scatter.add.f32 [tilespmem:s30], [sflag:$0x3], $0x1, s10, s21, $0xb8;
	[tilespmem:$0x6100] =	vst v63  }
0x96: {  	s17 =	sor.u32 $0x1000, s31  }
0x97: {  	[spmem:s3] =	stream.indirect.scatter.add.f32 [tilespmem:s0], [sflag:$0x3], $0x1, s17, s21, $0xb8;
	[tilespmem:$0x6100] =	vst v63  }
0x98: {  	s18 =	sor.u32 $0x1000, s2  }
0x99: {  	[spmem:s3] =	stream.indirect.scatter.add.f32 [tilespmem:s20], [sflag:$0x3], $0x1, s18, s21, $0xb8;
	[tilespmem:$0x6100] =	vst v63  }
0x9a: {  	s24 =	sor.u32 $0x1000, s24  }
0x9b: {  	[spmem:s3] =	stream.indirect.scatter.add.f32 [tilespmem:s25], [sflag:$0x3], $0x1, s24, s21, $0xb8;
	[tilespmem:$0x6100] =	vst v63  }
0x9c: {  	s28 =	sor.u32 $0x1000, s4  }
0x9d: {  	[spmem:s3] =	stream.indirect.scatter.add.f32 [tilespmem:s9], [sflag:$0x3], $0x1, s28, s21, $0xb8;
	[tilespmem:$0x6100] =	vst v63  }
0x9e: {  	s29 =	sor.u32 $0x1000, s11;
	p0 =	sne.s32 s26, $0x62  }
0x9f: {  	[spmem:s3] =	stream.indirect.scatter.add.f32 [tilespmem:s13], [sflag:$0x3], $0x1, s29, s21, $0xb8;
	[tilespmem:$0x6100] =	vst v63  }
.Ltmp3:
0xa0: {  	_ = 	snop;
	(pc) =	sbr.rel @!p0 .LBB2_5-.Ltmp3, $4  }
0xa1: {  	s30 =	sor.u32 $0x1000, s8  }
0xa2: {  	[spmem:s3] =	stream.indirect.scatter.add.f32 [tilespmem:s14], [sflag:$0x3], $0x1, s30, s21, $0xb8;
	[tilespmem:$0x6100] =	vst v63  }
0xa3: {  	s31 =	sor.u32 $0x1000, s15;
	s17 =	smov.u32 s26  }
0xa4: {  	[spmem:s3] =	stream.indirect.scatter.add.f32 [tilespmem:s16], [sflag:$0x3], $0x1, s31, s21, $0xb8;
	[tilespmem:$0x6100] =	vst v63  }
.LBB2_2:
0xa5: {  	_ =	swait.ge [sflag:s19], $0x400  }
0xa6: {  	[sflag:s19] =	ssyncset.done $0x0  }
0xa7: {  	[sflag:s19] =	ssyncadd.s32 $0xFFFFFC00  }
0xa8: {  	s0 =	sshll.u32 s17, $0xA;
	_ =	swait.ge [sflag:s19], $0x400  }
0xa9: {  	s29 =	sand.u32 $0xC00, s0;
	[sflag:s19] =	ssyncset.done $0x0  }
0xaa: {  	s30 =	sor.u32 $0x2000, s29;
	[sflag:s19] =	ssyncadd.s32 $0xFFFFFC00  }
0xab: {  	[tilespmem:s30], [sflag:$0x2] =	stream.indirect.gather [spmem:s1], $0x1, s29, s21, $0xb8;
	[tilespmem:$0x6100] =	vst v63  }
0xac: {  	s31 =	sor.u32 $0x80, s29;
	s0 =	sor.u32 $0x2080, s29  }
0xad: {  	[tilespmem:s0], [sflag:$0x2] =	stream.indirect.gather [spmem:s1], $0x1, s31, s21, $0xb8;
	[tilespmem:$0x6100] =	vst v63  }
0xae: {  	s2 =	sor.u32 $0x100, s29;
	s20 =	sor.u32 $0x2100, s29  }
0xaf: {  	[tilespmem:s20], [sflag:$0x2] =	stream.indirect.gather [spmem:s1], $0x1, s2, s21, $0xb8;
	[tilespmem:$0x6100] =	vst v63  }
0xb0: {  	s24 =	sor.u32 $0x180, s29;
	s25 =	sor.u32 $0x2180, s29  }
0xb1: {  	[tilespmem:s25], [sflag:$0x2] =	stream.indirect.gather [spmem:s1], $0x1, s24, s21, $0xb8;
	[tilespmem:$0x6100] =	vst v63  }
0xb2: {  	s4 =	sor.u32 $0x200, s29;
	s9 =	sor.u32 $0x2200, s29  }
0xb3: {  	[tilespmem:s9], [sflag:$0x2] =	stream.indirect.gather [spmem:s1], $0x1, s4, s21, $0xb8;
	[tilespmem:$0x6100] =	vst v63  }
0xb4: {  	s11 =	sor.u32 $0x280, s29;
	s13 =	sor.u32 $0x2280, s29  }
0xb5: {  	[tilespmem:s13], [sflag:$0x2] =	stream.indirect.gather [spmem:s1], $0x1, s11, s21, $0xb8;
	[tilespmem:$0x6100] =	vst v63  }
0xb6: {  	p0 =	slt.u32 s17, $0x3;
	s8 =	sor.u32 $0x300, s29;
	s14 =	sor.u32 $0x2300, s29  }
0xb7: {  	[tilespmem:s14], [sflag:$0x2] =	stream.indirect.gather [spmem:s1], $0x1, s8, s21, $0xb8;
	[tilespmem:$0x6100] =	vst v63  }
0xb8: {  	s26 =	simm.s32 @!p0 $0x3;
	s15 =	sor.u32 $0x380, s29;
	s16 =	sor.u32 $0x2380, s29  }
0xb9: {  	[tilespmem:s16], [sflag:$0x2] =	stream.indirect.gather [spmem:s1], $0x1, s15, s21, $0xb8;
	[tilespmem:$0x6100] =	vst v63  }
0xba: {  	_ =	swait.ge @!p0 [sflag:s26], $0x80  }
0xbb: {  	[sflag:s26] =	ssyncset.done @!p0 $0x0  }
0xbc: {  	[sflag:s26] =	ssyncadd.s32 @!p0 $0xFFFFFF80  }
0xbd: {  	_ =	swait.ge @!p0 [sflag:s26], $0x80  }
0xbe: {  	[sflag:s26] =	ssyncset.done @!p0 $0x0  }
0xbf: {  	[sflag:s26] =	ssyncadd.s32 @!p0 $0xFFFFFF80  }
0xc0: {  	_ =	swait.ge @!p0 [sflag:s26], $0x80  }
0xc1: {  	[sflag:s26] =	ssyncset.done @!p0 $0x0  }
0xc2: {  	[sflag:s26] =	ssyncadd.s32 @!p0 $0xFFFFFF80  }
0xc3: {  	_ =	swait.ge @!p0 [sflag:s26], $0x80  }
0xc4: {  	[sflag:s26] =	ssyncset.done @!p0 $0x0  }
0xc5: {  	[sflag:s26] =	ssyncadd.s32 @!p0 $0xFFFFFF80  }
0xc6: {  	_ =	swait.ge @!p0 [sflag:s26], $0x80  }
0xc7: {  	[sflag:s26] =	ssyncset.done @!p0 $0x0  }
0xc8: {  	[sflag:s26] =	ssyncadd.s32 @!p0 $0xFFFFFF80  }
0xc9: {  	_ =	swait.ge @!p0 [sflag:s26], $0x80  }
0xca: {  	[sflag:s26] =	ssyncset.done @!p0 $0x0  }
0xcb: {  	p1 =	seq.s32 @!p0 s17, $0x61;
	[sflag:s26] =	ssyncadd.s32 @!p0 $0xFFFFFF80  }
0xcc: {  	p1 =	por p0, !p1;
	_ =	swait.ge @!p0 [sflag:s26], $0x80  }
.Ltmp4:
0xcd: {  	[sflag:s26] =	ssyncset.done @!p0 $0x0;
	(pc) =	sbr.rel @!p1 .LBB2_4-.Ltmp4, $4  }
0xce: {  	[sflag:s26] =	ssyncadd.s32 @!p0 $0xFFFFFF80  }
0xcf: {  	_ =	swait.ge @!p0 [sflag:s26], $0x80  }
0xd0: {  	[sflag:s26] =	ssyncset.done @!p0 $0x0  }
0xd1: {  	[sflag:s26] =	ssyncadd.s32 @!p0 $0xFFFFFF80;
	s26 =	simm.s32 @!p0 $0x62  }
0xd2: {  	s26 =	sadd.s32 $0x1, s17  }
0xd3: {  	s17 =	sshll.u32 s26, $0x3  }
0xd4: {  	s17 =	sadd.s32 s12, s17  }
0xd5: {  	s10 =	sshll.u32 s26, $0xA;
	p0 =	sgt.u32 s17, $0x61A7  }
0xd6: {  	s10 =	sand.u32 $0xC00, s10;
	s18 =	simm.s32 @p0 $0x0  }
0xd7: {  	[tilespmem:s10], [sflag:$0x1] =	stream.linear.gather @p0 [hbm4b:s7+s18], $0x400, $0x38;
	[tilespmem:$0x6100] =	vst v63  }
0xd8: {  	s28 =	sor.u32 @p0 $0x1000, s10  }
0xd9: {  	[tilespmem:s28], [sflag:$0x1] =	stream.linear.gather @p0 [hbm4b:s7+s18], $0x400, $0x38;
	[tilespmem:$0x6100] =	vst v63  }
.Ltmp5:
0xda: {  	s17 =	sshll.u32 @!p0 s17, $0x4;
	(pc) =	sbr.rel .LBB2_4-.Ltmp5, $4  }
0xdb: {  	s18 =	sadd.s32 @!p0 s5, s17;
	s28 =	simm.s32 @!p0 $0x0  }
0xdc: {  	[tilespmem:s10], [sflag:$0x1] =	stream.linear.gather @!p0 [hbm4b:s18+s28], $0x400, $0x38;
	[tilespmem:$0x6100] =	vst v63  }
0xdd: {  	s17 =	sadd.s32 @!p0 s6, s17;
	s10 =	sor.u32 @!p0 $0x1000, s10  }
0xde: {  	[tilespmem:s10], [sflag:$0x1] =	stream.linear.gather @!p0 [hbm4b:s17+s28], $0x400, $0x38;
	[tilespmem:$0x6100] =	vst v63  }
.LBB2_6:
0xdf: {  	_ =	sfence.sel $0x180000  }
0xe0: {  	[bflag:$0x0] =	sbarrier.arrive $0xFFFF  }
0xe1: {  	_ =	strace $0x9000004A  }
0xe2: {  	s0 =	stileid.u32;
	[bflag:$0x2] =	sbarrier.arrive $0xFFFF  }
0xe3: {  	p0 =	sne.s32 s0, $0x0;
	s0 =	rddreg [dreg:$0x4]  }
0xe4: {  	s0 =	sadd.s32 @!p0 $0x100000, s0  }
0xe5: {  	[sflag:s0] =	ssyncadd.tile.s32 @!p0 $0x1;
	_ =	shalt  }
.Lfunc_end2:
_tile_overlayer_lowered:
.L_overlay_start_2:
0xe6: {  	(tag) =	ssettag $0x2  }
0xe7: {  	s0 =	rddreg [dreg:$0x0];
	s2 =	stileid.u32  }
0xe8: {  	s1 =	rddreg [dreg:$0x1];
	p0 =	sne.s32 s2, $0x0  }
0xe9: {  	s3 =	rddreg [dreg:$0x2];
	[bflag:$0x3] =	sbarrier.arrive $0xFFFF;
	s2 =	simm.s32 @!p0 $0x1C04  }
0xea: {  	[timem:s3], [sflag:s2] =	dma.local @!p0 [hbm:s0], s1  }
0xeb: {  	s0 =	simm.s32 @!p0 $0x4  }
0xec: {  	_ =	swait.ge @!p0 [sflag:s0], s1  }
0xed: {  	s1 =	ssub.s32 @!p0 $0x0, s1;
	[sflag:s0] =	ssyncset.done @!p0 $0x0  }
0xee: {  	[sflag:s0] =	ssyncadd.s32 @!p0 s1  }
0xef: {  	[bflag:$0x3] =	sbarrier.arrive $0xFFFF  }
0xf0: {  	_ =	shalt  }

// kernel: kernel.14.cloned.1.call-start
scs
__scs_entry_jumppad:
0x0: {  	(pc) =	sbr.rel $0x88, $3  }
0x1: {  	(tag) =	ssettag $0x0;
	lr =	simm.s32 $0x1  }
0x2: {  	[smem:$0x3F9B] =	sst lr;
	_ =	strace $0xD0000000  }
0x3: {  	_ = 	snop  }
0x4: {  	_ = 	snop  }
0x5: {  	_ = 	snop  }
0x6: {  	_ = 	snop  }
0x7: {  	_ = 	snop  }
__scs_overlays_trampoline_lowered:
0x8: {  	[smem:$0x3FAA] =	sst s0  }
0x9: {  	[smem:$0x3FAB] =	sst s1  }
0xa: {  	[smem:$0x3FAC] =	sst s2  }
0xb: {  	[smem:$0x3FAD] =	sst s3  }
0xc: {  	[smem:$0x3FAE] =	sst s4  }
0xd: {  	[smem:$0x3FAF] =	sst s5  }
0xe: {  	[smem:$0x3FB0] =	sst s6  }
0xf: {  	[smem:$0x3FB1] =	sst s7  }
0x10: {  	[smem:$0x3FB2] =	sst s8  }
0x11: {  	[smem:$0x3FB3] =	sst s9;
	s0 =	simm.s32 @!p0 $0x0  }
0x12: {  	s1 =	sld [smem:$0x3F99];
	s0 =	simm.s32 @p0 $0x1  }
0x13: {  	[smem:$0x3FB4] =	sst s0;
	s0 =	simm.s32 @!p1 $0x0  }
0x14: {  	s2 =	sld [smem:$0x3F98];
	s0 =	simm.s32 @p1 $0x1  }
0x15: {  	[smem:$0x3FB5] =	sst s0;
	s0 =	simm.s32 @!p2 $0x0  }
0x16: {  	s3 =	sld [smem:$0x3FDB];
	s0 =	simm.s32 @p2 $0x1  }
0x17: {  	s4 =	simm.s32 $0x1BF5;
	[smem:$0x3FB7] =	sst s0  }
0x18: {  	s0 =	sld [smem:$0x3F9A];
	_ =	swait.ge [sflag:s4], $0x0  }
0x19: {  	s7 =	sld [smem:$0x3F9B]  }
0x1a: {  	s8 =	sadd.s32 $0xFFFFE003, lr  }
0x1b: {  	s9 =	sadd.s32 $0xFFFFFEF7, lr;
	s5 =	simm.s32 $0xFFFFFFFF;
	p2 =	slt.u32 s8, $0xFFFFF086  }
0x1c: {  	p1 =	slt.u32 s9, $0xF7A;
	s5 =	simm.s32 @!p2 $0x0  }
0x1d: {  	s5 =	simm.s32 @p1 $0x1;
	p0 =	seq.s32 s7, s2  }
0x1e: {  	s7 =	smul.u32 @!p0 $0xF7A, s2;
	p2 =	seq.s32 @!p0 s5, $0x0  }
0x1f: {  	s9 =	smul.u32 $0xF7A, s1;
	s8 =	simm.s32 @!p0 $0x1BF5;
	p2 =	por !p2, p0  }
0x20: {  	[sflag:s8] =	ssyncset.s32 @!p0 $0xFFFFF086;
	s6 =	sadd.s32 @!p0 s3, s7;
	s7 =	simm.s32 @!p0 $0x108  }
0x21: {  	s3 =	sadd.s32 s3, s9;
	s6 =	sadd.s32 @!p0 $0x88, s6;
	s7 =	simm.s32 @p2 $0x1082  }
0x22: {  	[simem:s7], [sflag:s8] =	dma.local @!p0 [hbm:s6], $0xF7A  }
0x23: {  	s9 =	sor.u32 $0xD0000000, s2;
	s6 =	simm.s32 $0x108;
	_ =	swait.ge @!p0 [sflag:s8], $0x0  }
0x24: {  	s3 =	sadd.s32 $0x88, s3;
	s6 =	simm.s32 @!p1 $0x1082;
	[sflag:s4] =	ssyncset.s32 $0xFFFFF086  }
0x25: {  	[simem:s6], [sflag:s4] =	dma.local [hbm:s3], $0xF7A  }
0x26: {  	[smem:$0x3F9B] =	sst s1;
	(tag) =	ssettag s2;
	_ =	strace s9  }
0x27: {  	s1 =	sld [smem:$0x3FAB]  }
0x28: {  	s2 =	sld [smem:$0x3FAC]  }
0x29: {  	s4 =	sld [smem:$0x3FAE]  }
0x2a: {  	p0 =	seq.s32 s5, $0x0;
	s5 =	sld [smem:$0x3FAF]  }
0x2b: {  	s6 =	sld [smem:$0x3FB0]  }
0x2c: {  	s7 =	sld [smem:$0x3FB1]  }
0x2d: {  	s3 =	simm.s32 $0x108;
	s8 =	sld [smem:$0x3FB2]  }
0x2e: {  	s3 =	simm.s32 @!p0 $0x1082;
	s9 =	sld [smem:$0x3FB3]  }
0x2f: {  	lr =	sadd.s32 s0, s3;
	s0 =	sld [smem:$0x3FAA]  }
0x30: {  	s3 =	sld [smem:$0x3FAD]  }
0x31: {  	[smem:$0x3FB6] =	sst s10  }
0x32: {  	s10 =	sld [smem:$0x3FB4];
	_ =	sdelay $0x3  }
0x33: {  	p0 =	seq.s32 s10, $0x1;
	s10 =	sld [smem:$0x3FB6];
	_ =	sdelay $0x3  }
0x34: {  	[smem:$0x3FB6] =	sst s10  }
0x35: {  	s10 =	sld [smem:$0x3FB5];
	_ =	sdelay $0x3  }
0x36: {  	p1 =	seq.s32 s10, $0x1;
	s10 =	sld [smem:$0x3FB6];
	_ =	sdelay $0x3  }
0x37: {  	[smem:$0x3FB6] =	sst s10  }
0x38: {  	s10 =	sld [smem:$0x3FB7]  }
0x39: {  	_ = 	snop;
	(pc) =	sbr.ind lr, $3  }
0x3a: {  	_ = 	snop  }
0x3b: {  	_ = 	snop  }
0x3c: {  	p2 =	seq.s32 s10, $0x1;
	s10 =	sld [smem:$0x3FB6]  }
0x3d: {  	_ =	shalt  }
0x3e: {  	_ =	shalt  }
0x3f: {  	_ =	shalt  }
0x40: {  	_ =	shalt  }
0x41: {  	_ =	shalt  }
0x42: {  	_ =	shalt  }
0x43: {  	_ =	shalt  }
0x44: {  	_ =	shalt  }
0x45: {  	_ =	shalt  }
0x46: {  	_ =	shalt  }
0x47: {  	_ =	shalt  }
0x48: {  	_ =	shalt  }
0x49: {  	_ =	shalt  }
0x4a: {  	_ =	shalt  }
0x4b: {  	_ =	shalt  }
0x4c: {  	_ =	shalt  }
0x4d: {  	_ =	shalt  }
0x4e: {  	_ =	shalt  }
0x4f: {  	_ =	shalt  }
0x50: {  	_ =	shalt  }
0x51: {  	_ =	shalt  }
0x52: {  	_ =	shalt  }
0x53: {  	_ =	shalt  }
0x54: {  	_ =	shalt  }
0x55: {  	_ =	shalt  }
0x56: {  	_ =	shalt  }
0x57: {  	_ =	shalt  }
0x58: {  	_ =	shalt  }
0x59: {  	_ =	shalt  }
0x5a: {  	_ =	shalt  }
0x5b: {  	_ =	shalt  }
0x5c: {  	_ =	shalt  }
0x5d: {  	_ =	shalt  }
0x5e: {  	_ =	shalt  }
0x5f: {  	_ =	shalt  }
0x60: {  	_ =	shalt  }
0x61: {  	_ =	shalt  }
0x62: {  	_ =	shalt  }
0x63: {  	_ =	shalt  }
0x64: {  	_ =	shalt  }
0x65: {  	_ =	shalt  }
0x66: {  	_ =	shalt  }
0x67: {  	_ =	shalt  }
0x68: {  	_ =	shalt  }
0x69: {  	_ =	shalt  }
0x6a: {  	_ =	shalt  }
0x6b: {  	_ =	shalt  }
0x6c: {  	_ =	shalt  }
0x6d: {  	_ =	shalt  }
0x6e: {  	_ =	shalt  }
0x6f: {  	_ =	shalt  }
0x70: {  	_ =	shalt  }
0x71: {  	_ =	shalt  }
0x72: {  	_ =	shalt  }
0x73: {  	_ =	shalt  }
0x74: {  	_ =	shalt  }
0x75: {  	_ =	shalt  }
0x76: {  	_ =	shalt  }
0x77: {  	_ =	shalt  }
0x78: {  	_ =	shalt  }
0x79: {  	_ =	shalt  }
0x7a: {  	_ =	shalt  }
0x7b: {  	_ =	shalt  }
0x7c: {  	_ =	shalt  }
0x7d: {  	_ =	shalt  }
0x7e: {  	_ =	shalt  }
0x7f: {  	_ =	shalt  }
0x80: {  	_ =	shalt  }
0x81: {  	_ =	shalt  }
0x82: {  	_ =	shalt  }
0x83: {  	_ =	shalt  }
0x84: {  	_ =	shalt  }
0x85: {  	_ =	shalt  }
0x86: {  	_ =	shalt  }
0x87: {  	_ =	shalt  }
.Lfunc_end0:
.L_simem_size_0:
called_computation.2_lowered:
.L_overlay_start_0:
0x88: {  	s2 =	sld [smem:$0x3FD9]  }
0x89: {  	s3 =	sld [smem:$0x3FFE];
	_ =	sdelay $0x1  }
0x8a: {  	s1 =	srdreg.scid  }
0x8b: {  	s0 =	sand.u32 $0x1, s1  }
0x8c: {  	s17 =	sshll.u32 s0, $0xA;
	s2 =	sadd.s32 s3, s2  }
0x8d: {  	s2 =	sadd.s32 s2, s17  }
0x8e: {  	[smem:$0x3FC2] =	sst s2  }
0x8f: {  	_ = 	snop  }
0x90: {  	s2 =	sld [smem:$0x3FD0];
	(tm) =	ssettm $0x1  }
0x91: {  	s18 =	sld [smem:$0x3FFB];
	_ =	sdelay $0x3  }
0x92: {  	_ =	strace s18  }
0x93: {  	s3 =	sld [smem:$0x3FFC];
	_ =	sdelay $0x3  }
0x94: {  	_ =	strace s3  }
0x95: {  	s3 =	sld [smem:$0x3FFD];
	_ =	sdelay $0x3  }
0x96: {  	_ =	strace s3  }
0x97: {  	_ =	strace $0x8FFFFFFF  }
0x98: {  	s19 =	sld [smem:$0x3FDB];
	_ =	sdelay $0x1  }
0x99: {  	s4 =	simm.s32 $_scs_section_size  }
0x9a: {  	s5 =	simm.s32 $_size__tile_overlayer_lowered;
	s6 =	simm.s32 $_tile_overlayer_lowered  }
0x9b: {  	s22 =	simm.s32 $0x1BFF;
	s21 =	sshll.u32 s6, $0x1;
	s3 =	sadd.s32 s4, s19  }
0x9c: {  	s7 =	simm.s32 $0x0;
	s20 =	sshll.u32 s5, $0x1;
	s5 =	sadd.s32 s21, s3  }
0x9d: {  	[timem:s7], [sflag:s22] =	dma.local [hbm:s5], s20  }
0x9e: {  	_ =	swait.ge [sflag:s22], s20  }
0x9f: {  	s4 =	ssub.s32 $0x0, s20;
	[sflag:s22] =	ssyncset.done $0x0  }
0xa0: {  	[sflag:s22] =	ssyncadd.s32 s4;
	_ =	sdelay $0x1  }
0xa1: {  	s23 =	simm.s32 $0x1B8B  }
0xa2: {  	_ =	swait.ge [sflag:s23], $0x1  }
0xa3: {  	[sflag:s23] =	ssyncset.done $0x0  }
0xa4: {  	s25 =	simm.s32 $0x1B8E;
	s24 =	sld [smem:$0x3FFE];
	[sflag:s23] =	ssyncadd.s32 $0xFFFFFFFF  }
0xa5: {  	s26 =	simm.s32 $execute0_lowered;
	[smem:$0x3FD2] =	sst s25  }
0xa6: {  	s5 =	sshll.u32 s26, $0x1;
	_ =	strace $0x8000004C;
	[dreg:$0x1] =	wrdreg $0xFFFFFFFF  }
0xa7: {  	s28 =	simm.s32 $_size_execute0_lowered;
	s3 =	sadd.s32 s3, s5;
	[dreg:$0x0] =	wrdreg $0x0  }
0xa8: {  	s5 =	sshll.u32 s28, $0x1;
	[dreg:$0x2] =	wrdreg s3  }
0xa9: {  	[dreg:$0x3] =	wrdreg s5  }
0xaa: {  	[dreg:$0x4] =	wrdreg $0xC0  }
0xab: {  	_ =	task [dreg:s7], $0x5FFFF  }
0xac: {  	[dreg:$0x1] =	wrdreg $0xFFFFFFFF  }
0xad: {  	[dreg:$0x0] =	wrdreg $0x60  }
0xae: {  	[dreg:$0x2] =	wrdreg s24  }
0xaf: {  	[dreg:$0x3] =	wrdreg s2  }
0xb0: {  	[dreg:$0x4] =	wrdreg $0x40000  }
0xb1: {  	[dreg:$0x5] =	wrdreg $0x58800  }
0xb2: {  	[dreg:$0x6] =	wrdreg $0x71000  }
0xb3: {  	[dreg:$0x7] =	wrdreg $0x89800  }
0xb4: {  	[dreg:$0x8] =	wrdreg $0x9  }
0xb5: {  	_ =	task.clear_ibuf [dreg:s7], $0x9FFFF;
	_ =	strace $0x9000004C  }
0xb6: {  	s29 =	simm.s32 $0x9;
	_ =	strace $0x8000004E  }
0xb7: {  	_ =	swait.ge [sflag:s29], $0x1  }
0xb8: {  	[sflag:s29] =	ssyncadd.s32 $0xFFFFFFFF  }
0xb9: {  	_ =	strace $0x9000004E  }
0xba: {  	_ =	sfence  }
0xbb: {  	s30 =	sld [smem:$0x0];
	_ =	sdelay $0x2  }
0xbc: {  	s31 =	sshll.u32 s1, $0xD;
	s1 =	sshrl.u32 s1, $0x2  }
0xbd: {  	s3 =	sand.u32 $0x4000, s31;
	s1 =	sadd.s32 s1, s30  }
0xbe: {  	s0 =	sor.u32 s3, s0;
	s1 =	sshll.u32 s1, $0x11  }
0xbf: {  	s0 =	sor.u32 s1, s0  }
0xc0: {  	s0 =	sadd.s32 $0x8F2B, s0  }
0xc1: {  	[sflag:s0] =	ssyncadd.remote.s32 $0x1  }
0xc2: {  	_ =	sfence.sel $0xFFFF  }
0xc3: {  	[dreg:$0x0] =	wrdreg $0xFFFFFFFF;
	(pc) =	sbr.abs _section_cstart, $3  }
0xc4: {  	[dreg:$0x1] =	wrdreg $0xFFFFFFFF  }
0xc5: {  	_ =	task.clear_ibuf [dreg:s7], $0x2FFFF;
	_ =	strace $0x9FFFFFFF  }
0xc6: {  	(tm) =	ssettm $0x7FFFFFFF  }
0xc7: {  	_ =	shalt  }
tec
execute0_lowered:
.L_overlay_start_1:
0x0: {  	(tag) =	ssettag $0x1  }
0x1: {  	s0 =	rddreg [dreg:$0x0]  }
0x2: {  	s1 =	rddreg [dreg:$0x1]  }
0x3: {  	s3 =	rddreg [dreg:$0x2]  }
0x4: {  	s5 =	rddreg [dreg:$0x3]  }
0x5: {  	s12 =	rddreg [dreg:$0x4]  }
0x6: {  	s13 =	rddreg [dreg:$0x5]  }
0x7: {  	s4 =	stileid.u32;
	s2 =	srdreg.scid  }
0x8: {  	s7 =	simm.s32 $0x0;
	s6 =	smul.u32 $0x1880, s4;
	s2 =	sand.u32 $0x1, s2  }
0x9: {  	[smem:$0x7FF] =	sst s7;
	s8 =	smul.u32 $0x3100, s4;
	s14 =	sadd.s32 $0x64600, s0  }
0xa: {  	s15 =	sadd.s32 $0x2A00, s0;
	s9 =	sadd.s32 $0xC6200, s0;
	s16 =	sshll.u32 s4, $0x6  }
0xb: {  	s25 =	smul.u32 $0x31000, s2;
	_ =	strace $0x8000004D;
	[dreg:$0x9] =	wrdreg s9  }
0xc: {  	s29 =	ssub.s32 $0x2, s2;
	s2 =	sshll.u32 s2, $0x4;
	[dreg:$0x7] =	wrdreg s14  }
0xd: {  	[dreg:$0x8] =	wrdreg s15;
	s26 =	sshrl.u32 s6, $0x3;
	s20 =	sadd.s32 s6, s12  }
0xe: {  	s11 =	sshrl.u32 s29, $0x1;
	s22 =	sadd.s32 s6, s13;
	[dreg:$0xd] =	wrdreg s20  }
0xf: {  	s31 =	sadd.s32 s6, s3;
	s3 =	sor.u32 $0x1C01, s16;
	[dreg:$0xf] =	wrdreg s22  }
0x10: {  	s10 =	sadd.s32 s26, s0;
	s1 =	sadd.s32 s1, s26;
	[dreg:$0xb] =	wrdreg s3  }
0x11: {  	s2 =	sor.u32 s4, s2;
	s17 =	sadd.s32 $0xC6400, s10;
	[dreg:$0xe] =	wrdreg s1  }
0x12: {  	s23 =	smul.u32 $0x310, s2;
	s19 =	sadd.s32 $0xC9600, s10;
	[dreg:$0xa] =	wrdreg s17  }
0x13: {  	s18 =	sadd.s32 s6, s5;
	s30 =	ssub.s32 s29, s11;
	[dreg:$0xc] =	wrdreg s19  }
0x14: {  	s7 =	sadd.s32 s8, s25;
	s29 =	smax.u32 s30, $0x1;
	[dreg:$0x10] =	wrdreg s23  }
0x15: {  	s21 =	smul.u32 $0x3100, s2;
	s30 =	sshrl.u32 s31, $0x3;
	[dreg:$0x15] =	wrdreg s29  }
0x16: {  	s7 =	sshrl.u32 s7, $0x3;
	s31 =	sshrl.u32 s18, $0x3;
	[dreg:$0x16] =	wrdreg s30  }
.Ltmp0:
0x17: {  	s24 =	sadd.s32 s14, s21;
	[dreg:$0x17] =	wrdreg s31;
	(pc) =	sbr.rel .LBB2_1-.Ltmp0, $4  }
0x18: {  	s0 =	sadd.s32 s7, s0;
	s25 =	sadd.s32 s15, s21;
	[dreg:$0x11] =	wrdreg s24  }
0x19: {  	s28 =	simm.s32 $0x2;
	[dreg:$0x12] =	wrdreg s25;
	s26 =	sadd.s32 $0xCC800, s0  }
0x1a: {  	s2 =	simm.s32 $0x1;
	s0 =	sadd.s32 $0xCC810, s0;
	[dreg:$0x13] =	wrdreg s26  }
0x1b: {  	s1 =	simm.s32 $0x0;
	[dreg:$0x14] =	wrdreg s0;
	s26 =	simm.s32 $0x80  }
.LBB2_5:
0x1c: {  	s0 =	simm.s32 $0x3  }
0x1d: {  	_ =	swait.ge [sflag:s0], $0x80  }
0x1e: {  	[sflag:s0] =	ssyncset.done $0x0  }
0x1f: {  	[sflag:s0] =	ssyncadd.s32 $0xFFFFFF80  }
0x20: {  	_ =	swait.ge [sflag:s0], $0x80  }
0x21: {  	[sflag:s0] =	ssyncset.done $0x0  }
0x22: {  	[sflag:s0] =	ssyncadd.s32 $0xFFFFFF80  }
0x23: {  	_ =	swait.ge [sflag:s0], $0x80  }
0x24: {  	[sflag:s0] =	ssyncset.done $0x0  }
0x25: {  	[sflag:s0] =	ssyncadd.s32 $0xFFFFFF80  }
0x26: {  	_ =	swait.ge [sflag:s0], $0x80  }
0x27: {  	[sflag:s0] =	ssyncset.done $0x0  }
0x28: {  	[sflag:s0] =	ssyncadd.s32 $0xFFFFFF80  }
0x29: {  	_ =	swait.ge [sflag:s0], $0x80  }
0x2a: {  	[sflag:s0] =	ssyncset.done $0x0  }
0x2b: {  	[sflag:s0] =	ssyncadd.s32 $0xFFFFFF80  }
0x2c: {  	_ =	swait.ge [sflag:s0], $0x80  }
0x2d: {  	[sflag:s0] =	ssyncset.done $0x0  }
0x2e: {  	[sflag:s0] =	ssyncadd.s32 $0xFFFFFF80  }
0x2f: {  	_ =	swait.ge [sflag:s0], $0x80  }
0x30: {  	[sflag:s0] =	ssyncset.done $0x0  }
0x31: {  	[sflag:s0] =	ssyncadd.s32 $0xFFFFFF80  }
0x32: {  	_ =	swait.ge [sflag:s0], $0x80  }
0x33: {  	[sflag:s0] =	ssyncset.done $0x0  }
0x34: {  	[sflag:s0] =	ssyncadd.s32 $0xFFFFFF80  }
0x35: {  	_ =	swait.ge [sflag:s0], $0x80  }
0x36: {  	[sflag:s0] =	ssyncset.done $0x0  }
0x37: {  	[sflag:s0] =	ssyncadd.s32 $0xFFFFFF80  }
0x38: {  	_ =	swait.ge [sflag:s0], $0x80  }
0x39: {  	[sflag:s0] =	ssyncset.done $0x0  }
0x3a: {  	[sflag:s0] =	ssyncadd.s32 $0xFFFFFF80  }
0x3b: {  	_ =	swait.ge [sflag:s0], $0x80  }
0x3c: {  	[sflag:s0] =	ssyncset.done $0x0  }
0x3d: {  	[sflag:s0] =	ssyncadd.s32 $0xFFFFFF80  }
0x3e: {  	_ =	swait.ge [sflag:s0], $0x80  }
0x3f: {  	[sflag:s0] =	ssyncset.done $0x0  }
0x40: {  	[sflag:s0] =	ssyncadd.s32 $0xFFFFFF80  }
0x41: {  	_ =	swait.ge [sflag:s0], $0x80  }
0x42: {  	[sflag:s0] =	ssyncset.done $0x0  }
0x43: {  	[sflag:s0] =	ssyncadd.s32 $0xFFFFFF80  }
0x44: {  	_ =	swait.ge [sflag:s0], $0x80  }
0x45: {  	[sflag:s0] =	ssyncset.done $0x0  }
0x46: {  	[sflag:s0] =	ssyncadd.s32 $0xFFFFFF80  }
0x47: {  	_ =	swait.ge [sflag:s0], $0x80  }
0x48: {  	[sflag:s0] =	ssyncset.done $0x0  }
0x49: {  	[sflag:s0] =	ssyncadd.s32 $0xFFFFFF80  }
0x4a: {  	_ =	swait.ge [sflag:s0], $0x80  }
0x4b: {  	[sflag:s0] =	ssyncset.done $0x0  }
0x4c: {  	[sflag:s0] =	ssyncadd.s32 $0xFFFFFF80  }
0x4d: {  	_ =	swait.ge [sflag:s0], $0x80  }
0x4e: {  	[sflag:s0] =	ssyncset.done $0x0  }
0x4f: {  	[sflag:s0] =	ssyncadd.s32 $0xFFFFFF80  }
0x50: {  	_ =	swait.ge [sflag:s0], $0x80  }
0x51: {  	[sflag:s0] =	ssyncset.done $0x0  }
0x52: {  	[sflag:s0] =	ssyncadd.s32 $0xFFFFFF80  }
0x53: {  	_ =	swait.ge [sflag:s0], $0x80  }
0x54: {  	[sflag:s0] =	ssyncset.done $0x0  }
0x55: {  	[sflag:s0] =	ssyncadd.s32 $0xFFFFFF80  }
0x56: {  	_ =	swait.ge [sflag:s0], $0x80  }
0x57: {  	[sflag:s0] =	ssyncset.done $0x0  }
0x58: {  	[sflag:s0] =	ssyncadd.s32 $0xFFFFFF80  }
0x59: {  	_ =	swait.ge [sflag:s0], $0x80  }
0x5a: {  	[sflag:s0] =	ssyncset.done $0x0  }
0x5b: {  	[sflag:s0] =	ssyncadd.s32 $0xFFFFFF80  }
0x5c: {  	_ =	swait.ge [sflag:s0], $0x80  }
0x5d: {  	[sflag:s0] =	ssyncset.done $0x0  }
0x5e: {  	[sflag:s0] =	ssyncadd.s32 $0xFFFFFF80  }
0x5f: {  	_ =	swait.ge [sflag:s0], $0x80  }
0x60: {  	[sflag:s0] =	ssyncset.done $0x0  }
0x61: {  	[sflag:s0] =	ssyncadd.s32 $0xFFFFFF80  }
0x62: {  	_ =	swait.ge [sflag:s0], $0x80  }
0x63: {  	[sflag:s0] =	ssyncset.done $0x0  }
0x64: {  	[sflag:s0] =	ssyncadd.s32 $0xFFFFFF80  }
0x65: {  	_ =	swait.ge [sflag:s0], $0x80  }
0x66: {  	[sflag:s0] =	ssyncset.done $0x0  }
0x67: {  	[sflag:s0] =	ssyncadd.s32 $0xFFFFFF80  }
0x68: {  	_ =	swait.ge [sflag:s0], $0x80  }
0x69: {  	[sflag:s0] =	ssyncset.done $0x0  }
0x6a: {  	[sflag:s0] =	ssyncadd.s32 $0xFFFFFF80  }
0x6b: {  	_ =	swait.ge [sflag:s0], $0x80  }
0x6c: {  	[sflag:s0] =	ssyncset.done $0x0  }
0x6d: {  	[sflag:s0] =	ssyncadd.s32 $0xFFFFFF80  }
0x6e: {  	_ =	swait.ge [sflag:s0], $0x80  }
0x6f: {  	[sflag:s0] =	ssyncset.done $0x0  }
0x70: {  	[sflag:s0] =	ssyncadd.s32 $0xFFFFFF80  }
0x71: {  	_ =	swait.ge [sflag:s0], $0x80  }
0x72: {  	[sflag:s0] =	ssyncset.done $0x0  }
0x73: {  	[sflag:s0] =	ssyncadd.s32 $0xFFFFFF80  }
0x74: {  	_ =	swait.ge [sflag:s0], $0x80  }
0x75: {  	[sflag:s0] =	ssyncset.done $0x0  }
0x76: {  	[sflag:s0] =	ssyncadd.s32 $0xFFFFFF80  }
0x77: {  	_ =	swait.ge [sflag:s0], $0x80  }
0x78: {  	[sflag:s0] =	ssyncset.done $0x0  }
0x79: {  	[sflag:s0] =	ssyncadd.s32 $0xFFFFFF80  }
0x7a: {  	_ =	swait.ge [sflag:s0], $0x80  }
0x7b: {  	[sflag:s0] =	ssyncset.done $0x0  }
0x7c: {  	[sflag:s0] =	ssyncadd.s32 $0xFFFFFF80  }
0x7d: {  	_ =	swait.ge [sflag:s0], $0x80  }
0x7e: {  	[sflag:s0] =	ssyncset.done $0x0  }
0x7f: {  	[sflag:s0] =	ssyncadd.s32 $0xFFFFFF80  }
0x80: {  	_ =	swait.ge [sflag:s0], $0x80  }
0x81: {  	[sflag:s0] =	ssyncset.done $0x0  }
0x82: {  	[sflag:s0] =	ssyncadd.s32 $0xFFFFFF80  }
0x83: {  	_ =	swait.ge [sflag:s0], $0x80  }
0x84: {  	[sflag:s0] =	ssyncset.done $0x0  }
0x85: {  	[sflag:s0] =	ssyncadd.s32 $0xFFFFFF80  }
0x86: {  	_ =	swait.ge [sflag:s0], $0x80  }
0x87: {  	[sflag:s0] =	ssyncset.done $0x0  }
0x88: {  	[sflag:s0] =	ssyncadd.s32 $0xFFFFFF80  }
0x89: {  	_ =	swait.ge [sflag:s0], $0x80  }
0x8a: {  	[sflag:s0] =	ssyncset.done $0x0  }
0x8b: {  	[sflag:s0] =	ssyncadd.s32 $0xFFFFFF80  }
0x8c: {  	_ =	swait.ge [sflag:s0], $0x80  }
0x8d: {  	[sflag:s0] =	ssyncset.done $0x0  }
0x8e: {  	[sflag:s0] =	ssyncadd.s32 $0xFFFFFF80  }
0x8f: {  	_ =	swait.ge [sflag:s0], $0x80  }
0x90: {  	[sflag:s0] =	ssyncset.done $0x0  }
0x91: {  	[sflag:s0] =	ssyncadd.s32 $0xFFFFFF80  }
0x92: {  	_ =	swait.ge [sflag:s0], $0x80  }
0x93: {  	[sflag:s0] =	ssyncset.done $0x0  }
0x94: {  	[sflag:s0] =	ssyncadd.s32 $0xFFFFFF80  }
0x95: {  	_ =	swait.ge [sflag:s0], $0x80  }
0x96: {  	[sflag:s0] =	ssyncset.done $0x0  }
0x97: {  	[sflag:s0] =	ssyncadd.s32 $0xFFFFFF80  }
0x98: {  	_ =	swait.ge [sflag:s0], $0x80  }
0x99: {  	[sflag:s0] =	ssyncset.done $0x0  }
0x9a: {  	[sflag:s0] =	ssyncadd.s32 $0xFFFFFF80  }
0x9b: {  	_ =	swait.ge [sflag:s0], $0x80  }
0x9c: {  	[sflag:s0] =	ssyncset.done $0x0  }
0x9d: {  	[sflag:s0] =	ssyncadd.s32 $0xFFFFFF80  }
0x9e: {  	_ =	swait.ge [sflag:s0], $0x80  }
0x9f: {  	[sflag:s0] =	ssyncset.done $0x0  }
0xa0: {  	[sflag:s0] =	ssyncadd.s32 $0xFFFFFF80  }
0xa1: {  	_ =	swait.ge [sflag:s0], $0x80  }
0xa2: {  	[sflag:s0] =	ssyncset.done $0x0  }
0xa3: {  	[sflag:s0] =	ssyncadd.s32 $0xFFFFFF80  }
0xa4: {  	_ =	swait.ge [sflag:s0], $0x80  }
0xa5: {  	[sflag:s0] =	ssyncset.done $0x0  }
0xa6: {  	[sflag:s0] =	ssyncadd.s32 $0xFFFFFF80  }
0xa7: {  	_ =	swait.ge [sflag:s0], $0x80  }
0xa8: {  	[sflag:s0] =	ssyncset.done $0x0  }
0xa9: {  	[sflag:s0] =	ssyncadd.s32 $0xFFFFFF80  }
0xaa: {  	_ =	swait.ge [sflag:s0], $0x80  }
0xab: {  	[sflag:s0] =	ssyncset.done $0x0  }
0xac: {  	[sflag:s0] =	ssyncadd.s32 $0xFFFFFF80  }
0xad: {  	[bflag:$0x0] =	sbarrier.arrive $0xFFFF  }
0xae: {  	s3 =	rddreg [dreg:$0xb]  }
0xaf: {  	s29 =	rddreg [dreg:$0x13]  }
0xb0: {  	s1 =	simm.s32 $0x20;
	s4 =	simm.s32 $0x10;
	s5 =	rddreg [dreg:$0x19]  }
0xb1: {  	[hbm:s29@s1], [sflag:s3] =	dma.strided [spmem:s5@s4], $0x310, s2, $0x10   }
0xb2: {  	s0 =	rddreg [dreg:$0x14]  }
0xb3: {  	s5 =	rddreg [dreg:$0x1a]  }
0xb4: {  	[hbm:s0@s1], [sflag:s3] =	dma.strided [spmem:s5@s4], $0x310, s2, $0x10   }
0xb5: {  	_ =	swait.ge [sflag:s2], $0x310  }
0xb6: {  	[sflag:s2] =	ssyncset.done $0x0  }
0xb7: {  	[sflag:s2] =	ssyncadd.s32 $0xFFFFFCF0  }
0xb8: {  	_ =	swait.ge [sflag:s2], $0x310  }
0xb9: {  	s30 =	rddreg [dreg:$0x18]  }
0xba: {  	s31 =	rddreg [dreg:$0x15];
	s1 =	sadd.s32 $0x1, s30  }
0xbb: {  	p0 =	sne.s32 s1, s31  }
.Ltmp1:
0xbc: {  	_ = 	snop;
	(pc) =	sbr.rel @!p0 .LBB2_6-.Ltmp1, $3  }
0xbd: {  	_ =	sdelay $0x1  }
0xbe: {  	[sflag:s2] =	ssyncset.done $0x0  }
0xbf: {  	[sflag:s2] =	ssyncadd.s32 $0xFFFFFCF0  }
.LBB2_1:
0xc0: {  	[dreg:$0x18] =	wrdreg s1  }
0xc1: {  	s0 =	rddreg [dreg:$0xa]  }
0xc2: {  	s22 =	rddreg [dreg:$0x16]  }
0xc3: {  	[spmem:s22], [sflag:s3] =	dma.local [hbm:s0], $0x310  }
0xc4: {  	s0 =	rddreg [dreg:$0xc]  }
0xc5: {  	s1 =	rddreg [dreg:$0x17]  }
0xc6: {  	[spmem:s1], [sflag:s3] =	dma.local [hbm:s0], $0x310  }
0xc7: {  	s0 =	rddreg [dreg:$0xd]  }
0xc8: {  	s24 =	rddreg [dreg:$0xe];
	s23 =	sshrl.u32 s0, $0x3  }
0xc9: {  	[dreg:$0x19] =	wrdreg s23  }
0xca: {  	[spmem:s23], [sflag:s3] =	dma.local [hbm:s24], $0x310  }
0xcb: {  	s1 =	rddreg [dreg:$0xf]  }
0xcc: {  	s1 =	sshrl.u32 s1, $0x3  }
0xcd: {  	[dreg:$0x1a] =	wrdreg s1  }
0xce: {  	[spmem:s1], [sflag:s3] =	dma.local [hbm:s24], $0x310  }
0xcf: {  	_ =	swait.ge [sflag:s2], $0x310  }
0xd0: {  	[sflag:s2] =	ssyncset.done $0x0  }
0xd1: {  	[sflag:s2] =	ssyncadd.s32 $0xFFFFFCF0  }
0xd2: {  	_ =	swait.ge [sflag:s2], $0x310  }
0xd3: {  	[sflag:s2] =	ssyncset.done $0x0  }
0xd4: {  	[sflag:s2] =	ssyncadd.s32 $0xFFFFFCF0  }
0xd5: {  	_ =	swait.ge [sflag:s2], $0x310  }
0xd6: {  	[sflag:s2] =	ssyncset.done $0x0  }
0xd7: {  	[sflag:s2] =	ssyncadd.s32 $0xFFFFFCF0  }
0xd8: {  	_ =	swait.ge [sflag:s2], $0x310  }
0xd9: {  	[sflag:s2] =	ssyncset.done $0x0  }
0xda: {  	[sflag:s2] =	ssyncadd.s32 $0xFFFFFCF0  }
.Ltmp2:
0xdb: {  	[bflag:$0x0] =	sbarrier.arrive $0xFFFF;
	(pc) =	sbr.rel .LBB2_2-.Ltmp2, $4  }
0xdc: {  	s25 =	simm.s32 $0x0;
	s29 =	rddreg [dreg:$0x11]  }
0xdd: {  	[tilespmem:s25], [sflag:$0x1] =	stream.linear.gather [hbm4b:s29+s25], $0x400, $0x38;
	[tilespmem:$0xA200] =	vst v63  }
0xde: {  	s31 =	simm.s32 $0x1000;
	s24 =	simm.s32 $0x0;
	s30 =	rddreg [dreg:$0x12]  }
0xdf: {  	[tilespmem:s31], [sflag:$0x1] =	stream.linear.gather [hbm4b:s30+s25], $0x400, $0x38;
	[tilespmem:$0xA200] =	vst v63  }
.LBB2_4:
0xe0: {  	_ =	swait.ge [sflag:s28], $0x80  }
0xe1: {  	[sflag:s28] =	ssyncset.done $0x0  }
0xe2: {  	[sflag:s28] =	ssyncadd.s32 $0xFFFFFF80  }
0xe3: {  	_ =	swait.ge [sflag:s28], $0x80  }
0xe4: {  	[sflag:s28] =	ssyncset.done $0x0  }
0xe5: {  	[sflag:s28] =	ssyncadd.s32 $0xFFFFFF80  }
0xe6: {  	_ =	swait.ge [sflag:s28], $0x80  }
0xe7: {  	[sflag:s28] =	ssyncset.done $0x0  }
0xe8: {  	[sflag:s28] =	ssyncadd.s32 $0xFFFFFF80  }
0xe9: {  	_ =	swait.ge [sflag:s28], $0x80  }
0xea: {  	[sflag:s28] =	ssyncset.done $0x0  }
0xeb: {  	[sflag:s28] =	ssyncadd.s32 $0xFFFFFF80  }
0xec: {  	_ =	swait.ge [sflag:s28], $0x80  }
0xed: {  	[sflag:s28] =	ssyncset.done $0x0  }
0xee: {  	[sflag:s28] =	ssyncadd.s32 $0xFFFFFF80  }
0xef: {  	_ =	swait.ge [sflag:s28], $0x80  }
0xf0: {  	[sflag:s28] =	ssyncset.done $0x0  }
0xf1: {  	[sflag:s28] =	ssyncadd.s32 $0xFFFFFF80  }
0xf2: {  	_ =	swait.ge [sflag:s28], $0x80  }
0xf3: {  	[sflag:s28] =	ssyncset.done $0x0  }
0xf4: {  	[sflag:s28] =	ssyncadd.s32 $0xFFFFFF80  }
0xf5: {  	_ =	swait.ge [sflag:s28], $0x80  }
0xf6: {  	[sflag:s28] =	ssyncset.done $0x0  }
0xf7: {  	[sflag:s28] =	ssyncadd.s32 $0xFFFFFF80  }
0xf8: {  	_ =	swait.ge [sflag:s28], $0x80  }
0xf9: {  	[sflag:s28] =	ssyncset.done $0x0  }
0xfa: {  	[sflag:s28] =	ssyncadd.s32 $0xFFFFFF80  }
0xfb: {  	_ =	swait.ge [sflag:s28], $0x80  }
0xfc: {  	[sflag:s28] =	ssyncset.done $0x0  }
0xfd: {  	[sflag:s28] =	ssyncadd.s32 $0xFFFFFF80  }
0xfe: {  	_ =	swait.ge [sflag:s28], $0x80  }
0xff: {  	[sflag:s28] =	ssyncset.done $0x0  }
0x100: {  	[sflag:s28] =	ssyncadd.s32 $0xFFFFFF80  }
0x101: {  	_ =	swait.ge [sflag:s28], $0x80  }
0x102: {  	[sflag:s28] =	ssyncset.done $0x0  }
0x103: {  	[sflag:s28] =	ssyncadd.s32 $0xFFFFFF80  }
0x104: {  	_ =	swait.ge [sflag:s28], $0x80  }
0x105: {  	[sflag:s28] =	ssyncset.done $0x0  }
0x106: {  	[sflag:s28] =	ssyncadd.s32 $0xFFFFFF80  }
0x107: {  	_ =	swait.ge [sflag:s28], $0x80  }
0x108: {  	[sflag:s28] =	ssyncset.done $0x0  }
0x109: {  	[sflag:s28] =	ssyncadd.s32 $0xFFFFFF80  }
0x10a: {  	_ =	swait.ge [sflag:s28], $0x80  }
0x10b: {  	[sflag:s28] =	ssyncset.done $0x0  }
0x10c: {  	[sflag:s28] =	ssyncadd.s32 $0xFFFFFF80  }
0x10d: {  	_ =	swait.ge [sflag:s28], $0x80  }
0x10e: {  	[sflag:s28] =	ssyncset.done $0x0  }
0x10f: {  	[sflag:s28] =	ssyncadd.s32 $0xFFFFFF80  }
0x110: {  	s3 =	sor.u32 $0x1000, s6;
	s24 =	rddreg [dreg:$0x4]  }
0x111: {  	[spmem:s24] =	stream.indirect.scatter.add.f32 [tilespmem:s5], [sflag:$0x3], $0x1, s3, s26, $0xb8;
	[tilespmem:$0xA200] =	vst v63  }
0x112: {  	s4 =	sor.u32 $0x1000, s12  }
0x113: {  	[spmem:s24] =	stream.indirect.scatter.add.f32 [tilespmem:s10], [sflag:$0x3], $0x1, s4, s26, $0xb8;
	[tilespmem:$0xA200] =	vst v63  }
0x114: {  	s15 =	sor.u32 $0x1000, s15  }
0x115: {  	[spmem:s24] =	stream.indirect.scatter.add.f32 [tilespmem:s13], [sflag:$0x3], $0x1, s15, s26, $0xb8;
	[tilespmem:$0xA200] =	vst v63  }
0x116: {  	s18 =	sor.u32 $0x1000, s18  }
0x117: {  	[spmem:s24] =	stream.indirect.scatter.add.f32 [tilespmem:s17], [sflag:$0x3], $0x1, s18, s26, $0xb8;
	[tilespmem:$0xA200] =	vst v63  }
0x118: {  	s21 =	sor.u32 $0x1000, s20  }
0x119: {  	[spmem:s24] =	stream.indirect.scatter.add.f32 [tilespmem:s19], [sflag:$0x3], $0x1, s21, s26, $0xb8;
	[tilespmem:$0xA200] =	vst v63  }
0x11a: {  	s22 =	sor.u32 $0x1000, s22  }
0x11b: {  	[spmem:s24] =	stream.indirect.scatter.add.f32 [tilespmem:s31], [sflag:$0x3], $0x1, s22, s26, $0xb8;
	[tilespmem:$0xA200] =	vst v63  }
0x11c: {  	s23 =	sor.u32 $0x1000, s23  }
0x11d: {  	[spmem:s24] =	stream.indirect.scatter.add.f32 [tilespmem:s30], [sflag:$0x3], $0x1, s23, s26, $0xb8;
	[tilespmem:$0xA200] =	vst v63  }
0x11e: {  	s14 =	sor.u32 $0x1000, s14  }
0x11f: {  	[spmem:s24] =	stream.indirect.scatter.add.f32 [tilespmem:s2], [sflag:$0x3], $0x1, s14, s26, $0xb8;
	[tilespmem:$0xA200] =	vst v63  }
0x120: {  	s31 =	rddreg [dreg:$0x5]  }
0x121: {  	[spmem:s31] =	stream.indirect.scatter.add.f32 [tilespmem:s25], [sflag:$0x3], $0x1, s3, s26, $0xb8;
	[tilespmem:$0xA200] =	vst v63  }
0x122: {  	_ = 	snop  }
0x123: {  	[spmem:s31] =	stream.indirect.scatter.add.f32 [tilespmem:s11], [sflag:$0x3], $0x1, s4, s26, $0xb8;
	[tilespmem:$0xA200] =	vst v63  }
0x124: {  	_ = 	snop  }
0x125: {  	[spmem:s31] =	stream.indirect.scatter.add.f32 [tilespmem:s0], [sflag:$0x3], $0x1, s15, s26, $0xb8;
	[tilespmem:$0xA200] =	vst v63  }
0x126: {  	_ = 	snop  }
0x127: {  	[spmem:s31] =	stream.indirect.scatter.add.f32 [tilespmem:s7], [sflag:$0x3], $0x1, s18, s26, $0xb8;
	[tilespmem:$0xA200] =	vst v63  }
0x128: {  	_ = 	snop  }
0x129: {  	[spmem:s31] =	stream.indirect.scatter.add.f32 [tilespmem:s8], [sflag:$0x3], $0x1, s21, s26, $0xb8;
	[tilespmem:$0xA200] =	vst v63  }
0x12a: {  	p0 =	sne.s32 s1, $0x62  }
0x12b: {  	[spmem:s31] =	stream.indirect.scatter.add.f32 [tilespmem:s16], [sflag:$0x3], $0x1, s22, s26, $0xb8;
	[tilespmem:$0xA200] =	vst v63  }
.Ltmp3:
0x12c: {  	_ = 	snop;
	(pc) =	sbr.rel @!p0 .LBB2_5-.Ltmp3, $4  }
0x12d: {  	_ = 	snop  }
0x12e: {  	[spmem:s31] =	stream.indirect.scatter.add.f32 [tilespmem:s9], [sflag:$0x3], $0x1, s23, s26, $0xb8;
	[tilespmem:$0xA200] =	vst v63  }
0x12f: {  	s24 =	smov.u32 s1;
	s2 =	simm.s32 $0x1  }
0x130: {  	[spmem:s31] =	stream.indirect.scatter.add.f32 [tilespmem:s29], [sflag:$0x3], $0x1, s14, s26, $0xb8;
	[tilespmem:$0xA200] =	vst v63  }
.LBB2_2:
0x131: {  	_ =	swait.ge [sflag:s2], $0x400  }
0x132: {  	[sflag:s2] =	ssyncset.done $0x0  }
0x133: {  	[sflag:s2] =	ssyncadd.s32 $0xFFFFFC00  }
0x134: {  	_ =	swait.ge [sflag:s2], $0x400  }
0x135: {  	s0 =	sshll.u32 s24, $0xA;
	[sflag:s2] =	ssyncset.done $0x0  }
0x136: {  	s6 =	sand.u32 $0xC00, s0;
	[sflag:s2] =	ssyncadd.s32 $0xFFFFFC00  }
0x137: {  	s5 =	sor.u32 $0x2000, s6;
	s25 =	rddreg [dreg:$0x2]  }
0x138: {  	[tilespmem:s5], [sflag:$0x2] =	stream.indirect.gather [spmem:s25], $0x1, s6, s26, $0xb8;
	[tilespmem:$0xA200] =	vst v63  }
0x139: {  	s12 =	sor.u32 $0x80, s6;
	s10 =	sor.u32 $0x2080, s6  }
0x13a: {  	[tilespmem:s10], [sflag:$0x2] =	stream.indirect.gather [spmem:s25], $0x1, s12, s26, $0xb8;
	[tilespmem:$0xA200] =	vst v63  }
0x13b: {  	s15 =	sor.u32 $0x100, s6;
	s13 =	sor.u32 $0x2100, s6  }
0x13c: {  	[tilespmem:s13], [sflag:$0x2] =	stream.indirect.gather [spmem:s25], $0x1, s15, s26, $0xb8;
	[tilespmem:$0xA200] =	vst v63  }
0x13d: {  	s18 =	sor.u32 $0x180, s6;
	s17 =	sor.u32 $0x2180, s6  }
0x13e: {  	[tilespmem:s17], [sflag:$0x2] =	stream.indirect.gather [spmem:s25], $0x1, s18, s26, $0xb8;
	[tilespmem:$0xA200] =	vst v63  }
0x13f: {  	s20 =	sor.u32 $0x200, s6;
	s19 =	sor.u32 $0x2200, s6  }
0x140: {  	[tilespmem:s19], [sflag:$0x2] =	stream.indirect.gather [spmem:s25], $0x1, s20, s26, $0xb8;
	[tilespmem:$0xA200] =	vst v63  }
0x141: {  	s22 =	sor.u32 $0x280, s6;
	s31 =	sor.u32 $0x2280, s6  }
0x142: {  	[tilespmem:s31], [sflag:$0x2] =	stream.indirect.gather [spmem:s25], $0x1, s22, s26, $0xb8;
	[tilespmem:$0xA200] =	vst v63  }
0x143: {  	s23 =	sor.u32 $0x300, s6;
	s30 =	sor.u32 $0x2300, s6  }
0x144: {  	[tilespmem:s30], [sflag:$0x2] =	stream.indirect.gather [spmem:s25], $0x1, s23, s26, $0xb8;
	[tilespmem:$0xA200] =	vst v63  }
0x145: {  	s14 =	sor.u32 $0x380, s6;
	s2 =	sor.u32 $0x2380, s6  }
0x146: {  	[tilespmem:s2], [sflag:$0x2] =	stream.indirect.gather [spmem:s25], $0x1, s14, s26, $0xb8;
	[tilespmem:$0xA200] =	vst v63  }
0x147: {  	s1 =	rddreg [dreg:$0x3];
	s25 =	sor.u32 $0x3000, s6  }
0x148: {  	[tilespmem:s25], [sflag:$0x2] =	stream.indirect.gather [spmem:s1], $0x1, s6, s26, $0xb8;
	[tilespmem:$0xA200] =	vst v63  }
0x149: {  	s11 =	sor.u32 $0x3080, s6  }
0x14a: {  	[tilespmem:s11], [sflag:$0x2] =	stream.indirect.gather [spmem:s1], $0x1, s12, s26, $0xb8;
	[tilespmem:$0xA200] =	vst v63  }
0x14b: {  	s0 =	sor.u32 $0x3100, s6  }
0x14c: {  	[tilespmem:s0], [sflag:$0x2] =	stream.indirect.gather [spmem:s1], $0x1, s15, s26, $0xb8;
	[tilespmem:$0xA200] =	vst v63  }
0x14d: {  	s7 =	sor.u32 $0x3180, s6  }
0x14e: {  	[tilespmem:s7], [sflag:$0x2] =	stream.indirect.gather [spmem:s1], $0x1, s18, s26, $0xb8;
	[tilespmem:$0xA200] =	vst v63  }
0x14f: {  	s8 =	sor.u32 $0x3200, s6  }
0x150: {  	[tilespmem:s8], [sflag:$0x2] =	stream.indirect.gather [spmem:s1], $0x1, s20, s26, $0xb8;
	[tilespmem:$0xA200] =	vst v63  }
0x151: {  	s16 =	sor.u32 $0x3280, s6  }
0x152: {  	[tilespmem:s16], [sflag:$0x2] =	stream.indirect.gather [spmem:s1], $0x1, s22, s26, $0xb8;
	[tilespmem:$0xA200] =	vst v63  }
0x153: {  	s9 =	sor.u32 $0x3300, s6  }
0x154: {  	[tilespmem:s9], [sflag:$0x2] =	stream.indirect.gather [spmem:s1], $0x1, s23, s26, $0xb8;
	[tilespmem:$0xA200] =	vst v63  }
0x155: {  	p0 =	slt.u32 s24, $0x3;
	s29 =	sor.u32 $0x3380, s6  }
0x156: {  	[tilespmem:s29], [sflag:$0x2] =	stream.indirect.gather [spmem:s1], $0x1, s14, s26, $0xb8;
	[tilespmem:$0xA200] =	vst v63  }
0x157: {  	s1 =	simm.s32 @!p0 $0x3  }
0x158: {  	_ =	swait.ge @!p0 [sflag:s1], $0x80  }
0x159: {  	[sflag:s1] =	ssyncset.done @!p0 $0x0  }
0x15a: {  	[sflag:s1] =	ssyncadd.s32 @!p0 $0xFFFFFF80  }
0x15b: {  	_ =	swait.ge @!p0 [sflag:s1], $0x80  }
0x15c: {  	[sflag:s1] =	ssyncset.done @!p0 $0x0  }
0x15d: {  	[sflag:s1] =	ssyncadd.s32 @!p0 $0xFFFFFF80  }
0x15e: {  	_ =	swait.ge @!p0 [sflag:s1], $0x80  }
0x15f: {  	[sflag:s1] =	ssyncset.done @!p0 $0x0  }
0x160: {  	[sflag:s1] =	ssyncadd.s32 @!p0 $0xFFFFFF80  }
0x161: {  	_ =	swait.ge @!p0 [sflag:s1], $0x80  }
0x162: {  	[sflag:s1] =	ssyncset.done @!p0 $0x0  }
0x163: {  	[sflag:s1] =	ssyncadd.s32 @!p0 $0xFFFFFF80  }
0x164: {  	_ =	swait.ge @!p0 [sflag:s1], $0x80  }
0x165: {  	[sflag:s1] =	ssyncset.done @!p0 $0x0  }
0x166: {  	[sflag:s1] =	ssyncadd.s32 @!p0 $0xFFFFFF80  }
0x167: {  	_ =	swait.ge @!p0 [sflag:s1], $0x80  }
0x168: {  	[sflag:s1] =	ssyncset.done @!p0 $0x0  }
0x169: {  	[sflag:s1] =	ssyncadd.s32 @!p0 $0xFFFFFF80  }
0x16a: {  	_ =	swait.ge @!p0 [sflag:s1], $0x80  }
0x16b: {  	[sflag:s1] =	ssyncset.done @!p0 $0x0  }
0x16c: {  	[sflag:s1] =	ssyncadd.s32 @!p0 $0xFFFFFF80  }
0x16d: {  	_ =	swait.ge @!p0 [sflag:s1], $0x80  }
0x16e: {  	[sflag:s1] =	ssyncset.done @!p0 $0x0  }
0x16f: {  	[sflag:s1] =	ssyncadd.s32 @!p0 $0xFFFFFF80  }
0x170: {  	_ =	swait.ge @!p0 [sflag:s1], $0x80  }
0x171: {  	[sflag:s1] =	ssyncset.done @!p0 $0x0  }
0x172: {  	[sflag:s1] =	ssyncadd.s32 @!p0 $0xFFFFFF80  }
0x173: {  	_ =	swait.ge @!p0 [sflag:s1], $0x80  }
0x174: {  	[sflag:s1] =	ssyncset.done @!p0 $0x0  }
0x175: {  	[sflag:s1] =	ssyncadd.s32 @!p0 $0xFFFFFF80  }
0x176: {  	_ =	swait.ge @!p0 [sflag:s1], $0x80  }
0x177: {  	[sflag:s1] =	ssyncset.done @!p0 $0x0  }
0x178: {  	[sflag:s1] =	ssyncadd.s32 @!p0 $0xFFFFFF80  }
0x179: {  	_ =	swait.ge @!p0 [sflag:s1], $0x80  }
0x17a: {  	[sflag:s1] =	ssyncset.done @!p0 $0x0  }
0x17b: {  	[sflag:s1] =	ssyncadd.s32 @!p0 $0xFFFFFF80  }
0x17c: {  	_ =	swait.ge @!p0 [sflag:s1], $0x80  }
0x17d: {  	[sflag:s1] =	ssyncset.done @!p0 $0x0  }
0x17e: {  	[sflag:s1] =	ssyncadd.s32 @!p0 $0xFFFFFF80  }
0x17f: {  	_ =	swait.ge @!p0 [sflag:s1], $0x80  }
0x180: {  	[sflag:s1] =	ssyncset.done @!p0 $0x0  }
0x181: {  	p1 =	seq.s32 @!p0 s24, $0x61;
	[sflag:s1] =	ssyncadd.s32 @!p0 $0xFFFFFF80  }
0x182: {  	p1 =	por p0, !p1;
	_ =	swait.ge @!p0 [sflag:s1], $0x80  }
.Ltmp4:
0x183: {  	[sflag:s1] =	ssyncset.done @!p0 $0x0;
	(pc) =	sbr.rel @!p1 .LBB2_4-.Ltmp4, $4  }
0x184: {  	[sflag:s1] =	ssyncadd.s32 @!p0 $0xFFFFFF80  }
0x185: {  	_ =	swait.ge @!p0 [sflag:s1], $0x80  }
0x186: {  	[sflag:s1] =	ssyncset.done @!p0 $0x0  }
0x187: {  	[sflag:s1] =	ssyncadd.s32 @!p0 $0xFFFFFF80;
	s1 =	simm.s32 @!p0 $0x62  }
0x188: {  	s3 =	rddreg [dreg:$0x10]  }
0x189: {  	s1 =	sadd.s32 $0x1, s24;
	[dreg:$0x1b] =	wrdreg s18;
	s18 =	smov.u32 s15  }
0x18a: {  	s15 =	smov.u32 s12;
	s12 =	smov.u32 s29;
	s29 =	smov.u32 s9  }
0x18b: {  	s9 =	smov.u32 s16;
	s16 =	smov.u32 s8;
	s8 =	smov.u32 s7  }
0x18c: {  	s7 =	smov.u32 s0;
	s0 =	smov.u32 s11;
	s11 =	smov.u32 s25  }
0x18d: {  	s25 =	smov.u32 s2;
	s2 =	smov.u32 s30;
	s24 =	sshll.u32 s1, $0x3  }
0x18e: {  	s30 =	smov.u32 s19;
	s21 =	sshll.u32 s1, $0xA;
	s24 =	sadd.s32 s3, s24  }
0x18f: {  	s3 =	sand.u32 $0xC00, s21;
	s21 =	smov.u32 s17;
	p0 =	sgt.u32 s24, $0x61A7  }
0x190: {  	s17 =	smov.u32 s10;
	s10 =	rddreg [dreg:$0x9];
	s4 =	simm.s32 @p0 $0x0  }
0x191: {  	[tilespmem:s3], [sflag:$0x1] =	stream.linear.gather @p0 [hbm4b:s10+s4], $0x400, $0x38;
	[tilespmem:$0xA200] =	vst v63  }
0x192: {  	s19 =	smov.u32 s13;
	s13 =	smov.u32 s5;
	s5 =	sor.u32 @p0 $0x1000, s3  }
0x193: {  	[tilespmem:s5], [sflag:$0x1] =	stream.linear.gather @p0 [hbm4b:s10+s4], $0x400, $0x38;
	[tilespmem:$0xA200] =	vst v63  }
0x194: {  	s4 =	sshll.u32 @!p0 s24, $0x4;
	s5 =	rddreg [dreg:$0x7]  }
0x195: {  	s10 =	smov.u32 s17;
	s24 =	simm.s32 @!p0 $0x0;
	s5 =	sadd.s32 @!p0 s5, s4  }
0x196: {  	[tilespmem:s3], [sflag:$0x1] =	stream.linear.gather @!p0 [hbm4b:s5+s24], $0x400, $0x38;
	[tilespmem:$0xA200] =	vst v63  }
0x197: {  	s17 =	smov.u32 s21;
	s3 =	sor.u32 @!p0 $0x1000, s3;
	s5 =	rddreg [dreg:$0x8]  }
0x198: {  	s4 =	sadd.s32 @!p0 s5, s4;
	s5 =	smov.u32 s13;
	s13 =	smov.u32 s19  }
0x199: {  	s19 =	smov.u32 s30;
	s30 =	smov.u32 s2;
	s2 =	smov.u32 s25  }
.Ltmp5:
0x19a: {  	s25 =	smov.u32 s11;
	s11 =	smov.u32 s0;
	(pc) =	sbr.rel .LBB2_4-.Ltmp5, $4  }
0x19b: {  	s0 =	smov.u32 s7;
	s7 =	smov.u32 s8;
	s8 =	smov.u32 s16  }
0x19c: {  	s16 =	smov.u32 s9;
	s9 =	smov.u32 s29;
	s29 =	smov.u32 s12  }
0x19d: {  	s12 =	smov.u32 s15;
	s15 =	smov.u32 s18;
	s18 =	rddreg [dreg:$0x1b]  }
0x19e: {  	[tilespmem:s3], [sflag:$0x1] =	stream.linear.gather @!p0 [hbm4b:s4+s24], $0x400, $0x38;
	[tilespmem:$0xA200] =	vst v63  }
.LBB2_6:
0x19f: {  	_ =	sfence.sel $0x180000  }
0x1a0: {  	[bflag:$0x0] =	sbarrier.arrive $0xFFFF  }
0x1a1: {  	_ =	strace $0x9000004D  }
0x1a2: {  	s0 =	stileid.u32;
	[bflag:$0x2] =	sbarrier.arrive $0xFFFF  }
0x1a3: {  	p0 =	sne.s32 s0, $0x0;
	s0 =	rddreg [dreg:$0x6]  }
0x1a4: {  	s0 =	sadd.s32 @!p0 $0x100000, s0  }
0x1a5: {  	[sflag:s0] =	ssyncadd.tile.s32 @!p0 $0x1;
	_ =	shalt  }
.Lfunc_end2:
_tile_overlayer_lowered:
.L_overlay_start_2:
0x1a6: {  	(tag) =	ssettag $0x2  }
0x1a7: {  	s0 =	rddreg [dreg:$0x0];
	s2 =	stileid.u32  }
0x1a8: {  	s1 =	rddreg [dreg:$0x1];
	p0 =	sne.s32 s2, $0x0  }
0x1a9: {  	s3 =	rddreg [dreg:$0x2];
	[bflag:$0x3] =	sbarrier.arrive $0xFFFF;
	s2 =	simm.s32 @!p0 $0x1C04  }
0x1aa: {  	[timem:s3], [sflag:s2] =	dma.local @!p0 [hbm:s0], s1  }
0x1ab: {  	s0 =	simm.s32 @!p0 $0x4  }
0x1ac: {  	_ =	swait.ge @!p0 [sflag:s0], s1  }
0x1ad: {  	s1 =	ssub.s32 @!p0 $0x0, s1;
	[sflag:s0] =	ssyncset.done @!p0 $0x0  }
0x1ae: {  	[sflag:s0] =	ssyncadd.s32 @!p0 s1  }
0x1af: {  	[bflag:$0x3] =	sbarrier.arrive $0xFFFF  }
0x1b0: {  	_ =	shalt  }

// kernel: kernel.8.cloned.1.call-start
scs
__scs_entry_jumppad:
0x0: {  	(pc) =	sbr.rel $0x88, $3  }
0x1: {  	(tag) =	ssettag $0x0;
	lr =	simm.s32 $0x1  }
0x2: {  	[smem:$0x3F9B] =	sst lr;
	_ =	strace $0xD0000000  }
0x3: {  	_ = 	snop  }
0x4: {  	_ = 	snop  }
0x5: {  	_ = 	snop  }
0x6: {  	_ = 	snop  }
0x7: {  	_ = 	snop  }
__scs_overlays_trampoline_lowered:
0x8: {  	[smem:$0x3FAA] =	sst s0  }
0x9: {  	[smem:$0x3FAB] =	sst s1  }
0xa: {  	[smem:$0x3FAC] =	sst s2  }
0xb: {  	[smem:$0x3FAD] =	sst s3  }
0xc: {  	[smem:$0x3FAE] =	sst s4  }
0xd: {  	[smem:$0x3FAF] =	sst s5  }
0xe: {  	[smem:$0x3FB0] =	sst s6  }
0xf: {  	[smem:$0x3FB1] =	sst s7  }
0x10: {  	[smem:$0x3FB2] =	sst s8  }
0x11: {  	[smem:$0x3FB3] =	sst s9;
	s0 =	simm.s32 @!p0 $0x0  }
0x12: {  	s1 =	sld [smem:$0x3F99];
	s0 =	simm.s32 @p0 $0x1  }
0x13: {  	[smem:$0x3FB4] =	sst s0;
	s0 =	simm.s32 @!p1 $0x0  }
0x14: {  	s2 =	sld [smem:$0x3F98];
	s0 =	simm.s32 @p1 $0x1  }
0x15: {  	[smem:$0x3FB5] =	sst s0;
	s0 =	simm.s32 @!p2 $0x0  }
0x16: {  	s3 =	sld [smem:$0x3FDB];
	s0 =	simm.s32 @p2 $0x1  }
0x17: {  	s4 =	simm.s32 $0x1BF5;
	[smem:$0x3FB7] =	sst s0  }
0x18: {  	s0 =	sld [smem:$0x3F9A];
	_ =	swait.ge [sflag:s4], $0x0  }
0x19: {  	s7 =	sld [smem:$0x3F9B]  }
0x1a: {  	s8 =	sadd.s32 $0xFFFFE003, lr  }
0x1b: {  	s9 =	sadd.s32 $0xFFFFFEF7, lr;
	s5 =	simm.s32 $0xFFFFFFFF;
	p2 =	slt.u32 s8, $0xFFFFF086  }
0x1c: {  	p1 =	slt.u32 s9, $0xF7A;
	s5 =	simm.s32 @!p2 $0x0  }
0x1d: {  	s5 =	simm.s32 @p1 $0x1;
	p0 =	seq.s32 s7, s2  }
0x1e: {  	s7 =	smul.u32 @!p0 $0xF7A, s2;
	p2 =	seq.s32 @!p0 s5, $0x0  }
0x1f: {  	s9 =	smul.u32 $0xF7A, s1;
	s8 =	simm.s32 @!p0 $0x1BF5;
	p2 =	por !p2, p0  }
0x20: {  	[sflag:s8] =	ssyncset.s32 @!p0 $0xFFFFF086;
	s6 =	sadd.s32 @!p0 s3, s7;
	s7 =	simm.s32 @!p0 $0x108  }
0x21: {  	s3 =	sadd.s32 s3, s9;
	s6 =	sadd.s32 @!p0 $0x88, s6;
	s7 =	simm.s32 @p2 $0x1082  }
0x22: {  	[simem:s7], [sflag:s8] =	dma.local @!p0 [hbm:s6], $0xF7A  }
0x23: {  	s9 =	sor.u32 $0xD0000000, s2;
	s6 =	simm.s32 $0x108;
	_ =	swait.ge @!p0 [sflag:s8], $0x0  }
0x24: {  	s3 =	sadd.s32 $0x88, s3;
	s6 =	simm.s32 @!p1 $0x1082;
	[sflag:s4] =	ssyncset.s32 $0xFFFFF086  }
0x25: {  	[simem:s6], [sflag:s4] =	dma.local [hbm:s3], $0xF7A  }
0x26: {  	[smem:$0x3F9B] =	sst s1;
	(tag) =	ssettag s2;
	_ =	strace s9  }
0x27: {  	s1 =	sld [smem:$0x3FAB]  }
0x28: {  	s2 =	sld [smem:$0x3FAC]  }
0x29: {  	s4 =	sld [smem:$0x3FAE]  }
0x2a: {  	p0 =	seq.s32 s5, $0x0;
	s5 =	sld [smem:$0x3FAF]  }
0x2b: {  	s6 =	sld [smem:$0x3FB0]  }
0x2c: {  	s7 =	sld [smem:$0x3FB1]  }
0x2d: {  	s3 =	simm.s32 $0x108;
	s8 =	sld [smem:$0x3FB2]  }
0x2e: {  	s3 =	simm.s32 @!p0 $0x1082;
	s9 =	sld [smem:$0x3FB3]  }
0x2f: {  	lr =	sadd.s32 s0, s3;
	s0 =	sld [smem:$0x3FAA]  }
0x30: {  	s3 =	sld [smem:$0x3FAD]  }
0x31: {  	[smem:$0x3FB6] =	sst s10  }
0x32: {  	s10 =	sld [smem:$0x3FB4];
	_ =	sdelay $0x3  }
0x33: {  	p0 =	seq.s32 s10, $0x1;
	s10 =	sld [smem:$0x3FB6];
	_ =	sdelay $0x3  }
0x34: {  	[smem:$0x3FB6] =	sst s10  }
0x35: {  	s10 =	sld [smem:$0x3FB5];
	_ =	sdelay $0x3  }
0x36: {  	p1 =	seq.s32 s10, $0x1;
	s10 =	sld [smem:$0x3FB6];
	_ =	sdelay $0x3  }
0x37: {  	[smem:$0x3FB6] =	sst s10  }
0x38: {  	s10 =	sld [smem:$0x3FB7]  }
0x39: {  	_ = 	snop;
	(pc) =	sbr.ind lr, $3  }
0x3a: {  	_ = 	snop  }
0x3b: {  	_ = 	snop  }
0x3c: {  	p2 =	seq.s32 s10, $0x1;
	s10 =	sld [smem:$0x3FB6]  }
0x3d: {  	_ =	shalt  }
0x3e: {  	_ =	shalt  }
0x3f: {  	_ =	shalt  }
0x40: {  	_ =	shalt  }
0x41: {  	_ =	shalt  }
0x42: {  	_ =	shalt  }
0x43: {  	_ =	shalt  }
0x44: {  	_ =	shalt  }
0x45: {  	_ =	shalt  }
0x46: {  	_ =	shalt  }
0x47: {  	_ =	shalt  }
0x48: {  	_ =	shalt  }
0x49: {  	_ =	shalt  }
0x4a: {  	_ =	shalt  }
0x4b: {  	_ =	shalt  }
0x4c: {  	_ =	shalt  }
0x4d: {  	_ =	shalt  }
0x4e: {  	_ =	shalt  }
0x4f: {  	_ =	shalt  }
0x50: {  	_ =	shalt  }
0x51: {  	_ =	shalt  }
0x52: {  	_ =	shalt  }
0x53: {  	_ =	shalt  }
0x54: {  	_ =	shalt  }
0x55: {  	_ =	shalt  }
0x56: {  	_ =	shalt  }
0x57: {  	_ =	shalt  }
0x58: {  	_ =	shalt  }
0x59: {  	_ =	shalt  }
0x5a: {  	_ =	shalt  }
0x5b: {  	_ =	shalt  }
0x5c: {  	_ =	shalt  }
0x5d: {  	_ =	shalt  }
0x5e: {  	_ =	shalt  }
0x5f: {  	_ =	shalt  }
0x60: {  	_ =	shalt  }
0x61: {  	_ =	shalt  }
0x62: {  	_ =	shalt  }
0x63: {  	_ =	shalt  }
0x64: {  	_ =	shalt  }
0x65: {  	_ =	shalt  }
0x66: {  	_ =	shalt  }
0x67: {  	_ =	shalt  }
0x68: {  	_ =	shalt  }
0x69: {  	_ =	shalt  }
0x6a: {  	_ =	shalt  }
0x6b: {  	_ =	shalt  }
0x6c: {  	_ =	shalt  }
0x6d: {  	_ =	shalt  }
0x6e: {  	_ =	shalt  }
0x6f: {  	_ =	shalt  }
0x70: {  	_ =	shalt  }
0x71: {  	_ =	shalt  }
0x72: {  	_ =	shalt  }
0x73: {  	_ =	shalt  }
0x74: {  	_ =	shalt  }
0x75: {  	_ =	shalt  }
0x76: {  	_ =	shalt  }
0x77: {  	_ =	shalt  }
0x78: {  	_ =	shalt  }
0x79: {  	_ =	shalt  }
0x7a: {  	_ =	shalt  }
0x7b: {  	_ =	shalt  }
0x7c: {  	_ =	shalt  }
0x7d: {  	_ =	shalt  }
0x7e: {  	_ =	shalt  }
0x7f: {  	_ =	shalt  }
0x80: {  	_ =	shalt  }
0x81: {  	_ =	shalt  }
0x82: {  	_ =	shalt  }
0x83: {  	_ =	shalt  }
0x84: {  	_ =	shalt  }
0x85: {  	_ =	shalt  }
0x86: {  	_ =	shalt  }
0x87: {  	_ =	shalt  }
.Lfunc_end0:
.L_simem_size_0:
called_computation_lowered:
.L_overlay_start_0:
0x88: {  	s2 =	sld [smem:$0x3FD9]  }
0x89: {  	s3 =	sld [smem:$0x3FFE];
	_ =	sdelay $0x1  }
0x8a: {  	s1 =	srdreg.scid  }
0x8b: {  	s0 =	sand.u32 $0x1, s1  }
0x8c: {  	s17 =	sshll.u32 s0, $0xA;
	s2 =	sadd.s32 s3, s2  }
0x8d: {  	s2 =	sadd.s32 s2, s17  }
0x8e: {  	[smem:$0x3FC2] =	sst s2  }
0x8f: {  	_ = 	snop  }
0x90: {  	s2 =	sld [smem:$0x3FD0];
	(tm) =	ssettm $0x1  }
0x91: {  	s18 =	sld [smem:$0x3FFB];
	_ =	sdelay $0x3  }
0x92: {  	_ =	strace s18  }
0x93: {  	s3 =	sld [smem:$0x3FFC];
	_ =	sdelay $0x3  }
0x94: {  	_ =	strace s3  }
0x95: {  	s3 =	sld [smem:$0x3FFD];
	_ =	sdelay $0x3  }
0x96: {  	_ =	strace s3  }
0x97: {  	_ =	strace $0x8FFFFFFF  }
0x98: {  	s19 =	sld [smem:$0x3FDB];
	_ =	sdelay $0x1  }
0x99: {  	s4 =	simm.s32 $_scs_section_size  }
0x9a: {  	s5 =	simm.s32 $_size__tile_overlayer_lowered;
	s6 =	simm.s32 $_tile_overlayer_lowered  }
0x9b: {  	s22 =	simm.s32 $0x1BFF;
	s21 =	sshll.u32 s6, $0x1;
	s3 =	sadd.s32 s4, s19  }
0x9c: {  	s7 =	simm.s32 $0x0;
	s20 =	sshll.u32 s5, $0x1;
	s5 =	sadd.s32 s21, s3  }
0x9d: {  	[timem:s7], [sflag:s22] =	dma.local [hbm:s5], s20  }
0x9e: {  	_ =	swait.ge [sflag:s22], s20  }
0x9f: {  	s4 =	ssub.s32 $0x0, s20;
	[sflag:s22] =	ssyncset.done $0x0  }
0xa0: {  	[sflag:s22] =	ssyncadd.s32 s4;
	_ =	sdelay $0x1  }
0xa1: {  	s23 =	simm.s32 $0x1B8B  }
0xa2: {  	_ =	swait.ge [sflag:s23], $0x1  }
0xa3: {  	[sflag:s23] =	ssyncset.done $0x0  }
0xa4: {  	s25 =	simm.s32 $0x1B8E;
	s24 =	sld [smem:$0x3FFE];
	[sflag:s23] =	ssyncadd.s32 $0xFFFFFFFF  }
0xa5: {  	s26 =	simm.s32 $execute0_lowered;
	[smem:$0x3FD2] =	sst s25  }
0xa6: {  	s5 =	sshll.u32 s26, $0x1;
	_ =	strace $0x80000046;
	[dreg:$0x1] =	wrdreg $0xFFFFFFFF  }
0xa7: {  	s28 =	simm.s32 $_size_execute0_lowered;
	s3 =	sadd.s32 s3, s5;
	[dreg:$0x0] =	wrdreg $0x0  }
0xa8: {  	s5 =	sshll.u32 s28, $0x1;
	[dreg:$0x2] =	wrdreg s3  }
0xa9: {  	[dreg:$0x3] =	wrdreg s5  }
0xaa: {  	[dreg:$0x4] =	wrdreg $0xC0  }
0xab: {  	_ =	task [dreg:s7], $0x5FFFF  }
0xac: {  	[dreg:$0x1] =	wrdreg $0xFFFFFFFF  }
0xad: {  	[dreg:$0x0] =	wrdreg $0x60  }
0xae: {  	[dreg:$0x2] =	wrdreg s24  }
0xaf: {  	[dreg:$0x3] =	wrdreg s2  }
0xb0: {  	[dreg:$0x4] =	wrdreg $0x10800  }
0xb1: {  	[dreg:$0x5] =	wrdreg $0x9  }
0xb2: {  	_ =	task.clear_ibuf [dreg:s7], $0x6FFFF;
	_ =	strace $0x90000046  }
0xb3: {  	s29 =	simm.s32 $0x9;
	_ =	strace $0x80000048  }
0xb4: {  	_ =	swait.ge [sflag:s29], $0x1  }
0xb5: {  	[sflag:s29] =	ssyncadd.s32 $0xFFFFFFFF  }
0xb6: {  	_ =	strace $0x90000048  }
0xb7: {  	_ =	sfence  }
0xb8: {  	s30 =	sld [smem:$0x0];
	_ =	sdelay $0x2  }
0xb9: {  	s31 =	sshll.u32 s1, $0xD;
	s1 =	sshrl.u32 s1, $0x2  }
0xba: {  	s3 =	sand.u32 $0x4000, s31;
	s1 =	sadd.s32 s1, s30  }
0xbb: {  	s0 =	sor.u32 s3, s0;
	s1 =	sshll.u32 s1, $0x11  }
0xbc: {  	s0 =	sor.u32 s1, s0  }
0xbd: {  	s0 =	sadd.s32 $0x8F2B, s0  }
0xbe: {  	[sflag:s0] =	ssyncadd.remote.s32 $0x1  }
0xbf: {  	_ =	sfence.sel $0xFFFF  }
0xc0: {  	[dreg:$0x0] =	wrdreg $0xFFFFFFFF;
	(pc) =	sbr.abs _section_cstart, $3  }
0xc1: {  	[dreg:$0x1] =	wrdreg $0xFFFFFFFF  }
0xc2: {  	_ =	task.clear_ibuf [dreg:s7], $0x2FFFF;
	_ =	strace $0x9FFFFFFF  }
0xc3: {  	(tm) =	ssettm $0x7FFFFFFF  }
tec
execute0_lowered:
.L_overlay_start_1:
0x0: {  	(tag) =	ssettag $0x1  }
0x1: {  	s0 =	rddreg [dreg:$0x0]  }
0x2: {  	s1 =	rddreg [dreg:$0x1]  }
0x3: {  	s2 =	rddreg [dreg:$0x2];
	s3 =	simm.s32 $0x0;
	s4 =	srdreg.scid  }
0x4: {  	s14 =	stileid.u32;
	s15 =	simm.s32 $0x80;
	s16 =	simm.s32 $0x1000  }
0x5: {  	s17 =	simm.s32 $0x2;
	s28 =	simm.s32 $0x10;
	s29 =	simm.s32 $0x0  }
0x6: {  	[smem:$0x7FF] =	sst s3;
	s6 =	sand.u32 $0x1, s4;
	s9 =	smul.u32 $0x3100, s14  }
0x7: {  	s7 =	sadd.s32 $0x2A00, s0;
	s4 =	sadd.s32 $0xC6200, s0;
	s12 =	smul.u32 $0x1880, s14  }
0x8: {  	s24 =	sshll.u32 s14, $0x6;
	_ =	strace $0x80000047;
	s5 =	sshll.u32 s6, $0x7  }
0x9: {  	s8 =	ssub.s32 $0x2, s6;
	s10 =	sshll.u32 s6, $0x4;
	s23 =	smul.u32 $0x31000, s6  }
0xa: {  	s25 =	smul.u32 $0x3100, s6;
	s6 =	sor.u32 $0x1C03, s24;
	s24 =	simm.s32 $0x700  }
0xb: {  	s5 =	sor.u32 s5, s9;
	s11 =	sshrl.u32 s8, $0x1;
	s10 =	sor.u32 s14, s10  }
0xc: {  	s13 =	sadd.s32 s12, s2;
	s22 =	sshrl.u32 s12, $0x3;
	s14 =	smul.u32 $0x310, s14  }
0xd: {  	s5 =	sshrl.u32 s5, $0x3;
	s11 =	ssub.s32 s8, s11;
	s21 =	smul.u32 $0x3100, s10  }
0xe: {  	s26 =	sadd.s32 s23, s7;
	s12 =	sshrl.u32 s13, $0x3;
	s13 =	simm.s32 $0x3  }
0xf: {  	s23 =	simm.s32 $0x680;
	s0 =	sadd.s32 s5, s0;
	s5 =	sadd.s32 s1, s22  }
0x10: {  	s30 =	sadd.s32 s9, s26;
	s9 =	smax.u32 s11, $0x1;
	s31 =	sadd.s32 s14, s25  }
0x11: {  	s14 =	simm.s32 $0x1;
	s22 =	simm.s32 $0x600;
	s25 =	simm.s32 $0x780  }
0x12: {  	s26 =	simm.s32 $0x20;
	s7 =	sadd.s32 s7, s21;
	s8 =	sadd.s32 $0xC6400, s0  }
0x13: {  	v0 =	vimm.f32 $1.000000000e+00;
	s10 =	sadd.s32 $0x80, s30;
	s11 =	sor.u32 $0x8, s31;
	s21 =	simm.s32 $0x580  }
.LBB2_1:
0x14: {  	[tilespmem:$0x1000] =	vst v0  }
0x15: {  	[tilespmem:$0x1010] =	vst v0  }
0x16: {  	[tilespmem:$0x1020] =	vst v0  }
0x17: {  	[tilespmem:$0x1030] =	vst v0  }
0x18: {  	[tilespmem:$0x1040] =	vst v0  }
0x19: {  	[tilespmem:$0x1050] =	vst v0  }
0x1a: {  	[tilespmem:$0x1060] =	vst v0  }
0x1b: {  	[tilespmem:$0x1070] =	vst v0  }
0x1c: {  	[spmem:s12], [sflag:s6] =	dma.local [hbm:s5], $0x310  }
0x1d: {  	_ =	swait.ge [sflag:s13], $0x310  }
0x1e: {  	[sflag:s13] =	ssyncset.done $0x0  }
0x1f: {  	[sflag:s13] =	ssyncadd.s32 $0xFFFFFCF0  }
0x20: {  	[bflag:$0x0] =	sbarrier.arrive $0xFFFF  }
0x21: {  	[tilespmem:s3], [sflag:$0x1] =	stream.linear.gather [hbm4b:s7+s3], $0x400, $0x38;
	[tilespmem:$0x2900] =	vst v63  }
0x22: {  	_ =	swait.ge [sflag:s14], $0x400  }
0x23: {  	p0 =	por $0x1, $0x1;
	[sflag:s14] =	ssyncset.done $0x0  }
0x24: {  	s0 =	simm.s32 @!p0 $0x2;
	[sflag:s14] =	ssyncadd.s32 $0xFFFFFC00  }
0x25: {  	_ =	swait.ge @!p0 [sflag:s0], $0x80  }
0x26: {  	[sflag:s0] =	ssyncset.done @!p0 $0x0  }
0x27: {  	[sflag:s0] =	ssyncadd.s32 @!p0 $0xFFFFFF80  }
0x28: {  	_ =	swait.ge @!p0 [sflag:s0], $0x80  }
0x29: {  	[sflag:s0] =	ssyncset.done @!p0 $0x0  }
0x2a: {  	[sflag:s0] =	ssyncadd.s32 @!p0 $0xFFFFFF80  }
0x2b: {  	_ =	swait.ge @!p0 [sflag:s0], $0x80  }
0x2c: {  	[sflag:s0] =	ssyncset.done @!p0 $0x0  }
0x2d: {  	[sflag:s0] =	ssyncadd.s32 @!p0 $0xFFFFFF80  }
0x2e: {  	_ =	swait.ge @!p0 [sflag:s0], $0x80  }
0x2f: {  	[sflag:s0] =	ssyncset.done @!p0 $0x0  }
0x30: {  	[sflag:s0] =	ssyncadd.s32 @!p0 $0xFFFFFF80  }
0x31: {  	_ =	swait.ge @!p0 [sflag:s0], $0x80  }
0x32: {  	[sflag:s0] =	ssyncset.done @!p0 $0x0  }
0x33: {  	[sflag:s0] =	ssyncadd.s32 @!p0 $0xFFFFFF80  }
0x34: {  	_ =	swait.ge @!p0 [sflag:s0], $0x80  }
0x35: {  	[sflag:s0] =	ssyncset.done @!p0 $0x0  }
0x36: {  	[sflag:s0] =	ssyncadd.s32 @!p0 $0xFFFFFF80  }
0x37: {  	_ =	swait.ge @!p0 [sflag:s0], $0x80  }
0x38: {  	[sflag:s0] =	ssyncset.done @!p0 $0x0  }
0x39: {  	[sflag:s0] =	ssyncadd.s32 @!p0 $0xFFFFFF80  }
0x3a: {  	p1 =	sgt.u32 s11, $0x61A7;
	_ =	swait.ge @!p0 [sflag:s0], $0x80  }
0x3b: {  	s1 =	sand.u32 $0x3000, s16;
	s18 =	smov.u32 s10;
	[sflag:s0] =	ssyncset.done @!p0 $0x0  }
0x3c: {  	s1 =	sshrl.u32 s1, $0x2;
	s18 =	smov.u32 @p1 s4;
	[sflag:s0] =	ssyncadd.s32 @!p0 $0xFFFFFF80  }
0x3d: {  	[tilespmem:s1], [sflag:$0x1] =	stream.linear.gather [hbm4b:s18+s3], $0x400, $0x38;
	[tilespmem:$0x2900] =	vst v63  }
0x3e: {  	s1 =	sand.u32 $0xC00, s3  }
0x3f: {  	[spmem:s2] =	stream.indirect.scatter.add.f32 [tilespmem:s16], [sflag:$0x2], $0x1, s1, s15, $0xb8;
	[tilespmem:$0x2900] =	vst v63  }
0x40: {  	s18 =	sor.u32 $0x80, s1  }
0x41: {  	[spmem:s2] =	stream.indirect.scatter.add.f32 [tilespmem:s16], [sflag:$0x2], $0x1, s18, s15, $0xb8;
	[tilespmem:$0x2900] =	vst v63  }
0x42: {  	s19 =	sor.u32 $0x100, s1  }
0x43: {  	[spmem:s2] =	stream.indirect.scatter.add.f32 [tilespmem:s16], [sflag:$0x2], $0x1, s19, s15, $0xb8;
	[tilespmem:$0x2900] =	vst v63  }
0x44: {  	s20 =	sor.u32 $0x180, s1  }
0x45: {  	[spmem:s2] =	stream.indirect.scatter.add.f32 [tilespmem:s16], [sflag:$0x2], $0x1, s20, s15, $0xb8;
	[tilespmem:$0x2900] =	vst v63  }
0x46: {  	s30 =	simm.s32 $0x1;
	s31 =	sadd.s32 $0x8, s11;
	s18 =	sor.u32 $0x200, s1  }
0x47: {  	[spmem:s2] =	stream.indirect.scatter.add.f32 [tilespmem:s16], [sflag:$0x2], $0x1, s18, s15, $0xb8;
	[tilespmem:$0x2900] =	vst v63  }
0x48: {  	s0 =	simm.s32 $0x400;
	s19 =	sor.u32 $0x280, s1;
	s20 =	sor.u32 $0x300, s1  }
0x49: {  	[spmem:s2] =	stream.indirect.scatter.add.f32 [tilespmem:s16], [sflag:$0x2], $0x1, s19, s15, $0xb8;
	[tilespmem:$0x2900] =	vst v63  }
0x4a: {  	s18 =	sadd.s32 $0x80, s10;
	s19 =	sor.u32 $0x380, s1;
	s1 =	simm.s32 $0x2000  }
0x4b: {  	[spmem:s2] =	stream.indirect.scatter.add.f32 [tilespmem:s16], [sflag:$0x2], $0x1, s20, s15, $0xb8;
	[tilespmem:$0x2900] =	vst v63  }
.LBB2_2:
0x4c: {  	[spmem:s2] =	stream.indirect.scatter.add.f32 [tilespmem:s16], [sflag:$0x2], $0x1, s19, s15, $0xb8;
	[tilespmem:$0x2900] =	vst v63  }
0x4d: {  	s19 =	smov.u32 s30;
	s30 =	sadd.s32 $0x1, s30;
	_ =	swait.ge [sflag:s14], $0x400  }
0x4e: {  	p1 =	slt.u32 s19, $0x3;
	p0 =	sne.s32 s30, $0x61;
	[sflag:s14] =	ssyncset.done $0x0  }
0x4f: {  	s19 =	simm.s32 @!p1 $0x2;
	[sflag:s14] =	ssyncadd.s32 $0xFFFFFC00  }
0x50: {  	_ =	swait.ge @!p1 [sflag:s19], $0x80  }
0x51: {  	[sflag:s19] =	ssyncset.done @!p1 $0x0  }
0x52: {  	[sflag:s19] =	ssyncadd.s32 @!p1 $0xFFFFFF80  }
0x53: {  	_ =	swait.ge @!p1 [sflag:s19], $0x80  }
0x54: {  	[sflag:s19] =	ssyncset.done @!p1 $0x0  }
0x55: {  	[sflag:s19] =	ssyncadd.s32 @!p1 $0xFFFFFF80  }
0x56: {  	_ =	swait.ge @!p1 [sflag:s19], $0x80  }
0x57: {  	[sflag:s19] =	ssyncset.done @!p1 $0x0  }
0x58: {  	[sflag:s19] =	ssyncadd.s32 @!p1 $0xFFFFFF80  }
0x59: {  	_ =	swait.ge @!p1 [sflag:s19], $0x80  }
0x5a: {  	[sflag:s19] =	ssyncset.done @!p1 $0x0  }
0x5b: {  	[sflag:s19] =	ssyncadd.s32 @!p1 $0xFFFFFF80  }
0x5c: {  	_ =	swait.ge @!p1 [sflag:s19], $0x80  }
0x5d: {  	[sflag:s19] =	ssyncset.done @!p1 $0x0  }
0x5e: {  	[sflag:s19] =	ssyncadd.s32 @!p1 $0xFFFFFF80  }
0x5f: {  	_ =	swait.ge @!p1 [sflag:s19], $0x80  }
0x60: {  	[sflag:s19] =	ssyncset.done @!p1 $0x0  }
0x61: {  	[sflag:s19] =	ssyncadd.s32 @!p1 $0xFFFFFF80  }
0x62: {  	_ =	swait.ge @!p1 [sflag:s19], $0x80  }
0x63: {  	[sflag:s19] =	ssyncset.done @!p1 $0x0  }
0x64: {  	[sflag:s19] =	ssyncadd.s32 @!p1 $0xFFFFFF80  }
0x65: {  	_ =	swait.ge @!p1 [sflag:s19], $0x80  }
0x66: {  	p2 =	sgt.u32 s31, $0x61A7;
	s20 =	sand.u32 $0x3000, s1;
	[sflag:s19] =	ssyncset.done @!p1 $0x0  }
0x67: {  	[sflag:s19] =	ssyncadd.s32 @!p1 $0xFFFFFF80;
	s19 =	sshrl.u32 s20, $0x2;
	s20 =	smov.u32 s18  }
0x68: {  	s20 =	smov.u32 @p2 s4  }
0x69: {  	[tilespmem:s19], [sflag:$0x1] =	stream.linear.gather [hbm4b:s20+s3], $0x400, $0x38;
	[tilespmem:$0x2900] =	vst v63  }
0x6a: {  	s19 =	sand.u32 $0xC00, s0  }
0x6b: {  	[spmem:s2] =	stream.indirect.scatter.add.f32 [tilespmem:s16], [sflag:$0x2], $0x1, s19, s15, $0xb8;
	[tilespmem:$0x2900] =	vst v63  }
0x6c: {  	s20 =	sor.u32 $0x80, s19  }
0x6d: {  	[spmem:s2] =	stream.indirect.scatter.add.f32 [tilespmem:s16], [sflag:$0x2], $0x1, s20, s15, $0xb8;
	[tilespmem:$0x2900] =	vst v63  }
0x6e: {  	s20 =	sor.u32 $0x100, s19  }
0x6f: {  	[spmem:s2] =	stream.indirect.scatter.add.f32 [tilespmem:s16], [sflag:$0x2], $0x1, s20, s15, $0xb8;
	[tilespmem:$0x2900] =	vst v63  }
0x70: {  	s20 =	sor.u32 $0x180, s19  }
0x71: {  	[spmem:s2] =	stream.indirect.scatter.add.f32 [tilespmem:s16], [sflag:$0x2], $0x1, s20, s15, $0xb8;
	[tilespmem:$0x2900] =	vst v63  }
0x72: {  	s20 =	sor.u32 $0x200, s19  }
0x73: {  	[spmem:s2] =	stream.indirect.scatter.add.f32 [tilespmem:s16], [sflag:$0x2], $0x1, s20, s15, $0xb8;
	[tilespmem:$0x2900] =	vst v63  }
.Ltmp0:
0x74: {  	s20 =	sor.u32 $0x280, s19;
	(pc) =	sbr.rel @p0 .LBB2_2-.Ltmp0, $4  }
0x75: {  	[spmem:s2] =	stream.indirect.scatter.add.f32 [tilespmem:s16], [sflag:$0x2], $0x1, s20, s15, $0xb8;
	[tilespmem:$0x2900] =	vst v63  }
0x76: {  	s31 =	sadd.s32 $0x8, s31;
	s0 =	sadd.s32 $0x400, s0;
	s20 =	sor.u32 $0x300, s19  }
0x77: {  	[spmem:s2] =	stream.indirect.scatter.add.f32 [tilespmem:s16], [sflag:$0x2], $0x1, s20, s15, $0xb8;
	[tilespmem:$0x2900] =	vst v63  }
0x78: {  	s1 =	sadd.s32 $0x1000, s1;
	s18 =	sadd.s32 $0x80, s18;
	s19 =	sor.u32 $0x380, s19  }
0x79: {  	[spmem:s2] =	stream.indirect.scatter.add.f32 [tilespmem:s16], [sflag:$0x2], $0x1, s19, s15, $0xb8;
	[tilespmem:$0x2900] =	vst v63  }
0x7a: {  	_ =	swait.ge [sflag:s14], $0x400  }
0x7b: {  	[sflag:s14] =	ssyncset.done $0x0  }
0x7c: {  	[sflag:s14] =	ssyncadd.s32 $0xFFFFFC00  }
0x7d: {  	_ =	swait.ge [sflag:s17], $0x80  }
0x7e: {  	[sflag:s17] =	ssyncset.done $0x0  }
0x7f: {  	[sflag:s17] =	ssyncadd.s32 $0xFFFFFF80  }
0x80: {  	_ =	swait.ge [sflag:s17], $0x80  }
0x81: {  	[sflag:s17] =	ssyncset.done $0x0  }
0x82: {  	[sflag:s17] =	ssyncadd.s32 $0xFFFFFF80  }
0x83: {  	_ =	swait.ge [sflag:s17], $0x80  }
0x84: {  	[sflag:s17] =	ssyncset.done $0x0  }
0x85: {  	[sflag:s17] =	ssyncadd.s32 $0xFFFFFF80  }
0x86: {  	_ =	swait.ge [sflag:s17], $0x80  }
0x87: {  	[sflag:s17] =	ssyncset.done $0x0  }
0x88: {  	[sflag:s17] =	ssyncadd.s32 $0xFFFFFF80  }
0x89: {  	_ =	swait.ge [sflag:s17], $0x80  }
0x8a: {  	[sflag:s17] =	ssyncset.done $0x0  }
0x8b: {  	[sflag:s17] =	ssyncadd.s32 $0xFFFFFF80  }
0x8c: {  	_ =	swait.ge [sflag:s17], $0x80  }
0x8d: {  	[sflag:s17] =	ssyncset.done $0x0  }
0x8e: {  	[sflag:s17] =	ssyncadd.s32 $0xFFFFFF80  }
0x8f: {  	_ =	swait.ge [sflag:s17], $0x80  }
0x90: {  	[sflag:s17] =	ssyncset.done $0x0  }
0x91: {  	[sflag:s17] =	ssyncadd.s32 $0xFFFFFF80  }
0x92: {  	_ =	swait.ge [sflag:s17], $0x80  }
0x93: {  	[sflag:s17] =	ssyncset.done $0x0  }
0x94: {  	s0 =	simm.s32 $0x400;
	[sflag:s17] =	ssyncadd.s32 $0xFFFFFF80  }
0x95: {  	[spmem:s2] =	stream.indirect.scatter.add.f32 [tilespmem:s16], [sflag:$0x2], $0x1, s0, s15, $0xb8;
	[tilespmem:$0x2900] =	vst v63  }
0x96: {  	s30 =	simm.s32 $0x480  }
0x97: {  	[spmem:s2] =	stream.indirect.scatter.add.f32 [tilespmem:s16], [sflag:$0x2], $0x1, s30, s15, $0xb8;
	[tilespmem:$0x2900] =	vst v63  }
0x98: {  	s31 =	simm.s32 $0x500  }
0x99: {  	[spmem:s2] =	stream.indirect.scatter.add.f32 [tilespmem:s16], [sflag:$0x2], $0x1, s31, s15, $0xb8;
	[tilespmem:$0x2900] =	vst v63  }
0x9a: {  	_ = 	snop  }
0x9b: {  	[spmem:s2] =	stream.indirect.scatter.add.f32 [tilespmem:s16], [sflag:$0x2], $0x1, s21, s15, $0xb8;
	[tilespmem:$0x2900] =	vst v63  }
0x9c: {  	_ = 	snop  }
0x9d: {  	[spmem:s2] =	stream.indirect.scatter.add.f32 [tilespmem:s16], [sflag:$0x2], $0x1, s22, s15, $0xb8;
	[tilespmem:$0x2900] =	vst v63  }
0x9e: {  	_ = 	snop  }
0x9f: {  	[spmem:s2] =	stream.indirect.scatter.add.f32 [tilespmem:s16], [sflag:$0x2], $0x1, s23, s15, $0xb8;
	[tilespmem:$0x2900] =	vst v63  }
0xa0: {  	_ = 	snop  }
0xa1: {  	[spmem:s2] =	stream.indirect.scatter.add.f32 [tilespmem:s16], [sflag:$0x2], $0x1, s24, s15, $0xb8;
	[tilespmem:$0x2900] =	vst v63  }
0xa2: {  	_ = 	snop  }
0xa3: {  	[spmem:s2] =	stream.indirect.scatter.add.f32 [tilespmem:s16], [sflag:$0x2], $0x1, s25, s15, $0xb8;
	[tilespmem:$0x2900] =	vst v63  }
0xa4: {  	_ =	swait.ge [sflag:s17], $0x80  }
0xa5: {  	[sflag:s17] =	ssyncset.done $0x0  }
0xa6: {  	[sflag:s17] =	ssyncadd.s32 $0xFFFFFF80  }
0xa7: {  	_ =	swait.ge [sflag:s17], $0x80  }
0xa8: {  	[sflag:s17] =	ssyncset.done $0x0  }
0xa9: {  	[sflag:s17] =	ssyncadd.s32 $0xFFFFFF80  }
0xaa: {  	_ =	swait.ge [sflag:s17], $0x80  }
0xab: {  	[sflag:s17] =	ssyncset.done $0x0  }
0xac: {  	[sflag:s17] =	ssyncadd.s32 $0xFFFFFF80  }
0xad: {  	_ =	swait.ge [sflag:s17], $0x80  }
0xae: {  	[sflag:s17] =	ssyncset.done $0x0  }
0xaf: {  	[sflag:s17] =	ssyncadd.s32 $0xFFFFFF80  }
0xb0: {  	_ =	swait.ge [sflag:s17], $0x80  }
0xb1: {  	[sflag:s17] =	ssyncset.done $0x0  }
0xb2: {  	[sflag:s17] =	ssyncadd.s32 $0xFFFFFF80  }
0xb3: {  	_ =	swait.ge [sflag:s17], $0x80  }
0xb4: {  	[sflag:s17] =	ssyncset.done $0x0  }
0xb5: {  	[sflag:s17] =	ssyncadd.s32 $0xFFFFFF80  }
0xb6: {  	_ =	swait.ge [sflag:s17], $0x80  }
0xb7: {  	[sflag:s17] =	ssyncset.done $0x0  }
0xb8: {  	[sflag:s17] =	ssyncadd.s32 $0xFFFFFF80  }
0xb9: {  	_ =	swait.ge [sflag:s17], $0x80  }
0xba: {  	[sflag:s17] =	ssyncset.done $0x0  }
0xbb: {  	[sflag:s17] =	ssyncadd.s32 $0xFFFFFF80  }
0xbc: {  	_ =	swait.ge [sflag:s17], $0x80  }
0xbd: {  	[sflag:s17] =	ssyncset.done $0x0  }
0xbe: {  	[sflag:s17] =	ssyncadd.s32 $0xFFFFFF80  }
0xbf: {  	_ =	swait.ge [sflag:s17], $0x80  }
0xc0: {  	[sflag:s17] =	ssyncset.done $0x0  }
0xc1: {  	[sflag:s17] =	ssyncadd.s32 $0xFFFFFF80  }
0xc2: {  	_ =	swait.ge [sflag:s17], $0x80  }
0xc3: {  	[sflag:s17] =	ssyncset.done $0x0  }
0xc4: {  	[sflag:s17] =	ssyncadd.s32 $0xFFFFFF80  }
0xc5: {  	_ =	swait.ge [sflag:s17], $0x80  }
0xc6: {  	[sflag:s17] =	ssyncset.done $0x0  }
0xc7: {  	[sflag:s17] =	ssyncadd.s32 $0xFFFFFF80  }
0xc8: {  	_ =	swait.ge [sflag:s17], $0x80  }
0xc9: {  	[sflag:s17] =	ssyncset.done $0x0  }
0xca: {  	[sflag:s17] =	ssyncadd.s32 $0xFFFFFF80  }
0xcb: {  	_ =	swait.ge [sflag:s17], $0x80  }
0xcc: {  	[sflag:s17] =	ssyncset.done $0x0  }
0xcd: {  	[sflag:s17] =	ssyncadd.s32 $0xFFFFFF80  }
0xce: {  	_ =	swait.ge [sflag:s17], $0x80  }
0xcf: {  	[sflag:s17] =	ssyncset.done $0x0  }
0xd0: {  	[sflag:s17] =	ssyncadd.s32 $0xFFFFFF80  }
0xd1: {  	_ =	swait.ge [sflag:s17], $0x80  }
0xd2: {  	[sflag:s17] =	ssyncset.done $0x0  }
0xd3: {  	[sflag:s17] =	ssyncadd.s32 $0xFFFFFF80  }
0xd4: {  	_ =	swait.ge [sflag:s17], $0x80  }
0xd5: {  	[sflag:s17] =	ssyncset.done $0x0  }
0xd6: {  	[sflag:s17] =	ssyncadd.s32 $0xFFFFFF80  }
0xd7: {  	_ =	swait.ge [sflag:s17], $0x80  }
0xd8: {  	[sflag:s17] =	ssyncset.done $0x0  }
0xd9: {  	[sflag:s17] =	ssyncadd.s32 $0xFFFFFF80  }
0xda: {  	_ =	swait.ge [sflag:s17], $0x80  }
0xdb: {  	[sflag:s17] =	ssyncset.done $0x0  }
0xdc: {  	[sflag:s17] =	ssyncadd.s32 $0xFFFFFF80  }
0xdd: {  	_ =	swait.ge [sflag:s17], $0x80  }
0xde: {  	[sflag:s17] =	ssyncset.done $0x0  }
0xdf: {  	[sflag:s17] =	ssyncadd.s32 $0xFFFFFF80  }
0xe0: {  	_ =	swait.ge [sflag:s17], $0x80  }
0xe1: {  	[sflag:s17] =	ssyncset.done $0x0  }
0xe2: {  	[sflag:s17] =	ssyncadd.s32 $0xFFFFFF80  }
0xe3: {  	_ =	swait.ge [sflag:s17], $0x80  }
0xe4: {  	[sflag:s17] =	ssyncset.done $0x0  }
0xe5: {  	[sflag:s17] =	ssyncadd.s32 $0xFFFFFF80  }
0xe6: {  	_ =	swait.ge [sflag:s17], $0x80  }
0xe7: {  	[sflag:s17] =	ssyncset.done $0x0  }
0xe8: {  	[sflag:s17] =	ssyncadd.s32 $0xFFFFFF80  }
0xe9: {  	_ =	swait.ge [sflag:s17], $0x80  }
0xea: {  	s29 =	sadd.s32 $0x1, s29;
	[sflag:s17] =	ssyncset.done $0x0  }
0xeb: {  	p0 =	sne.s32 s29, s9;
	[sflag:s17] =	ssyncadd.s32 $0xFFFFFF80  }
.Ltmp1:
0xec: {  	[bflag:$0x0] =	sbarrier.arrive $0xFFFF;
	(pc) =	sbr.rel @p0 .LBB2_1-.Ltmp1, $4  }
0xed: {  	[hbm:s8@s26], [sflag:s6] =	dma.strided [spmem:s12@s28], $0x310, s14, $0x10   }
0xee: {  	_ =	swait.ge [sflag:s13], $0x310  }
0xef: {  	[sflag:s13] =	ssyncset.done $0x0  }
0xf0: {  	[sflag:s13] =	ssyncadd.s32 $0xFFFFFCF0  }
0xf1: {  	_ =	sfence.sel $0x180000  }
0xf2: {  	[bflag:$0x0] =	sbarrier.arrive $0xFFFF  }
0xf3: {  	_ =	strace $0x90000047  }
0xf4: {  	s0 =	stileid.u32;
	[bflag:$0x2] =	sbarrier.arrive $0xFFFF  }
0xf5: {  	p0 =	sne.s32 s0, $0x0;
	s0 =	rddreg [dreg:$0x3]  }
0xf6: {  	s0 =	sadd.s32 @!p0 $0x100000, s0  }
0xf7: {  	[sflag:s0] =	ssyncadd.tile.s32 @!p0 $0x1;
	_ =	shalt  }
.Lfunc_end2:
_tile_overlayer_lowered:
.L_overlay_start_2:
0xf8: {  	(tag) =	ssettag $0x2  }
0xf9: {  	s0 =	rddreg [dreg:$0x0];
	s2 =	stileid.u32  }
0xfa: {  	s1 =	rddreg [dreg:$0x1];
	p0 =	sne.s32 s2, $0x0  }
0xfb: {  	s3 =	rddreg [dreg:$0x2];
	[bflag:$0x3] =	sbarrier.arrive $0xFFFF;
	s2 =	simm.s32 @!p0 $0x1C03  }
0xfc: {  	[timem:s3], [sflag:s2] =	dma.local @!p0 [hbm:s0], s1  }
0xfd: {  	s0 =	simm.s32 @!p0 $0x3  }
0xfe: {  	_ =	swait.ge @!p0 [sflag:s0], s1  }
0xff: {  	s1 =	ssub.s32 @!p0 $0x0, s1;
	[sflag:s0] =	ssyncset.done @!p0 $0x0  }
0x100: {  	[sflag:s0] =	ssyncadd.s32 @!p0 s1  }
0x101: {  	[bflag:$0x3] =	sbarrier.arrive $0xFFFF  }
0x102: {  	_ =	shalt  }

</sc_bundles>
